<compile_context>
chip_gen: v7x
topology: tpu7x:2x2x1
jax: 0.10.2.dev20260603
libtpu: 0.0.44.dev20260713+nightly
codegen_flags: <defaults>
</compile_context>

<pallas_src>
import jax
import jax.numpy as jnp
from jax import lax
from jax.experimental import pallas as pl
from jax.experimental.pallas import tpu as pltpu
from jax.experimental.pallas import tpu_sc as plsc

N_ROWS = 160000
D = 256
N_SEG = 10000
NC = 2
NS = 16
NT = NC * NS
SPT = 320
SEG_PAD = NT * SPT
CH = 64
PAD = 16
BUF = CH + PAD
NV = D // 16


def _chunk_slices(r0, c):
    a = r0 + c * CH
    f = jnp.minimum((a // 8) * 8, N_ROWS - BUF)
    return a, f


def _body(x_hbm, b_hbm, q_hbm, cuts_hbm, out_hbm,
          xb0, bid0, xb1, bid1, qv_ref, cuts_ref, acc_ref, den_ref, esc_ref,
          sx0, sb0, sx1, sb1):
    wid = lax.axis_index("s") * NC + lax.axis_index("c")
    pltpu.sync_copy(q_hbm, qv_ref)
    pltpu.sync_copy(cuts_hbm, cuts_ref)
    cv = cuts_ref[pl.ds(wid, 16)]
    r0 = cv[0]
    r1 = cv[1]
    s0 = wid * SPT

    zf = jnp.zeros((16,), jnp.float32)

    @plsc.parallel_loop(0, SPT, 1, unroll=4)
    def _(si):
        for v in range(NV):
            acc_ref[si, pl.ds(16 * v, 16)] = zf

    @plsc.parallel_loop(0, SPT, 1, unroll=8)
    def _(si):
        den_ref[pl.ds(si * 16, 16)] = zf

    n_chunks = (r1 - r0 + CH - 1) // CH
    qs = [qv_ref[pl.ds(16 * v, 16)] for v in range(NV)]
    iota16 = lax.iota(jnp.int32, 16)

    def issue(xb, bid, sx, sb, c):
        _, f = _chunk_slices(r0, c)
        pltpu.async_copy(x_hbm.at[pl.ds(f, BUF)], xb, sx)
        pltpu.async_copy(b_hbm.at[pl.ds(f, BUF)], bid.at[pl.ds(0, BUF)], sb)

    def wait(xb, bid, sx, sb, c):
        _, f = _chunk_slices(r0, c)
        pltpu.make_async_copy(x_hbm.at[pl.ds(f, BUF)], xb, sx).wait()
        pltpu.make_async_copy(b_hbm.at[pl.ds(f, BUF)], bid.at[pl.ds(0, BUF)], sb).wait()

    def process(xb, bid, c):
        a, f = _chunk_slices(r0, c)
        off = a - f

        @plsc.parallel_loop(0, CH, 1, unroll=2)
        def _(r):
            valid = (a + r) < r1
            idx = jnp.minimum(off + r, BUF - 1)
            xs = [xb[idx, pl.ds(16 * v, 16)] for v in range(NV)]
            accs = [xs[v] * qs[v] for v in range(4)]
            for v in range(4, NV):
                accs[v % 4] = accs[v % 4] + xs[v] * qs[v]
            dv = (accs[0] + accs[1]) + (accs[2] + accs[3])
            for k in (8, 4, 2, 1):
                rot = dv.at[(iota16 + k) % 16].get(mode="promise_in_bounds")
                dv = dv + rot
            vf = jnp.where(valid, jnp.float32(1), jnp.float32(0))
            esc_ref[pl.ds(r * 16, 16)] = jnp.exp(dv) * jnp.full((16,), vf)

        @plsc.parallel_loop(0, CH, 1, unroll=2)
        def _(r):
            valid = (a + r) < r1
            idx = jnp.minimum(off + r, BUF - 1)
            ev = esc_ref[pl.ds(r * 16, 16)]
            bv = bid[pl.ds(idx, 16)]
            lid = jnp.where(valid, bv[0] - s0, 0)
            for v in range(NV):
                plsc.addupdate(acc_ref.at[lid, pl.ds(16 * v, 16)],
                               xb[idx, pl.ds(16 * v, 16)] * ev)
            plsc.addupdate(den_ref.at[pl.ds(lid * 16, 16)], ev)

    @pl.when(n_chunks > 0)
    def _():
        issue(xb0, bid0, sx0, sb0, 0)

    def pair_body(p, _):
        c0 = 2 * p
        c1 = c0 + 1
        wait(xb0, bid0, sx0, sb0, c0)

        @pl.when(c1 < n_chunks)
        def _():
            issue(xb1, bid1, sx1, sb1, c1)

        process(xb0, bid0, c0)

        @pl.when(c1 < n_chunks)
        def _():
            wait(xb1, bid1, sx1, sb1, c1)

            @pl.when(c1 + 1 < n_chunks)
            def _():
                issue(xb0, bid0, sx0, sb0, c1 + 1)

            process(xb1, bid1, c1)

        return 0

    lax.fori_loop(0, (n_chunks + 1) // 2, pair_body, 0)

    @plsc.parallel_loop(0, SPT, 1, unroll=2)
    def _(si):
        dvec = den_ref[pl.ds(si * 16, 16)]
        dsafe = jnp.maximum(dvec, jnp.float32(1e-37))
        for v in range(NV):
            acc_ref[si, pl.ds(16 * v, 16)] = acc_ref[si, pl.ds(16 * v, 16)] / dsafe

    pltpu.sync_copy(acc_ref, out_hbm.at[pl.ds(s0, SPT)])


def kernel(x, batch, query):
    batch32 = batch.astype(jnp.int32)
    cut_ids = jnp.minimum(jnp.arange(NT + 1, dtype=jnp.int32) * SPT, N_SEG)
    cuts = jnp.searchsorted(batch32, cut_ids, side="left").astype(jnp.int32)
    cuts = jnp.pad(cuts, (0, 64 - (NT + 1)))

    mesh = plsc.VectorSubcoreMesh(core_axis_name="c", subcore_axis_name="s")
    fn = pl.kernel(
        _body,
        out_type=jax.ShapeDtypeStruct((SEG_PAD, D), jnp.float32),
        mesh=mesh,
        compiler_params=pltpu.CompilerParams(needs_layout_passes=False),
        scratch_types=[
            pltpu.VMEM((BUF, D), jnp.float32),
            pltpu.VMEM((BUF + 16,), jnp.int32),
            pltpu.VMEM((BUF, D), jnp.float32),
            pltpu.VMEM((BUF + 16,), jnp.int32),
            pltpu.VMEM((D,), jnp.float32),
            pltpu.VMEM((64,), jnp.int32),
            pltpu.VMEM((SPT, D), jnp.float32),
            pltpu.VMEM((SPT * 16,), jnp.float32),
            pltpu.VMEM((CH * 16,), jnp.float32),
            pltpu.SemaphoreType.DMA,
            pltpu.SemaphoreType.DMA,
            pltpu.SemaphoreType.DMA,
            pltpu.SemaphoreType.DMA,
        ],
    )
    out = fn(x, batch32, query, cuts)
    return out[:N_SEG]

# --- scband reference (transcript-rebuilt; emitter-appended) ---
"""Pipeline reference for scband-attention-pooling-4329327034974 (READ-ONLY COPY).

The authoritative reference and input builder live on the scoring server;
editing this copy changes nothing except your own understanding.
"""

import jax, jax.numpy as jnp
import numpy as np

NUM_SEGMENTS = 10000

def setup_inputs(seed: int = 0) -> dict:
    key = jax.random.key(seed)
    k1, k2, k3 = jax.random.split(key, 3)
    x = jax.random.normal(k1, (160000, 256), dtype=jnp.float32)
    batch = jnp.sort(jax.random.randint(k2, (160000,), 0, NUM_SEGMENTS, dtype=jnp.int64))
    query = jax.random.normal(k3, (256,), dtype=jnp.float32) * 0.02
    return {"x": x, "batch": batch, "query": query}

def reference(x, batch, query):
    # scores = (x * query).sum(-1)
    scores = jnp.sum(x * query, axis=-1)
    # segment softmax (numerically stable): subtract per-segment max
    seg_max = jax.ops.segment_max(scores, batch, num_segments=NUM_SEGMENTS)
    seg_max = jnp.where(jnp.isneginf(seg_max), 0.0, seg_max)
    ex = jnp.exp(scores - seg_max[batch])
    denom = jax.ops.segment_sum(ex, batch, num_segments=NUM_SEGMENTS)
    weights = ex / denom[batch]
    # weighted sum per segment (index_add_)
    out = weights[:, None] * x
    pool = jax.ops.segment_sum(out, batch, num_segments=NUM_SEGMENTS)
    return pool

if __name__ == "__main__":
    import jax
    _d = setup_inputs()
    print(jax.jit(kernel)(*tuple(_d.values())))

</pallas_src>

<mosaic_0001>
#map = affine_map<(d0, d1) -> (0, 0)>
#map1 = affine_map<(d0, d1) -> (0)>
module attributes {stable_mosaic.version = 14 : i64} {
  func.func @_body(%arg0: i32, %arg1: i32, %arg2: memref<160000x256xf32, #tpu.memory_space<hbm>>, %arg3: memref<160000xi32, #tpu.memory_space<hbm>>, %arg4: memref<256xf32, #tpu.memory_space<hbm>>, %arg5: memref<64xi32, #tpu.memory_space<hbm>>, %arg6: memref<10240x256xf32, #tpu.memory_space<hbm>>, %arg7: memref<80x256xf32, #tpu.memory_space<vmem>>, %arg8: memref<96xi32, #tpu.memory_space<vmem>>, %arg9: memref<80x256xf32, #tpu.memory_space<vmem>>, %arg10: memref<96xi32, #tpu.memory_space<vmem>>, %arg11: memref<256xf32, #tpu.memory_space<vmem>>, %arg12: memref<64xi32, #tpu.memory_space<vmem>>, %arg13: memref<320x256xf32, #tpu.memory_space<vmem>>, %arg14: memref<5120xf32, #tpu.memory_space<vmem>>, %arg15: memref<1024xf32, #tpu.memory_space<vmem>>, %arg16: memref<!tpu.dma_semaphore, #tpu.memory_space<semaphore_mem>>, %arg17: memref<!tpu.dma_semaphore, #tpu.memory_space<semaphore_mem>>, %arg18: memref<!tpu.dma_semaphore, #tpu.memory_space<semaphore_mem>>, %arg19: memref<!tpu.dma_semaphore, #tpu.memory_space<semaphore_mem>>) attributes {dimension_semantics = [#tpu.dimension_semantics<core_parallel>, #tpu.dimension_semantics<subcore_parallel>], iteration_bounds = array<i64: 2, 16>, scalar_prefetch = 0 : i64, scratch_operands = 13 : i64, tpu.core_type = #tpu.core_type<sc_vector_subcore>, window_params = [{transform_indices = #map}, {transform_indices = #map1}, {transform_indices = #map1}, {transform_indices = #map1}, {transform_indices = #map}]} {
    %mul3A = arith.constant 2 : i32
    %mul3A_0 = arith.muli %arg1, %mul3A : i32
    %add3A = arith.addi %mul3A_0, %arg0 : i32
    "tpu.region"() ({
      %run_scoped3A = tpu.sem_alloc : memref<!tpu.dma_semaphore, #tpu.memory_space<semaphore_mem>>
      tpu.enqueue_dma source(%arg4 : memref<256xf32, #tpu.memory_space<hbm>>) target(%arg11 : memref<256xf32, #tpu.memory_space<vmem>>) target_semaphore(%run_scoped3A : memref<!tpu.dma_semaphore, #tpu.memory_space<semaphore_mem>>)
      tpu.wait_dma2 semaphore(%run_scoped3A : memref<!tpu.dma_semaphore, #tpu.memory_space<semaphore_mem>>) src(%arg4 : memref<256xf32, #tpu.memory_space<hbm>>) dst(%arg11 : memref<256xf32, #tpu.memory_space<vmem>>)
      tpu.yield
    }) : () -> ()
    "tpu.region"() ({
      %run_scoped3A = tpu.sem_alloc : memref<!tpu.dma_semaphore, #tpu.memory_space<semaphore_mem>>
      tpu.enqueue_dma source(%arg5 : memref<64xi32, #tpu.memory_space<hbm>>) target(%arg12 : memref<64xi32, #tpu.memory_space<vmem>>) target_semaphore(%run_scoped3A : memref<!tpu.dma_semaphore, #tpu.memory_space<semaphore_mem>>)
      tpu.wait_dma2 semaphore(%run_scoped3A : memref<!tpu.dma_semaphore, #tpu.memory_space<semaphore_mem>>) src(%arg5 : memref<64xi32, #tpu.memory_space<hbm>>) dst(%arg12 : memref<64xi32, #tpu.memory_space<vmem>>)
      tpu.yield
    }) : () -> ()
    %get3A = arith.index_cast %add3A : i32 to index
    %get3A_1 = tpu.vector_load %arg12[%get3A] {strides = array<i32>} : memref<64xi32, #tpu.memory_space<vmem>>, vector<16xi32>,
    %slice3A = vector.extract_strided_slice %get3A_1 {offsets = [0], sizes = [1], strides = [1]} : vector<16xi32> to vector<1xi32>
    %squeeze3A = vector.extract %slice3A[0] : i32 from vector<1xi32>
    %slice3A_2 = vector.extract_strided_slice %get3A_1 {offsets = [1], sizes = [1], strides = [1]} : vector<16xi32> to vector<1xi32>
    %squeeze3A_3 = vector.extract %slice3A_2[0] : i32 from vector<1xi32>
    %mul3A_4 = arith.constant 320 : i32
    %mul3A_5 = arith.muli %add3A, %mul3A_4 : i32
    %broadcast_in_dim3A = arith.constant 0.000000e+00 : f32
    %broadcast_in_dim3A_6 = vector.broadcast %broadcast_in_dim3A : f32 to vector<16xf32>
    %parallel_loop3A = arith.constant 0 : i32
    %parallel_loop3A_7 = arith.constant 320 : i32
    %parallel_loop3A_8 = arith.constant 1 : i32
    scf.for %parallel_loop3A_107 = %parallel_loop3A to %parallel_loop3A_7 step %parallel_loop3A_8  : i32 {
      %parallel_loop3A_108 = arith.index_cast %parallel_loop3A_107 : i32 to index
      %parallel_loop3A_109 = arith.constant 0 : index
      %parallel_loop3A_110 = tpu.vector_load %arg13[%parallel_loop3A_108, %parallel_loop3A_109] {strides = array<i32>} : memref<320x256xf32, #tpu.memory_space<vmem>>, vector<16xf32>,
      tpu.vector_store %arg13[%parallel_loop3A_108, %parallel_loop3A_109], %broadcast_in_dim3A_6 {strides = array<i32>} : memref<320x256xf32, #tpu.memory_space<vmem>>, vector<16xf32>,
      %parallel_loop3A_111 = arith.index_cast %parallel_loop3A_107 : i32 to index
      %parallel_loop3A_112 = arith.constant 16 : index
      %parallel_loop3A_113 = tpu.vector_load %arg13[%parallel_loop3A_111, %parallel_loop3A_112] {strides = array<i32>} : memref<320x256xf32, #tpu.memory_space<vmem>>, vector<16xf32>,
      tpu.vector_store %arg13[%parallel_loop3A_111, %parallel_loop3A_112], %broadcast_in_dim3A_6 {strides = array<i32>} : memref<320x256xf32, #tpu.memory_space<vmem>>, vector<16xf32>,
      %parallel_loop3A_114 = arith.index_cast %parallel_loop3A_107 : i32 to index
      %parallel_loop3A_115 = arith.constant 32 : index
      %parallel_loop3A_116 = tpu.vector_load %arg13[%parallel_loop3A_114, %parallel_loop3A_115] {strides = array<i32>} : memref<320x256xf32, #tpu.memory_space<vmem>>, vector<16xf32>,
      tpu.vector_store %arg13[%parallel_loop3A_114, %parallel_loop3A_115], %broadcast_in_dim3A_6 {strides = array<i32>} : memref<320x256xf32, #tpu.memory_space<vmem>>, vector<16xf32>,
      %parallel_loop3A_117 = arith.index_cast %parallel_loop3A_107 : i32 to index
      %parallel_loop3A_118 = arith.constant 48 : index
      %parallel_loop3A_119 = tpu.vector_load %arg13[%parallel_loop3A_117, %parallel_loop3A_118] {strides = array<i32>} : memref<320x256xf32, #tpu.memory_space<vmem>>, vector<16xf32>,
      tpu.vector_store %arg13[%parallel_loop3A_117, %parallel_loop3A_118], %broadcast_in_dim3A_6 {strides = array<i32>} : memref<320x256xf32, #tpu.memory_space<vmem>>, vector<16xf32>,
      %parallel_loop3A_120 = arith.index_cast %parallel_loop3A_107 : i32 to index
      %parallel_loop3A_121 = arith.constant 64 : index
      %parallel_loop3A_122 = tpu.vector_load %arg13[%parallel_loop3A_120, %parallel_loop3A_121] {strides = array<i32>} : memref<320x256xf32, #tpu.memory_space<vmem>>, vector<16xf32>,
      tpu.vector_store %arg13[%parallel_loop3A_120, %parallel_loop3A_121], %broadcast_in_dim3A_6 {strides = array<i32>} : memref<320x256xf32, #tpu.memory_space<vmem>>, vector<16xf32>,
      %parallel_loop3A_123 = arith.index_cast %parallel_loop3A_107 : i32 to index
      %parallel_loop3A_124 = arith.constant 80 : index
      %parallel_loop3A_125 = tpu.vector_load %arg13[%parallel_loop3A_123, %parallel_loop3A_124] {strides = array<i32>} : memref<320x256xf32, #tpu.memory_space<vmem>>, vector<16xf32>,
      tpu.vector_store %arg13[%parallel_loop3A_123, %parallel_loop3A_124], %broadcast_in_dim3A_6 {strides = array<i32>} : memref<320x256xf32, #tpu.memory_space<vmem>>, vector<16xf32>,
      %parallel_loop3A_126 = arith.index_cast %parallel_loop3A_107 : i32 to index
      %parallel_loop3A_127 = arith.constant 96 : index
      %parallel_loop3A_128 = tpu.vector_load %arg13[%parallel_loop3A_126, %parallel_loop3A_127] {strides = array<i32>} : memref<320x256xf32, #tpu.memory_space<vmem>>, vector<16xf32>,
      tpu.vector_store %arg13[%parallel_loop3A_126, %parallel_loop3A_127], %broadcast_in_dim3A_6 {strides = array<i32>} : memref<320x256xf32, #tpu.memory_space<vmem>>, vector<16xf32>,
      %parallel_loop3A_129 = arith.index_cast %parallel_loop3A_107 : i32 to index
      %parallel_loop3A_130 = arith.constant 112 : index
      %parallel_loop3A_131 = tpu.vector_load %arg13[%parallel_loop3A_129, %parallel_loop3A_130] {strides = array<i32>} : memref<320x256xf32, #tpu.memory_space<vmem>>, vector<16xf32>,
      tpu.vector_store %arg13[%parallel_loop3A_129, %parallel_loop3A_130], %broadcast_in_dim3A_6 {strides = array<i32>} : memref<320x256xf32, #tpu.memory_space<vmem>>, vector<16xf32>,
      %parallel_loop3A_132 = arith.index_cast %parallel_loop3A_107 : i32 to index
      %parallel_loop3A_133 = arith.constant 128 : index
      %parallel_loop3A_134 = tpu.vector_load %arg13[%parallel_loop3A_132, %parallel_loop3A_133] {strides = array<i32>} : memref<320x256xf32, #tpu.memory_space<vmem>>, vector<16xf32>,
      tpu.vector_store %arg13[%parallel_loop3A_132, %parallel_loop3A_133], %broadcast_in_dim3A_6 {strides = array<i32>} : memref<320x256xf32, #tpu.memory_space<vmem>>, vector<16xf32>,
      %parallel_loop3A_135 = arith.index_cast %parallel_loop3A_107 : i32 to index
      %parallel_loop3A_136 = arith.constant 144 : index
      %parallel_loop3A_137 = tpu.vector_load %arg13[%parallel_loop3A_135, %parallel_loop3A_136] {strides = array<i32>} : memref<320x256xf32, #tpu.memory_space<vmem>>, vector<16xf32>,
      tpu.vector_store %arg13[%parallel_loop3A_135, %parallel_loop3A_136], %broadcast_in_dim3A_6 {strides = array<i32>} : memref<320x256xf32, #tpu.memory_space<vmem>>, vector<16xf32>,
      %parallel_loop3A_138 = arith.index_cast %parallel_loop3A_107 : i32 to index
      %parallel_loop3A_139 = arith.constant 160 : index
      %parallel_loop3A_140 = tpu.vector_load %arg13[%parallel_loop3A_138, %parallel_loop3A_139] {strides = array<i32>} : memref<320x256xf32, #tpu.memory_space<vmem>>, vector<16xf32>,
      tpu.vector_store %arg13[%parallel_loop3A_138, %parallel_loop3A_139], %broadcast_in_dim3A_6 {strides = array<i32>} : memref<320x256xf32, #tpu.memory_space<vmem>>, vector<16xf32>,
      %parallel_loop3A_141 = arith.index_cast %parallel_loop3A_107 : i32 to index
      %parallel_loop3A_142 = arith.constant 176 : index
      %parallel_loop3A_143 = tpu.vector_load %arg13[%parallel_loop3A_141, %parallel_loop3A_142] {strides = array<i32>} : memref<320x256xf32, #tpu.memory_space<vmem>>, vector<16xf32>,
      tpu.vector_store %arg13[%parallel_loop3A_141, %parallel_loop3A_142], %broadcast_in_dim3A_6 {strides = array<i32>} : memref<320x256xf32, #tpu.memory_space<vmem>>, vector<16xf32>,
      %parallel_loop3A_144 = arith.index_cast %parallel_loop3A_107 : i32 to index
      %parallel_loop3A_145 = arith.constant 192 : index
      %parallel_loop3A_146 = tpu.vector_load %arg13[%parallel_loop3A_144, %parallel_loop3A_145] {strides = array<i32>} : memref<320x256xf32, #tpu.memory_space<vmem>>, vector<16xf32>,
      tpu.vector_store %arg13[%parallel_loop3A_144, %parallel_loop3A_145], %broadcast_in_dim3A_6 {strides = array<i32>} : memref<320x256xf32, #tpu.memory_space<vmem>>, vector<16xf32>,
      %parallel_loop3A_147 = arith.index_cast %parallel_loop3A_107 : i32 to index
      %parallel_loop3A_148 = arith.constant 208 : index
      %parallel_loop3A_149 = tpu.vector_load %arg13[%parallel_loop3A_147, %parallel_loop3A_148] {strides = array<i32>} : memref<320x256xf32, #tpu.memory_space<vmem>>, vector<16xf32>,
      tpu.vector_store %arg13[%parallel_loop3A_147, %parallel_loop3A_148], %broadcast_in_dim3A_6 {strides = array<i32>} : memref<320x256xf32, #tpu.memory_space<vmem>>, vector<16xf32>,
      %parallel_loop3A_150 = arith.index_cast %parallel_loop3A_107 : i32 to index
      %parallel_loop3A_151 = arith.constant 224 : index
      %parallel_loop3A_152 = tpu.vector_load %arg13[%parallel_loop3A_150, %parallel_loop3A_151] {strides = array<i32>} : memref<320x256xf32, #tpu.memory_space<vmem>>, vector<16xf32>,
      tpu.vector_store %arg13[%parallel_loop3A_150, %parallel_loop3A_151], %broadcast_in_dim3A_6 {strides = array<i32>} : memref<320x256xf32, #tpu.memory_space<vmem>>, vector<16xf32>,
      %parallel_loop3A_153 = arith.index_cast %parallel_loop3A_107 : i32 to index
      %parallel_loop3A_154 = arith.constant 240 : index
      %parallel_loop3A_155 = tpu.vector_load %arg13[%parallel_loop3A_153, %parallel_loop3A_154] {strides = array<i32>} : memref<320x256xf32, #tpu.memory_space<vmem>>, vector<16xf32>,
      tpu.vector_store %arg13[%parallel_loop3A_153, %parallel_loop3A_154], %broadcast_in_dim3A_6 {strides = array<i32>} : memref<320x256xf32, #tpu.memory_space<vmem>>, vector<16xf32>,
    } {sc.loop_unroll_factor = 4 : i64, sc.parallel_access}
    %parallel_loop3A_9 = arith.constant 0 : i32
    %parallel_loop3A_10 = arith.constant 320 : i32
    %parallel_loop3A_11 = arith.constant 1 : i32
    scf.for %parallel_loop3A_107 = %parallel_loop3A_9 to %parallel_loop3A_10 step %parallel_loop3A_11  : i32 {
      %parallel_loop3A_108 = arith.constant 16 : i32
      %parallel_loop3A_109 = arith.muli %parallel_loop3A_107, %parallel_loop3A_108 : i32
      %parallel_loop3A_110 = arith.index_cast %parallel_loop3A_109 : i32 to index
      %parallel_loop3A_111 = tpu.vector_load %arg14[%parallel_loop3A_110] {strides = array<i32>} : memref<5120xf32, #tpu.memory_space<vmem>>, vector<16xf32>,
      tpu.vector_store %arg14[%parallel_loop3A_110], %broadcast_in_dim3A_6 {strides = array<i32>} : memref<5120xf32, #tpu.memory_space<vmem>>, vector<16xf32>,
    } {sc.loop_unroll_factor = 8 : i64, sc.parallel_access}
    %sub3A = arith.subi %squeeze3A_3, %squeeze3A : i32
    %add3A_12 = arith.constant 64 : i32
    %add3A_13 = arith.addi %sub3A, %add3A_12 : i32
    %sub3A_14 = arith.constant 1 : i32
    %sub3A_15 = arith.subi %add3A_13, %sub3A_14 : i32
    %jit3A = arith.constant 64 : i32
    %div3A = arith.divsi %sub3A_15, %jit3A : i32
    %sign3A = arith.constant 0 : i32
    %sign3A_16 = arith.cmpi sgt, %sub3A_15, %sign3A : i32
    %sign3A_17 = arith.extui %sign3A_16 : i1 to i32
    %sign3A_18 = arith.constant 0 : i32
    %sign3A_19 = arith.cmpi slt, %sub3A_15, %sign3A_18 : i32
    %sign3A_20 = arith.extui %sign3A_19 : i1 to i32
    %sign3A_21 = arith.subi %sign3A_17, %sign3A_20 : i32
    %sign3A_22 = arith.constant 0 : i32
    %sign3A_23 = arith.cmpi sgt, %jit3A, %sign3A_22 : i32
    %sign3A_24 = arith.extui %sign3A_23 : i1 to i32
    %sign3A_25 = arith.constant 0 : i32
    %sign3A_26 = arith.cmpi slt, %jit3A, %sign3A_25 : i32
    %sign3A_27 = arith.extui %sign3A_26 : i1 to i32
    %sign3A_28 = arith.subi %sign3A_24, %sign3A_27 : i32
    %ne3A = arith.cmpi ne, %sign3A_21, %sign3A_28 : i32
    %rem3A = arith.remsi %sub3A_15, %jit3A : i32
    %ne3A_29 = arith.constant 0 : i32
    %ne3A_30 = arith.cmpi ne, %rem3A, %ne3A_29 : i32
    %and3A = arith.andi %ne3A, %ne3A_30 : i1
    %sub3A_31 = arith.constant 1 : i32
    %sub3A_32 = arith.subi %div3A, %sub3A_31 : i32
    %select_n3A = arith.select %and3A, %sub3A_32, %div3A : i32
    %get3A_33 = arith.constant 0 : index
    %get3A_34 = tpu.vector_load %arg11[%get3A_33] {strides = array<i32>} : memref<256xf32, #tpu.memory_space<vmem>>, vector<16xf32>,
    %get3A_35 = arith.constant 16 : index
    %get3A_36 = tpu.vector_load %arg11[%get3A_35] {strides = array<i32>} : memref<256xf32, #tpu.memory_space<vmem>>, vector<16xf32>,
    %get3A_37 = arith.constant 32 : index
    %get3A_38 = tpu.vector_load %arg11[%get3A_37] {strides = array<i32>} : memref<256xf32, #tpu.memory_space<vmem>>, vector<16xf32>,
    %get3A_39 = arith.constant 48 : index
    %get3A_40 = tpu.vector_load %arg11[%get3A_39] {strides = array<i32>} : memref<256xf32, #tpu.memory_space<vmem>>, vector<16xf32>,
    %get3A_41 = arith.constant 64 : index
    %get3A_42 = tpu.vector_load %arg11[%get3A_41] {strides = array<i32>} : memref<256xf32, #tpu.memory_space<vmem>>, vector<16xf32>,
    %get3A_43 = arith.constant 80 : index
    %get3A_44 = tpu.vector_load %arg11[%get3A_43] {strides = array<i32>} : memref<256xf32, #tpu.memory_space<vmem>>, vector<16xf32>,
    %get3A_45 = arith.constant 96 : index
    %get3A_46 = tpu.vector_load %arg11[%get3A_45] {strides = array<i32>} : memref<256xf32, #tpu.memory_space<vmem>>, vector<16xf32>,
    %get3A_47 = arith.constant 112 : index
    %get3A_48 = tpu.vector_load %arg11[%get3A_47] {strides = array<i32>} : memref<256xf32, #tpu.memory_space<vmem>>, vector<16xf32>,
    %get3A_49 = arith.constant 128 : index
    %get3A_50 = tpu.vector_load %arg11[%get3A_49] {strides = array<i32>} : memref<256xf32, #tpu.memory_space<vmem>>, vector<16xf32>,
    %get3A_51 = arith.constant 144 : index
    %get3A_52 = tpu.vector_load %arg11[%get3A_51] {strides = array<i32>} : memref<256xf32, #tpu.memory_space<vmem>>, vector<16xf32>,
    %get3A_53 = arith.constant 160 : index
    %get3A_54 = tpu.vector_load %arg11[%get3A_53] {strides = array<i32>} : memref<256xf32, #tpu.memory_space<vmem>>, vector<16xf32>,
    %get3A_55 = arith.constant 176 : index
    %get3A_56 = tpu.vector_load %arg11[%get3A_55] {strides = array<i32>} : memref<256xf32, #tpu.memory_space<vmem>>, vector<16xf32>,
    %get3A_57 = arith.constant 192 : index
    %get3A_58 = tpu.vector_load %arg11[%get3A_57] {strides = array<i32>} : memref<256xf32, #tpu.memory_space<vmem>>, vector<16xf32>,
    %get3A_59 = arith.constant 208 : index
    %get3A_60 = tpu.vector_load %arg11[%get3A_59] {strides = array<i32>} : memref<256xf32, #tpu.memory_space<vmem>>, vector<16xf32>,
    %get3A_61 = arith.constant 224 : index
    %get3A_62 = tpu.vector_load %arg11[%get3A_61] {strides = array<i32>} : memref<256xf32, #tpu.memory_space<vmem>>, vector<16xf32>,
    %get3A_63 = arith.constant 240 : index
    %get3A_64 = tpu.vector_load %arg11[%get3A_63] {strides = array<i32>} : memref<256xf32, #tpu.memory_space<vmem>>, vector<16xf32>,
    %iota3A = tpu.iota {dimensions = array<i32: 0>} : vector<16xi32>
    %gt3A = arith.constant 0 : i32
    %gt3A_65 = arith.cmpi sgt, %select_n3A, %gt3A : i32
    %convert_element_type3A = arith.extui %gt3A_65 : i1 to i32
    %cond3A = arith.constant 0 : i32
    %cond3A_66 = arith.cmpi ne, %convert_element_type3A, %cond3A : i32
    scf.if %cond3A_66 {
      %add3A_107 = arith.constant 0 : i32
      %add3A_108 = arith.addi %squeeze3A, %add3A_107 : i32
      %jit3A_109 = arith.constant 8 : i32
      %div3A_110 = arith.divsi %add3A_108, %jit3A_109 : i32
      %sign3A_111 = arith.constant 0 : i32
      %sign3A_112 = arith.cmpi sgt, %add3A_108, %sign3A_111 : i32
      %sign3A_113 = arith.extui %sign3A_112 : i1 to i32
      %sign3A_114 = arith.constant 0 : i32
      %sign3A_115 = arith.cmpi slt, %add3A_108, %sign3A_114 : i32
      %sign3A_116 = arith.extui %sign3A_115 : i1 to i32
      %sign3A_117 = arith.subi %sign3A_113, %sign3A_116 : i32
      %sign3A_118 = arith.constant 0 : i32
      %sign3A_119 = arith.cmpi sgt, %jit3A_109, %sign3A_118 : i32
      %sign3A_120 = arith.extui %sign3A_119 : i1 to i32
      %sign3A_121 = arith.constant 0 : i32
      %sign3A_122 = arith.cmpi slt, %jit3A_109, %sign3A_121 : i32
      %sign3A_123 = arith.extui %sign3A_122 : i1 to i32
      %sign3A_124 = arith.subi %sign3A_120, %sign3A_123 : i32
      %ne3A_125 = arith.cmpi ne, %sign3A_117, %sign3A_124 : i32
      %rem3A_126 = arith.remsi %add3A_108, %jit3A_109 : i32
      %ne3A_127 = arith.constant 0 : i32
      %ne3A_128 = arith.cmpi ne, %rem3A_126, %ne3A_127 : i32
      %and3A_129 = arith.andi %ne3A_125, %ne3A_128 : i1
      %sub3A_130 = arith.constant 1 : i32
      %sub3A_131 = arith.subi %div3A_110, %sub3A_130 : i32
      %select_n3A_132 = arith.select %and3A_129, %sub3A_131, %div3A_110 : i32
      %mul3A_133 = arith.constant 8 : i32
      %mul3A_134 = arith.muli %select_n3A_132, %mul3A_133 : i32
      %min3A = arith.constant 159920 : i32
      %min3A_135 = arith.minsi %mul3A_134, %min3A : i32
      %dma_start3A = arith.constant 0 : i32
      %dma_start3A_136 = tpu.memref_slice %arg2[%min3A_135, %dma_start3A] : memref<160000x256xf32, #tpu.memory_space<hbm>> -> memref<80x256xf32, #tpu.memory_space<hbm>>
      %dma_start3A_137 = arith.constant 0 : i32
      %dma_start3A_138 = tpu.memref_slice %arg2[%min3A_135, %dma_start3A_137] : memref<160000x256xf32, #tpu.memory_space<hbm>> -> memref<80x256xf32, #tpu.memory_space<hbm>>
      tpu.enqueue_dma source(%dma_start3A_138 : memref<80x256xf32, #tpu.memory_space<hbm>>) target(%arg7 : memref<80x256xf32, #tpu.memory_space<vmem>>) target_semaphore(%arg16 : memref<!tpu.dma_semaphore, #tpu.memory_space<semaphore_mem>>)
      %dma_start3A_139 = arith.constant 0 : i32
      %dma_start3A_140 = tpu.memref_slice %arg8[%dma_start3A_139] : memref<96xi32, #tpu.memory_space<vmem>> -> memref<80xi32, #tpu.memory_space<vmem>>
      %dma_start3A_141 = tpu.memref_slice %arg3[%min3A_135] : memref<160000xi32, #tpu.memory_space<hbm>> -> memref<80xi32, #tpu.memory_space<hbm>>
      %dma_start3A_142 = arith.constant 0 : i32
      %dma_start3A_143 = tpu.memref_slice %arg8[%dma_start3A_142] : memref<96xi32, #tpu.memory_space<vmem>> -> memref<80xi32, #tpu.memory_space<vmem>>
      %dma_start3A_144 = tpu.memref_slice %arg3[%min3A_135] : memref<160000xi32, #tpu.memory_space<hbm>> -> memref<80xi32, #tpu.memory_space<hbm>>
      tpu.enqueue_dma source(%dma_start3A_144 : memref<80xi32, #tpu.memory_space<hbm>>) target(%dma_start3A_143 : memref<80xi32, #tpu.memory_space<vmem>>) target_semaphore(%arg17 : memref<!tpu.dma_semaphore, #tpu.memory_space<semaphore_mem>>)
    } else {
    }
    %add3A_67 = arith.constant 1 : i32
    %add3A_68 = arith.addi %select_n3A, %add3A_67 : i32
    %jit3A_69 = arith.constant 2 : i32
    %div3A_70 = arith.divsi %add3A_68, %jit3A_69 : i32
    %sign3A_71 = arith.constant 0 : i32
    %sign3A_72 = arith.cmpi sgt, %add3A_68, %sign3A_71 : i32
    %sign3A_73 = arith.extui %sign3A_72 : i1 to i32
    %sign3A_74 = arith.constant 0 : i32
    %sign3A_75 = arith.cmpi slt, %add3A_68, %sign3A_74 : i32
    %sign3A_76 = arith.extui %sign3A_75 : i1 to i32
    %sign3A_77 = arith.subi %sign3A_73, %sign3A_76 : i32
    %sign3A_78 = arith.constant 0 : i32
    %sign3A_79 = arith.cmpi sgt, %jit3A_69, %sign3A_78 : i32
    %sign3A_80 = arith.extui %sign3A_79 : i1 to i32
    %sign3A_81 = arith.constant 0 : i32
    %sign3A_82 = arith.cmpi slt, %jit3A_69, %sign3A_81 : i32
    %sign3A_83 = arith.extui %sign3A_82 : i1 to i32
    %sign3A_84 = arith.subi %sign3A_80, %sign3A_83 : i32
    %ne3A_85 = arith.cmpi ne, %sign3A_77, %sign3A_84 : i32
    %rem3A_86 = arith.remsi %add3A_68, %jit3A_69 : i32
    %ne3A_87 = arith.constant 0 : i32
    %ne3A_88 = arith.cmpi ne, %rem3A_86, %ne3A_87 : i32
    %and3A_89 = arith.andi %ne3A_85, %ne3A_88 : i1
    %sub3A_90 = arith.constant 1 : i32
    %sub3A_91 = arith.subi %div3A_70, %sub3A_90 : i32
    %select_n3A_92 = arith.select %and3A_89, %sub3A_91, %div3A_70 : i32
    %while3A = arith.constant 0 : i32
    %while3A_93 = arith.constant 0 : i32
    %while3A_94 = arith.subi %select_n3A_92, %while3A : i32
    %while3A_95 = arith.addi %while3A, %while3A_94 : i32
    %while3A_96 = arith.constant 1 : i32
    %while3A_97 = arith.divsi %while3A_94, %while3A_96 : i32
    %while3A_98 = arith.muli %while3A_97, %while3A_96 : i32
    %while3A_99 = arith.addi %while3A, %while3A_98 : i32
    %while3A_100 = arith.constant 1 : i32
    %while3A_101 = scf.for %while3A_107 = %while3A to %while3A_99 step %while3A_100 iter_args(%while3A_108 = %while3A_93) -> (i32)  : i32 {
      %mul3A_109 = arith.constant 2 : i32
      %mul3A_110 = arith.muli %mul3A_109, %while3A_107 : i32
      %add3A_111 = arith.constant 1 : i32
      %add3A_112 = arith.addi %mul3A_110, %add3A_111 : i32
      %mul3A_113 = arith.constant 64 : i32
      %mul3A_114 = arith.muli %mul3A_110, %mul3A_113 : i32
      %add3A_115 = arith.addi %squeeze3A, %mul3A_114 : i32
      %jit3A_116 = arith.constant 8 : i32
      %div3A_117 = arith.divsi %add3A_115, %jit3A_116 : i32
      %sign3A_118 = arith.constant 0 : i32
      %sign3A_119 = arith.cmpi sgt, %add3A_115, %sign3A_118 : i32
      %sign3A_120 = arith.extui %sign3A_119 : i1 to i32
      %sign3A_121 = arith.constant 0 : i32
      %sign3A_122 = arith.cmpi slt, %add3A_115, %sign3A_121 : i32
      %sign3A_123 = arith.extui %sign3A_122 : i1 to i32
      %sign3A_124 = arith.subi %sign3A_120, %sign3A_123 : i32
      %sign3A_125 = arith.constant 0 : i32
      %sign3A_126 = arith.cmpi sgt, %jit3A_116, %sign3A_125 : i32
      %sign3A_127 = arith.extui %sign3A_126 : i1 to i32
      %sign3A_128 = arith.constant 0 : i32
      %sign3A_129 = arith.cmpi slt, %jit3A_116, %sign3A_128 : i32
      %sign3A_130 = arith.extui %sign3A_129 : i1 to i32
      %sign3A_131 = arith.subi %sign3A_127, %sign3A_130 : i32
      %ne3A_132 = arith.cmpi ne, %sign3A_124, %sign3A_131 : i32
      %rem3A_133 = arith.remsi %add3A_115, %jit3A_116 : i32
      %ne3A_134 = arith.constant 0 : i32
      %ne3A_135 = arith.cmpi ne, %rem3A_133, %ne3A_134 : i32
      %and3A_136 = arith.andi %ne3A_132, %ne3A_135 : i1
      %sub3A_137 = arith.constant 1 : i32
      %sub3A_138 = arith.subi %div3A_117, %sub3A_137 : i32
      %select_n3A_139 = arith.select %and3A_136, %sub3A_138, %div3A_117 : i32
      %mul3A_140 = arith.constant 8 : i32
      %mul3A_141 = arith.muli %select_n3A_139, %mul3A_140 : i32
      %min3A = arith.constant 159920 : i32
      %min3A_142 = arith.minsi %mul3A_141, %min3A : i32
      %dma_wait3A = arith.constant 0 : i32
      %dma_wait3A_143 = tpu.memref_slice %arg2[%min3A_142, %dma_wait3A] : memref<160000x256xf32, #tpu.memory_space<hbm>> -> memref<80x256xf32, #tpu.memory_space<hbm>>
      %dma_wait3A_144 = arith.constant 0 : i32
      %dma_wait3A_145 = tpu.memref_slice %arg2[%min3A_142, %dma_wait3A_144] : memref<160000x256xf32, #tpu.memory_space<hbm>> -> memref<80x256xf32, #tpu.memory_space<hbm>>
      tpu.wait_dma2 semaphore(%arg16 : memref<!tpu.dma_semaphore, #tpu.memory_space<semaphore_mem>>) src(%dma_wait3A_145 : memref<80x256xf32, #tpu.memory_space<hbm>>) dst(%arg7 : memref<80x256xf32, #tpu.memory_space<vmem>>)
      %dma_wait3A_146 = arith.constant 0 : i32
      %dma_wait3A_147 = tpu.memref_slice %arg8[%dma_wait3A_146] : memref<96xi32, #tpu.memory_space<vmem>> -> memref<80xi32, #tpu.memory_space<vmem>>
      %dma_wait3A_148 = tpu.memref_slice %arg3[%min3A_142] : memref<160000xi32, #tpu.memory_space<hbm>> -> memref<80xi32, #tpu.memory_space<hbm>>
      %dma_wait3A_149 = arith.constant 0 : i32
      %dma_wait3A_150 = tpu.memref_slice %arg8[%dma_wait3A_149] : memref<96xi32, #tpu.memory_space<vmem>> -> memref<80xi32, #tpu.memory_space<vmem>>
      %dma_wait3A_151 = tpu.memref_slice %arg3[%min3A_142] : memref<160000xi32, #tpu.memory_space<hbm>> -> memref<80xi32, #tpu.memory_space<hbm>>
      tpu.wait_dma2 semaphore(%arg17 : memref<!tpu.dma_semaphore, #tpu.memory_space<semaphore_mem>>) src(%dma_wait3A_151 : memref<80xi32, #tpu.memory_space<hbm>>) dst(%dma_wait3A_150 : memref<80xi32, #tpu.memory_space<vmem>>)
      %lt3A = arith.cmpi slt, %add3A_112, %select_n3A : i32
      %convert_element_type3A_152 = arith.extui %lt3A : i1 to i32
      %cond3A_153 = arith.constant 0 : i32
      %cond3A_154 = arith.cmpi ne, %convert_element_type3A_152, %cond3A_153 : i32
      scf.if %cond3A_154 {
        %mul3A_198 = arith.constant 64 : i32
        %mul3A_199 = arith.muli %add3A_112, %mul3A_198 : i32
        %add3A_200 = arith.addi %squeeze3A, %mul3A_199 : i32
        %jit3A_201 = arith.constant 8 : i32
        %div3A_202 = arith.divsi %add3A_200, %jit3A_201 : i32
        %sign3A_203 = arith.constant 0 : i32
        %sign3A_204 = arith.cmpi sgt, %add3A_200, %sign3A_203 : i32
        %sign3A_205 = arith.extui %sign3A_204 : i1 to i32
        %sign3A_206 = arith.constant 0 : i32
        %sign3A_207 = arith.cmpi slt, %add3A_200, %sign3A_206 : i32
        %sign3A_208 = arith.extui %sign3A_207 : i1 to i32
        %sign3A_209 = arith.subi %sign3A_205, %sign3A_208 : i32
        %sign3A_210 = arith.constant 0 : i32
        %sign3A_211 = arith.cmpi sgt, %jit3A_201, %sign3A_210 : i32
        %sign3A_212 = arith.extui %sign3A_211 : i1 to i32
        %sign3A_213 = arith.constant 0 : i32
        %sign3A_214 = arith.cmpi slt, %jit3A_201, %sign3A_213 : i32
        %sign3A_215 = arith.extui %sign3A_214 : i1 to i32
        %sign3A_216 = arith.subi %sign3A_212, %sign3A_215 : i32
        %ne3A_217 = arith.cmpi ne, %sign3A_209, %sign3A_216 : i32
        %rem3A_218 = arith.remsi %add3A_200, %jit3A_201 : i32
        %ne3A_219 = arith.constant 0 : i32
        %ne3A_220 = arith.cmpi ne, %rem3A_218, %ne3A_219 : i32
        %and3A_221 = arith.andi %ne3A_217, %ne3A_220 : i1
        %sub3A_222 = arith.constant 1 : i32
        %sub3A_223 = arith.subi %div3A_202, %sub3A_222 : i32
        %select_n3A_224 = arith.select %and3A_221, %sub3A_223, %div3A_202 : i32
        %mul3A_225 = arith.constant 8 : i32
        %mul3A_226 = arith.muli %select_n3A_224, %mul3A_225 : i32
        %min3A_227 = arith.constant 159920 : i32
        %min3A_228 = arith.minsi %mul3A_226, %min3A_227 : i32
        %dma_start3A = arith.constant 0 : i32
        %dma_start3A_229 = tpu.memref_slice %arg2[%min3A_228, %dma_start3A] : memref<160000x256xf32, #tpu.memory_space<hbm>> -> memref<80x256xf32, #tpu.memory_space<hbm>>
        %dma_start3A_230 = arith.constant 0 : i32
        %dma_start3A_231 = tpu.memref_slice %arg2[%min3A_228, %dma_start3A_230] : memref<160000x256xf32, #tpu.memory_space<hbm>> -> memref<80x256xf32, #tpu.memory_space<hbm>>
        tpu.enqueue_dma source(%dma_start3A_231 : memref<80x256xf32, #tpu.memory_space<hbm>>) target(%arg9 : memref<80x256xf32, #tpu.memory_space<vmem>>) target_semaphore(%arg18 : memref<!tpu.dma_semaphore, #tpu.memory_space<semaphore_mem>>)
        %dma_start3A_232 = arith.constant 0 : i32
        %dma_start3A_233 = tpu.memref_slice %arg10[%dma_start3A_232] : memref<96xi32, #tpu.memory_space<vmem>> -> memref<80xi32, #tpu.memory_space<vmem>>
        %dma_start3A_234 = tpu.memref_slice %arg3[%min3A_228] : memref<160000xi32, #tpu.memory_space<hbm>> -> memref<80xi32, #tpu.memory_space<hbm>>
        %dma_start3A_235 = arith.constant 0 : i32
        %dma_start3A_236 = tpu.memref_slice %arg10[%dma_start3A_235] : memref<96xi32, #tpu.memory_space<vmem>> -> memref<80xi32, #tpu.memory_space<vmem>>
        %dma_start3A_237 = tpu.memref_slice %arg3[%min3A_228] : memref<160000xi32, #tpu.memory_space<hbm>> -> memref<80xi32, #tpu.memory_space<hbm>>
        tpu.enqueue_dma source(%dma_start3A_237 : memref<80xi32, #tpu.memory_space<hbm>>) target(%dma_start3A_236 : memref<80xi32, #tpu.memory_space<vmem>>) target_semaphore(%arg19 : memref<!tpu.dma_semaphore, #tpu.memory_space<semaphore_mem>>)
      } else {
      }
      %mul3A_155 = arith.constant 64 : i32
      %mul3A_156 = arith.muli %mul3A_110, %mul3A_155 : i32
      %add3A_157 = arith.addi %squeeze3A, %mul3A_156 : i32
      %jit3A_158 = arith.constant 8 : i32
      %div3A_159 = arith.divsi %add3A_157, %jit3A_158 : i32
      %sign3A_160 = arith.constant 0 : i32
      %sign3A_161 = arith.cmpi sgt, %add3A_157, %sign3A_160 : i32
      %sign3A_162 = arith.extui %sign3A_161 : i1 to i32
      %sign3A_163 = arith.constant 0 : i32
      %sign3A_164 = arith.cmpi slt, %add3A_157, %sign3A_163 : i32
      %sign3A_165 = arith.extui %sign3A_164 : i1 to i32
      %sign3A_166 = arith.subi %sign3A_162, %sign3A_165 : i32
      %sign3A_167 = arith.constant 0 : i32
      %sign3A_168 = arith.cmpi sgt, %jit3A_158, %sign3A_167 : i32
      %sign3A_169 = arith.extui %sign3A_168 : i1 to i32
      %sign3A_170 = arith.constant 0 : i32
      %sign3A_171 = arith.cmpi slt, %jit3A_158, %sign3A_170 : i32
      %sign3A_172 = arith.extui %sign3A_171 : i1 to i32
      %sign3A_173 = arith.subi %sign3A_169, %sign3A_172 : i32
      %ne3A_174 = arith.cmpi ne, %sign3A_166, %sign3A_173 : i32
      %rem3A_175 = arith.remsi %add3A_157, %jit3A_158 : i32
      %ne3A_176 = arith.constant 0 : i32
      %ne3A_177 = arith.cmpi ne, %rem3A_175, %ne3A_176 : i32
      %and3A_178 = arith.andi %ne3A_174, %ne3A_177 : i1
      %sub3A_179 = arith.constant 1 : i32
      %sub3A_180 = arith.subi %div3A_159, %sub3A_179 : i32
      %select_n3A_181 = arith.select %and3A_178, %sub3A_180, %div3A_159 : i32
      %mul3A_182 = arith.constant 8 : i32
      %mul3A_183 = arith.muli %select_n3A_181, %mul3A_182 : i32
      %min3A_184 = arith.constant 159920 : i32
      %min3A_185 = arith.minsi %mul3A_183, %min3A_184 : i32
      %sub3A_186 = arith.subi %add3A_157, %min3A_185 : i32
      %parallel_loop3A_187 = arith.constant 0 : i32
      %parallel_loop3A_188 = arith.constant 64 : i32
      %parallel_loop3A_189 = arith.constant 1 : i32
      scf.for %parallel_loop3A_198 = %parallel_loop3A_187 to %parallel_loop3A_188 step %parallel_loop3A_189  : i32 {
        %parallel_loop3A_199 = arith.addi %add3A_157, %parallel_loop3A_198 : i32
        %parallel_loop3A_200 = arith.cmpi slt, %parallel_loop3A_199, %squeeze3A_3 : i32
        %parallel_loop3A_201 = arith.addi %sub3A_186, %parallel_loop3A_198 : i32
        %parallel_loop3A_202 = arith.constant 79 : i32
        %parallel_loop3A_203 = arith.minsi %parallel_loop3A_201, %parallel_loop3A_202 : i32
        %parallel_loop3A_204 = arith.index_cast %parallel_loop3A_203 : i32 to index
        %parallel_loop3A_205 = arith.constant 0 : index
        %parallel_loop3A_206 = tpu.vector_load %arg7[%parallel_loop3A_204, %parallel_loop3A_205] {strides = array<i32>} : memref<80x256xf32, #tpu.memory_space<vmem>>, vector<16xf32>,
        %parallel_loop3A_207 = arith.index_cast %parallel_loop3A_203 : i32 to index
        %parallel_loop3A_208 = arith.constant 16 : index
        %parallel_loop3A_209 = tpu.vector_load %arg7[%parallel_loop3A_207, %parallel_loop3A_208] {strides = array<i32>} : memref<80x256xf32, #tpu.memory_space<vmem>>, vector<16xf32>,
        %parallel_loop3A_210 = arith.index_cast %parallel_loop3A_203 : i32 to index
        %parallel_loop3A_211 = arith.constant 32 : index
        %parallel_loop3A_212 = tpu.vector_load %arg7[%parallel_loop3A_210, %parallel_loop3A_211] {strides = array<i32>} : memref<80x256xf32, #tpu.memory_space<vmem>>, vector<16xf32>,
        %parallel_loop3A_213 = arith.index_cast %parallel_loop3A_203 : i32 to index
        %parallel_loop3A_214 = arith.constant 48 : index
        %parallel_loop3A_215 = tpu.vector_load %arg7[%parallel_loop3A_213, %parallel_loop3A_214] {strides = array<i32>} : memref<80x256xf32, #tpu.memory_space<vmem>>, vector<16xf32>,
        %parallel_loop3A_216 = arith.index_cast %parallel_loop3A_203 : i32 to index
        %parallel_loop3A_217 = arith.constant 64 : index
        %parallel_loop3A_218 = tpu.vector_load %arg7[%parallel_loop3A_216, %parallel_loop3A_217] {strides = array<i32>} : memref<80x256xf32, #tpu.memory_space<vmem>>, vector<16xf32>,
        %parallel_loop3A_219 = arith.index_cast %parallel_loop3A_203 : i32 to index
        %parallel_loop3A_220 = arith.constant 80 : index
        %parallel_loop3A_221 = tpu.vector_load %arg7[%parallel_loop3A_219, %parallel_loop3A_220] {strides = array<i32>} : memref<80x256xf32, #tpu.memory_space<vmem>>, vector<16xf32>,
        %parallel_loop3A_222 = arith.index_cast %parallel_loop3A_203 : i32 to index
        %parallel_loop3A_223 = arith.constant 96 : index
        %parallel_loop3A_224 = tpu.vector_load %arg7[%parallel_loop3A_222, %parallel_loop3A_223] {strides = array<i32>} : memref<80x256xf32, #tpu.memory_space<vmem>>, vector<16xf32>,
        %parallel_loop3A_225 = arith.index_cast %parallel_loop3A_203 : i32 to index
        %parallel_loop3A_226 = arith.constant 112 : index
        %parallel_loop3A_227 = tpu.vector_load %arg7[%parallel_loop3A_225, %parallel_loop3A_226] {strides = array<i32>} : memref<80x256xf32, #tpu.memory_space<vmem>>, vector<16xf32>,
        %parallel_loop3A_228 = arith.index_cast %parallel_loop3A_203 : i32 to index
        %parallel_loop3A_229 = arith.constant 128 : index
        %parallel_loop3A_230 = tpu.vector_load %arg7[%parallel_loop3A_228, %parallel_loop3A_229] {strides = array<i32>} : memref<80x256xf32, #tpu.memory_space<vmem>>, vector<16xf32>,
        %parallel_loop3A_231 = arith.index_cast %parallel_loop3A_203 : i32 to index
        %parallel_loop3A_232 = arith.constant 144 : index
        %parallel_loop3A_233 = tpu.vector_load %arg7[%parallel_loop3A_231, %parallel_loop3A_232] {strides = array<i32>} : memref<80x256xf32, #tpu.memory_space<vmem>>, vector<16xf32>,
        %parallel_loop3A_234 = arith.index_cast %parallel_loop3A_203 : i32 to index
        %parallel_loop3A_235 = arith.constant 160 : index
        %parallel_loop3A_236 = tpu.vector_load %arg7[%parallel_loop3A_234, %parallel_loop3A_235] {strides = array<i32>} : memref<80x256xf32, #tpu.memory_space<vmem>>, vector<16xf32>,
        %parallel_loop3A_237 = arith.index_cast %parallel_loop3A_203 : i32 to index
        %parallel_loop3A_238 = arith.constant 176 : index
        %parallel_loop3A_239 = tpu.vector_load %arg7[%parallel_loop3A_237, %parallel_loop3A_238] {strides = array<i32>} : memref<80x256xf32, #tpu.memory_space<vmem>>, vector<16xf32>,
        %parallel_loop3A_240 = arith.index_cast %parallel_loop3A_203 : i32 to index
        %parallel_loop3A_241 = arith.constant 192 : index
        %parallel_loop3A_242 = tpu.vector_load %arg7[%parallel_loop3A_240, %parallel_loop3A_241] {strides = array<i32>} : memref<80x256xf32, #tpu.memory_space<vmem>>, vector<16xf32>,
        %parallel_loop3A_243 = arith.index_cast %parallel_loop3A_203 : i32 to index
        %parallel_loop3A_244 = arith.constant 208 : index
        %parallel_loop3A_245 = tpu.vector_load %arg7[%parallel_loop3A_243, %parallel_loop3A_244] {strides = array<i32>} : memref<80x256xf32, #tpu.memory_space<vmem>>, vector<16xf32>,
        %parallel_loop3A_246 = arith.index_cast %parallel_loop3A_203 : i32 to index
        %parallel_loop3A_247 = arith.constant 224 : index
        %parallel_loop3A_248 = tpu.vector_load %arg7[%parallel_loop3A_246, %parallel_loop3A_247] {strides = array<i32>} : memref<80x256xf32, #tpu.memory_space<vmem>>, vector<16xf32>,
        %parallel_loop3A_249 = arith.index_cast %parallel_loop3A_203 : i32 to index
        %parallel_loop3A_250 = arith.constant 240 : index
        %parallel_loop3A_251 = tpu.vector_load %arg7[%parallel_loop3A_249, %parallel_loop3A_250] {strides = array<i32>} : memref<80x256xf32, #tpu.memory_space<vmem>>, vector<16xf32>,
        %parallel_loop3A_252 = arith.mulf %parallel_loop3A_206, %get3A_34 : vector<16xf32>
        %parallel_loop3A_253 = arith.mulf %parallel_loop3A_209, %get3A_36 : vector<16xf32>
        %parallel_loop3A_254 = arith.mulf %parallel_loop3A_212, %get3A_38 : vector<16xf32>
        %parallel_loop3A_255 = arith.mulf %parallel_loop3A_215, %get3A_40 : vector<16xf32>
        %parallel_loop3A_256 = arith.mulf %parallel_loop3A_218, %get3A_42 : vector<16xf32>
        %parallel_loop3A_257 = arith.addf %parallel_loop3A_252, %parallel_loop3A_256 : vector<16xf32>
        %parallel_loop3A_258 = arith.mulf %parallel_loop3A_221, %get3A_44 : vector<16xf32>
        %parallel_loop3A_259 = arith.addf %parallel_loop3A_253, %parallel_loop3A_258 : vector<16xf32>
        %parallel_loop3A_260 = arith.mulf %parallel_loop3A_224, %get3A_46 : vector<16xf32>
        %parallel_loop3A_261 = arith.addf %parallel_loop3A_254, %parallel_loop3A_260 : vector<16xf32>
        %parallel_loop3A_262 = arith.mulf %parallel_loop3A_227, %get3A_48 : vector<16xf32>
        %parallel_loop3A_263 = arith.addf %parallel_loop3A_255, %parallel_loop3A_262 : vector<16xf32>
        %parallel_loop3A_264 = arith.mulf %parallel_loop3A_230, %get3A_50 : vector<16xf32>
        %parallel_loop3A_265 = arith.addf %parallel_loop3A_257, %parallel_loop3A_264 : vector<16xf32>
        %parallel_loop3A_266 = arith.mulf %parallel_loop3A_233, %get3A_52 : vector<16xf32>
        %parallel_loop3A_267 = arith.addf %parallel_loop3A_259, %parallel_loop3A_266 : vector<16xf32>
        %parallel_loop3A_268 = arith.mulf %parallel_loop3A_236, %get3A_54 : vector<16xf32>
        %parallel_loop3A_269 = arith.addf %parallel_loop3A_261, %parallel_loop3A_268 : vector<16xf32>
        %parallel_loop3A_270 = arith.mulf %parallel_loop3A_239, %get3A_56 : vector<16xf32>
        %parallel_loop3A_271 = arith.addf %parallel_loop3A_263, %parallel_loop3A_270 : vector<16xf32>
        %parallel_loop3A_272 = arith.mulf %parallel_loop3A_242, %get3A_58 : vector<16xf32>
        %parallel_loop3A_273 = arith.addf %parallel_loop3A_265, %parallel_loop3A_272 : vector<16xf32>
        %parallel_loop3A_274 = arith.mulf %parallel_loop3A_245, %get3A_60 : vector<16xf32>
        %parallel_loop3A_275 = arith.addf %parallel_loop3A_267, %parallel_loop3A_274 : vector<16xf32>
        %parallel_loop3A_276 = arith.mulf %parallel_loop3A_248, %get3A_62 : vector<16xf32>
        %parallel_loop3A_277 = arith.addf %parallel_loop3A_269, %parallel_loop3A_276 : vector<16xf32>
        %parallel_loop3A_278 = arith.mulf %parallel_loop3A_251, %get3A_64 : vector<16xf32>
        %parallel_loop3A_279 = arith.addf %parallel_loop3A_271, %parallel_loop3A_278 : vector<16xf32>
        %parallel_loop3A_280 = arith.addf %parallel_loop3A_273, %parallel_loop3A_275 : vector<16xf32>
        %parallel_loop3A_281 = arith.addf %parallel_loop3A_277, %parallel_loop3A_279 : vector<16xf32>
        %parallel_loop3A_282 = arith.addf %parallel_loop3A_280, %parallel_loop3A_281 : vector<16xf32>
        %parallel_loop3A_283 = arith.constant 8 : i32
        %parallel_loop3A_284 = vector.broadcast %parallel_loop3A_283 : i32 to vector<16xi32>
        %parallel_loop3A_285 = arith.addi %iota3A, %parallel_loop3A_284 : vector<16xi32>
        %parallel_loop3A_286 = arith.constant 16 : i32
        %parallel_loop3A_287 = arith.constant 0 : i32
        %parallel_loop3A_288 = arith.cmpi eq, %parallel_loop3A_286, %parallel_loop3A_287 : i32
        %parallel_loop3A_289 = arith.constant 1 : i32
        %parallel_loop3A_290 = arith.select %parallel_loop3A_288, %parallel_loop3A_289, %parallel_loop3A_286 : i32
        %parallel_loop3A_291 = vector.broadcast %parallel_loop3A_290 : i32 to vector<16xi32>
        %parallel_loop3A_292 = arith.remsi %parallel_loop3A_285, %parallel_loop3A_291 : vector<16xi32>
        %parallel_loop3A_293 = arith.constant 0 : i32
        %parallel_loop3A_294 = vector.broadcast %parallel_loop3A_293 : i32 to vector<16xi32>
        %parallel_loop3A_295 = arith.cmpi ne, %parallel_loop3A_292, %parallel_loop3A_294 : vector<16xi32>
        %parallel_loop3A_296 = arith.constant 0 : i32
        %parallel_loop3A_297 = vector.broadcast %parallel_loop3A_296 : i32 to vector<16xi32>
        %parallel_loop3A_298 = arith.cmpi slt, %parallel_loop3A_292, %parallel_loop3A_297 : vector<16xi32>
        %parallel_loop3A_299 = arith.constant 0 : i32
        %parallel_loop3A_300 = arith.cmpi slt, %parallel_loop3A_290, %parallel_loop3A_299 : i32
        %parallel_loop3A_301 = vector.broadcast %parallel_loop3A_300 : i1 to vector<16xi1>
        %parallel_loop3A_302 = vector.broadcast %parallel_loop3A_301 : vector<16xi1> to vector<16xi1>
        %parallel_loop3A_303 = arith.xori %parallel_loop3A_298, %parallel_loop3A_302 : vector<16xi1>
        %parallel_loop3A_304 = arith.andi %parallel_loop3A_303, %parallel_loop3A_295 : vector<16xi1>
        %parallel_loop3A_305 = vector.broadcast %parallel_loop3A_290 : i32 to vector<16xi32>
        %parallel_loop3A_306 = arith.addi %parallel_loop3A_292, %parallel_loop3A_305 : vector<16xi32>
        %parallel_loop3A_307 = arith.select %parallel_loop3A_304, %parallel_loop3A_306, %parallel_loop3A_292 : vector<16xi1>, vector<16xi32>
        %parallel_loop3A_308 = arith.constant 0 : i32
        %parallel_loop3A_309 = vector.broadcast %parallel_loop3A_308 : i32 to vector<16xi32>
        %parallel_loop3A_310 = arith.cmpi slt, %parallel_loop3A_307, %parallel_loop3A_309 : vector<16xi32>
        %parallel_loop3A_311 = arith.constant 16 : i32
        %parallel_loop3A_312 = vector.broadcast %parallel_loop3A_311 : i32 to vector<16xi32>
        %parallel_loop3A_313 = arith.addi %parallel_loop3A_307, %parallel_loop3A_312 : vector<16xi32>
        %parallel_loop3A_314 = arith.select %parallel_loop3A_310, %parallel_loop3A_313, %parallel_loop3A_307 : vector<16xi1>, vector<16xi32>
        %parallel_loop3A_315 = vector.shape_cast %parallel_loop3A_314 : vector<16xi32> to vector<16x1xi32>
        %parallel_loop3A_316 = vector.shape_cast %parallel_loop3A_315 : vector<16x1xi32> to vector<16xi32>
        %parallel_loop3A_317 = tpu.dynamic_gather %parallel_loop3A_282[%parallel_loop3A_316] in [0] : vector<16xf32>, vector<16xi32> -> vector<16xf32>
        %parallel_loop3A_318 = arith.addf %parallel_loop3A_282, %parallel_loop3A_317 : vector<16xf32>
        %parallel_loop3A_319 = arith.constant 4 : i32
        %parallel_loop3A_320 = vector.broadcast %parallel_loop3A_319 : i32 to vector<16xi32>
        %parallel_loop3A_321 = arith.addi %iota3A, %parallel_loop3A_320 : vector<16xi32>
        %parallel_loop3A_322 = arith.constant 16 : i32
        %parallel_loop3A_323 = arith.constant 0 : i32
        %parallel_loop3A_324 = arith.cmpi eq, %parallel_loop3A_322, %parallel_loop3A_323 : i32
        %parallel_loop3A_325 = arith.constant 1 : i32
        %parallel_loop3A_326 = arith.select %parallel_loop3A_324, %parallel_loop3A_325, %parallel_loop3A_322 : i32
        %parallel_loop3A_327 = vector.broadcast %parallel_loop3A_326 : i32 to vector<16xi32>
        %parallel_loop3A_328 = arith.remsi %parallel_loop3A_321, %parallel_loop3A_327 : vector<16xi32>
        %parallel_loop3A_329 = arith.constant 0 : i32
        %parallel_loop3A_330 = vector.broadcast %parallel_loop3A_329 : i32 to vector<16xi32>
        %parallel_loop3A_331 = arith.cmpi ne, %parallel_loop3A_328, %parallel_loop3A_330 : vector<16xi32>
        %parallel_loop3A_332 = arith.constant 0 : i32
        %parallel_loop3A_333 = vector.broadcast %parallel_loop3A_332 : i32 to vector<16xi32>
        %parallel_loop3A_334 = arith.cmpi slt, %parallel_loop3A_328, %parallel_loop3A_333 : vector<16xi32>
        %parallel_loop3A_335 = arith.constant 0 : i32
        %parallel_loop3A_336 = arith.cmpi slt, %parallel_loop3A_326, %parallel_loop3A_335 : i32
        %parallel_loop3A_337 = vector.broadcast %parallel_loop3A_336 : i1 to vector<16xi1>
        %parallel_loop3A_338 = vector.broadcast %parallel_loop3A_337 : vector<16xi1> to vector<16xi1>
        %parallel_loop3A_339 = arith.xori %parallel_loop3A_334, %parallel_loop3A_338 : vector<16xi1>
        %parallel_loop3A_340 = arith.andi %parallel_loop3A_339, %parallel_loop3A_331 : vector<16xi1>
        %parallel_loop3A_341 = vector.broadcast %parallel_loop3A_326 : i32 to vector<16xi32>
        %parallel_loop3A_342 = arith.addi %parallel_loop3A_328, %parallel_loop3A_341 : vector<16xi32>
        %parallel_loop3A_343 = arith.select %parallel_loop3A_340, %parallel_loop3A_342, %parallel_loop3A_328 : vector<16xi1>, vector<16xi32>
        %parallel_loop3A_344 = arith.constant 0 : i32
        %parallel_loop3A_345 = vector.broadcast %parallel_loop3A_344 : i32 to vector<16xi32>
        %parallel_loop3A_346 = arith.cmpi slt, %parallel_loop3A_343, %parallel_loop3A_345 : vector<16xi32>
        %parallel_loop3A_347 = arith.constant 16 : i32
        %parallel_loop3A_348 = vector.broadcast %parallel_loop3A_347 : i32 to vector<16xi32>
        %parallel_loop3A_349 = arith.addi %parallel_loop3A_343, %parallel_loop3A_348 : vector<16xi32>
        %parallel_loop3A_350 = arith.select %parallel_loop3A_346, %parallel_loop3A_349, %parallel_loop3A_343 : vector<16xi1>, vector<16xi32>
        %parallel_loop3A_351 = vector.shape_cast %parallel_loop3A_350 : vector<16xi32> to vector<16x1xi32>
        %parallel_loop3A_352 = vector.shape_cast %parallel_loop3A_351 : vector<16x1xi32> to vector<16xi32>
        %parallel_loop3A_353 = tpu.dynamic_gather %parallel_loop3A_318[%parallel_loop3A_352] in [0] : vector<16xf32>, vector<16xi32> -> vector<16xf32>
        %parallel_loop3A_354 = arith.addf %parallel_loop3A_318, %parallel_loop3A_353 : vector<16xf32>
        %parallel_loop3A_355 = arith.constant 2 : i32
        %parallel_loop3A_356 = vector.broadcast %parallel_loop3A_355 : i32 to vector<16xi32>
        %parallel_loop3A_357 = arith.addi %iota3A, %parallel_loop3A_356 : vector<16xi32>
        %parallel_loop3A_358 = arith.constant 16 : i32
        %parallel_loop3A_359 = arith.constant 0 : i32
        %parallel_loop3A_360 = arith.cmpi eq, %parallel_loop3A_358, %parallel_loop3A_359 : i32
        %parallel_loop3A_361 = arith.constant 1 : i32
        %parallel_loop3A_362 = arith.select %parallel_loop3A_360, %parallel_loop3A_361, %parallel_loop3A_358 : i32
        %parallel_loop3A_363 = vector.broadcast %parallel_loop3A_362 : i32 to vector<16xi32>
        %parallel_loop3A_364 = arith.remsi %parallel_loop3A_357, %parallel_loop3A_363 : vector<16xi32>
        %parallel_loop3A_365 = arith.constant 0 : i32
        %parallel_loop3A_366 = vector.broadcast %parallel_loop3A_365 : i32 to vector<16xi32>
        %parallel_loop3A_367 = arith.cmpi ne, %parallel_loop3A_364, %parallel_loop3A_366 : vector<16xi32>
        %parallel_loop3A_368 = arith.constant 0 : i32
        %parallel_loop3A_369 = vector.broadcast %parallel_loop3A_368 : i32 to vector<16xi32>
        %parallel_loop3A_370 = arith.cmpi slt, %parallel_loop3A_364, %parallel_loop3A_369 : vector<16xi32>
        %parallel_loop3A_371 = arith.constant 0 : i32
        %parallel_loop3A_372 = arith.cmpi slt, %parallel_loop3A_362, %parallel_loop3A_371 : i32
        %parallel_loop3A_373 = vector.broadcast %parallel_loop3A_372 : i1 to vector<16xi1>
        %parallel_loop3A_374 = vector.broadcast %parallel_loop3A_373 : vector<16xi1> to vector<16xi1>
        %parallel_loop3A_375 = arith.xori %parallel_loop3A_370, %parallel_loop3A_374 : vector<16xi1>
        %parallel_loop3A_376 = arith.andi %parallel_loop3A_375, %parallel_loop3A_367 : vector<16xi1>
        %parallel_loop3A_377 = vector.broadcast %parallel_loop3A_362 : i32 to vector<16xi32>
        %parallel_loop3A_378 = arith.addi %parallel_loop3A_364, %parallel_loop3A_377 : vector<16xi32>
        %parallel_loop3A_379 = arith.select %parallel_loop3A_376, %parallel_loop3A_378, %parallel_loop3A_364 : vector<16xi1>, vector<16xi32>
        %parallel_loop3A_380 = arith.constant 0 : i32
        %parallel_loop3A_381 = vector.broadcast %parallel_loop3A_380 : i32 to vector<16xi32>
        %parallel_loop3A_382 = arith.cmpi slt, %parallel_loop3A_379, %parallel_loop3A_381 : vector<16xi32>
        %parallel_loop3A_383 = arith.constant 16 : i32
        %parallel_loop3A_384 = vector.broadcast %parallel_loop3A_383 : i32 to vector<16xi32>
        %parallel_loop3A_385 = arith.addi %parallel_loop3A_379, %parallel_loop3A_384 : vector<16xi32>
        %parallel_loop3A_386 = arith.select %parallel_loop3A_382, %parallel_loop3A_385, %parallel_loop3A_379 : vector<16xi1>, vector<16xi32>
        %parallel_loop3A_387 = vector.shape_cast %parallel_loop3A_386 : vector<16xi32> to vector<16x1xi32>
        %parallel_loop3A_388 = vector.shape_cast %parallel_loop3A_387 : vector<16x1xi32> to vector<16xi32>
        %parallel_loop3A_389 = tpu.dynamic_gather %parallel_loop3A_354[%parallel_loop3A_388] in [0] : vector<16xf32>, vector<16xi32> -> vector<16xf32>
        %parallel_loop3A_390 = arith.addf %parallel_loop3A_354, %parallel_loop3A_389 : vector<16xf32>
        %parallel_loop3A_391 = arith.constant 1 : i32
        %parallel_loop3A_392 = vector.broadcast %parallel_loop3A_391 : i32 to vector<16xi32>
        %parallel_loop3A_393 = arith.addi %iota3A, %parallel_loop3A_392 : vector<16xi32>
        %parallel_loop3A_394 = arith.constant 16 : i32
        %parallel_loop3A_395 = arith.constant 0 : i32
        %parallel_loop3A_396 = arith.cmpi eq, %parallel_loop3A_394, %parallel_loop3A_395 : i32
        %parallel_loop3A_397 = arith.constant 1 : i32
        %parallel_loop3A_398 = arith.select %parallel_loop3A_396, %parallel_loop3A_397, %parallel_loop3A_394 : i32
        %parallel_loop3A_399 = vector.broadcast %parallel_loop3A_398 : i32 to vector<16xi32>
        %parallel_loop3A_400 = arith.remsi %parallel_loop3A_393, %parallel_loop3A_399 : vector<16xi32>
        %parallel_loop3A_401 = arith.constant 0 : i32
        %parallel_loop3A_402 = vector.broadcast %parallel_loop3A_401 : i32 to vector<16xi32>
        %parallel_loop3A_403 = arith.cmpi ne, %parallel_loop3A_400, %parallel_loop3A_402 : vector<16xi32>
        %parallel_loop3A_404 = arith.constant 0 : i32
        %parallel_loop3A_405 = vector.broadcast %parallel_loop3A_404 : i32 to vector<16xi32>
        %parallel_loop3A_406 = arith.cmpi slt, %parallel_loop3A_400, %parallel_loop3A_405 : vector<16xi32>
        %parallel_loop3A_407 = arith.constant 0 : i32
        %parallel_loop3A_408 = arith.cmpi slt, %parallel_loop3A_398, %parallel_loop3A_407 : i32
        %parallel_loop3A_409 = vector.broadcast %parallel_loop3A_408 : i1 to vector<16xi1>
        %parallel_loop3A_410 = vector.broadcast %parallel_loop3A_409 : vector<16xi1> to vector<16xi1>
        %parallel_loop3A_411 = arith.xori %parallel_loop3A_406, %parallel_loop3A_410 : vector<16xi1>
        %parallel_loop3A_412 = arith.andi %parallel_loop3A_411, %parallel_loop3A_403 : vector<16xi1>
        %parallel_loop3A_413 = vector.broadcast %parallel_loop3A_398 : i32 to vector<16xi32>
        %parallel_loop3A_414 = arith.addi %parallel_loop3A_400, %parallel_loop3A_413 : vector<16xi32>
        %parallel_loop3A_415 = arith.select %parallel_loop3A_412, %parallel_loop3A_414, %parallel_loop3A_400 : vector<16xi1>, vector<16xi32>
        %parallel_loop3A_416 = arith.constant 0 : i32
        %parallel_loop3A_417 = vector.broadcast %parallel_loop3A_416 : i32 to vector<16xi32>
        %parallel_loop3A_418 = arith.cmpi slt, %parallel_loop3A_415, %parallel_loop3A_417 : vector<16xi32>
        %parallel_loop3A_419 = arith.constant 16 : i32
        %parallel_loop3A_420 = vector.broadcast %parallel_loop3A_419 : i32 to vector<16xi32>
        %parallel_loop3A_421 = arith.addi %parallel_loop3A_415, %parallel_loop3A_420 : vector<16xi32>
        %parallel_loop3A_422 = arith.select %parallel_loop3A_418, %parallel_loop3A_421, %parallel_loop3A_415 : vector<16xi1>, vector<16xi32>
        %parallel_loop3A_423 = vector.shape_cast %parallel_loop3A_422 : vector<16xi32> to vector<16x1xi32>
        %parallel_loop3A_424 = vector.shape_cast %parallel_loop3A_423 : vector<16x1xi32> to vector<16xi32>
        %parallel_loop3A_425 = tpu.dynamic_gather %parallel_loop3A_390[%parallel_loop3A_424] in [0] : vector<16xf32>, vector<16xi32> -> vector<16xf32>
        %parallel_loop3A_426 = arith.addf %parallel_loop3A_390, %parallel_loop3A_425 : vector<16xf32>
        %parallel_loop3A_427 = arith.constant 1.000000e+00 : f32
        %parallel_loop3A_428 = arith.constant 0.000000e+00 : f32
        %parallel_loop3A_429 = arith.select %parallel_loop3A_200, %parallel_loop3A_427, %parallel_loop3A_428 : f32
        %parallel_loop3A_430 = math.exp %parallel_loop3A_426 : vector<16xf32>
        %parallel_loop3A_431 = vector.broadcast %parallel_loop3A_429 : f32 to vector<16xf32>
        %parallel_loop3A_432 = arith.mulf %parallel_loop3A_430, %parallel_loop3A_431 : vector<16xf32>
        %parallel_loop3A_433 = arith.constant 16 : i32
        %parallel_loop3A_434 = arith.muli %parallel_loop3A_198, %parallel_loop3A_433 : i32
        %parallel_loop3A_435 = arith.index_cast %parallel_loop3A_434 : i32 to index
        %parallel_loop3A_436 = tpu.vector_load %arg15[%parallel_loop3A_435] {strides = array<i32>} : memref<1024xf32, #tpu.memory_space<vmem>>, vector<16xf32>,
        tpu.vector_store %arg15[%parallel_loop3A_435], %parallel_loop3A_432 {strides = array<i32>} : memref<1024xf32, #tpu.memory_space<vmem>>, vector<16xf32>,
      } {sc.loop_unroll_factor = 2 : i64, sc.parallel_access}
      %parallel_loop3A_190 = arith.constant 0 : i32
      %parallel_loop3A_191 = arith.constant 64 : i32
      %parallel_loop3A_192 = arith.constant 1 : i32
      scf.for %parallel_loop3A_198 = %parallel_loop3A_190 to %parallel_loop3A_191 step %parallel_loop3A_192  : i32 {
        %parallel_loop3A_199 = arith.addi %add3A_157, %parallel_loop3A_198 : i32
        %parallel_loop3A_200 = arith.cmpi slt, %parallel_loop3A_199, %squeeze3A_3 : i32
        %parallel_loop3A_201 = arith.addi %sub3A_186, %parallel_loop3A_198 : i32
        %parallel_loop3A_202 = arith.constant 79 : i32
        %parallel_loop3A_203 = arith.minsi %parallel_loop3A_201, %parallel_loop3A_202 : i32
        %parallel_loop3A_204 = arith.constant 16 : i32
        %parallel_loop3A_205 = arith.muli %parallel_loop3A_198, %parallel_loop3A_204 : i32
        %parallel_loop3A_206 = arith.index_cast %parallel_loop3A_205 : i32 to index
        %parallel_loop3A_207 = tpu.vector_load %arg15[%parallel_loop3A_206] {strides = array<i32>} : memref<1024xf32, #tpu.memory_space<vmem>>, vector<16xf32>,
        %parallel_loop3A_208 = arith.index_cast %parallel_loop3A_203 : i32 to index
        %parallel_loop3A_209 = tpu.vector_load %arg8[%parallel_loop3A_208] {strides = array<i32>} : memref<96xi32, #tpu.memory_space<vmem>>, vector<16xi32>,
        %parallel_loop3A_210 = vector.extract_strided_slice %parallel_loop3A_209 {offsets = [0], sizes = [1], strides = [1]} : vector<16xi32> to vector<1xi32>
        %parallel_loop3A_211 = vector.extract %parallel_loop3A_210[0] : i32 from vector<1xi32>
        %parallel_loop3A_212 = arith.subi %parallel_loop3A_211, %mul3A_5 : i32
        %parallel_loop3A_213 = arith.constant 0 : i32
        %parallel_loop3A_214 = arith.select %parallel_loop3A_200, %parallel_loop3A_212, %parallel_loop3A_213 : i32
        %parallel_loop3A_215 = arith.index_cast %parallel_loop3A_203 : i32 to index
        %parallel_loop3A_216 = arith.constant 0 : index
        %parallel_loop3A_217 = tpu.vector_load %arg7[%parallel_loop3A_215, %parallel_loop3A_216] {strides = array<i32>} : memref<80x256xf32, #tpu.memory_space<vmem>>, vector<16xf32>,
        %parallel_loop3A_218 = arith.mulf %parallel_loop3A_217, %parallel_loop3A_207 : vector<16xf32>
        %parallel_loop3A_219 = arith.index_cast %parallel_loop3A_214 : i32 to index
        %parallel_loop3A_220 = arith.constant 0 : index
        %parallel_loop3A_221 = tpu.vector_load %arg13[%parallel_loop3A_219, %parallel_loop3A_220] {strides = array<i32>} : memref<320x256xf32, #tpu.memory_space<vmem>>, vector<16xf32>,
        tpu.vector_store %arg13[%parallel_loop3A_219, %parallel_loop3A_220], %parallel_loop3A_218 {add = true, strides = array<i32>} : memref<320x256xf32, #tpu.memory_space<vmem>>, vector<16xf32>,
        %parallel_loop3A_222 = arith.index_cast %parallel_loop3A_203 : i32 to index
        %parallel_loop3A_223 = arith.constant 16 : index
        %parallel_loop3A_224 = tpu.vector_load %arg7[%parallel_loop3A_222, %parallel_loop3A_223] {strides = array<i32>} : memref<80x256xf32, #tpu.memory_space<vmem>>, vector<16xf32>,
        %parallel_loop3A_225 = arith.mulf %parallel_loop3A_224, %parallel_loop3A_207 : vector<16xf32>
        %parallel_loop3A_226 = arith.index_cast %parallel_loop3A_214 : i32 to index
        %parallel_loop3A_227 = arith.constant 16 : index
        %parallel_loop3A_228 = tpu.vector_load %arg13[%parallel_loop3A_226, %parallel_loop3A_227] {strides = array<i32>} : memref<320x256xf32, #tpu.memory_space<vmem>>, vector<16xf32>,
        tpu.vector_store %arg13[%parallel_loop3A_226, %parallel_loop3A_227], %parallel_loop3A_225 {add = true, strides = array<i32>} : memref<320x256xf32, #tpu.memory_space<vmem>>, vector<16xf32>,
        %parallel_loop3A_229 = arith.index_cast %parallel_loop3A_203 : i32 to index
        %parallel_loop3A_230 = arith.constant 32 : index
        %parallel_loop3A_231 = tpu.vector_load %arg7[%parallel_loop3A_229, %parallel_loop3A_230] {strides = array<i32>} : memref<80x256xf32, #tpu.memory_space<vmem>>, vector<16xf32>,
        %parallel_loop3A_232 = arith.mulf %parallel_loop3A_231, %parallel_loop3A_207 : vector<16xf32>
        %parallel_loop3A_233 = arith.index_cast %parallel_loop3A_214 : i32 to index
        %parallel_loop3A_234 = arith.constant 32 : index
        %parallel_loop3A_235 = tpu.vector_load %arg13[%parallel_loop3A_233, %parallel_loop3A_234] {strides = array<i32>} : memref<320x256xf32, #tpu.memory_space<vmem>>, vector<16xf32>,
        tpu.vector_store %arg13[%parallel_loop3A_233, %parallel_loop3A_234], %parallel_loop3A_232 {add = true, strides = array<i32>} : memref<320x256xf32, #tpu.memory_space<vmem>>, vector<16xf32>,
        %parallel_loop3A_236 = arith.index_cast %parallel_loop3A_203 : i32 to index
        %parallel_loop3A_237 = arith.constant 48 : index
        %parallel_loop3A_238 = tpu.vector_load %arg7[%parallel_loop3A_236, %parallel_loop3A_237] {strides = array<i32>} : memref<80x256xf32, #tpu.memory_space<vmem>>, vector<16xf32>,
        %parallel_loop3A_239 = arith.mulf %parallel_loop3A_238, %parallel_loop3A_207 : vector<16xf32>
        %parallel_loop3A_240 = arith.index_cast %parallel_loop3A_214 : i32 to index
        %parallel_loop3A_241 = arith.constant 48 : index
        %parallel_loop3A_242 = tpu.vector_load %arg13[%parallel_loop3A_240, %parallel_loop3A_241] {strides = array<i32>} : memref<320x256xf32, #tpu.memory_space<vmem>>, vector<16xf32>,
        tpu.vector_store %arg13[%parallel_loop3A_240, %parallel_loop3A_241], %parallel_loop3A_239 {add = true, strides = array<i32>} : memref<320x256xf32, #tpu.memory_space<vmem>>, vector<16xf32>,
        %parallel_loop3A_243 = arith.index_cast %parallel_loop3A_203 : i32 to index
        %parallel_loop3A_244 = arith.constant 64 : index
        %parallel_loop3A_245 = tpu.vector_load %arg7[%parallel_loop3A_243, %parallel_loop3A_244] {strides = array<i32>} : memref<80x256xf32, #tpu.memory_space<vmem>>, vector<16xf32>,
        %parallel_loop3A_246 = arith.mulf %parallel_loop3A_245, %parallel_loop3A_207 : vector<16xf32>
        %parallel_loop3A_247 = arith.index_cast %parallel_loop3A_214 : i32 to index
        %parallel_loop3A_248 = arith.constant 64 : index
        %parallel_loop3A_249 = tpu.vector_load %arg13[%parallel_loop3A_247, %parallel_loop3A_248] {strides = array<i32>} : memref<320x256xf32, #tpu.memory_space<vmem>>, vector<16xf32>,
        tpu.vector_store %arg13[%parallel_loop3A_247, %parallel_loop3A_248], %parallel_loop3A_246 {add = true, strides = array<i32>} : memref<320x256xf32, #tpu.memory_space<vmem>>, vector<16xf32>,
        %parallel_loop3A_250 = arith.index_cast %parallel_loop3A_203 : i32 to index
        %parallel_loop3A_251 = arith.constant 80 : index
        %parallel_loop3A_252 = tpu.vector_load %arg7[%parallel_loop3A_250, %parallel_loop3A_251] {strides = array<i32>} : memref<80x256xf32, #tpu.memory_space<vmem>>, vector<16xf32>,
        %parallel_loop3A_253 = arith.mulf %parallel_loop3A_252, %parallel_loop3A_207 : vector<16xf32>
        %parallel_loop3A_254 = arith.index_cast %parallel_loop3A_214 : i32 to index
        %parallel_loop3A_255 = arith.constant 80 : index
        %parallel_loop3A_256 = tpu.vector_load %arg13[%parallel_loop3A_254, %parallel_loop3A_255] {strides = array<i32>} : memref<320x256xf32, #tpu.memory_space<vmem>>, vector<16xf32>,
        tpu.vector_store %arg13[%parallel_loop3A_254, %parallel_loop3A_255], %parallel_loop3A_253 {add = true, strides = array<i32>} : memref<320x256xf32, #tpu.memory_space<vmem>>, vector<16xf32>,
        %parallel_loop3A_257 = arith.index_cast %parallel_loop3A_203 : i32 to index
        %parallel_loop3A_258 = arith.constant 96 : index
        %parallel_loop3A_259 = tpu.vector_load %arg7[%parallel_loop3A_257, %parallel_loop3A_258] {strides = array<i32>} : memref<80x256xf32, #tpu.memory_space<vmem>>, vector<16xf32>,
        %parallel_loop3A_260 = arith.mulf %parallel_loop3A_259, %parallel_loop3A_207 : vector<16xf32>
        %parallel_loop3A_261 = arith.index_cast %parallel_loop3A_214 : i32 to index
        %parallel_loop3A_262 = arith.constant 96 : index
        %parallel_loop3A_263 = tpu.vector_load %arg13[%parallel_loop3A_261, %parallel_loop3A_262] {strides = array<i32>} : memref<320x256xf32, #tpu.memory_space<vmem>>, vector<16xf32>,
        tpu.vector_store %arg13[%parallel_loop3A_261, %parallel_loop3A_262], %parallel_loop3A_260 {add = true, strides = array<i32>} : memref<320x256xf32, #tpu.memory_space<vmem>>, vector<16xf32>,
        %parallel_loop3A_264 = arith.index_cast %parallel_loop3A_203 : i32 to index
        %parallel_loop3A_265 = arith.constant 112 : index
        %parallel_loop3A_266 = tpu.vector_load %arg7[%parallel_loop3A_264, %parallel_loop3A_265] {strides = array<i32>} : memref<80x256xf32, #tpu.memory_space<vmem>>, vector<16xf32>,
        %parallel_loop3A_267 = arith.mulf %parallel_loop3A_266, %parallel_loop3A_207 : vector<16xf32>
        %parallel_loop3A_268 = arith.index_cast %parallel_loop3A_214 : i32 to index
        %parallel_loop3A_269 = arith.constant 112 : index
        %parallel_loop3A_270 = tpu.vector_load %arg13[%parallel_loop3A_268, %parallel_loop3A_269] {strides = array<i32>} : memref<320x256xf32, #tpu.memory_space<vmem>>, vector<16xf32>,
        tpu.vector_store %arg13[%parallel_loop3A_268, %parallel_loop3A_269], %parallel_loop3A_267 {add = true, strides = array<i32>} : memref<320x256xf32, #tpu.memory_space<vmem>>, vector<16xf32>,
        %parallel_loop3A_271 = arith.index_cast %parallel_loop3A_203 : i32 to index
        %parallel_loop3A_272 = arith.constant 128 : index
        %parallel_loop3A_273 = tpu.vector_load %arg7[%parallel_loop3A_271, %parallel_loop3A_272] {strides = array<i32>} : memref<80x256xf32, #tpu.memory_space<vmem>>, vector<16xf32>,
        %parallel_loop3A_274 = arith.mulf %parallel_loop3A_273, %parallel_loop3A_207 : vector<16xf32>
        %parallel_loop3A_275 = arith.index_cast %parallel_loop3A_214 : i32 to index
        %parallel_loop3A_276 = arith.constant 128 : index
        %parallel_loop3A_277 = tpu.vector_load %arg13[%parallel_loop3A_275, %parallel_loop3A_276] {strides = array<i32>} : memref<320x256xf32, #tpu.memory_space<vmem>>, vector<16xf32>,
        tpu.vector_store %arg13[%parallel_loop3A_275, %parallel_loop3A_276], %parallel_loop3A_274 {add = true, strides = array<i32>} : memref<320x256xf32, #tpu.memory_space<vmem>>, vector<16xf32>,
        %parallel_loop3A_278 = arith.index_cast %parallel_loop3A_203 : i32 to index
        %parallel_loop3A_279 = arith.constant 144 : index
        %parallel_loop3A_280 = tpu.vector_load %arg7[%parallel_loop3A_278, %parallel_loop3A_279] {strides = array<i32>} : memref<80x256xf32, #tpu.memory_space<vmem>>, vector<16xf32>,
        %parallel_loop3A_281 = arith.mulf %parallel_loop3A_280, %parallel_loop3A_207 : vector<16xf32>
        %parallel_loop3A_282 = arith.index_cast %parallel_loop3A_214 : i32 to index
        %parallel_loop3A_283 = arith.constant 144 : index
        %parallel_loop3A_284 = tpu.vector_load %arg13[%parallel_loop3A_282, %parallel_loop3A_283] {strides = array<i32>} : memref<320x256xf32, #tpu.memory_space<vmem>>, vector<16xf32>,
        tpu.vector_store %arg13[%parallel_loop3A_282, %parallel_loop3A_283], %parallel_loop3A_281 {add = true, strides = array<i32>} : memref<320x256xf32, #tpu.memory_space<vmem>>, vector<16xf32>,
        %parallel_loop3A_285 = arith.index_cast %parallel_loop3A_203 : i32 to index
        %parallel_loop3A_286 = arith.constant 160 : index
        %parallel_loop3A_287 = tpu.vector_load %arg7[%parallel_loop3A_285, %parallel_loop3A_286] {strides = array<i32>} : memref<80x256xf32, #tpu.memory_space<vmem>>, vector<16xf32>,
        %parallel_loop3A_288 = arith.mulf %parallel_loop3A_287, %parallel_loop3A_207 : vector<16xf32>
        %parallel_loop3A_289 = arith.index_cast %parallel_loop3A_214 : i32 to index
        %parallel_loop3A_290 = arith.constant 160 : index
        %parallel_loop3A_291 = tpu.vector_load %arg13[%parallel_loop3A_289, %parallel_loop3A_290] {strides = array<i32>} : memref<320x256xf32, #tpu.memory_space<vmem>>, vector<16xf32>,
        tpu.vector_store %arg13[%parallel_loop3A_289, %parallel_loop3A_290], %parallel_loop3A_288 {add = true, strides = array<i32>} : memref<320x256xf32, #tpu.memory_space<vmem>>, vector<16xf32>,
        %parallel_loop3A_292 = arith.index_cast %parallel_loop3A_203 : i32 to index
        %parallel_loop3A_293 = arith.constant 176 : index
        %parallel_loop3A_294 = tpu.vector_load %arg7[%parallel_loop3A_292, %parallel_loop3A_293] {strides = array<i32>} : memref<80x256xf32, #tpu.memory_space<vmem>>, vector<16xf32>,
        %parallel_loop3A_295 = arith.mulf %parallel_loop3A_294, %parallel_loop3A_207 : vector<16xf32>
        %parallel_loop3A_296 = arith.index_cast %parallel_loop3A_214 : i32 to index
        %parallel_loop3A_297 = arith.constant 176 : index
        %parallel_loop3A_298 = tpu.vector_load %arg13[%parallel_loop3A_296, %parallel_loop3A_297] {strides = array<i32>} : memref<320x256xf32, #tpu.memory_space<vmem>>, vector<16xf32>,
        tpu.vector_store %arg13[%parallel_loop3A_296, %parallel_loop3A_297], %parallel_loop3A_295 {add = true, strides = array<i32>} : memref<320x256xf32, #tpu.memory_space<vmem>>, vector<16xf32>,
        %parallel_loop3A_299 = arith.index_cast %parallel_loop3A_203 : i32 to index
        %parallel_loop3A_300 = arith.constant 192 : index
        %parallel_loop3A_301 = tpu.vector_load %arg7[%parallel_loop3A_299, %parallel_loop3A_300] {strides = array<i32>} : memref<80x256xf32, #tpu.memory_space<vmem>>, vector<16xf32>,
        %parallel_loop3A_302 = arith.mulf %parallel_loop3A_301, %parallel_loop3A_207 : vector<16xf32>
        %parallel_loop3A_303 = arith.index_cast %parallel_loop3A_214 : i32 to index
        %parallel_loop3A_304 = arith.constant 192 : index
        %parallel_loop3A_305 = tpu.vector_load %arg13[%parallel_loop3A_303, %parallel_loop3A_304] {strides = array<i32>} : memref<320x256xf32, #tpu.memory_space<vmem>>, vector<16xf32>,
        tpu.vector_store %arg13[%parallel_loop3A_303, %parallel_loop3A_304], %parallel_loop3A_302 {add = true, strides = array<i32>} : memref<320x256xf32, #tpu.memory_space<vmem>>, vector<16xf32>,
        %parallel_loop3A_306 = arith.index_cast %parallel_loop3A_203 : i32 to index
        %parallel_loop3A_307 = arith.constant 208 : index
        %parallel_loop3A_308 = tpu.vector_load %arg7[%parallel_loop3A_306, %parallel_loop3A_307] {strides = array<i32>} : memref<80x256xf32, #tpu.memory_space<vmem>>, vector<16xf32>,
        %parallel_loop3A_309 = arith.mulf %parallel_loop3A_308, %parallel_loop3A_207 : vector<16xf32>
        %parallel_loop3A_310 = arith.index_cast %parallel_loop3A_214 : i32 to index
        %parallel_loop3A_311 = arith.constant 208 : index
        %parallel_loop3A_312 = tpu.vector_load %arg13[%parallel_loop3A_310, %parallel_loop3A_311] {strides = array<i32>} : memref<320x256xf32, #tpu.memory_space<vmem>>, vector<16xf32>,
        tpu.vector_store %arg13[%parallel_loop3A_310, %parallel_loop3A_311], %parallel_loop3A_309 {add = true, strides = array<i32>} : memref<320x256xf32, #tpu.memory_space<vmem>>, vector<16xf32>,
        %parallel_loop3A_313 = arith.index_cast %parallel_loop3A_203 : i32 to index
        %parallel_loop3A_314 = arith.constant 224 : index
        %parallel_loop3A_315 = tpu.vector_load %arg7[%parallel_loop3A_313, %parallel_loop3A_314] {strides = array<i32>} : memref<80x256xf32, #tpu.memory_space<vmem>>, vector<16xf32>,
        %parallel_loop3A_316 = arith.mulf %parallel_loop3A_315, %parallel_loop3A_207 : vector<16xf32>
        %parallel_loop3A_317 = arith.index_cast %parallel_loop3A_214 : i32 to index
        %parallel_loop3A_318 = arith.constant 224 : index
        %parallel_loop3A_319 = tpu.vector_load %arg13[%parallel_loop3A_317, %parallel_loop3A_318] {strides = array<i32>} : memref<320x256xf32, #tpu.memory_space<vmem>>, vector<16xf32>,
        tpu.vector_store %arg13[%parallel_loop3A_317, %parallel_loop3A_318], %parallel_loop3A_316 {add = true, strides = array<i32>} : memref<320x256xf32, #tpu.memory_space<vmem>>, vector<16xf32>,
        %parallel_loop3A_320 = arith.index_cast %parallel_loop3A_203 : i32 to index
        %parallel_loop3A_321 = arith.constant 240 : index
        %parallel_loop3A_322 = tpu.vector_load %arg7[%parallel_loop3A_320, %parallel_loop3A_321] {strides = array<i32>} : memref<80x256xf32, #tpu.memory_space<vmem>>, vector<16xf32>,
        %parallel_loop3A_323 = arith.mulf %parallel_loop3A_322, %parallel_loop3A_207 : vector<16xf32>
        %parallel_loop3A_324 = arith.index_cast %parallel_loop3A_214 : i32 to index
        %parallel_loop3A_325 = arith.constant 240 : index
        %parallel_loop3A_326 = tpu.vector_load %arg13[%parallel_loop3A_324, %parallel_loop3A_325] {strides = array<i32>} : memref<320x256xf32, #tpu.memory_space<vmem>>, vector<16xf32>,
        tpu.vector_store %arg13[%parallel_loop3A_324, %parallel_loop3A_325], %parallel_loop3A_323 {add = true, strides = array<i32>} : memref<320x256xf32, #tpu.memory_space<vmem>>, vector<16xf32>,
        %parallel_loop3A_327 = arith.constant 16 : i32
        %parallel_loop3A_328 = arith.muli %parallel_loop3A_214, %parallel_loop3A_327 : i32
        %parallel_loop3A_329 = arith.index_cast %parallel_loop3A_328 : i32 to index
        %parallel_loop3A_330 = tpu.vector_load %arg14[%parallel_loop3A_329] {strides = array<i32>} : memref<5120xf32, #tpu.memory_space<vmem>>, vector<16xf32>,
        tpu.vector_store %arg14[%parallel_loop3A_329], %parallel_loop3A_207 {add = true, strides = array<i32>} : memref<5120xf32, #tpu.memory_space<vmem>>, vector<16xf32>,
      } {sc.loop_unroll_factor = 2 : i64, sc.parallel_access}
      %lt3A_193 = arith.cmpi slt, %add3A_112, %select_n3A : i32
      %convert_element_type3A_194 = arith.extui %lt3A_193 : i1 to i32
      %cond3A_195 = arith.constant 0 : i32
      %cond3A_196 = arith.cmpi ne, %convert_element_type3A_194, %cond3A_195 : i32
      scf.if %cond3A_196 {
        %mul3A_198 = arith.constant 64 : i32
        %mul3A_199 = arith.muli %add3A_112, %mul3A_198 : i32
        %add3A_200 = arith.addi %squeeze3A, %mul3A_199 : i32
        %jit3A_201 = arith.constant 8 : i32
        %div3A_202 = arith.divsi %add3A_200, %jit3A_201 : i32
        %sign3A_203 = arith.constant 0 : i32
        %sign3A_204 = arith.cmpi sgt, %add3A_200, %sign3A_203 : i32
        %sign3A_205 = arith.extui %sign3A_204 : i1 to i32
        %sign3A_206 = arith.constant 0 : i32
        %sign3A_207 = arith.cmpi slt, %add3A_200, %sign3A_206 : i32
        %sign3A_208 = arith.extui %sign3A_207 : i1 to i32
        %sign3A_209 = arith.subi %sign3A_205, %sign3A_208 : i32
        %sign3A_210 = arith.constant 0 : i32
        %sign3A_211 = arith.cmpi sgt, %jit3A_201, %sign3A_210 : i32
        %sign3A_212 = arith.extui %sign3A_211 : i1 to i32
        %sign3A_213 = arith.constant 0 : i32
        %sign3A_214 = arith.cmpi slt, %jit3A_201, %sign3A_213 : i32
        %sign3A_215 = arith.extui %sign3A_214 : i1 to i32
        %sign3A_216 = arith.subi %sign3A_212, %sign3A_215 : i32
        %ne3A_217 = arith.cmpi ne, %sign3A_209, %sign3A_216 : i32
        %rem3A_218 = arith.remsi %add3A_200, %jit3A_201 : i32
        %ne3A_219 = arith.constant 0 : i32
        %ne3A_220 = arith.cmpi ne, %rem3A_218, %ne3A_219 : i32
        %and3A_221 = arith.andi %ne3A_217, %ne3A_220 : i1
        %sub3A_222 = arith.constant 1 : i32
        %sub3A_223 = arith.subi %div3A_202, %sub3A_222 : i32
        %select_n3A_224 = arith.select %and3A_221, %sub3A_223, %div3A_202 : i32
        %mul3A_225 = arith.constant 8 : i32
        %mul3A_226 = arith.muli %select_n3A_224, %mul3A_225 : i32
        %min3A_227 = arith.constant 159920 : i32
        %min3A_228 = arith.minsi %mul3A_226, %min3A_227 : i32
        %dma_wait3A_229 = arith.constant 0 : i32
        %dma_wait3A_230 = tpu.memref_slice %arg2[%min3A_228, %dma_wait3A_229] : memref<160000x256xf32, #tpu.memory_space<hbm>> -> memref<80x256xf32, #tpu.memory_space<hbm>>
        %dma_wait3A_231 = arith.constant 0 : i32
        %dma_wait3A_232 = tpu.memref_slice %arg2[%min3A_228, %dma_wait3A_231] : memref<160000x256xf32, #tpu.memory_space<hbm>> -> memref<80x256xf32, #tpu.memory_space<hbm>>
        tpu.wait_dma2 semaphore(%arg18 : memref<!tpu.dma_semaphore, #tpu.memory_space<semaphore_mem>>) src(%dma_wait3A_232 : memref<80x256xf32, #tpu.memory_space<hbm>>) dst(%arg9 : memref<80x256xf32, #tpu.memory_space<vmem>>)
        %dma_wait3A_233 = arith.constant 0 : i32
        %dma_wait3A_234 = tpu.memref_slice %arg10[%dma_wait3A_233] : memref<96xi32, #tpu.memory_space<vmem>> -> memref<80xi32, #tpu.memory_space<vmem>>
        %dma_wait3A_235 = tpu.memref_slice %arg3[%min3A_228] : memref<160000xi32, #tpu.memory_space<hbm>> -> memref<80xi32, #tpu.memory_space<hbm>>
        %dma_wait3A_236 = arith.constant 0 : i32
        %dma_wait3A_237 = tpu.memref_slice %arg10[%dma_wait3A_236] : memref<96xi32, #tpu.memory_space<vmem>> -> memref<80xi32, #tpu.memory_space<vmem>>
        %dma_wait3A_238 = tpu.memref_slice %arg3[%min3A_228] : memref<160000xi32, #tpu.memory_space<hbm>> -> memref<80xi32, #tpu.memory_space<hbm>>
        tpu.wait_dma2 semaphore(%arg19 : memref<!tpu.dma_semaphore, #tpu.memory_space<semaphore_mem>>) src(%dma_wait3A_238 : memref<80xi32, #tpu.memory_space<hbm>>) dst(%dma_wait3A_237 : memref<80xi32, #tpu.memory_space<vmem>>)
        %add3A_239 = arith.constant 1 : i32
        %add3A_240 = arith.addi %add3A_112, %add3A_239 : i32
        %lt3A_241 = arith.cmpi slt, %add3A_240, %select_n3A : i32
        %convert_element_type3A_242 = arith.extui %lt3A_241 : i1 to i32
        %cond3A_243 = arith.constant 0 : i32
        %cond3A_244 = arith.cmpi ne, %convert_element_type3A_242, %cond3A_243 : i32
        scf.if %cond3A_244 {
          %add3A_283 = arith.constant 1 : i32
          %add3A_284 = arith.addi %add3A_112, %add3A_283 : i32
          %mul3A_285 = arith.constant 64 : i32
          %mul3A_286 = arith.muli %add3A_284, %mul3A_285 : i32
          %add3A_287 = arith.addi %squeeze3A, %mul3A_286 : i32
          %jit3A_288 = arith.constant 8 : i32
          %div3A_289 = arith.divsi %add3A_287, %jit3A_288 : i32
          %sign3A_290 = arith.constant 0 : i32
          %sign3A_291 = arith.cmpi sgt, %add3A_287, %sign3A_290 : i32
          %sign3A_292 = arith.extui %sign3A_291 : i1 to i32
          %sign3A_293 = arith.constant 0 : i32
          %sign3A_294 = arith.cmpi slt, %add3A_287, %sign3A_293 : i32
          %sign3A_295 = arith.extui %sign3A_294 : i1 to i32
          %sign3A_296 = arith.subi %sign3A_292, %sign3A_295 : i32
          %sign3A_297 = arith.constant 0 : i32
          %sign3A_298 = arith.cmpi sgt, %jit3A_288, %sign3A_297 : i32
          %sign3A_299 = arith.extui %sign3A_298 : i1 to i32
          %sign3A_300 = arith.constant 0 : i32
          %sign3A_301 = arith.cmpi slt, %jit3A_288, %sign3A_300 : i32
          %sign3A_302 = arith.extui %sign3A_301 : i1 to i32
          %sign3A_303 = arith.subi %sign3A_299, %sign3A_302 : i32
          %ne3A_304 = arith.cmpi ne, %sign3A_296, %sign3A_303 : i32
          %rem3A_305 = arith.remsi %add3A_287, %jit3A_288 : i32
          %ne3A_306 = arith.constant 0 : i32
          %ne3A_307 = arith.cmpi ne, %rem3A_305, %ne3A_306 : i32
          %and3A_308 = arith.andi %ne3A_304, %ne3A_307 : i1
          %sub3A_309 = arith.constant 1 : i32
          %sub3A_310 = arith.subi %div3A_289, %sub3A_309 : i32
          %select_n3A_311 = arith.select %and3A_308, %sub3A_310, %div3A_289 : i32
          %mul3A_312 = arith.constant 8 : i32
          %mul3A_313 = arith.muli %select_n3A_311, %mul3A_312 : i32
          %min3A_314 = arith.constant 159920 : i32
          %min3A_315 = arith.minsi %mul3A_313, %min3A_314 : i32
          %dma_start3A = arith.constant 0 : i32
          %dma_start3A_316 = tpu.memref_slice %arg2[%min3A_315, %dma_start3A] : memref<160000x256xf32, #tpu.memory_space<hbm>> -> memref<80x256xf32, #tpu.memory_space<hbm>>
          %dma_start3A_317 = arith.constant 0 : i32
          %dma_start3A_318 = tpu.memref_slice %arg2[%min3A_315, %dma_start3A_317] : memref<160000x256xf32, #tpu.memory_space<hbm>> -> memref<80x256xf32, #tpu.memory_space<hbm>>
          tpu.enqueue_dma source(%dma_start3A_318 : memref<80x256xf32, #tpu.memory_space<hbm>>) target(%arg7 : memref<80x256xf32, #tpu.memory_space<vmem>>) target_semaphore(%arg16 : memref<!tpu.dma_semaphore, #tpu.memory_space<semaphore_mem>>)
          %dma_start3A_319 = arith.constant 0 : i32
          %dma_start3A_320 = tpu.memref_slice %arg8[%dma_start3A_319] : memref<96xi32, #tpu.memory_space<vmem>> -> memref<80xi32, #tpu.memory_space<vmem>>
          %dma_start3A_321 = tpu.memref_slice %arg3[%min3A_315] : memref<160000xi32, #tpu.memory_space<hbm>> -> memref<80xi32, #tpu.memory_space<hbm>>
          %dma_start3A_322 = arith.constant 0 : i32
          %dma_start3A_323 = tpu.memref_slice %arg8[%dma_start3A_322] : memref<96xi32, #tpu.memory_space<vmem>> -> memref<80xi32, #tpu.memory_space<vmem>>
          %dma_start3A_324 = tpu.memref_slice %arg3[%min3A_315] : memref<160000xi32, #tpu.memory_space<hbm>> -> memref<80xi32, #tpu.memory_space<hbm>>
          tpu.enqueue_dma source(%dma_start3A_324 : memref<80xi32, #tpu.memory_space<hbm>>) target(%dma_start3A_323 : memref<80xi32, #tpu.memory_space<vmem>>) target_semaphore(%arg17 : memref<!tpu.dma_semaphore, #tpu.memory_space<semaphore_mem>>)
        } else {
        }
        %mul3A_245 = arith.constant 64 : i32
        %mul3A_246 = arith.muli %add3A_112, %mul3A_245 : i32
        %add3A_247 = arith.addi %squeeze3A, %mul3A_246 : i32
        %jit3A_248 = arith.constant 8 : i32
        %div3A_249 = arith.divsi %add3A_247, %jit3A_248 : i32
        %sign3A_250 = arith.constant 0 : i32
        %sign3A_251 = arith.cmpi sgt, %add3A_247, %sign3A_250 : i32
        %sign3A_252 = arith.extui %sign3A_251 : i1 to i32
        %sign3A_253 = arith.constant 0 : i32
        %sign3A_254 = arith.cmpi slt, %add3A_247, %sign3A_253 : i32
        %sign3A_255 = arith.extui %sign3A_254 : i1 to i32
        %sign3A_256 = arith.subi %sign3A_252, %sign3A_255 : i32
        %sign3A_257 = arith.constant 0 : i32
        %sign3A_258 = arith.cmpi sgt, %jit3A_248, %sign3A_257 : i32
        %sign3A_259 = arith.extui %sign3A_258 : i1 to i32
        %sign3A_260 = arith.constant 0 : i32
        %sign3A_261 = arith.cmpi slt, %jit3A_248, %sign3A_260 : i32
        %sign3A_262 = arith.extui %sign3A_261 : i1 to i32
        %sign3A_263 = arith.subi %sign3A_259, %sign3A_262 : i32
        %ne3A_264 = arith.cmpi ne, %sign3A_256, %sign3A_263 : i32
        %rem3A_265 = arith.remsi %add3A_247, %jit3A_248 : i32
        %ne3A_266 = arith.constant 0 : i32
        %ne3A_267 = arith.cmpi ne, %rem3A_265, %ne3A_266 : i32
        %and3A_268 = arith.andi %ne3A_264, %ne3A_267 : i1
        %sub3A_269 = arith.constant 1 : i32
        %sub3A_270 = arith.subi %div3A_249, %sub3A_269 : i32
        %select_n3A_271 = arith.select %and3A_268, %sub3A_270, %div3A_249 : i32
        %mul3A_272 = arith.constant 8 : i32
        %mul3A_273 = arith.muli %select_n3A_271, %mul3A_272 : i32
        %min3A_274 = arith.constant 159920 : i32
        %min3A_275 = arith.minsi %mul3A_273, %min3A_274 : i32
        %sub3A_276 = arith.subi %add3A_247, %min3A_275 : i32
        %parallel_loop3A_277 = arith.constant 0 : i32
        %parallel_loop3A_278 = arith.constant 64 : i32
        %parallel_loop3A_279 = arith.constant 1 : i32
        scf.for %parallel_loop3A_283 = %parallel_loop3A_277 to %parallel_loop3A_278 step %parallel_loop3A_279  : i32 {
          %parallel_loop3A_284 = arith.addi %add3A_247, %parallel_loop3A_283 : i32
          %parallel_loop3A_285 = arith.cmpi slt, %parallel_loop3A_284, %squeeze3A_3 : i32
          %parallel_loop3A_286 = arith.addi %sub3A_276, %parallel_loop3A_283 : i32
          %parallel_loop3A_287 = arith.constant 79 : i32
          %parallel_loop3A_288 = arith.minsi %parallel_loop3A_286, %parallel_loop3A_287 : i32
          %parallel_loop3A_289 = arith.index_cast %parallel_loop3A_288 : i32 to index
          %parallel_loop3A_290 = arith.constant 0 : index
          %parallel_loop3A_291 = tpu.vector_load %arg9[%parallel_loop3A_289, %parallel_loop3A_290] {strides = array<i32>} : memref<80x256xf32, #tpu.memory_space<vmem>>, vector<16xf32>,
          %parallel_loop3A_292 = arith.index_cast %parallel_loop3A_288 : i32 to index
          %parallel_loop3A_293 = arith.constant 16 : index
          %parallel_loop3A_294 = tpu.vector_load %arg9[%parallel_loop3A_292, %parallel_loop3A_293] {strides = array<i32>} : memref<80x256xf32, #tpu.memory_space<vmem>>, vector<16xf32>,
          %parallel_loop3A_295 = arith.index_cast %parallel_loop3A_288 : i32 to index
          %parallel_loop3A_296 = arith.constant 32 : index
          %parallel_loop3A_297 = tpu.vector_load %arg9[%parallel_loop3A_295, %parallel_loop3A_296] {strides = array<i32>} : memref<80x256xf32, #tpu.memory_space<vmem>>, vector<16xf32>,
          %parallel_loop3A_298 = arith.index_cast %parallel_loop3A_288 : i32 to index
          %parallel_loop3A_299 = arith.constant 48 : index
          %parallel_loop3A_300 = tpu.vector_load %arg9[%parallel_loop3A_298, %parallel_loop3A_299] {strides = array<i32>} : memref<80x256xf32, #tpu.memory_space<vmem>>, vector<16xf32>,
          %parallel_loop3A_301 = arith.index_cast %parallel_loop3A_288 : i32 to index
          %parallel_loop3A_302 = arith.constant 64 : index
          %parallel_loop3A_303 = tpu.vector_load %arg9[%parallel_loop3A_301, %parallel_loop3A_302] {strides = array<i32>} : memref<80x256xf32, #tpu.memory_space<vmem>>, vector<16xf32>,
          %parallel_loop3A_304 = arith.index_cast %parallel_loop3A_288 : i32 to index
          %parallel_loop3A_305 = arith.constant 80 : index
          %parallel_loop3A_306 = tpu.vector_load %arg9[%parallel_loop3A_304, %parallel_loop3A_305] {strides = array<i32>} : memref<80x256xf32, #tpu.memory_space<vmem>>, vector<16xf32>,
          %parallel_loop3A_307 = arith.index_cast %parallel_loop3A_288 : i32 to index
          %parallel_loop3A_308 = arith.constant 96 : index
          %parallel_loop3A_309 = tpu.vector_load %arg9[%parallel_loop3A_307, %parallel_loop3A_308] {strides = array<i32>} : memref<80x256xf32, #tpu.memory_space<vmem>>, vector<16xf32>,
          %parallel_loop3A_310 = arith.index_cast %parallel_loop3A_288 : i32 to index
          %parallel_loop3A_311 = arith.constant 112 : index
          %parallel_loop3A_312 = tpu.vector_load %arg9[%parallel_loop3A_310, %parallel_loop3A_311] {strides = array<i32>} : memref<80x256xf32, #tpu.memory_space<vmem>>, vector<16xf32>,
          %parallel_loop3A_313 = arith.index_cast %parallel_loop3A_288 : i32 to index
          %parallel_loop3A_314 = arith.constant 128 : index
          %parallel_loop3A_315 = tpu.vector_load %arg9[%parallel_loop3A_313, %parallel_loop3A_314] {strides = array<i32>} : memref<80x256xf32, #tpu.memory_space<vmem>>, vector<16xf32>,
          %parallel_loop3A_316 = arith.index_cast %parallel_loop3A_288 : i32 to index
          %parallel_loop3A_317 = arith.constant 144 : index
          %parallel_loop3A_318 = tpu.vector_load %arg9[%parallel_loop3A_316, %parallel_loop3A_317] {strides = array<i32>} : memref<80x256xf32, #tpu.memory_space<vmem>>, vector<16xf32>,
          %parallel_loop3A_319 = arith.index_cast %parallel_loop3A_288 : i32 to index
          %parallel_loop3A_320 = arith.constant 160 : index
          %parallel_loop3A_321 = tpu.vector_load %arg9[%parallel_loop3A_319, %parallel_loop3A_320] {strides = array<i32>} : memref<80x256xf32, #tpu.memory_space<vmem>>, vector<16xf32>,
          %parallel_loop3A_322 = arith.index_cast %parallel_loop3A_288 : i32 to index
          %parallel_loop3A_323 = arith.constant 176 : index
          %parallel_loop3A_324 = tpu.vector_load %arg9[%parallel_loop3A_322, %parallel_loop3A_323] {strides = array<i32>} : memref<80x256xf32, #tpu.memory_space<vmem>>, vector<16xf32>,
          %parallel_loop3A_325 = arith.index_cast %parallel_loop3A_288 : i32 to index
          %parallel_loop3A_326 = arith.constant 192 : index
          %parallel_loop3A_327 = tpu.vector_load %arg9[%parallel_loop3A_325, %parallel_loop3A_326] {strides = array<i32>} : memref<80x256xf32, #tpu.memory_space<vmem>>, vector<16xf32>,
          %parallel_loop3A_328 = arith.index_cast %parallel_loop3A_288 : i32 to index
          %parallel_loop3A_329 = arith.constant 208 : index
          %parallel_loop3A_330 = tpu.vector_load %arg9[%parallel_loop3A_328, %parallel_loop3A_329] {strides = array<i32>} : memref<80x256xf32, #tpu.memory_space<vmem>>, vector<16xf32>,
          %parallel_loop3A_331 = arith.index_cast %parallel_loop3A_288 : i32 to index
          %parallel_loop3A_332 = arith.constant 224 : index
          %parallel_loop3A_333 = tpu.vector_load %arg9[%parallel_loop3A_331, %parallel_loop3A_332] {strides = array<i32>} : memref<80x256xf32, #tpu.memory_space<vmem>>, vector<16xf32>,
          %parallel_loop3A_334 = arith.index_cast %parallel_loop3A_288 : i32 to index
          %parallel_loop3A_335 = arith.constant 240 : index
          %parallel_loop3A_336 = tpu.vector_load %arg9[%parallel_loop3A_334, %parallel_loop3A_335] {strides = array<i32>} : memref<80x256xf32, #tpu.memory_space<vmem>>, vector<16xf32>,
          %parallel_loop3A_337 = arith.mulf %parallel_loop3A_291, %get3A_34 : vector<16xf32>
          %parallel_loop3A_338 = arith.mulf %parallel_loop3A_294, %get3A_36 : vector<16xf32>
          %parallel_loop3A_339 = arith.mulf %parallel_loop3A_297, %get3A_38 : vector<16xf32>
          %parallel_loop3A_340 = arith.mulf %parallel_loop3A_300, %get3A_40 : vector<16xf32>
          %parallel_loop3A_341 = arith.mulf %parallel_loop3A_303, %get3A_42 : vector<16xf32>
          %parallel_loop3A_342 = arith.addf %parallel_loop3A_337, %parallel_loop3A_341 : vector<16xf32>
          %parallel_loop3A_343 = arith.mulf %parallel_loop3A_306, %get3A_44 : vector<16xf32>
          %parallel_loop3A_344 = arith.addf %parallel_loop3A_338, %parallel_loop3A_343 : vector<16xf32>
          %parallel_loop3A_345 = arith.mulf %parallel_loop3A_309, %get3A_46 : vector<16xf32>
          %parallel_loop3A_346 = arith.addf %parallel_loop3A_339, %parallel_loop3A_345 : vector<16xf32>
          %parallel_loop3A_347 = arith.mulf %parallel_loop3A_312, %get3A_48 : vector<16xf32>
          %parallel_loop3A_348 = arith.addf %parallel_loop3A_340, %parallel_loop3A_347 : vector<16xf32>
          %parallel_loop3A_349 = arith.mulf %parallel_loop3A_315, %get3A_50 : vector<16xf32>
          %parallel_loop3A_350 = arith.addf %parallel_loop3A_342, %parallel_loop3A_349 : vector<16xf32>
          %parallel_loop3A_351 = arith.mulf %parallel_loop3A_318, %get3A_52 : vector<16xf32>
          %parallel_loop3A_352 = arith.addf %parallel_loop3A_344, %parallel_loop3A_351 : vector<16xf32>
          %parallel_loop3A_353 = arith.mulf %parallel_loop3A_321, %get3A_54 : vector<16xf32>
          %parallel_loop3A_354 = arith.addf %parallel_loop3A_346, %parallel_loop3A_353 : vector<16xf32>
          %parallel_loop3A_355 = arith.mulf %parallel_loop3A_324, %get3A_56 : vector<16xf32>
          %parallel_loop3A_356 = arith.addf %parallel_loop3A_348, %parallel_loop3A_355 : vector<16xf32>
          %parallel_loop3A_357 = arith.mulf %parallel_loop3A_327, %get3A_58 : vector<16xf32>
          %parallel_loop3A_358 = arith.addf %parallel_loop3A_350, %parallel_loop3A_357 : vector<16xf32>
          %parallel_loop3A_359 = arith.mulf %parallel_loop3A_330, %get3A_60 : vector<16xf32>
          %parallel_loop3A_360 = arith.addf %parallel_loop3A_352, %parallel_loop3A_359 : vector<16xf32>
          %parallel_loop3A_361 = arith.mulf %parallel_loop3A_333, %get3A_62 : vector<16xf32>
          %parallel_loop3A_362 = arith.addf %parallel_loop3A_354, %parallel_loop3A_361 : vector<16xf32>
          %parallel_loop3A_363 = arith.mulf %parallel_loop3A_336, %get3A_64 : vector<16xf32>
          %parallel_loop3A_364 = arith.addf %parallel_loop3A_356, %parallel_loop3A_363 : vector<16xf32>
          %parallel_loop3A_365 = arith.addf %parallel_loop3A_358, %parallel_loop3A_360 : vector<16xf32>
          %parallel_loop3A_366 = arith.addf %parallel_loop3A_362, %parallel_loop3A_364 : vector<16xf32>
          %parallel_loop3A_367 = arith.addf %parallel_loop3A_365, %parallel_loop3A_366 : vector<16xf32>
          %parallel_loop3A_368 = arith.constant 8 : i32
          %parallel_loop3A_369 = vector.broadcast %parallel_loop3A_368 : i32 to vector<16xi32>
          %parallel_loop3A_370 = arith.addi %iota3A, %parallel_loop3A_369 : vector<16xi32>
          %parallel_loop3A_371 = arith.constant 16 : i32
          %parallel_loop3A_372 = arith.constant 0 : i32
          %parallel_loop3A_373 = arith.cmpi eq, %parallel_loop3A_371, %parallel_loop3A_372 : i32
          %parallel_loop3A_374 = arith.constant 1 : i32
          %parallel_loop3A_375 = arith.select %parallel_loop3A_373, %parallel_loop3A_374, %parallel_loop3A_371 : i32
          %parallel_loop3A_376 = vector.broadcast %parallel_loop3A_375 : i32 to vector<16xi32>
          %parallel_loop3A_377 = arith.remsi %parallel_loop3A_370, %parallel_loop3A_376 : vector<16xi32>
          %parallel_loop3A_378 = arith.constant 0 : i32
          %parallel_loop3A_379 = vector.broadcast %parallel_loop3A_378 : i32 to vector<16xi32>
          %parallel_loop3A_380 = arith.cmpi ne, %parallel_loop3A_377, %parallel_loop3A_379 : vector<16xi32>
          %parallel_loop3A_381 = arith.constant 0 : i32
          %parallel_loop3A_382 = vector.broadcast %parallel_loop3A_381 : i32 to vector<16xi32>
          %parallel_loop3A_383 = arith.cmpi slt, %parallel_loop3A_377, %parallel_loop3A_382 : vector<16xi32>
          %parallel_loop3A_384 = arith.constant 0 : i32
          %parallel_loop3A_385 = arith.cmpi slt, %parallel_loop3A_375, %parallel_loop3A_384 : i32
          %parallel_loop3A_386 = vector.broadcast %parallel_loop3A_385 : i1 to vector<16xi1>
          %parallel_loop3A_387 = vector.broadcast %parallel_loop3A_386 : vector<16xi1> to vector<16xi1>
          %parallel_loop3A_388 = arith.xori %parallel_loop3A_383, %parallel_loop3A_387 : vector<16xi1>
          %parallel_loop3A_389 = arith.andi %parallel_loop3A_388, %parallel_loop3A_380 : vector<16xi1>
          %parallel_loop3A_390 = vector.broadcast %parallel_loop3A_375 : i32 to vector<16xi32>
          %parallel_loop3A_391 = arith.addi %parallel_loop3A_377, %parallel_loop3A_390 : vector<16xi32>
          %parallel_loop3A_392 = arith.select %parallel_loop3A_389, %parallel_loop3A_391, %parallel_loop3A_377 : vector<16xi1>, vector<16xi32>
          %parallel_loop3A_393 = arith.constant 0 : i32
          %parallel_loop3A_394 = vector.broadcast %parallel_loop3A_393 : i32 to vector<16xi32>
          %parallel_loop3A_395 = arith.cmpi slt, %parallel_loop3A_392, %parallel_loop3A_394 : vector<16xi32>
          %parallel_loop3A_396 = arith.constant 16 : i32
          %parallel_loop3A_397 = vector.broadcast %parallel_loop3A_396 : i32 to vector<16xi32>
          %parallel_loop3A_398 = arith.addi %parallel_loop3A_392, %parallel_loop3A_397 : vector<16xi32>
          %parallel_loop3A_399 = arith.select %parallel_loop3A_395, %parallel_loop3A_398, %parallel_loop3A_392 : vector<16xi1>, vector<16xi32>
          %parallel_loop3A_400 = vector.shape_cast %parallel_loop3A_399 : vector<16xi32> to vector<16x1xi32>
          %parallel_loop3A_401 = vector.shape_cast %parallel_loop3A_400 : vector<16x1xi32> to vector<16xi32>
          %parallel_loop3A_402 = tpu.dynamic_gather %parallel_loop3A_367[%parallel_loop3A_401] in [0] : vector<16xf32>, vector<16xi32> -> vector<16xf32>
          %parallel_loop3A_403 = arith.addf %parallel_loop3A_367, %parallel_loop3A_402 : vector<16xf32>
          %parallel_loop3A_404 = arith.constant 4 : i32
          %parallel_loop3A_405 = vector.broadcast %parallel_loop3A_404 : i32 to vector<16xi32>
          %parallel_loop3A_406 = arith.addi %iota3A, %parallel_loop3A_405 : vector<16xi32>
          %parallel_loop3A_407 = arith.constant 16 : i32
          %parallel_loop3A_408 = arith.constant 0 : i32
          %parallel_loop3A_409 = arith.cmpi eq, %parallel_loop3A_407, %parallel_loop3A_408 : i32
          %parallel_loop3A_410 = arith.constant 1 : i32
          %parallel_loop3A_411 = arith.select %parallel_loop3A_409, %parallel_loop3A_410, %parallel_loop3A_407 : i32
          %parallel_loop3A_412 = vector.broadcast %parallel_loop3A_411 : i32 to vector<16xi32>
          %parallel_loop3A_413 = arith.remsi %parallel_loop3A_406, %parallel_loop3A_412 : vector<16xi32>
          %parallel_loop3A_414 = arith.constant 0 : i32
          %parallel_loop3A_415 = vector.broadcast %parallel_loop3A_414 : i32 to vector<16xi32>
          %parallel_loop3A_416 = arith.cmpi ne, %parallel_loop3A_413, %parallel_loop3A_415 : vector<16xi32>
          %parallel_loop3A_417 = arith.constant 0 : i32
          %parallel_loop3A_418 = vector.broadcast %parallel_loop3A_417 : i32 to vector<16xi32>
          %parallel_loop3A_419 = arith.cmpi slt, %parallel_loop3A_413, %parallel_loop3A_418 : vector<16xi32>
          %parallel_loop3A_420 = arith.constant 0 : i32
          %parallel_loop3A_421 = arith.cmpi slt, %parallel_loop3A_411, %parallel_loop3A_420 : i32
          %parallel_loop3A_422 = vector.broadcast %parallel_loop3A_421 : i1 to vector<16xi1>
          %parallel_loop3A_423 = vector.broadcast %parallel_loop3A_422 : vector<16xi1> to vector<16xi1>
          %parallel_loop3A_424 = arith.xori %parallel_loop3A_419, %parallel_loop3A_423 : vector<16xi1>
          %parallel_loop3A_425 = arith.andi %parallel_loop3A_424, %parallel_loop3A_416 : vector<16xi1>
          %parallel_loop3A_426 = vector.broadcast %parallel_loop3A_411 : i32 to vector<16xi32>
          %parallel_loop3A_427 = arith.addi %parallel_loop3A_413, %parallel_loop3A_426 : vector<16xi32>
          %parallel_loop3A_428 = arith.select %parallel_loop3A_425, %parallel_loop3A_427, %parallel_loop3A_413 : vector<16xi1>, vector<16xi32>
          %parallel_loop3A_429 = arith.constant 0 : i32
          %parallel_loop3A_430 = vector.broadcast %parallel_loop3A_429 : i32 to vector<16xi32>
          %parallel_loop3A_431 = arith.cmpi slt, %parallel_loop3A_428, %parallel_loop3A_430 : vector<16xi32>
          %parallel_loop3A_432 = arith.constant 16 : i32
          %parallel_loop3A_433 = vector.broadcast %parallel_loop3A_432 : i32 to vector<16xi32>
          %parallel_loop3A_434 = arith.addi %parallel_loop3A_428, %parallel_loop3A_433 : vector<16xi32>
          %parallel_loop3A_435 = arith.select %parallel_loop3A_431, %parallel_loop3A_434, %parallel_loop3A_428 : vector<16xi1>, vector<16xi32>
          %parallel_loop3A_436 = vector.shape_cast %parallel_loop3A_435 : vector<16xi32> to vector<16x1xi32>
          %parallel_loop3A_437 = vector.shape_cast %parallel_loop3A_436 : vector<16x1xi32> to vector<16xi32>
          %parallel_loop3A_438 = tpu.dynamic_gather %parallel_loop3A_403[%parallel_loop3A_437] in [0] : vector<16xf32>, vector<16xi32> -> vector<16xf32>
          %parallel_loop3A_439 = arith.addf %parallel_loop3A_403, %parallel_loop3A_438 : vector<16xf32>
          %parallel_loop3A_440 = arith.constant 2 : i32
          %parallel_loop3A_441 = vector.broadcast %parallel_loop3A_440 : i32 to vector<16xi32>
          %parallel_loop3A_442 = arith.addi %iota3A, %parallel_loop3A_441 : vector<16xi32>
          %parallel_loop3A_443 = arith.constant 16 : i32
          %parallel_loop3A_444 = arith.constant 0 : i32
          %parallel_loop3A_445 = arith.cmpi eq, %parallel_loop3A_443, %parallel_loop3A_444 : i32
          %parallel_loop3A_446 = arith.constant 1 : i32
          %parallel_loop3A_447 = arith.select %parallel_loop3A_445, %parallel_loop3A_446, %parallel_loop3A_443 : i32
          %parallel_loop3A_448 = vector.broadcast %parallel_loop3A_447 : i32 to vector<16xi32>
          %parallel_loop3A_449 = arith.remsi %parallel_loop3A_442, %parallel_loop3A_448 : vector<16xi32>
          %parallel_loop3A_450 = arith.constant 0 : i32
          %parallel_loop3A_451 = vector.broadcast %parallel_loop3A_450 : i32 to vector<16xi32>
          %parallel_loop3A_452 = arith.cmpi ne, %parallel_loop3A_449, %parallel_loop3A_451 : vector<16xi32>
          %parallel_loop3A_453 = arith.constant 0 : i32
          %parallel_loop3A_454 = vector.broadcast %parallel_loop3A_453 : i32 to vector<16xi32>
          %parallel_loop3A_455 = arith.cmpi slt, %parallel_loop3A_449, %parallel_loop3A_454 : vector<16xi32>
          %parallel_loop3A_456 = arith.constant 0 : i32
          %parallel_loop3A_457 = arith.cmpi slt, %parallel_loop3A_447, %parallel_loop3A_456 : i32
          %parallel_loop3A_458 = vector.broadcast %parallel_loop3A_457 : i1 to vector<16xi1>
          %parallel_loop3A_459 = vector.broadcast %parallel_loop3A_458 : vector<16xi1> to vector<16xi1>
          %parallel_loop3A_460 = arith.xori %parallel_loop3A_455, %parallel_loop3A_459 : vector<16xi1>
          %parallel_loop3A_461 = arith.andi %parallel_loop3A_460, %parallel_loop3A_452 : vector<16xi1>
          %parallel_loop3A_462 = vector.broadcast %parallel_loop3A_447 : i32 to vector<16xi32>
          %parallel_loop3A_463 = arith.addi %parallel_loop3A_449, %parallel_loop3A_462 : vector<16xi32>
          %parallel_loop3A_464 = arith.select %parallel_loop3A_461, %parallel_loop3A_463, %parallel_loop3A_449 : vector<16xi1>, vector<16xi32>
          %parallel_loop3A_465 = arith.constant 0 : i32
          %parallel_loop3A_466 = vector.broadcast %parallel_loop3A_465 : i32 to vector<16xi32>
          %parallel_loop3A_467 = arith.cmpi slt, %parallel_loop3A_464, %parallel_loop3A_466 : vector<16xi32>
          %parallel_loop3A_468 = arith.constant 16 : i32
          %parallel_loop3A_469 = vector.broadcast %parallel_loop3A_468 : i32 to vector<16xi32>
          %parallel_loop3A_470 = arith.addi %parallel_loop3A_464, %parallel_loop3A_469 : vector<16xi32>
          %parallel_loop3A_471 = arith.select %parallel_loop3A_467, %parallel_loop3A_470, %parallel_loop3A_464 : vector<16xi1>, vector<16xi32>
          %parallel_loop3A_472 = vector.shape_cast %parallel_loop3A_471 : vector<16xi32> to vector<16x1xi32>
          %parallel_loop3A_473 = vector.shape_cast %parallel_loop3A_472 : vector<16x1xi32> to vector<16xi32>
          %parallel_loop3A_474 = tpu.dynamic_gather %parallel_loop3A_439[%parallel_loop3A_473] in [0] : vector<16xf32>, vector<16xi32> -> vector<16xf32>
          %parallel_loop3A_475 = arith.addf %parallel_loop3A_439, %parallel_loop3A_474 : vector<16xf32>
          %parallel_loop3A_476 = arith.constant 1 : i32
          %parallel_loop3A_477 = vector.broadcast %parallel_loop3A_476 : i32 to vector<16xi32>
          %parallel_loop3A_478 = arith.addi %iota3A, %parallel_loop3A_477 : vector<16xi32>
          %parallel_loop3A_479 = arith.constant 16 : i32
          %parallel_loop3A_480 = arith.constant 0 : i32
          %parallel_loop3A_481 = arith.cmpi eq, %parallel_loop3A_479, %parallel_loop3A_480 : i32
          %parallel_loop3A_482 = arith.constant 1 : i32
          %parallel_loop3A_483 = arith.select %parallel_loop3A_481, %parallel_loop3A_482, %parallel_loop3A_479 : i32
          %parallel_loop3A_484 = vector.broadcast %parallel_loop3A_483 : i32 to vector<16xi32>
          %parallel_loop3A_485 = arith.remsi %parallel_loop3A_478, %parallel_loop3A_484 : vector<16xi32>
          %parallel_loop3A_486 = arith.constant 0 : i32
          %parallel_loop3A_487 = vector.broadcast %parallel_loop3A_486 : i32 to vector<16xi32>
          %parallel_loop3A_488 = arith.cmpi ne, %parallel_loop3A_485, %parallel_loop3A_487 : vector<16xi32>
          %parallel_loop3A_489 = arith.constant 0 : i32
          %parallel_loop3A_490 = vector.broadcast %parallel_loop3A_489 : i32 to vector<16xi32>
          %parallel_loop3A_491 = arith.cmpi slt, %parallel_loop3A_485, %parallel_loop3A_490 : vector<16xi32>
          %parallel_loop3A_492 = arith.constant 0 : i32
          %parallel_loop3A_493 = arith.cmpi slt, %parallel_loop3A_483, %parallel_loop3A_492 : i32
          %parallel_loop3A_494 = vector.broadcast %parallel_loop3A_493 : i1 to vector<16xi1>
          %parallel_loop3A_495 = vector.broadcast %parallel_loop3A_494 : vector<16xi1> to vector<16xi1>
          %parallel_loop3A_496 = arith.xori %parallel_loop3A_491, %parallel_loop3A_495 : vector<16xi1>
          %parallel_loop3A_497 = arith.andi %parallel_loop3A_496, %parallel_loop3A_488 : vector<16xi1>
          %parallel_loop3A_498 = vector.broadcast %parallel_loop3A_483 : i32 to vector<16xi32>
          %parallel_loop3A_499 = arith.addi %parallel_loop3A_485, %parallel_loop3A_498 : vector<16xi32>
          %parallel_loop3A_500 = arith.select %parallel_loop3A_497, %parallel_loop3A_499, %parallel_loop3A_485 : vector<16xi1>, vector<16xi32>
          %parallel_loop3A_501 = arith.constant 0 : i32
          %parallel_loop3A_502 = vector.broadcast %parallel_loop3A_501 : i32 to vector<16xi32>
          %parallel_loop3A_503 = arith.cmpi slt, %parallel_loop3A_500, %parallel_loop3A_502 : vector<16xi32>
          %parallel_loop3A_504 = arith.constant 16 : i32
          %parallel_loop3A_505 = vector.broadcast %parallel_loop3A_504 : i32 to vector<16xi32>
          %parallel_loop3A_506 = arith.addi %parallel_loop3A_500, %parallel_loop3A_505 : vector<16xi32>
          %parallel_loop3A_507 = arith.select %parallel_loop3A_503, %parallel_loop3A_506, %parallel_loop3A_500 : vector<16xi1>, vector<16xi32>
          %parallel_loop3A_508 = vector.shape_cast %parallel_loop3A_507 : vector<16xi32> to vector<16x1xi32>
          %parallel_loop3A_509 = vector.shape_cast %parallel_loop3A_508 : vector<16x1xi32> to vector<16xi32>
          %parallel_loop3A_510 = tpu.dynamic_gather %parallel_loop3A_475[%parallel_loop3A_509] in [0] : vector<16xf32>, vector<16xi32> -> vector<16xf32>
          %parallel_loop3A_511 = arith.addf %parallel_loop3A_475, %parallel_loop3A_510 : vector<16xf32>
          %parallel_loop3A_512 = arith.constant 1.000000e+00 : f32
          %parallel_loop3A_513 = arith.constant 0.000000e+00 : f32
          %parallel_loop3A_514 = arith.select %parallel_loop3A_285, %parallel_loop3A_512, %parallel_loop3A_513 : f32
          %parallel_loop3A_515 = math.exp %parallel_loop3A_511 : vector<16xf32>
          %parallel_loop3A_516 = vector.broadcast %parallel_loop3A_514 : f32 to vector<16xf32>
          %parallel_loop3A_517 = arith.mulf %parallel_loop3A_515, %parallel_loop3A_516 : vector<16xf32>
          %parallel_loop3A_518 = arith.constant 16 : i32
          %parallel_loop3A_519 = arith.muli %parallel_loop3A_283, %parallel_loop3A_518 : i32
          %parallel_loop3A_520 = arith.index_cast %parallel_loop3A_519 : i32 to index
          %parallel_loop3A_521 = tpu.vector_load %arg15[%parallel_loop3A_520] {strides = array<i32>} : memref<1024xf32, #tpu.memory_space<vmem>>, vector<16xf32>,
          tpu.vector_store %arg15[%parallel_loop3A_520], %parallel_loop3A_517 {strides = array<i32>} : memref<1024xf32, #tpu.memory_space<vmem>>, vector<16xf32>,
        } {sc.loop_unroll_factor = 2 : i64, sc.parallel_access}
        %parallel_loop3A_280 = arith.constant 0 : i32
        %parallel_loop3A_281 = arith.constant 64 : i32
        %parallel_loop3A_282 = arith.constant 1 : i32
        scf.for %parallel_loop3A_283 = %parallel_loop3A_280 to %parallel_loop3A_281 step %parallel_loop3A_282  : i32 {
          %parallel_loop3A_284 = arith.addi %add3A_247, %parallel_loop3A_283 : i32
          %parallel_loop3A_285 = arith.cmpi slt, %parallel_loop3A_284, %squeeze3A_3 : i32
          %parallel_loop3A_286 = arith.addi %sub3A_276, %parallel_loop3A_283 : i32
          %parallel_loop3A_287 = arith.constant 79 : i32
          %parallel_loop3A_288 = arith.minsi %parallel_loop3A_286, %parallel_loop3A_287 : i32
          %parallel_loop3A_289 = arith.constant 16 : i32
          %parallel_loop3A_290 = arith.muli %parallel_loop3A_283, %parallel_loop3A_289 : i32
          %parallel_loop3A_291 = arith.index_cast %parallel_loop3A_290 : i32 to index
          %parallel_loop3A_292 = tpu.vector_load %arg15[%parallel_loop3A_291] {strides = array<i32>} : memref<1024xf32, #tpu.memory_space<vmem>>, vector<16xf32>,
          %parallel_loop3A_293 = arith.index_cast %parallel_loop3A_288 : i32 to index
          %parallel_loop3A_294 = tpu.vector_load %arg10[%parallel_loop3A_293] {strides = array<i32>} : memref<96xi32, #tpu.memory_space<vmem>>, vector<16xi32>,
          %parallel_loop3A_295 = vector.extract_strided_slice %parallel_loop3A_294 {offsets = [0], sizes = [1], strides = [1]} : vector<16xi32> to vector<1xi32>
          %parallel_loop3A_296 = vector.extract %parallel_loop3A_295[0] : i32 from vector<1xi32>
          %parallel_loop3A_297 = arith.subi %parallel_loop3A_296, %mul3A_5 : i32
          %parallel_loop3A_298 = arith.constant 0 : i32
          %parallel_loop3A_299 = arith.select %parallel_loop3A_285, %parallel_loop3A_297, %parallel_loop3A_298 : i32
          %parallel_loop3A_300 = arith.index_cast %parallel_loop3A_288 : i32 to index
          %parallel_loop3A_301 = arith.constant 0 : index
          %parallel_loop3A_302 = tpu.vector_load %arg9[%parallel_loop3A_300, %parallel_loop3A_301] {strides = array<i32>} : memref<80x256xf32, #tpu.memory_space<vmem>>, vector<16xf32>,
          %parallel_loop3A_303 = arith.mulf %parallel_loop3A_302, %parallel_loop3A_292 : vector<16xf32>
          %parallel_loop3A_304 = arith.index_cast %parallel_loop3A_299 : i32 to index
          %parallel_loop3A_305 = arith.constant 0 : index
          %parallel_loop3A_306 = tpu.vector_load %arg13[%parallel_loop3A_304, %parallel_loop3A_305] {strides = array<i32>} : memref<320x256xf32, #tpu.memory_space<vmem>>, vector<16xf32>,
          tpu.vector_store %arg13[%parallel_loop3A_304, %parallel_loop3A_305], %parallel_loop3A_303 {add = true, strides = array<i32>} : memref<320x256xf32, #tpu.memory_space<vmem>>, vector<16xf32>,
          %parallel_loop3A_307 = arith.index_cast %parallel_loop3A_288 : i32 to index
          %parallel_loop3A_308 = arith.constant 16 : index
          %parallel_loop3A_309 = tpu.vector_load %arg9[%parallel_loop3A_307, %parallel_loop3A_308] {strides = array<i32>} : memref<80x256xf32, #tpu.memory_space<vmem>>, vector<16xf32>,
          %parallel_loop3A_310 = arith.mulf %parallel_loop3A_309, %parallel_loop3A_292 : vector<16xf32>
          %parallel_loop3A_311 = arith.index_cast %parallel_loop3A_299 : i32 to index
          %parallel_loop3A_312 = arith.constant 16 : index
          %parallel_loop3A_313 = tpu.vector_load %arg13[%parallel_loop3A_311, %parallel_loop3A_312] {strides = array<i32>} : memref<320x256xf32, #tpu.memory_space<vmem>>, vector<16xf32>,
          tpu.vector_store %arg13[%parallel_loop3A_311, %parallel_loop3A_312], %parallel_loop3A_310 {add = true, strides = array<i32>} : memref<320x256xf32, #tpu.memory_space<vmem>>, vector<16xf32>,
          %parallel_loop3A_314 = arith.index_cast %parallel_loop3A_288 : i32 to index
          %parallel_loop3A_315 = arith.constant 32 : index
          %parallel_loop3A_316 = tpu.vector_load %arg9[%parallel_loop3A_314, %parallel_loop3A_315] {strides = array<i32>} : memref<80x256xf32, #tpu.memory_space<vmem>>, vector<16xf32>,
          %parallel_loop3A_317 = arith.mulf %parallel_loop3A_316, %parallel_loop3A_292 : vector<16xf32>
          %parallel_loop3A_318 = arith.index_cast %parallel_loop3A_299 : i32 to index
          %parallel_loop3A_319 = arith.constant 32 : index
          %parallel_loop3A_320 = tpu.vector_load %arg13[%parallel_loop3A_318, %parallel_loop3A_319] {strides = array<i32>} : memref<320x256xf32, #tpu.memory_space<vmem>>, vector<16xf32>,
          tpu.vector_store %arg13[%parallel_loop3A_318, %parallel_loop3A_319], %parallel_loop3A_317 {add = true, strides = array<i32>} : memref<320x256xf32, #tpu.memory_space<vmem>>, vector<16xf32>,
          %parallel_loop3A_321 = arith.index_cast %parallel_loop3A_288 : i32 to index
          %parallel_loop3A_322 = arith.constant 48 : index
          %parallel_loop3A_323 = tpu.vector_load %arg9[%parallel_loop3A_321, %parallel_loop3A_322] {strides = array<i32>} : memref<80x256xf32, #tpu.memory_space<vmem>>, vector<16xf32>,
          %parallel_loop3A_324 = arith.mulf %parallel_loop3A_323, %parallel_loop3A_292 : vector<16xf32>
          %parallel_loop3A_325 = arith.index_cast %parallel_loop3A_299 : i32 to index
          %parallel_loop3A_326 = arith.constant 48 : index
          %parallel_loop3A_327 = tpu.vector_load %arg13[%parallel_loop3A_325, %parallel_loop3A_326] {strides = array<i32>} : memref<320x256xf32, #tpu.memory_space<vmem>>, vector<16xf32>,
          tpu.vector_store %arg13[%parallel_loop3A_325, %parallel_loop3A_326], %parallel_loop3A_324 {add = true, strides = array<i32>} : memref<320x256xf32, #tpu.memory_space<vmem>>, vector<16xf32>,
          %parallel_loop3A_328 = arith.index_cast %parallel_loop3A_288 : i32 to index
          %parallel_loop3A_329 = arith.constant 64 : index
          %parallel_loop3A_330 = tpu.vector_load %arg9[%parallel_loop3A_328, %parallel_loop3A_329] {strides = array<i32>} : memref<80x256xf32, #tpu.memory_space<vmem>>, vector<16xf32>,
          %parallel_loop3A_331 = arith.mulf %parallel_loop3A_330, %parallel_loop3A_292 : vector<16xf32>
          %parallel_loop3A_332 = arith.index_cast %parallel_loop3A_299 : i32 to index
          %parallel_loop3A_333 = arith.constant 64 : index
          %parallel_loop3A_334 = tpu.vector_load %arg13[%parallel_loop3A_332, %parallel_loop3A_333] {strides = array<i32>} : memref<320x256xf32, #tpu.memory_space<vmem>>, vector<16xf32>,
          tpu.vector_store %arg13[%parallel_loop3A_332, %parallel_loop3A_333], %parallel_loop3A_331 {add = true, strides = array<i32>} : memref<320x256xf32, #tpu.memory_space<vmem>>, vector<16xf32>,
          %parallel_loop3A_335 = arith.index_cast %parallel_loop3A_288 : i32 to index
          %parallel_loop3A_336 = arith.constant 80 : index
          %parallel_loop3A_337 = tpu.vector_load %arg9[%parallel_loop3A_335, %parallel_loop3A_336] {strides = array<i32>} : memref<80x256xf32, #tpu.memory_space<vmem>>, vector<16xf32>,
          %parallel_loop3A_338 = arith.mulf %parallel_loop3A_337, %parallel_loop3A_292 : vector<16xf32>
          %parallel_loop3A_339 = arith.index_cast %parallel_loop3A_299 : i32 to index
          %parallel_loop3A_340 = arith.constant 80 : index
          %parallel_loop3A_341 = tpu.vector_load %arg13[%parallel_loop3A_339, %parallel_loop3A_340] {strides = array<i32>} : memref<320x256xf32, #tpu.memory_space<vmem>>, vector<16xf32>,
          tpu.vector_store %arg13[%parallel_loop3A_339, %parallel_loop3A_340], %parallel_loop3A_338 {add = true, strides = array<i32>} : memref<320x256xf32, #tpu.memory_space<vmem>>, vector<16xf32>,
          %parallel_loop3A_342 = arith.index_cast %parallel_loop3A_288 : i32 to index
          %parallel_loop3A_343 = arith.constant 96 : index
          %parallel_loop3A_344 = tpu.vector_load %arg9[%parallel_loop3A_342, %parallel_loop3A_343] {strides = array<i32>} : memref<80x256xf32, #tpu.memory_space<vmem>>, vector<16xf32>,
          %parallel_loop3A_345 = arith.mulf %parallel_loop3A_344, %parallel_loop3A_292 : vector<16xf32>
          %parallel_loop3A_346 = arith.index_cast %parallel_loop3A_299 : i32 to index
          %parallel_loop3A_347 = arith.constant 96 : index
          %parallel_loop3A_348 = tpu.vector_load %arg13[%parallel_loop3A_346, %parallel_loop3A_347] {strides = array<i32>} : memref<320x256xf32, #tpu.memory_space<vmem>>, vector<16xf32>,
          tpu.vector_store %arg13[%parallel_loop3A_346, %parallel_loop3A_347], %parallel_loop3A_345 {add = true, strides = array<i32>} : memref<320x256xf32, #tpu.memory_space<vmem>>, vector<16xf32>,
          %parallel_loop3A_349 = arith.index_cast %parallel_loop3A_288 : i32 to index
          %parallel_loop3A_350 = arith.constant 112 : index
          %parallel_loop3A_351 = tpu.vector_load %arg9[%parallel_loop3A_349, %parallel_loop3A_350] {strides = array<i32>} : memref<80x256xf32, #tpu.memory_space<vmem>>, vector<16xf32>,
          %parallel_loop3A_352 = arith.mulf %parallel_loop3A_351, %parallel_loop3A_292 : vector<16xf32>
          %parallel_loop3A_353 = arith.index_cast %parallel_loop3A_299 : i32 to index
          %parallel_loop3A_354 = arith.constant 112 : index
          %parallel_loop3A_355 = tpu.vector_load %arg13[%parallel_loop3A_353, %parallel_loop3A_354] {strides = array<i32>} : memref<320x256xf32, #tpu.memory_space<vmem>>, vector<16xf32>,
          tpu.vector_store %arg13[%parallel_loop3A_353, %parallel_loop3A_354], %parallel_loop3A_352 {add = true, strides = array<i32>} : memref<320x256xf32, #tpu.memory_space<vmem>>, vector<16xf32>,
          %parallel_loop3A_356 = arith.index_cast %parallel_loop3A_288 : i32 to index
          %parallel_loop3A_357 = arith.constant 128 : index
          %parallel_loop3A_358 = tpu.vector_load %arg9[%parallel_loop3A_356, %parallel_loop3A_357] {strides = array<i32>} : memref<80x256xf32, #tpu.memory_space<vmem>>, vector<16xf32>,
          %parallel_loop3A_359 = arith.mulf %parallel_loop3A_358, %parallel_loop3A_292 : vector<16xf32>
          %parallel_loop3A_360 = arith.index_cast %parallel_loop3A_299 : i32 to index
          %parallel_loop3A_361 = arith.constant 128 : index
          %parallel_loop3A_362 = tpu.vector_load %arg13[%parallel_loop3A_360, %parallel_loop3A_361] {strides = array<i32>} : memref<320x256xf32, #tpu.memory_space<vmem>>, vector<16xf32>,
          tpu.vector_store %arg13[%parallel_loop3A_360, %parallel_loop3A_361], %parallel_loop3A_359 {add = true, strides = array<i32>} : memref<320x256xf32, #tpu.memory_space<vmem>>, vector<16xf32>,
          %parallel_loop3A_363 = arith.index_cast %parallel_loop3A_288 : i32 to index
          %parallel_loop3A_364 = arith.constant 144 : index
          %parallel_loop3A_365 = tpu.vector_load %arg9[%parallel_loop3A_363, %parallel_loop3A_364] {strides = array<i32>} : memref<80x256xf32, #tpu.memory_space<vmem>>, vector<16xf32>,
          %parallel_loop3A_366 = arith.mulf %parallel_loop3A_365, %parallel_loop3A_292 : vector<16xf32>
          %parallel_loop3A_367 = arith.index_cast %parallel_loop3A_299 : i32 to index
          %parallel_loop3A_368 = arith.constant 144 : index
          %parallel_loop3A_369 = tpu.vector_load %arg13[%parallel_loop3A_367, %parallel_loop3A_368] {strides = array<i32>} : memref<320x256xf32, #tpu.memory_space<vmem>>, vector<16xf32>,
          tpu.vector_store %arg13[%parallel_loop3A_367, %parallel_loop3A_368], %parallel_loop3A_366 {add = true, strides = array<i32>} : memref<320x256xf32, #tpu.memory_space<vmem>>, vector<16xf32>,
          %parallel_loop3A_370 = arith.index_cast %parallel_loop3A_288 : i32 to index
          %parallel_loop3A_371 = arith.constant 160 : index
          %parallel_loop3A_372 = tpu.vector_load %arg9[%parallel_loop3A_370, %parallel_loop3A_371] {strides = array<i32>} : memref<80x256xf32, #tpu.memory_space<vmem>>, vector<16xf32>,
          %parallel_loop3A_373 = arith.mulf %parallel_loop3A_372, %parallel_loop3A_292 : vector<16xf32>
          %parallel_loop3A_374 = arith.index_cast %parallel_loop3A_299 : i32 to index
          %parallel_loop3A_375 = arith.constant 160 : index
          %parallel_loop3A_376 = tpu.vector_load %arg13[%parallel_loop3A_374, %parallel_loop3A_375] {strides = array<i32>} : memref<320x256xf32, #tpu.memory_space<vmem>>, vector<16xf32>,
          tpu.vector_store %arg13[%parallel_loop3A_374, %parallel_loop3A_375], %parallel_loop3A_373 {add = true, strides = array<i32>} : memref<320x256xf32, #tpu.memory_space<vmem>>, vector<16xf32>,
          %parallel_loop3A_377 = arith.index_cast %parallel_loop3A_288 : i32 to index
          %parallel_loop3A_378 = arith.constant 176 : index
          %parallel_loop3A_379 = tpu.vector_load %arg9[%parallel_loop3A_377, %parallel_loop3A_378] {strides = array<i32>} : memref<80x256xf32, #tpu.memory_space<vmem>>, vector<16xf32>,
          %parallel_loop3A_380 = arith.mulf %parallel_loop3A_379, %parallel_loop3A_292 : vector<16xf32>
          %parallel_loop3A_381 = arith.index_cast %parallel_loop3A_299 : i32 to index
          %parallel_loop3A_382 = arith.constant 176 : index
          %parallel_loop3A_383 = tpu.vector_load %arg13[%parallel_loop3A_381, %parallel_loop3A_382] {strides = array<i32>} : memref<320x256xf32, #tpu.memory_space<vmem>>, vector<16xf32>,
          tpu.vector_store %arg13[%parallel_loop3A_381, %parallel_loop3A_382], %parallel_loop3A_380 {add = true, strides = array<i32>} : memref<320x256xf32, #tpu.memory_space<vmem>>, vector<16xf32>,
          %parallel_loop3A_384 = arith.index_cast %parallel_loop3A_288 : i32 to index
          %parallel_loop3A_385 = arith.constant 192 : index
          %parallel_loop3A_386 = tpu.vector_load %arg9[%parallel_loop3A_384, %parallel_loop3A_385] {strides = array<i32>} : memref<80x256xf32, #tpu.memory_space<vmem>>, vector<16xf32>,
          %parallel_loop3A_387 = arith.mulf %parallel_loop3A_386, %parallel_loop3A_292 : vector<16xf32>
          %parallel_loop3A_388 = arith.index_cast %parallel_loop3A_299 : i32 to index
          %parallel_loop3A_389 = arith.constant 192 : index
          %parallel_loop3A_390 = tpu.vector_load %arg13[%parallel_loop3A_388, %parallel_loop3A_389] {strides = array<i32>} : memref<320x256xf32, #tpu.memory_space<vmem>>, vector<16xf32>,
          tpu.vector_store %arg13[%parallel_loop3A_388, %parallel_loop3A_389], %parallel_loop3A_387 {add = true, strides = array<i32>} : memref<320x256xf32, #tpu.memory_space<vmem>>, vector<16xf32>,
          %parallel_loop3A_391 = arith.index_cast %parallel_loop3A_288 : i32 to index
          %parallel_loop3A_392 = arith.constant 208 : index
          %parallel_loop3A_393 = tpu.vector_load %arg9[%parallel_loop3A_391, %parallel_loop3A_392] {strides = array<i32>} : memref<80x256xf32, #tpu.memory_space<vmem>>, vector<16xf32>,
          %parallel_loop3A_394 = arith.mulf %parallel_loop3A_393, %parallel_loop3A_292 : vector<16xf32>
          %parallel_loop3A_395 = arith.index_cast %parallel_loop3A_299 : i32 to index
          %parallel_loop3A_396 = arith.constant 208 : index
          %parallel_loop3A_397 = tpu.vector_load %arg13[%parallel_loop3A_395, %parallel_loop3A_396] {strides = array<i32>} : memref<320x256xf32, #tpu.memory_space<vmem>>, vector<16xf32>,
          tpu.vector_store %arg13[%parallel_loop3A_395, %parallel_loop3A_396], %parallel_loop3A_394 {add = true, strides = array<i32>} : memref<320x256xf32, #tpu.memory_space<vmem>>, vector<16xf32>,
          %parallel_loop3A_398 = arith.index_cast %parallel_loop3A_288 : i32 to index
          %parallel_loop3A_399 = arith.constant 224 : index
          %parallel_loop3A_400 = tpu.vector_load %arg9[%parallel_loop3A_398, %parallel_loop3A_399] {strides = array<i32>} : memref<80x256xf32, #tpu.memory_space<vmem>>, vector<16xf32>,
          %parallel_loop3A_401 = arith.mulf %parallel_loop3A_400, %parallel_loop3A_292 : vector<16xf32>
          %parallel_loop3A_402 = arith.index_cast %parallel_loop3A_299 : i32 to index
          %parallel_loop3A_403 = arith.constant 224 : index
          %parallel_loop3A_404 = tpu.vector_load %arg13[%parallel_loop3A_402, %parallel_loop3A_403] {strides = array<i32>} : memref<320x256xf32, #tpu.memory_space<vmem>>, vector<16xf32>,
          tpu.vector_store %arg13[%parallel_loop3A_402, %parallel_loop3A_403], %parallel_loop3A_401 {add = true, strides = array<i32>} : memref<320x256xf32, #tpu.memory_space<vmem>>, vector<16xf32>,
          %parallel_loop3A_405 = arith.index_cast %parallel_loop3A_288 : i32 to index
          %parallel_loop3A_406 = arith.constant 240 : index
          %parallel_loop3A_407 = tpu.vector_load %arg9[%parallel_loop3A_405, %parallel_loop3A_406] {strides = array<i32>} : memref<80x256xf32, #tpu.memory_space<vmem>>, vector<16xf32>,
          %parallel_loop3A_408 = arith.mulf %parallel_loop3A_407, %parallel_loop3A_292 : vector<16xf32>
          %parallel_loop3A_409 = arith.index_cast %parallel_loop3A_299 : i32 to index
          %parallel_loop3A_410 = arith.constant 240 : index
          %parallel_loop3A_411 = tpu.vector_load %arg13[%parallel_loop3A_409, %parallel_loop3A_410] {strides = array<i32>} : memref<320x256xf32, #tpu.memory_space<vmem>>, vector<16xf32>,
          tpu.vector_store %arg13[%parallel_loop3A_409, %parallel_loop3A_410], %parallel_loop3A_408 {add = true, strides = array<i32>} : memref<320x256xf32, #tpu.memory_space<vmem>>, vector<16xf32>,
          %parallel_loop3A_412 = arith.constant 16 : i32
          %parallel_loop3A_413 = arith.muli %parallel_loop3A_299, %parallel_loop3A_412 : i32
          %parallel_loop3A_414 = arith.index_cast %parallel_loop3A_413 : i32 to index
          %parallel_loop3A_415 = tpu.vector_load %arg14[%parallel_loop3A_414] {strides = array<i32>} : memref<5120xf32, #tpu.memory_space<vmem>>, vector<16xf32>,
          tpu.vector_store %arg14[%parallel_loop3A_414], %parallel_loop3A_292 {add = true, strides = array<i32>} : memref<5120xf32, #tpu.memory_space<vmem>>, vector<16xf32>,
        } {sc.loop_unroll_factor = 2 : i64, sc.parallel_access}
      } else {
      }
      %while3A_197 = arith.constant 0 : i32
      scf.yield %while3A_197 : i32
    }
    %while3A_102 = arith.constant 1 : i32
    %while3A_103 = scf.for %while3A_107 = %while3A_99 to %while3A_95 step %while3A_102 iter_args(%while3A_108 = %while3A_101) -> (i32)  : i32 {
      %mul3A_109 = arith.constant 2 : i32
      %mul3A_110 = arith.muli %mul3A_109, %while3A_107 : i32
      %add3A_111 = arith.constant 1 : i32
      %add3A_112 = arith.addi %mul3A_110, %add3A_111 : i32
      %mul3A_113 = arith.constant 64 : i32
      %mul3A_114 = arith.muli %mul3A_110, %mul3A_113 : i32
      %add3A_115 = arith.addi %squeeze3A, %mul3A_114 : i32
      %jit3A_116 = arith.constant 8 : i32
      %div3A_117 = arith.divsi %add3A_115, %jit3A_116 : i32
      %sign3A_118 = arith.constant 0 : i32
      %sign3A_119 = arith.cmpi sgt, %add3A_115, %sign3A_118 : i32
      %sign3A_120 = arith.extui %sign3A_119 : i1 to i32
      %sign3A_121 = arith.constant 0 : i32
      %sign3A_122 = arith.cmpi slt, %add3A_115, %sign3A_121 : i32
      %sign3A_123 = arith.extui %sign3A_122 : i1 to i32
      %sign3A_124 = arith.subi %sign3A_120, %sign3A_123 : i32
      %sign3A_125 = arith.constant 0 : i32
      %sign3A_126 = arith.cmpi sgt, %jit3A_116, %sign3A_125 : i32
      %sign3A_127 = arith.extui %sign3A_126 : i1 to i32
      %sign3A_128 = arith.constant 0 : i32
      %sign3A_129 = arith.cmpi slt, %jit3A_116, %sign3A_128 : i32
      %sign3A_130 = arith.extui %sign3A_129 : i1 to i32
      %sign3A_131 = arith.subi %sign3A_127, %sign3A_130 : i32
      %ne3A_132 = arith.cmpi ne, %sign3A_124, %sign3A_131 : i32
      %rem3A_133 = arith.remsi %add3A_115, %jit3A_116 : i32
      %ne3A_134 = arith.constant 0 : i32
      %ne3A_135 = arith.cmpi ne, %rem3A_133, %ne3A_134 : i32
      %and3A_136 = arith.andi %ne3A_132, %ne3A_135 : i1
      %sub3A_137 = arith.constant 1 : i32
      %sub3A_138 = arith.subi %div3A_117, %sub3A_137 : i32
      %select_n3A_139 = arith.select %and3A_136, %sub3A_138, %div3A_117 : i32
      %mul3A_140 = arith.constant 8 : i32
      %mul3A_141 = arith.muli %select_n3A_139, %mul3A_140 : i32
      %min3A = arith.constant 159920 : i32
      %min3A_142 = arith.minsi %mul3A_141, %min3A : i32
      %dma_wait3A = arith.constant 0 : i32
      %dma_wait3A_143 = tpu.memref_slice %arg2[%min3A_142, %dma_wait3A] : memref<160000x256xf32, #tpu.memory_space<hbm>> -> memref<80x256xf32, #tpu.memory_space<hbm>>
      %dma_wait3A_144 = arith.constant 0 : i32
      %dma_wait3A_145 = tpu.memref_slice %arg2[%min3A_142, %dma_wait3A_144] : memref<160000x256xf32, #tpu.memory_space<hbm>> -> memref<80x256xf32, #tpu.memory_space<hbm>>
      tpu.wait_dma2 semaphore(%arg16 : memref<!tpu.dma_semaphore, #tpu.memory_space<semaphore_mem>>) src(%dma_wait3A_145 : memref<80x256xf32, #tpu.memory_space<hbm>>) dst(%arg7 : memref<80x256xf32, #tpu.memory_space<vmem>>)
      %dma_wait3A_146 = arith.constant 0 : i32
      %dma_wait3A_147 = tpu.memref_slice %arg8[%dma_wait3A_146] : memref<96xi32, #tpu.memory_space<vmem>> -> memref<80xi32, #tpu.memory_space<vmem>>
      %dma_wait3A_148 = tpu.memref_slice %arg3[%min3A_142] : memref<160000xi32, #tpu.memory_space<hbm>> -> memref<80xi32, #tpu.memory_space<hbm>>
      %dma_wait3A_149 = arith.constant 0 : i32
      %dma_wait3A_150 = tpu.memref_slice %arg8[%dma_wait3A_149] : memref<96xi32, #tpu.memory_space<vmem>> -> memref<80xi32, #tpu.memory_space<vmem>>
      %dma_wait3A_151 = tpu.memref_slice %arg3[%min3A_142] : memref<160000xi32, #tpu.memory_space<hbm>> -> memref<80xi32, #tpu.memory_space<hbm>>
      tpu.wait_dma2 semaphore(%arg17 : memref<!tpu.dma_semaphore, #tpu.memory_space<semaphore_mem>>) src(%dma_wait3A_151 : memref<80xi32, #tpu.memory_space<hbm>>) dst(%dma_wait3A_150 : memref<80xi32, #tpu.memory_space<vmem>>)
      %lt3A = arith.cmpi slt, %add3A_112, %select_n3A : i32
      %convert_element_type3A_152 = arith.extui %lt3A : i1 to i32
      %cond3A_153 = arith.constant 0 : i32
      %cond3A_154 = arith.cmpi ne, %convert_element_type3A_152, %cond3A_153 : i32
      scf.if %cond3A_154 {
        %mul3A_198 = arith.constant 64 : i32
        %mul3A_199 = arith.muli %add3A_112, %mul3A_198 : i32
        %add3A_200 = arith.addi %squeeze3A, %mul3A_199 : i32
        %jit3A_201 = arith.constant 8 : i32
        %div3A_202 = arith.divsi %add3A_200, %jit3A_201 : i32
        %sign3A_203 = arith.constant 0 : i32
        %sign3A_204 = arith.cmpi sgt, %add3A_200, %sign3A_203 : i32
        %sign3A_205 = arith.extui %sign3A_204 : i1 to i32
        %sign3A_206 = arith.constant 0 : i32
        %sign3A_207 = arith.cmpi slt, %add3A_200, %sign3A_206 : i32
        %sign3A_208 = arith.extui %sign3A_207 : i1 to i32
        %sign3A_209 = arith.subi %sign3A_205, %sign3A_208 : i32
        %sign3A_210 = arith.constant 0 : i32
        %sign3A_211 = arith.cmpi sgt, %jit3A_201, %sign3A_210 : i32
        %sign3A_212 = arith.extui %sign3A_211 : i1 to i32
        %sign3A_213 = arith.constant 0 : i32
        %sign3A_214 = arith.cmpi slt, %jit3A_201, %sign3A_213 : i32
        %sign3A_215 = arith.extui %sign3A_214 : i1 to i32
        %sign3A_216 = arith.subi %sign3A_212, %sign3A_215 : i32
        %ne3A_217 = arith.cmpi ne, %sign3A_209, %sign3A_216 : i32
        %rem3A_218 = arith.remsi %add3A_200, %jit3A_201 : i32
        %ne3A_219 = arith.constant 0 : i32
        %ne3A_220 = arith.cmpi ne, %rem3A_218, %ne3A_219 : i32
        %and3A_221 = arith.andi %ne3A_217, %ne3A_220 : i1
        %sub3A_222 = arith.constant 1 : i32
        %sub3A_223 = arith.subi %div3A_202, %sub3A_222 : i32
        %select_n3A_224 = arith.select %and3A_221, %sub3A_223, %div3A_202 : i32
        %mul3A_225 = arith.constant 8 : i32
        %mul3A_226 = arith.muli %select_n3A_224, %mul3A_225 : i32
        %min3A_227 = arith.constant 159920 : i32
        %min3A_228 = arith.minsi %mul3A_226, %min3A_227 : i32
        %dma_start3A = arith.constant 0 : i32
        %dma_start3A_229 = tpu.memref_slice %arg2[%min3A_228, %dma_start3A] : memref<160000x256xf32, #tpu.memory_space<hbm>> -> memref<80x256xf32, #tpu.memory_space<hbm>>
        %dma_start3A_230 = arith.constant 0 : i32
        %dma_start3A_231 = tpu.memref_slice %arg2[%min3A_228, %dma_start3A_230] : memref<160000x256xf32, #tpu.memory_space<hbm>> -> memref<80x256xf32, #tpu.memory_space<hbm>>
        tpu.enqueue_dma source(%dma_start3A_231 : memref<80x256xf32, #tpu.memory_space<hbm>>) target(%arg9 : memref<80x256xf32, #tpu.memory_space<vmem>>) target_semaphore(%arg18 : memref<!tpu.dma_semaphore, #tpu.memory_space<semaphore_mem>>)
        %dma_start3A_232 = arith.constant 0 : i32
        %dma_start3A_233 = tpu.memref_slice %arg10[%dma_start3A_232] : memref<96xi32, #tpu.memory_space<vmem>> -> memref<80xi32, #tpu.memory_space<vmem>>
        %dma_start3A_234 = tpu.memref_slice %arg3[%min3A_228] : memref<160000xi32, #tpu.memory_space<hbm>> -> memref<80xi32, #tpu.memory_space<hbm>>
        %dma_start3A_235 = arith.constant 0 : i32
        %dma_start3A_236 = tpu.memref_slice %arg10[%dma_start3A_235] : memref<96xi32, #tpu.memory_space<vmem>> -> memref<80xi32, #tpu.memory_space<vmem>>
        %dma_start3A_237 = tpu.memref_slice %arg3[%min3A_228] : memref<160000xi32, #tpu.memory_space<hbm>> -> memref<80xi32, #tpu.memory_space<hbm>>
        tpu.enqueue_dma source(%dma_start3A_237 : memref<80xi32, #tpu.memory_space<hbm>>) target(%dma_start3A_236 : memref<80xi32, #tpu.memory_space<vmem>>) target_semaphore(%arg19 : memref<!tpu.dma_semaphore, #tpu.memory_space<semaphore_mem>>)
      } else {
      }
      %mul3A_155 = arith.constant 64 : i32
      %mul3A_156 = arith.muli %mul3A_110, %mul3A_155 : i32
      %add3A_157 = arith.addi %squeeze3A, %mul3A_156 : i32
      %jit3A_158 = arith.constant 8 : i32
      %div3A_159 = arith.divsi %add3A_157, %jit3A_158 : i32
      %sign3A_160 = arith.constant 0 : i32
      %sign3A_161 = arith.cmpi sgt, %add3A_157, %sign3A_160 : i32
      %sign3A_162 = arith.extui %sign3A_161 : i1 to i32
      %sign3A_163 = arith.constant 0 : i32
      %sign3A_164 = arith.cmpi slt, %add3A_157, %sign3A_163 : i32
      %sign3A_165 = arith.extui %sign3A_164 : i1 to i32
      %sign3A_166 = arith.subi %sign3A_162, %sign3A_165 : i32
      %sign3A_167 = arith.constant 0 : i32
      %sign3A_168 = arith.cmpi sgt, %jit3A_158, %sign3A_167 : i32
      %sign3A_169 = arith.extui %sign3A_168 : i1 to i32
      %sign3A_170 = arith.constant 0 : i32
      %sign3A_171 = arith.cmpi slt, %jit3A_158, %sign3A_170 : i32
      %sign3A_172 = arith.extui %sign3A_171 : i1 to i32
      %sign3A_173 = arith.subi %sign3A_169, %sign3A_172 : i32
      %ne3A_174 = arith.cmpi ne, %sign3A_166, %sign3A_173 : i32
      %rem3A_175 = arith.remsi %add3A_157, %jit3A_158 : i32
      %ne3A_176 = arith.constant 0 : i32
      %ne3A_177 = arith.cmpi ne, %rem3A_175, %ne3A_176 : i32
      %and3A_178 = arith.andi %ne3A_174, %ne3A_177 : i1
      %sub3A_179 = arith.constant 1 : i32
      %sub3A_180 = arith.subi %div3A_159, %sub3A_179 : i32
      %select_n3A_181 = arith.select %and3A_178, %sub3A_180, %div3A_159 : i32
      %mul3A_182 = arith.constant 8 : i32
      %mul3A_183 = arith.muli %select_n3A_181, %mul3A_182 : i32
      %min3A_184 = arith.constant 159920 : i32
      %min3A_185 = arith.minsi %mul3A_183, %min3A_184 : i32
      %sub3A_186 = arith.subi %add3A_157, %min3A_185 : i32
      %parallel_loop3A_187 = arith.constant 0 : i32
      %parallel_loop3A_188 = arith.constant 64 : i32
      %parallel_loop3A_189 = arith.constant 1 : i32
      scf.for %parallel_loop3A_198 = %parallel_loop3A_187 to %parallel_loop3A_188 step %parallel_loop3A_189  : i32 {
        %parallel_loop3A_199 = arith.addi %add3A_157, %parallel_loop3A_198 : i32
        %parallel_loop3A_200 = arith.cmpi slt, %parallel_loop3A_199, %squeeze3A_3 : i32
        %parallel_loop3A_201 = arith.addi %sub3A_186, %parallel_loop3A_198 : i32
        %parallel_loop3A_202 = arith.constant 79 : i32
        %parallel_loop3A_203 = arith.minsi %parallel_loop3A_201, %parallel_loop3A_202 : i32
        %parallel_loop3A_204 = arith.index_cast %parallel_loop3A_203 : i32 to index
        %parallel_loop3A_205 = arith.constant 0 : index
        %parallel_loop3A_206 = tpu.vector_load %arg7[%parallel_loop3A_204, %parallel_loop3A_205] {strides = array<i32>} : memref<80x256xf32, #tpu.memory_space<vmem>>, vector<16xf32>,
        %parallel_loop3A_207 = arith.index_cast %parallel_loop3A_203 : i32 to index
        %parallel_loop3A_208 = arith.constant 16 : index
        %parallel_loop3A_209 = tpu.vector_load %arg7[%parallel_loop3A_207, %parallel_loop3A_208] {strides = array<i32>} : memref<80x256xf32, #tpu.memory_space<vmem>>, vector<16xf32>,
        %parallel_loop3A_210 = arith.index_cast %parallel_loop3A_203 : i32 to index
        %parallel_loop3A_211 = arith.constant 32 : index
        %parallel_loop3A_212 = tpu.vector_load %arg7[%parallel_loop3A_210, %parallel_loop3A_211] {strides = array<i32>} : memref<80x256xf32, #tpu.memory_space<vmem>>, vector<16xf32>,
        %parallel_loop3A_213 = arith.index_cast %parallel_loop3A_203 : i32 to index
        %parallel_loop3A_214 = arith.constant 48 : index
        %parallel_loop3A_215 = tpu.vector_load %arg7[%parallel_loop3A_213, %parallel_loop3A_214] {strides = array<i32>} : memref<80x256xf32, #tpu.memory_space<vmem>>, vector<16xf32>,
        %parallel_loop3A_216 = arith.index_cast %parallel_loop3A_203 : i32 to index
        %parallel_loop3A_217 = arith.constant 64 : index
        %parallel_loop3A_218 = tpu.vector_load %arg7[%parallel_loop3A_216, %parallel_loop3A_217] {strides = array<i32>} : memref<80x256xf32, #tpu.memory_space<vmem>>, vector<16xf32>,
        %parallel_loop3A_219 = arith.index_cast %parallel_loop3A_203 : i32 to index
        %parallel_loop3A_220 = arith.constant 80 : index
        %parallel_loop3A_221 = tpu.vector_load %arg7[%parallel_loop3A_219, %parallel_loop3A_220] {strides = array<i32>} : memref<80x256xf32, #tpu.memory_space<vmem>>, vector<16xf32>,
        %parallel_loop3A_222 = arith.index_cast %parallel_loop3A_203 : i32 to index
        %parallel_loop3A_223 = arith.constant 96 : index
        %parallel_loop3A_224 = tpu.vector_load %arg7[%parallel_loop3A_222, %parallel_loop3A_223] {strides = array<i32>} : memref<80x256xf32, #tpu.memory_space<vmem>>, vector<16xf32>,
        %parallel_loop3A_225 = arith.index_cast %parallel_loop3A_203 : i32 to index
        %parallel_loop3A_226 = arith.constant 112 : index
        %parallel_loop3A_227 = tpu.vector_load %arg7[%parallel_loop3A_225, %parallel_loop3A_226] {strides = array<i32>} : memref<80x256xf32, #tpu.memory_space<vmem>>, vector<16xf32>,
        %parallel_loop3A_228 = arith.index_cast %parallel_loop3A_203 : i32 to index
        %parallel_loop3A_229 = arith.constant 128 : index
        %parallel_loop3A_230 = tpu.vector_load %arg7[%parallel_loop3A_228, %parallel_loop3A_229] {strides = array<i32>} : memref<80x256xf32, #tpu.memory_space<vmem>>, vector<16xf32>,
        %parallel_loop3A_231 = arith.index_cast %parallel_loop3A_203 : i32 to index
        %parallel_loop3A_232 = arith.constant 144 : index
        %parallel_loop3A_233 = tpu.vector_load %arg7[%parallel_loop3A_231, %parallel_loop3A_232] {strides = array<i32>} : memref<80x256xf32, #tpu.memory_space<vmem>>, vector<16xf32>,
        %parallel_loop3A_234 = arith.index_cast %parallel_loop3A_203 : i32 to index
        %parallel_loop3A_235 = arith.constant 160 : index
        %parallel_loop3A_236 = tpu.vector_load %arg7[%parallel_loop3A_234, %parallel_loop3A_235] {strides = array<i32>} : memref<80x256xf32, #tpu.memory_space<vmem>>, vector<16xf32>,
        %parallel_loop3A_237 = arith.index_cast %parallel_loop3A_203 : i32 to index
        %parallel_loop3A_238 = arith.constant 176 : index
        %parallel_loop3A_239 = tpu.vector_load %arg7[%parallel_loop3A_237, %parallel_loop3A_238] {strides = array<i32>} : memref<80x256xf32, #tpu.memory_space<vmem>>, vector<16xf32>,
        %parallel_loop3A_240 = arith.index_cast %parallel_loop3A_203 : i32 to index
        %parallel_loop3A_241 = arith.constant 192 : index
        %parallel_loop3A_242 = tpu.vector_load %arg7[%parallel_loop3A_240, %parallel_loop3A_241] {strides = array<i32>} : memref<80x256xf32, #tpu.memory_space<vmem>>, vector<16xf32>,
        %parallel_loop3A_243 = arith.index_cast %parallel_loop3A_203 : i32 to index
        %parallel_loop3A_244 = arith.constant 208 : index
        %parallel_loop3A_245 = tpu.vector_load %arg7[%parallel_loop3A_243, %parallel_loop3A_244] {strides = array<i32>} : memref<80x256xf32, #tpu.memory_space<vmem>>, vector<16xf32>,
        %parallel_loop3A_246 = arith.index_cast %parallel_loop3A_203 : i32 to index
        %parallel_loop3A_247 = arith.constant 224 : index
        %parallel_loop3A_248 = tpu.vector_load %arg7[%parallel_loop3A_246, %parallel_loop3A_247] {strides = array<i32>} : memref<80x256xf32, #tpu.memory_space<vmem>>, vector<16xf32>,
        %parallel_loop3A_249 = arith.index_cast %parallel_loop3A_203 : i32 to index
        %parallel_loop3A_250 = arith.constant 240 : index
        %parallel_loop3A_251 = tpu.vector_load %arg7[%parallel_loop3A_249, %parallel_loop3A_250] {strides = array<i32>} : memref<80x256xf32, #tpu.memory_space<vmem>>, vector<16xf32>,
        %parallel_loop3A_252 = arith.mulf %parallel_loop3A_206, %get3A_34 : vector<16xf32>
        %parallel_loop3A_253 = arith.mulf %parallel_loop3A_209, %get3A_36 : vector<16xf32>
        %parallel_loop3A_254 = arith.mulf %parallel_loop3A_212, %get3A_38 : vector<16xf32>
        %parallel_loop3A_255 = arith.mulf %parallel_loop3A_215, %get3A_40 : vector<16xf32>
        %parallel_loop3A_256 = arith.mulf %parallel_loop3A_218, %get3A_42 : vector<16xf32>
        %parallel_loop3A_257 = arith.addf %parallel_loop3A_252, %parallel_loop3A_256 : vector<16xf32>
        %parallel_loop3A_258 = arith.mulf %parallel_loop3A_221, %get3A_44 : vector<16xf32>
        %parallel_loop3A_259 = arith.addf %parallel_loop3A_253, %parallel_loop3A_258 : vector<16xf32>
        %parallel_loop3A_260 = arith.mulf %parallel_loop3A_224, %get3A_46 : vector<16xf32>
        %parallel_loop3A_261 = arith.addf %parallel_loop3A_254, %parallel_loop3A_260 : vector<16xf32>
        %parallel_loop3A_262 = arith.mulf %parallel_loop3A_227, %get3A_48 : vector<16xf32>
        %parallel_loop3A_263 = arith.addf %parallel_loop3A_255, %parallel_loop3A_262 : vector<16xf32>
        %parallel_loop3A_264 = arith.mulf %parallel_loop3A_230, %get3A_50 : vector<16xf32>
        %parallel_loop3A_265 = arith.addf %parallel_loop3A_257, %parallel_loop3A_264 : vector<16xf32>
        %parallel_loop3A_266 = arith.mulf %parallel_loop3A_233, %get3A_52 : vector<16xf32>
        %parallel_loop3A_267 = arith.addf %parallel_loop3A_259, %parallel_loop3A_266 : vector<16xf32>
        %parallel_loop3A_268 = arith.mulf %parallel_loop3A_236, %get3A_54 : vector<16xf32>
        %parallel_loop3A_269 = arith.addf %parallel_loop3A_261, %parallel_loop3A_268 : vector<16xf32>
        %parallel_loop3A_270 = arith.mulf %parallel_loop3A_239, %get3A_56 : vector<16xf32>
        %parallel_loop3A_271 = arith.addf %parallel_loop3A_263, %parallel_loop3A_270 : vector<16xf32>
        %parallel_loop3A_272 = arith.mulf %parallel_loop3A_242, %get3A_58 : vector<16xf32>
        %parallel_loop3A_273 = arith.addf %parallel_loop3A_265, %parallel_loop3A_272 : vector<16xf32>
        %parallel_loop3A_274 = arith.mulf %parallel_loop3A_245, %get3A_60 : vector<16xf32>
        %parallel_loop3A_275 = arith.addf %parallel_loop3A_267, %parallel_loop3A_274 : vector<16xf32>
        %parallel_loop3A_276 = arith.mulf %parallel_loop3A_248, %get3A_62 : vector<16xf32>
        %parallel_loop3A_277 = arith.addf %parallel_loop3A_269, %parallel_loop3A_276 : vector<16xf32>
        %parallel_loop3A_278 = arith.mulf %parallel_loop3A_251, %get3A_64 : vector<16xf32>
        %parallel_loop3A_279 = arith.addf %parallel_loop3A_271, %parallel_loop3A_278 : vector<16xf32>
        %parallel_loop3A_280 = arith.addf %parallel_loop3A_273, %parallel_loop3A_275 : vector<16xf32>
        %parallel_loop3A_281 = arith.addf %parallel_loop3A_277, %parallel_loop3A_279 : vector<16xf32>
        %parallel_loop3A_282 = arith.addf %parallel_loop3A_280, %parallel_loop3A_281 : vector<16xf32>
        %parallel_loop3A_283 = arith.constant 8 : i32
        %parallel_loop3A_284 = vector.broadcast %parallel_loop3A_283 : i32 to vector<16xi32>
        %parallel_loop3A_285 = arith.addi %iota3A, %parallel_loop3A_284 : vector<16xi32>
        %parallel_loop3A_286 = arith.constant 16 : i32
        %parallel_loop3A_287 = arith.constant 0 : i32
        %parallel_loop3A_288 = arith.cmpi eq, %parallel_loop3A_286, %parallel_loop3A_287 : i32
        %parallel_loop3A_289 = arith.constant 1 : i32
        %parallel_loop3A_290 = arith.select %parallel_loop3A_288, %parallel_loop3A_289, %parallel_loop3A_286 : i32
        %parallel_loop3A_291 = vector.broadcast %parallel_loop3A_290 : i32 to vector<16xi32>
        %parallel_loop3A_292 = arith.remsi %parallel_loop3A_285, %parallel_loop3A_291 : vector<16xi32>
        %parallel_loop3A_293 = arith.constant 0 : i32
        %parallel_loop3A_294 = vector.broadcast %parallel_loop3A_293 : i32 to vector<16xi32>
        %parallel_loop3A_295 = arith.cmpi ne, %parallel_loop3A_292, %parallel_loop3A_294 : vector<16xi32>
        %parallel_loop3A_296 = arith.constant 0 : i32
        %parallel_loop3A_297 = vector.broadcast %parallel_loop3A_296 : i32 to vector<16xi32>
        %parallel_loop3A_298 = arith.cmpi slt, %parallel_loop3A_292, %parallel_loop3A_297 : vector<16xi32>
        %parallel_loop3A_299 = arith.constant 0 : i32
        %parallel_loop3A_300 = arith.cmpi slt, %parallel_loop3A_290, %parallel_loop3A_299 : i32
        %parallel_loop3A_301 = vector.broadcast %parallel_loop3A_300 : i1 to vector<16xi1>
        %parallel_loop3A_302 = vector.broadcast %parallel_loop3A_301 : vector<16xi1> to vector<16xi1>
        %parallel_loop3A_303 = arith.xori %parallel_loop3A_298, %parallel_loop3A_302 : vector<16xi1>
        %parallel_loop3A_304 = arith.andi %parallel_loop3A_303, %parallel_loop3A_295 : vector<16xi1>
        %parallel_loop3A_305 = vector.broadcast %parallel_loop3A_290 : i32 to vector<16xi32>
        %parallel_loop3A_306 = arith.addi %parallel_loop3A_292, %parallel_loop3A_305 : vector<16xi32>
        %parallel_loop3A_307 = arith.select %parallel_loop3A_304, %parallel_loop3A_306, %parallel_loop3A_292 : vector<16xi1>, vector<16xi32>
        %parallel_loop3A_308 = arith.constant 0 : i32
        %parallel_loop3A_309 = vector.broadcast %parallel_loop3A_308 : i32 to vector<16xi32>
        %parallel_loop3A_310 = arith.cmpi slt, %parallel_loop3A_307, %parallel_loop3A_309 : vector<16xi32>
        %parallel_loop3A_311 = arith.constant 16 : i32
        %parallel_loop3A_312 = vector.broadcast %parallel_loop3A_311 : i32 to vector<16xi32>
        %parallel_loop3A_313 = arith.addi %parallel_loop3A_307, %parallel_loop3A_312 : vector<16xi32>
        %parallel_loop3A_314 = arith.select %parallel_loop3A_310, %parallel_loop3A_313, %parallel_loop3A_307 : vector<16xi1>, vector<16xi32>
        %parallel_loop3A_315 = vector.shape_cast %parallel_loop3A_314 : vector<16xi32> to vector<16x1xi32>
        %parallel_loop3A_316 = vector.shape_cast %parallel_loop3A_315 : vector<16x1xi32> to vector<16xi32>
        %parallel_loop3A_317 = tpu.dynamic_gather %parallel_loop3A_282[%parallel_loop3A_316] in [0] : vector<16xf32>, vector<16xi32> -> vector<16xf32>
        %parallel_loop3A_318 = arith.addf %parallel_loop3A_282, %parallel_loop3A_317 : vector<16xf32>
        %parallel_loop3A_319 = arith.constant 4 : i32
        %parallel_loop3A_320 = vector.broadcast %parallel_loop3A_319 : i32 to vector<16xi32>
        %parallel_loop3A_321 = arith.addi %iota3A, %parallel_loop3A_320 : vector<16xi32>
        %parallel_loop3A_322 = arith.constant 16 : i32
        %parallel_loop3A_323 = arith.constant 0 : i32
        %parallel_loop3A_324 = arith.cmpi eq, %parallel_loop3A_322, %parallel_loop3A_323 : i32
        %parallel_loop3A_325 = arith.constant 1 : i32
        %parallel_loop3A_326 = arith.select %parallel_loop3A_324, %parallel_loop3A_325, %parallel_loop3A_322 : i32
        %parallel_loop3A_327 = vector.broadcast %parallel_loop3A_326 : i32 to vector<16xi32>
        %parallel_loop3A_328 = arith.remsi %parallel_loop3A_321, %parallel_loop3A_327 : vector<16xi32>
        %parallel_loop3A_329 = arith.constant 0 : i32
        %parallel_loop3A_330 = vector.broadcast %parallel_loop3A_329 : i32 to vector<16xi32>
        %parallel_loop3A_331 = arith.cmpi ne, %parallel_loop3A_328, %parallel_loop3A_330 : vector<16xi32>
        %parallel_loop3A_332 = arith.constant 0 : i32
        %parallel_loop3A_333 = vector.broadcast %parallel_loop3A_332 : i32 to vector<16xi32>
        %parallel_loop3A_334 = arith.cmpi slt, %parallel_loop3A_328, %parallel_loop3A_333 : vector<16xi32>
        %parallel_loop3A_335 = arith.constant 0 : i32
        %parallel_loop3A_336 = arith.cmpi slt, %parallel_loop3A_326, %parallel_loop3A_335 : i32
        %parallel_loop3A_337 = vector.broadcast %parallel_loop3A_336 : i1 to vector<16xi1>
        %parallel_loop3A_338 = vector.broadcast %parallel_loop3A_337 : vector<16xi1> to vector<16xi1>
        %parallel_loop3A_339 = arith.xori %parallel_loop3A_334, %parallel_loop3A_338 : vector<16xi1>
        %parallel_loop3A_340 = arith.andi %parallel_loop3A_339, %parallel_loop3A_331 : vector<16xi1>
        %parallel_loop3A_341 = vector.broadcast %parallel_loop3A_326 : i32 to vector<16xi32>
        %parallel_loop3A_342 = arith.addi %parallel_loop3A_328, %parallel_loop3A_341 : vector<16xi32>
        %parallel_loop3A_343 = arith.select %parallel_loop3A_340, %parallel_loop3A_342, %parallel_loop3A_328 : vector<16xi1>, vector<16xi32>
        %parallel_loop3A_344 = arith.constant 0 : i32
        %parallel_loop3A_345 = vector.broadcast %parallel_loop3A_344 : i32 to vector<16xi32>
        %parallel_loop3A_346 = arith.cmpi slt, %parallel_loop3A_343, %parallel_loop3A_345 : vector<16xi32>
        %parallel_loop3A_347 = arith.constant 16 : i32
        %parallel_loop3A_348 = vector.broadcast %parallel_loop3A_347 : i32 to vector<16xi32>
        %parallel_loop3A_349 = arith.addi %parallel_loop3A_343, %parallel_loop3A_348 : vector<16xi32>
        %parallel_loop3A_350 = arith.select %parallel_loop3A_346, %parallel_loop3A_349, %parallel_loop3A_343 : vector<16xi1>, vector<16xi32>
        %parallel_loop3A_351 = vector.shape_cast %parallel_loop3A_350 : vector<16xi32> to vector<16x1xi32>
        %parallel_loop3A_352 = vector.shape_cast %parallel_loop3A_351 : vector<16x1xi32> to vector<16xi32>
        %parallel_loop3A_353 = tpu.dynamic_gather %parallel_loop3A_318[%parallel_loop3A_352] in [0] : vector<16xf32>, vector<16xi32> -> vector<16xf32>
        %parallel_loop3A_354 = arith.addf %parallel_loop3A_318, %parallel_loop3A_353 : vector<16xf32>
        %parallel_loop3A_355 = arith.constant 2 : i32
        %parallel_loop3A_356 = vector.broadcast %parallel_loop3A_355 : i32 to vector<16xi32>
        %parallel_loop3A_357 = arith.addi %iota3A, %parallel_loop3A_356 : vector<16xi32>
        %parallel_loop3A_358 = arith.constant 16 : i32
        %parallel_loop3A_359 = arith.constant 0 : i32
        %parallel_loop3A_360 = arith.cmpi eq, %parallel_loop3A_358, %parallel_loop3A_359 : i32
        %parallel_loop3A_361 = arith.constant 1 : i32
        %parallel_loop3A_362 = arith.select %parallel_loop3A_360, %parallel_loop3A_361, %parallel_loop3A_358 : i32
        %parallel_loop3A_363 = vector.broadcast %parallel_loop3A_362 : i32 to vector<16xi32>
        %parallel_loop3A_364 = arith.remsi %parallel_loop3A_357, %parallel_loop3A_363 : vector<16xi32>
        %parallel_loop3A_365 = arith.constant 0 : i32
        %parallel_loop3A_366 = vector.broadcast %parallel_loop3A_365 : i32 to vector<16xi32>
        %parallel_loop3A_367 = arith.cmpi ne, %parallel_loop3A_364, %parallel_loop3A_366 : vector<16xi32>
        %parallel_loop3A_368 = arith.constant 0 : i32
        %parallel_loop3A_369 = vector.broadcast %parallel_loop3A_368 : i32 to vector<16xi32>
        %parallel_loop3A_370 = arith.cmpi slt, %parallel_loop3A_364, %parallel_loop3A_369 : vector<16xi32>
        %parallel_loop3A_371 = arith.constant 0 : i32
        %parallel_loop3A_372 = arith.cmpi slt, %parallel_loop3A_362, %parallel_loop3A_371 : i32
        %parallel_loop3A_373 = vector.broadcast %parallel_loop3A_372 : i1 to vector<16xi1>
        %parallel_loop3A_374 = vector.broadcast %parallel_loop3A_373 : vector<16xi1> to vector<16xi1>
        %parallel_loop3A_375 = arith.xori %parallel_loop3A_370, %parallel_loop3A_374 : vector<16xi1>
        %parallel_loop3A_376 = arith.andi %parallel_loop3A_375, %parallel_loop3A_367 : vector<16xi1>
        %parallel_loop3A_377 = vector.broadcast %parallel_loop3A_362 : i32 to vector<16xi32>
        %parallel_loop3A_378 = arith.addi %parallel_loop3A_364, %parallel_loop3A_377 : vector<16xi32>
        %parallel_loop3A_379 = arith.select %parallel_loop3A_376, %parallel_loop3A_378, %parallel_loop3A_364 : vector<16xi1>, vector<16xi32>
        %parallel_loop3A_380 = arith.constant 0 : i32
        %parallel_loop3A_381 = vector.broadcast %parallel_loop3A_380 : i32 to vector<16xi32>
        %parallel_loop3A_382 = arith.cmpi slt, %parallel_loop3A_379, %parallel_loop3A_381 : vector<16xi32>
        %parallel_loop3A_383 = arith.constant 16 : i32
        %parallel_loop3A_384 = vector.broadcast %parallel_loop3A_383 : i32 to vector<16xi32>
        %parallel_loop3A_385 = arith.addi %parallel_loop3A_379, %parallel_loop3A_384 : vector<16xi32>
        %parallel_loop3A_386 = arith.select %parallel_loop3A_382, %parallel_loop3A_385, %parallel_loop3A_379 : vector<16xi1>, vector<16xi32>
        %parallel_loop3A_387 = vector.shape_cast %parallel_loop3A_386 : vector<16xi32> to vector<16x1xi32>
        %parallel_loop3A_388 = vector.shape_cast %parallel_loop3A_387 : vector<16x1xi32> to vector<16xi32>
        %parallel_loop3A_389 = tpu.dynamic_gather %parallel_loop3A_354[%parallel_loop3A_388] in [0] : vector<16xf32>, vector<16xi32> -> vector<16xf32>
        %parallel_loop3A_390 = arith.addf %parallel_loop3A_354, %parallel_loop3A_389 : vector<16xf32>
        %parallel_loop3A_391 = arith.constant 1 : i32
        %parallel_loop3A_392 = vector.broadcast %parallel_loop3A_391 : i32 to vector<16xi32>
        %parallel_loop3A_393 = arith.addi %iota3A, %parallel_loop3A_392 : vector<16xi32>
        %parallel_loop3A_394 = arith.constant 16 : i32
        %parallel_loop3A_395 = arith.constant 0 : i32
        %parallel_loop3A_396 = arith.cmpi eq, %parallel_loop3A_394, %parallel_loop3A_395 : i32
        %parallel_loop3A_397 = arith.constant 1 : i32
        %parallel_loop3A_398 = arith.select %parallel_loop3A_396, %parallel_loop3A_397, %parallel_loop3A_394 : i32
        %parallel_loop3A_399 = vector.broadcast %parallel_loop3A_398 : i32 to vector<16xi32>
        %parallel_loop3A_400 = arith.remsi %parallel_loop3A_393, %parallel_loop3A_399 : vector<16xi32>
        %parallel_loop3A_401 = arith.constant 0 : i32
        %parallel_loop3A_402 = vector.broadcast %parallel_loop3A_401 : i32 to vector<16xi32>
        %parallel_loop3A_403 = arith.cmpi ne, %parallel_loop3A_400, %parallel_loop3A_402 : vector<16xi32>
        %parallel_loop3A_404 = arith.constant 0 : i32
        %parallel_loop3A_405 = vector.broadcast %parallel_loop3A_404 : i32 to vector<16xi32>
        %parallel_loop3A_406 = arith.cmpi slt, %parallel_loop3A_400, %parallel_loop3A_405 : vector<16xi32>
        %parallel_loop3A_407 = arith.constant 0 : i32
        %parallel_loop3A_408 = arith.cmpi slt, %parallel_loop3A_398, %parallel_loop3A_407 : i32
        %parallel_loop3A_409 = vector.broadcast %parallel_loop3A_408 : i1 to vector<16xi1>
        %parallel_loop3A_410 = vector.broadcast %parallel_loop3A_409 : vector<16xi1> to vector<16xi1>
        %parallel_loop3A_411 = arith.xori %parallel_loop3A_406, %parallel_loop3A_410 : vector<16xi1>
        %parallel_loop3A_412 = arith.andi %parallel_loop3A_411, %parallel_loop3A_403 : vector<16xi1>
        %parallel_loop3A_413 = vector.broadcast %parallel_loop3A_398 : i32 to vector<16xi32>
        %parallel_loop3A_414 = arith.addi %parallel_loop3A_400, %parallel_loop3A_413 : vector<16xi32>
        %parallel_loop3A_415 = arith.select %parallel_loop3A_412, %parallel_loop3A_414, %parallel_loop3A_400 : vector<16xi1>, vector<16xi32>
        %parallel_loop3A_416 = arith.constant 0 : i32
        %parallel_loop3A_417 = vector.broadcast %parallel_loop3A_416 : i32 to vector<16xi32>
        %parallel_loop3A_418 = arith.cmpi slt, %parallel_loop3A_415, %parallel_loop3A_417 : vector<16xi32>
        %parallel_loop3A_419 = arith.constant 16 : i32
        %parallel_loop3A_420 = vector.broadcast %parallel_loop3A_419 : i32 to vector<16xi32>
        %parallel_loop3A_421 = arith.addi %parallel_loop3A_415, %parallel_loop3A_420 : vector<16xi32>
        %parallel_loop3A_422 = arith.select %parallel_loop3A_418, %parallel_loop3A_421, %parallel_loop3A_415 : vector<16xi1>, vector<16xi32>
        %parallel_loop3A_423 = vector.shape_cast %parallel_loop3A_422 : vector<16xi32> to vector<16x1xi32>
        %parallel_loop3A_424 = vector.shape_cast %parallel_loop3A_423 : vector<16x1xi32> to vector<16xi32>
        %parallel_loop3A_425 = tpu.dynamic_gather %parallel_loop3A_390[%parallel_loop3A_424] in [0] : vector<16xf32>, vector<16xi32> -> vector<16xf32>
        %parallel_loop3A_426 = arith.addf %parallel_loop3A_390, %parallel_loop3A_425 : vector<16xf32>
        %parallel_loop3A_427 = arith.constant 1.000000e+00 : f32
        %parallel_loop3A_428 = arith.constant 0.000000e+00 : f32
        %parallel_loop3A_429 = arith.select %parallel_loop3A_200, %parallel_loop3A_427, %parallel_loop3A_428 : f32
        %parallel_loop3A_430 = math.exp %parallel_loop3A_426 : vector<16xf32>
        %parallel_loop3A_431 = vector.broadcast %parallel_loop3A_429 : f32 to vector<16xf32>
        %parallel_loop3A_432 = arith.mulf %parallel_loop3A_430, %parallel_loop3A_431 : vector<16xf32>
        %parallel_loop3A_433 = arith.constant 16 : i32
        %parallel_loop3A_434 = arith.muli %parallel_loop3A_198, %parallel_loop3A_433 : i32
        %parallel_loop3A_435 = arith.index_cast %parallel_loop3A_434 : i32 to index
        %parallel_loop3A_436 = tpu.vector_load %arg15[%parallel_loop3A_435] {strides = array<i32>} : memref<1024xf32, #tpu.memory_space<vmem>>, vector<16xf32>,
        tpu.vector_store %arg15[%parallel_loop3A_435], %parallel_loop3A_432 {strides = array<i32>} : memref<1024xf32, #tpu.memory_space<vmem>>, vector<16xf32>,
      } {sc.loop_unroll_factor = 2 : i64, sc.parallel_access}
      %parallel_loop3A_190 = arith.constant 0 : i32
      %parallel_loop3A_191 = arith.constant 64 : i32
      %parallel_loop3A_192 = arith.constant 1 : i32
      scf.for %parallel_loop3A_198 = %parallel_loop3A_190 to %parallel_loop3A_191 step %parallel_loop3A_192  : i32 {
        %parallel_loop3A_199 = arith.addi %add3A_157, %parallel_loop3A_198 : i32
        %parallel_loop3A_200 = arith.cmpi slt, %parallel_loop3A_199, %squeeze3A_3 : i32
        %parallel_loop3A_201 = arith.addi %sub3A_186, %parallel_loop3A_198 : i32
        %parallel_loop3A_202 = arith.constant 79 : i32
        %parallel_loop3A_203 = arith.minsi %parallel_loop3A_201, %parallel_loop3A_202 : i32
        %parallel_loop3A_204 = arith.constant 16 : i32
        %parallel_loop3A_205 = arith.muli %parallel_loop3A_198, %parallel_loop3A_204 : i32
        %parallel_loop3A_206 = arith.index_cast %parallel_loop3A_205 : i32 to index
        %parallel_loop3A_207 = tpu.vector_load %arg15[%parallel_loop3A_206] {strides = array<i32>} : memref<1024xf32, #tpu.memory_space<vmem>>, vector<16xf32>,
        %parallel_loop3A_208 = arith.index_cast %parallel_loop3A_203 : i32 to index
        %parallel_loop3A_209 = tpu.vector_load %arg8[%parallel_loop3A_208] {strides = array<i32>} : memref<96xi32, #tpu.memory_space<vmem>>, vector<16xi32>,
        %parallel_loop3A_210 = vector.extract_strided_slice %parallel_loop3A_209 {offsets = [0], sizes = [1], strides = [1]} : vector<16xi32> to vector<1xi32>
        %parallel_loop3A_211 = vector.extract %parallel_loop3A_210[0] : i32 from vector<1xi32>
        %parallel_loop3A_212 = arith.subi %parallel_loop3A_211, %mul3A_5 : i32
        %parallel_loop3A_213 = arith.constant 0 : i32
        %parallel_loop3A_214 = arith.select %parallel_loop3A_200, %parallel_loop3A_212, %parallel_loop3A_213 : i32
        %parallel_loop3A_215 = arith.index_cast %parallel_loop3A_203 : i32 to index
        %parallel_loop3A_216 = arith.constant 0 : index
        %parallel_loop3A_217 = tpu.vector_load %arg7[%parallel_loop3A_215, %parallel_loop3A_216] {strides = array<i32>} : memref<80x256xf32, #tpu.memory_space<vmem>>, vector<16xf32>,
        %parallel_loop3A_218 = arith.mulf %parallel_loop3A_217, %parallel_loop3A_207 : vector<16xf32>
        %parallel_loop3A_219 = arith.index_cast %parallel_loop3A_214 : i32 to index
        %parallel_loop3A_220 = arith.constant 0 : index
        %parallel_loop3A_221 = tpu.vector_load %arg13[%parallel_loop3A_219, %parallel_loop3A_220] {strides = array<i32>} : memref<320x256xf32, #tpu.memory_space<vmem>>, vector<16xf32>,
        tpu.vector_store %arg13[%parallel_loop3A_219, %parallel_loop3A_220], %parallel_loop3A_218 {add = true, strides = array<i32>} : memref<320x256xf32, #tpu.memory_space<vmem>>, vector<16xf32>,
        %parallel_loop3A_222 = arith.index_cast %parallel_loop3A_203 : i32 to index
        %parallel_loop3A_223 = arith.constant 16 : index
        %parallel_loop3A_224 = tpu.vector_load %arg7[%parallel_loop3A_222, %parallel_loop3A_223] {strides = array<i32>} : memref<80x256xf32, #tpu.memory_space<vmem>>, vector<16xf32>,
        %parallel_loop3A_225 = arith.mulf %parallel_loop3A_224, %parallel_loop3A_207 : vector<16xf32>
        %parallel_loop3A_226 = arith.index_cast %parallel_loop3A_214 : i32 to index
        %parallel_loop3A_227 = arith.constant 16 : index
        %parallel_loop3A_228 = tpu.vector_load %arg13[%parallel_loop3A_226, %parallel_loop3A_227] {strides = array<i32>} : memref<320x256xf32, #tpu.memory_space<vmem>>, vector<16xf32>,
        tpu.vector_store %arg13[%parallel_loop3A_226, %parallel_loop3A_227], %parallel_loop3A_225 {add = true, strides = array<i32>} : memref<320x256xf32, #tpu.memory_space<vmem>>, vector<16xf32>,
        %parallel_loop3A_229 = arith.index_cast %parallel_loop3A_203 : i32 to index
        %parallel_loop3A_230 = arith.constant 32 : index
        %parallel_loop3A_231 = tpu.vector_load %arg7[%parallel_loop3A_229, %parallel_loop3A_230] {strides = array<i32>} : memref<80x256xf32, #tpu.memory_space<vmem>>, vector<16xf32>,
        %parallel_loop3A_232 = arith.mulf %parallel_loop3A_231, %parallel_loop3A_207 : vector<16xf32>
        %parallel_loop3A_233 = arith.index_cast %parallel_loop3A_214 : i32 to index
        %parallel_loop3A_234 = arith.constant 32 : index
        %parallel_loop3A_235 = tpu.vector_load %arg13[%parallel_loop3A_233, %parallel_loop3A_234] {strides = array<i32>} : memref<320x256xf32, #tpu.memory_space<vmem>>, vector<16xf32>,
        tpu.vector_store %arg13[%parallel_loop3A_233, %parallel_loop3A_234], %parallel_loop3A_232 {add = true, strides = array<i32>} : memref<320x256xf32, #tpu.memory_space<vmem>>, vector<16xf32>,
        %parallel_loop3A_236 = arith.index_cast %parallel_loop3A_203 : i32 to index
        %parallel_loop3A_237 = arith.constant 48 : index
        %parallel_loop3A_238 = tpu.vector_load %arg7[%parallel_loop3A_236, %parallel_loop3A_237] {strides = array<i32>} : memref<80x256xf32, #tpu.memory_space<vmem>>, vector<16xf32>,
        %parallel_loop3A_239 = arith.mulf %parallel_loop3A_238, %parallel_loop3A_207 : vector<16xf32>
        %parallel_loop3A_240 = arith.index_cast %parallel_loop3A_214 : i32 to index
        %parallel_loop3A_241 = arith.constant 48 : index
        %parallel_loop3A_242 = tpu.vector_load %arg13[%parallel_loop3A_240, %parallel_loop3A_241] {strides = array<i32>} : memref<320x256xf32, #tpu.memory_space<vmem>>, vector<16xf32>,
        tpu.vector_store %arg13[%parallel_loop3A_240, %parallel_loop3A_241], %parallel_loop3A_239 {add = true, strides = array<i32>} : memref<320x256xf32, #tpu.memory_space<vmem>>, vector<16xf32>,
        %parallel_loop3A_243 = arith.index_cast %parallel_loop3A_203 : i32 to index
        %parallel_loop3A_244 = arith.constant 64 : index
        %parallel_loop3A_245 = tpu.vector_load %arg7[%parallel_loop3A_243, %parallel_loop3A_244] {strides = array<i32>} : memref<80x256xf32, #tpu.memory_space<vmem>>, vector<16xf32>,
        %parallel_loop3A_246 = arith.mulf %parallel_loop3A_245, %parallel_loop3A_207 : vector<16xf32>
        %parallel_loop3A_247 = arith.index_cast %parallel_loop3A_214 : i32 to index
        %parallel_loop3A_248 = arith.constant 64 : index
        %parallel_loop3A_249 = tpu.vector_load %arg13[%parallel_loop3A_247, %parallel_loop3A_248] {strides = array<i32>} : memref<320x256xf32, #tpu.memory_space<vmem>>, vector<16xf32>,
        tpu.vector_store %arg13[%parallel_loop3A_247, %parallel_loop3A_248], %parallel_loop3A_246 {add = true, strides = array<i32>} : memref<320x256xf32, #tpu.memory_space<vmem>>, vector<16xf32>,
        %parallel_loop3A_250 = arith.index_cast %parallel_loop3A_203 : i32 to index
        %parallel_loop3A_251 = arith.constant 80 : index
        %parallel_loop3A_252 = tpu.vector_load %arg7[%parallel_loop3A_250, %parallel_loop3A_251] {strides = array<i32>} : memref<80x256xf32, #tpu.memory_space<vmem>>, vector<16xf32>,
        %parallel_loop3A_253 = arith.mulf %parallel_loop3A_252, %parallel_loop3A_207 : vector<16xf32>
        %parallel_loop3A_254 = arith.index_cast %parallel_loop3A_214 : i32 to index
        %parallel_loop3A_255 = arith.constant 80 : index
        %parallel_loop3A_256 = tpu.vector_load %arg13[%parallel_loop3A_254, %parallel_loop3A_255] {strides = array<i32>} : memref<320x256xf32, #tpu.memory_space<vmem>>, vector<16xf32>,
        tpu.vector_store %arg13[%parallel_loop3A_254, %parallel_loop3A_255], %parallel_loop3A_253 {add = true, strides = array<i32>} : memref<320x256xf32, #tpu.memory_space<vmem>>, vector<16xf32>,
        %parallel_loop3A_257 = arith.index_cast %parallel_loop3A_203 : i32 to index
        %parallel_loop3A_258 = arith.constant 96 : index
        %parallel_loop3A_259 = tpu.vector_load %arg7[%parallel_loop3A_257, %parallel_loop3A_258] {strides = array<i32>} : memref<80x256xf32, #tpu.memory_space<vmem>>, vector<16xf32>,
        %parallel_loop3A_260 = arith.mulf %parallel_loop3A_259, %parallel_loop3A_207 : vector<16xf32>
        %parallel_loop3A_261 = arith.index_cast %parallel_loop3A_214 : i32 to index
        %parallel_loop3A_262 = arith.constant 96 : index
        %parallel_loop3A_263 = tpu.vector_load %arg13[%parallel_loop3A_261, %parallel_loop3A_262] {strides = array<i32>} : memref<320x256xf32, #tpu.memory_space<vmem>>, vector<16xf32>,
        tpu.vector_store %arg13[%parallel_loop3A_261, %parallel_loop3A_262], %parallel_loop3A_260 {add = true, strides = array<i32>} : memref<320x256xf32, #tpu.memory_space<vmem>>, vector<16xf32>,
        %parallel_loop3A_264 = arith.index_cast %parallel_loop3A_203 : i32 to index
        %parallel_loop3A_265 = arith.constant 112 : index
        %parallel_loop3A_266 = tpu.vector_load %arg7[%parallel_loop3A_264, %parallel_loop3A_265] {strides = array<i32>} : memref<80x256xf32, #tpu.memory_space<vmem>>, vector<16xf32>,
        %parallel_loop3A_267 = arith.mulf %parallel_loop3A_266, %parallel_loop3A_207 : vector<16xf32>
        %parallel_loop3A_268 = arith.index_cast %parallel_loop3A_214 : i32 to index
        %parallel_loop3A_269 = arith.constant 112 : index
        %parallel_loop3A_270 = tpu.vector_load %arg13[%parallel_loop3A_268, %parallel_loop3A_269] {strides = array<i32>} : memref<320x256xf32, #tpu.memory_space<vmem>>, vector<16xf32>,
        tpu.vector_store %arg13[%parallel_loop3A_268, %parallel_loop3A_269], %parallel_loop3A_267 {add = true, strides = array<i32>} : memref<320x256xf32, #tpu.memory_space<vmem>>, vector<16xf32>,
        %parallel_loop3A_271 = arith.index_cast %parallel_loop3A_203 : i32 to index
        %parallel_loop3A_272 = arith.constant 128 : index
        %parallel_loop3A_273 = tpu.vector_load %arg7[%parallel_loop3A_271, %parallel_loop3A_272] {strides = array<i32>} : memref<80x256xf32, #tpu.memory_space<vmem>>, vector<16xf32>,
        %parallel_loop3A_274 = arith.mulf %parallel_loop3A_273, %parallel_loop3A_207 : vector<16xf32>
        %parallel_loop3A_275 = arith.index_cast %parallel_loop3A_214 : i32 to index
        %parallel_loop3A_276 = arith.constant 128 : index
        %parallel_loop3A_277 = tpu.vector_load %arg13[%parallel_loop3A_275, %parallel_loop3A_276] {strides = array<i32>} : memref<320x256xf32, #tpu.memory_space<vmem>>, vector<16xf32>,
        tpu.vector_store %arg13[%parallel_loop3A_275, %parallel_loop3A_276], %parallel_loop3A_274 {add = true, strides = array<i32>} : memref<320x256xf32, #tpu.memory_space<vmem>>, vector<16xf32>,
        %parallel_loop3A_278 = arith.index_cast %parallel_loop3A_203 : i32 to index
        %parallel_loop3A_279 = arith.constant 144 : index
        %parallel_loop3A_280 = tpu.vector_load %arg7[%parallel_loop3A_278, %parallel_loop3A_279] {strides = array<i32>} : memref<80x256xf32, #tpu.memory_space<vmem>>, vector<16xf32>,
        %parallel_loop3A_281 = arith.mulf %parallel_loop3A_280, %parallel_loop3A_207 : vector<16xf32>
        %parallel_loop3A_282 = arith.index_cast %parallel_loop3A_214 : i32 to index
        %parallel_loop3A_283 = arith.constant 144 : index
        %parallel_loop3A_284 = tpu.vector_load %arg13[%parallel_loop3A_282, %parallel_loop3A_283] {strides = array<i32>} : memref<320x256xf32, #tpu.memory_space<vmem>>, vector<16xf32>,
        tpu.vector_store %arg13[%parallel_loop3A_282, %parallel_loop3A_283], %parallel_loop3A_281 {add = true, strides = array<i32>} : memref<320x256xf32, #tpu.memory_space<vmem>>, vector<16xf32>,
        %parallel_loop3A_285 = arith.index_cast %parallel_loop3A_203 : i32 to index
        %parallel_loop3A_286 = arith.constant 160 : index
        %parallel_loop3A_287 = tpu.vector_load %arg7[%parallel_loop3A_285, %parallel_loop3A_286] {strides = array<i32>} : memref<80x256xf32, #tpu.memory_space<vmem>>, vector<16xf32>,
        %parallel_loop3A_288 = arith.mulf %parallel_loop3A_287, %parallel_loop3A_207 : vector<16xf32>
        %parallel_loop3A_289 = arith.index_cast %parallel_loop3A_214 : i32 to index
        %parallel_loop3A_290 = arith.constant 160 : index
        %parallel_loop3A_291 = tpu.vector_load %arg13[%parallel_loop3A_289, %parallel_loop3A_290] {strides = array<i32>} : memref<320x256xf32, #tpu.memory_space<vmem>>, vector<16xf32>,
        tpu.vector_store %arg13[%parallel_loop3A_289, %parallel_loop3A_290], %parallel_loop3A_288 {add = true, strides = array<i32>} : memref<320x256xf32, #tpu.memory_space<vmem>>, vector<16xf32>,
        %parallel_loop3A_292 = arith.index_cast %parallel_loop3A_203 : i32 to index
        %parallel_loop3A_293 = arith.constant 176 : index
        %parallel_loop3A_294 = tpu.vector_load %arg7[%parallel_loop3A_292, %parallel_loop3A_293] {strides = array<i32>} : memref<80x256xf32, #tpu.memory_space<vmem>>, vector<16xf32>,
        %parallel_loop3A_295 = arith.mulf %parallel_loop3A_294, %parallel_loop3A_207 : vector<16xf32>
        %parallel_loop3A_296 = arith.index_cast %parallel_loop3A_214 : i32 to index
        %parallel_loop3A_297 = arith.constant 176 : index
        %parallel_loop3A_298 = tpu.vector_load %arg13[%parallel_loop3A_296, %parallel_loop3A_297] {strides = array<i32>} : memref<320x256xf32, #tpu.memory_space<vmem>>, vector<16xf32>,
        tpu.vector_store %arg13[%parallel_loop3A_296, %parallel_loop3A_297], %parallel_loop3A_295 {add = true, strides = array<i32>} : memref<320x256xf32, #tpu.memory_space<vmem>>, vector<16xf32>,
        %parallel_loop3A_299 = arith.index_cast %parallel_loop3A_203 : i32 to index
        %parallel_loop3A_300 = arith.constant 192 : index
        %parallel_loop3A_301 = tpu.vector_load %arg7[%parallel_loop3A_299, %parallel_loop3A_300] {strides = array<i32>} : memref<80x256xf32, #tpu.memory_space<vmem>>, vector<16xf32>,
        %parallel_loop3A_302 = arith.mulf %parallel_loop3A_301, %parallel_loop3A_207 : vector<16xf32>
        %parallel_loop3A_303 = arith.index_cast %parallel_loop3A_214 : i32 to index
        %parallel_loop3A_304 = arith.constant 192 : index
        %parallel_loop3A_305 = tpu.vector_load %arg13[%parallel_loop3A_303, %parallel_loop3A_304] {strides = array<i32>} : memref<320x256xf32, #tpu.memory_space<vmem>>, vector<16xf32>,
        tpu.vector_store %arg13[%parallel_loop3A_303, %parallel_loop3A_304], %parallel_loop3A_302 {add = true, strides = array<i32>} : memref<320x256xf32, #tpu.memory_space<vmem>>, vector<16xf32>,
        %parallel_loop3A_306 = arith.index_cast %parallel_loop3A_203 : i32 to index
        %parallel_loop3A_307 = arith.constant 208 : index
        %parallel_loop3A_308 = tpu.vector_load %arg7[%parallel_loop3A_306, %parallel_loop3A_307] {strides = array<i32>} : memref<80x256xf32, #tpu.memory_space<vmem>>, vector<16xf32>,
        %parallel_loop3A_309 = arith.mulf %parallel_loop3A_308, %parallel_loop3A_207 : vector<16xf32>
        %parallel_loop3A_310 = arith.index_cast %parallel_loop3A_214 : i32 to index
        %parallel_loop3A_311 = arith.constant 208 : index
        %parallel_loop3A_312 = tpu.vector_load %arg13[%parallel_loop3A_310, %parallel_loop3A_311] {strides = array<i32>} : memref<320x256xf32, #tpu.memory_space<vmem>>, vector<16xf32>,
        tpu.vector_store %arg13[%parallel_loop3A_310, %parallel_loop3A_311], %parallel_loop3A_309 {add = true, strides = array<i32>} : memref<320x256xf32, #tpu.memory_space<vmem>>, vector<16xf32>,
        %parallel_loop3A_313 = arith.index_cast %parallel_loop3A_203 : i32 to index
        %parallel_loop3A_314 = arith.constant 224 : index
        %parallel_loop3A_315 = tpu.vector_load %arg7[%parallel_loop3A_313, %parallel_loop3A_314] {strides = array<i32>} : memref<80x256xf32, #tpu.memory_space<vmem>>, vector<16xf32>,
        %parallel_loop3A_316 = arith.mulf %parallel_loop3A_315, %parallel_loop3A_207 : vector<16xf32>
        %parallel_loop3A_317 = arith.index_cast %parallel_loop3A_214 : i32 to index
        %parallel_loop3A_318 = arith.constant 224 : index
        %parallel_loop3A_319 = tpu.vector_load %arg13[%parallel_loop3A_317, %parallel_loop3A_318] {strides = array<i32>} : memref<320x256xf32, #tpu.memory_space<vmem>>, vector<16xf32>,
        tpu.vector_store %arg13[%parallel_loop3A_317, %parallel_loop3A_318], %parallel_loop3A_316 {add = true, strides = array<i32>} : memref<320x256xf32, #tpu.memory_space<vmem>>, vector<16xf32>,
        %parallel_loop3A_320 = arith.index_cast %parallel_loop3A_203 : i32 to index
        %parallel_loop3A_321 = arith.constant 240 : index
        %parallel_loop3A_322 = tpu.vector_load %arg7[%parallel_loop3A_320, %parallel_loop3A_321] {strides = array<i32>} : memref<80x256xf32, #tpu.memory_space<vmem>>, vector<16xf32>,
        %parallel_loop3A_323 = arith.mulf %parallel_loop3A_322, %parallel_loop3A_207 : vector<16xf32>
        %parallel_loop3A_324 = arith.index_cast %parallel_loop3A_214 : i32 to index
        %parallel_loop3A_325 = arith.constant 240 : index
        %parallel_loop3A_326 = tpu.vector_load %arg13[%parallel_loop3A_324, %parallel_loop3A_325] {strides = array<i32>} : memref<320x256xf32, #tpu.memory_space<vmem>>, vector<16xf32>,
        tpu.vector_store %arg13[%parallel_loop3A_324, %parallel_loop3A_325], %parallel_loop3A_323 {add = true, strides = array<i32>} : memref<320x256xf32, #tpu.memory_space<vmem>>, vector<16xf32>,
        %parallel_loop3A_327 = arith.constant 16 : i32
        %parallel_loop3A_328 = arith.muli %parallel_loop3A_214, %parallel_loop3A_327 : i32
        %parallel_loop3A_329 = arith.index_cast %parallel_loop3A_328 : i32 to index
        %parallel_loop3A_330 = tpu.vector_load %arg14[%parallel_loop3A_329] {strides = array<i32>} : memref<5120xf32, #tpu.memory_space<vmem>>, vector<16xf32>,
        tpu.vector_store %arg14[%parallel_loop3A_329], %parallel_loop3A_207 {add = true, strides = array<i32>} : memref<5120xf32, #tpu.memory_space<vmem>>, vector<16xf32>,
      } {sc.loop_unroll_factor = 2 : i64, sc.parallel_access}
      %lt3A_193 = arith.cmpi slt, %add3A_112, %select_n3A : i32
      %convert_element_type3A_194 = arith.extui %lt3A_193 : i1 to i32
      %cond3A_195 = arith.constant 0 : i32
      %cond3A_196 = arith.cmpi ne, %convert_element_type3A_194, %cond3A_195 : i32
      scf.if %cond3A_196 {
        %mul3A_198 = arith.constant 64 : i32
        %mul3A_199 = arith.muli %add3A_112, %mul3A_198 : i32
        %add3A_200 = arith.addi %squeeze3A, %mul3A_199 : i32
        %jit3A_201 = arith.constant 8 : i32
        %div3A_202 = arith.divsi %add3A_200, %jit3A_201 : i32
        %sign3A_203 = arith.constant 0 : i32
        %sign3A_204 = arith.cmpi sgt, %add3A_200, %sign3A_203 : i32
        %sign3A_205 = arith.extui %sign3A_204 : i1 to i32
        %sign3A_206 = arith.constant 0 : i32
        %sign3A_207 = arith.cmpi slt, %add3A_200, %sign3A_206 : i32
        %sign3A_208 = arith.extui %sign3A_207 : i1 to i32
        %sign3A_209 = arith.subi %sign3A_205, %sign3A_208 : i32
        %sign3A_210 = arith.constant 0 : i32
        %sign3A_211 = arith.cmpi sgt, %jit3A_201, %sign3A_210 : i32
        %sign3A_212 = arith.extui %sign3A_211 : i1 to i32
        %sign3A_213 = arith.constant 0 : i32
        %sign3A_214 = arith.cmpi slt, %jit3A_201, %sign3A_213 : i32
        %sign3A_215 = arith.extui %sign3A_214 : i1 to i32
        %sign3A_216 = arith.subi %sign3A_212, %sign3A_215 : i32
        %ne3A_217 = arith.cmpi ne, %sign3A_209, %sign3A_216 : i32
        %rem3A_218 = arith.remsi %add3A_200, %jit3A_201 : i32
        %ne3A_219 = arith.constant 0 : i32
        %ne3A_220 = arith.cmpi ne, %rem3A_218, %ne3A_219 : i32
        %and3A_221 = arith.andi %ne3A_217, %ne3A_220 : i1
        %sub3A_222 = arith.constant 1 : i32
        %sub3A_223 = arith.subi %div3A_202, %sub3A_222 : i32
        %select_n3A_224 = arith.select %and3A_221, %sub3A_223, %div3A_202 : i32
        %mul3A_225 = arith.constant 8 : i32
        %mul3A_226 = arith.muli %select_n3A_224, %mul3A_225 : i32
        %min3A_227 = arith.constant 159920 : i32
        %min3A_228 = arith.minsi %mul3A_226, %min3A_227 : i32
        %dma_wait3A_229 = arith.constant 0 : i32
        %dma_wait3A_230 = tpu.memref_slice %arg2[%min3A_228, %dma_wait3A_229] : memref<160000x256xf32, #tpu.memory_space<hbm>> -> memref<80x256xf32, #tpu.memory_space<hbm>>
        %dma_wait3A_231 = arith.constant 0 : i32
        %dma_wait3A_232 = tpu.memref_slice %arg2[%min3A_228, %dma_wait3A_231] : memref<160000x256xf32, #tpu.memory_space<hbm>> -> memref<80x256xf32, #tpu.memory_space<hbm>>
        tpu.wait_dma2 semaphore(%arg18 : memref<!tpu.dma_semaphore, #tpu.memory_space<semaphore_mem>>) src(%dma_wait3A_232 : memref<80x256xf32, #tpu.memory_space<hbm>>) dst(%arg9 : memref<80x256xf32, #tpu.memory_space<vmem>>)
        %dma_wait3A_233 = arith.constant 0 : i32
        %dma_wait3A_234 = tpu.memref_slice %arg10[%dma_wait3A_233] : memref<96xi32, #tpu.memory_space<vmem>> -> memref<80xi32, #tpu.memory_space<vmem>>
        %dma_wait3A_235 = tpu.memref_slice %arg3[%min3A_228] : memref<160000xi32, #tpu.memory_space<hbm>> -> memref<80xi32, #tpu.memory_space<hbm>>
        %dma_wait3A_236 = arith.constant 0 : i32
        %dma_wait3A_237 = tpu.memref_slice %arg10[%dma_wait3A_236] : memref<96xi32, #tpu.memory_space<vmem>> -> memref<80xi32, #tpu.memory_space<vmem>>
        %dma_wait3A_238 = tpu.memref_slice %arg3[%min3A_228] : memref<160000xi32, #tpu.memory_space<hbm>> -> memref<80xi32, #tpu.memory_space<hbm>>
        tpu.wait_dma2 semaphore(%arg19 : memref<!tpu.dma_semaphore, #tpu.memory_space<semaphore_mem>>) src(%dma_wait3A_238 : memref<80xi32, #tpu.memory_space<hbm>>) dst(%dma_wait3A_237 : memref<80xi32, #tpu.memory_space<vmem>>)
        %add3A_239 = arith.constant 1 : i32
        %add3A_240 = arith.addi %add3A_112, %add3A_239 : i32
        %lt3A_241 = arith.cmpi slt, %add3A_240, %select_n3A : i32
        %convert_element_type3A_242 = arith.extui %lt3A_241 : i1 to i32
        %cond3A_243 = arith.constant 0 : i32
        %cond3A_244 = arith.cmpi ne, %convert_element_type3A_242, %cond3A_243 : i32
        scf.if %cond3A_244 {
          %add3A_283 = arith.constant 1 : i32
          %add3A_284 = arith.addi %add3A_112, %add3A_283 : i32
          %mul3A_285 = arith.constant 64 : i32
          %mul3A_286 = arith.muli %add3A_284, %mul3A_285 : i32
          %add3A_287 = arith.addi %squeeze3A, %mul3A_286 : i32
          %jit3A_288 = arith.constant 8 : i32
          %div3A_289 = arith.divsi %add3A_287, %jit3A_288 : i32
          %sign3A_290 = arith.constant 0 : i32
          %sign3A_291 = arith.cmpi sgt, %add3A_287, %sign3A_290 : i32
          %sign3A_292 = arith.extui %sign3A_291 : i1 to i32
          %sign3A_293 = arith.constant 0 : i32
          %sign3A_294 = arith.cmpi slt, %add3A_287, %sign3A_293 : i32
          %sign3A_295 = arith.extui %sign3A_294 : i1 to i32
          %sign3A_296 = arith.subi %sign3A_292, %sign3A_295 : i32
          %sign3A_297 = arith.constant 0 : i32
          %sign3A_298 = arith.cmpi sgt, %jit3A_288, %sign3A_297 : i32
          %sign3A_299 = arith.extui %sign3A_298 : i1 to i32
          %sign3A_300 = arith.constant 0 : i32
          %sign3A_301 = arith.cmpi slt, %jit3A_288, %sign3A_300 : i32
          %sign3A_302 = arith.extui %sign3A_301 : i1 to i32
          %sign3A_303 = arith.subi %sign3A_299, %sign3A_302 : i32
          %ne3A_304 = arith.cmpi ne, %sign3A_296, %sign3A_303 : i32
          %rem3A_305 = arith.remsi %add3A_287, %jit3A_288 : i32
          %ne3A_306 = arith.constant 0 : i32
          %ne3A_307 = arith.cmpi ne, %rem3A_305, %ne3A_306 : i32
          %and3A_308 = arith.andi %ne3A_304, %ne3A_307 : i1
          %sub3A_309 = arith.constant 1 : i32
          %sub3A_310 = arith.subi %div3A_289, %sub3A_309 : i32
          %select_n3A_311 = arith.select %and3A_308, %sub3A_310, %div3A_289 : i32
          %mul3A_312 = arith.constant 8 : i32
          %mul3A_313 = arith.muli %select_n3A_311, %mul3A_312 : i32
          %min3A_314 = arith.constant 159920 : i32
          %min3A_315 = arith.minsi %mul3A_313, %min3A_314 : i32
          %dma_start3A = arith.constant 0 : i32
          %dma_start3A_316 = tpu.memref_slice %arg2[%min3A_315, %dma_start3A] : memref<160000x256xf32, #tpu.memory_space<hbm>> -> memref<80x256xf32, #tpu.memory_space<hbm>>
          %dma_start3A_317 = arith.constant 0 : i32
          %dma_start3A_318 = tpu.memref_slice %arg2[%min3A_315, %dma_start3A_317] : memref<160000x256xf32, #tpu.memory_space<hbm>> -> memref<80x256xf32, #tpu.memory_space<hbm>>
          tpu.enqueue_dma source(%dma_start3A_318 : memref<80x256xf32, #tpu.memory_space<hbm>>) target(%arg7 : memref<80x256xf32, #tpu.memory_space<vmem>>) target_semaphore(%arg16 : memref<!tpu.dma_semaphore, #tpu.memory_space<semaphore_mem>>)
          %dma_start3A_319 = arith.constant 0 : i32
          %dma_start3A_320 = tpu.memref_slice %arg8[%dma_start3A_319] : memref<96xi32, #tpu.memory_space<vmem>> -> memref<80xi32, #tpu.memory_space<vmem>>
          %dma_start3A_321 = tpu.memref_slice %arg3[%min3A_315] : memref<160000xi32, #tpu.memory_space<hbm>> -> memref<80xi32, #tpu.memory_space<hbm>>
          %dma_start3A_322 = arith.constant 0 : i32
          %dma_start3A_323 = tpu.memref_slice %arg8[%dma_start3A_322] : memref<96xi32, #tpu.memory_space<vmem>> -> memref<80xi32, #tpu.memory_space<vmem>>
          %dma_start3A_324 = tpu.memref_slice %arg3[%min3A_315] : memref<160000xi32, #tpu.memory_space<hbm>> -> memref<80xi32, #tpu.memory_space<hbm>>
          tpu.enqueue_dma source(%dma_start3A_324 : memref<80xi32, #tpu.memory_space<hbm>>) target(%dma_start3A_323 : memref<80xi32, #tpu.memory_space<vmem>>) target_semaphore(%arg17 : memref<!tpu.dma_semaphore, #tpu.memory_space<semaphore_mem>>)
        } else {
        }
        %mul3A_245 = arith.constant 64 : i32
        %mul3A_246 = arith.muli %add3A_112, %mul3A_245 : i32
        %add3A_247 = arith.addi %squeeze3A, %mul3A_246 : i32
        %jit3A_248 = arith.constant 8 : i32
        %div3A_249 = arith.divsi %add3A_247, %jit3A_248 : i32
        %sign3A_250 = arith.constant 0 : i32
        %sign3A_251 = arith.cmpi sgt, %add3A_247, %sign3A_250 : i32
        %sign3A_252 = arith.extui %sign3A_251 : i1 to i32
        %sign3A_253 = arith.constant 0 : i32
        %sign3A_254 = arith.cmpi slt, %add3A_247, %sign3A_253 : i32
        %sign3A_255 = arith.extui %sign3A_254 : i1 to i32
        %sign3A_256 = arith.subi %sign3A_252, %sign3A_255 : i32
        %sign3A_257 = arith.constant 0 : i32
        %sign3A_258 = arith.cmpi sgt, %jit3A_248, %sign3A_257 : i32
        %sign3A_259 = arith.extui %sign3A_258 : i1 to i32
        %sign3A_260 = arith.constant 0 : i32
        %sign3A_261 = arith.cmpi slt, %jit3A_248, %sign3A_260 : i32
        %sign3A_262 = arith.extui %sign3A_261 : i1 to i32
        %sign3A_263 = arith.subi %sign3A_259, %sign3A_262 : i32
        %ne3A_264 = arith.cmpi ne, %sign3A_256, %sign3A_263 : i32
        %rem3A_265 = arith.remsi %add3A_247, %jit3A_248 : i32
        %ne3A_266 = arith.constant 0 : i32
        %ne3A_267 = arith.cmpi ne, %rem3A_265, %ne3A_266 : i32
        %and3A_268 = arith.andi %ne3A_264, %ne3A_267 : i1
        %sub3A_269 = arith.constant 1 : i32
        %sub3A_270 = arith.subi %div3A_249, %sub3A_269 : i32
        %select_n3A_271 = arith.select %and3A_268, %sub3A_270, %div3A_249 : i32
        %mul3A_272 = arith.constant 8 : i32
        %mul3A_273 = arith.muli %select_n3A_271, %mul3A_272 : i32
        %min3A_274 = arith.constant 159920 : i32
        %min3A_275 = arith.minsi %mul3A_273, %min3A_274 : i32
        %sub3A_276 = arith.subi %add3A_247, %min3A_275 : i32
        %parallel_loop3A_277 = arith.constant 0 : i32
        %parallel_loop3A_278 = arith.constant 64 : i32
        %parallel_loop3A_279 = arith.constant 1 : i32
        scf.for %parallel_loop3A_283 = %parallel_loop3A_277 to %parallel_loop3A_278 step %parallel_loop3A_279  : i32 {
          %parallel_loop3A_284 = arith.addi %add3A_247, %parallel_loop3A_283 : i32
          %parallel_loop3A_285 = arith.cmpi slt, %parallel_loop3A_284, %squeeze3A_3 : i32
          %parallel_loop3A_286 = arith.addi %sub3A_276, %parallel_loop3A_283 : i32
          %parallel_loop3A_287 = arith.constant 79 : i32
          %parallel_loop3A_288 = arith.minsi %parallel_loop3A_286, %parallel_loop3A_287 : i32
          %parallel_loop3A_289 = arith.index_cast %parallel_loop3A_288 : i32 to index
          %parallel_loop3A_290 = arith.constant 0 : index
          %parallel_loop3A_291 = tpu.vector_load %arg9[%parallel_loop3A_289, %parallel_loop3A_290] {strides = array<i32>} : memref<80x256xf32, #tpu.memory_space<vmem>>, vector<16xf32>,
          %parallel_loop3A_292 = arith.index_cast %parallel_loop3A_288 : i32 to index
          %parallel_loop3A_293 = arith.constant 16 : index
          %parallel_loop3A_294 = tpu.vector_load %arg9[%parallel_loop3A_292, %parallel_loop3A_293] {strides = array<i32>} : memref<80x256xf32, #tpu.memory_space<vmem>>, vector<16xf32>,
          %parallel_loop3A_295 = arith.index_cast %parallel_loop3A_288 : i32 to index
          %parallel_loop3A_296 = arith.constant 32 : index
          %parallel_loop3A_297 = tpu.vector_load %arg9[%parallel_loop3A_295, %parallel_loop3A_296] {strides = array<i32>} : memref<80x256xf32, #tpu.memory_space<vmem>>, vector<16xf32>,
          %parallel_loop3A_298 = arith.index_cast %parallel_loop3A_288 : i32 to index
          %parallel_loop3A_299 = arith.constant 48 : index
          %parallel_loop3A_300 = tpu.vector_load %arg9[%parallel_loop3A_298, %parallel_loop3A_299] {strides = array<i32>} : memref<80x256xf32, #tpu.memory_space<vmem>>, vector<16xf32>,
          %parallel_loop3A_301 = arith.index_cast %parallel_loop3A_288 : i32 to index
          %parallel_loop3A_302 = arith.constant 64 : index
          %parallel_loop3A_303 = tpu.vector_load %arg9[%parallel_loop3A_301, %parallel_loop3A_302] {strides = array<i32>} : memref<80x256xf32, #tpu.memory_space<vmem>>, vector<16xf32>,
          %parallel_loop3A_304 = arith.index_cast %parallel_loop3A_288 : i32 to index
          %parallel_loop3A_305 = arith.constant 80 : index
          %parallel_loop3A_306 = tpu.vector_load %arg9[%parallel_loop3A_304, %parallel_loop3A_305] {strides = array<i32>} : memref<80x256xf32, #tpu.memory_space<vmem>>, vector<16xf32>,
          %parallel_loop3A_307 = arith.index_cast %parallel_loop3A_288 : i32 to index
          %parallel_loop3A_308 = arith.constant 96 : index
          %parallel_loop3A_309 = tpu.vector_load %arg9[%parallel_loop3A_307, %parallel_loop3A_308] {strides = array<i32>} : memref<80x256xf32, #tpu.memory_space<vmem>>, vector<16xf32>,
          %parallel_loop3A_310 = arith.index_cast %parallel_loop3A_288 : i32 to index
          %parallel_loop3A_311 = arith.constant 112 : index
          %parallel_loop3A_312 = tpu.vector_load %arg9[%parallel_loop3A_310, %parallel_loop3A_311] {strides = array<i32>} : memref<80x256xf32, #tpu.memory_space<vmem>>, vector<16xf32>,
          %parallel_loop3A_313 = arith.index_cast %parallel_loop3A_288 : i32 to index
          %parallel_loop3A_314 = arith.constant 128 : index
          %parallel_loop3A_315 = tpu.vector_load %arg9[%parallel_loop3A_313, %parallel_loop3A_314] {strides = array<i32>} : memref<80x256xf32, #tpu.memory_space<vmem>>, vector<16xf32>,
          %parallel_loop3A_316 = arith.index_cast %parallel_loop3A_288 : i32 to index
          %parallel_loop3A_317 = arith.constant 144 : index
          %parallel_loop3A_318 = tpu.vector_load %arg9[%parallel_loop3A_316, %parallel_loop3A_317] {strides = array<i32>} : memref<80x256xf32, #tpu.memory_space<vmem>>, vector<16xf32>,
          %parallel_loop3A_319 = arith.index_cast %parallel_loop3A_288 : i32 to index
          %parallel_loop3A_320 = arith.constant 160 : index
          %parallel_loop3A_321 = tpu.vector_load %arg9[%parallel_loop3A_319, %parallel_loop3A_320] {strides = array<i32>} : memref<80x256xf32, #tpu.memory_space<vmem>>, vector<16xf32>,
          %parallel_loop3A_322 = arith.index_cast %parallel_loop3A_288 : i32 to index
          %parallel_loop3A_323 = arith.constant 176 : index
          %parallel_loop3A_324 = tpu.vector_load %arg9[%parallel_loop3A_322, %parallel_loop3A_323] {strides = array<i32>} : memref<80x256xf32, #tpu.memory_space<vmem>>, vector<16xf32>,
          %parallel_loop3A_325 = arith.index_cast %parallel_loop3A_288 : i32 to index
          %parallel_loop3A_326 = arith.constant 192 : index
          %parallel_loop3A_327 = tpu.vector_load %arg9[%parallel_loop3A_325, %parallel_loop3A_326] {strides = array<i32>} : memref<80x256xf32, #tpu.memory_space<vmem>>, vector<16xf32>,
          %parallel_loop3A_328 = arith.index_cast %parallel_loop3A_288 : i32 to index
          %parallel_loop3A_329 = arith.constant 208 : index
          %parallel_loop3A_330 = tpu.vector_load %arg9[%parallel_loop3A_328, %parallel_loop3A_329] {strides = array<i32>} : memref<80x256xf32, #tpu.memory_space<vmem>>, vector<16xf32>,
          %parallel_loop3A_331 = arith.index_cast %parallel_loop3A_288 : i32 to index
          %parallel_loop3A_332 = arith.constant 224 : index
          %parallel_loop3A_333 = tpu.vector_load %arg9[%parallel_loop3A_331, %parallel_loop3A_332] {strides = array<i32>} : memref<80x256xf32, #tpu.memory_space<vmem>>, vector<16xf32>,
          %parallel_loop3A_334 = arith.index_cast %parallel_loop3A_288 : i32 to index
          %parallel_loop3A_335 = arith.constant 240 : index
          %parallel_loop3A_336 = tpu.vector_load %arg9[%parallel_loop3A_334, %parallel_loop3A_335] {strides = array<i32>} : memref<80x256xf32, #tpu.memory_space<vmem>>, vector<16xf32>,
          %parallel_loop3A_337 = arith.mulf %parallel_loop3A_291, %get3A_34 : vector<16xf32>
          %parallel_loop3A_338 = arith.mulf %parallel_loop3A_294, %get3A_36 : vector<16xf32>
          %parallel_loop3A_339 = arith.mulf %parallel_loop3A_297, %get3A_38 : vector<16xf32>
          %parallel_loop3A_340 = arith.mulf %parallel_loop3A_300, %get3A_40 : vector<16xf32>
          %parallel_loop3A_341 = arith.mulf %parallel_loop3A_303, %get3A_42 : vector<16xf32>
          %parallel_loop3A_342 = arith.addf %parallel_loop3A_337, %parallel_loop3A_341 : vector<16xf32>
          %parallel_loop3A_343 = arith.mulf %parallel_loop3A_306, %get3A_44 : vector<16xf32>
          %parallel_loop3A_344 = arith.addf %parallel_loop3A_338, %parallel_loop3A_343 : vector<16xf32>
          %parallel_loop3A_345 = arith.mulf %parallel_loop3A_309, %get3A_46 : vector<16xf32>
          %parallel_loop3A_346 = arith.addf %parallel_loop3A_339, %parallel_loop3A_345 : vector<16xf32>
          %parallel_loop3A_347 = arith.mulf %parallel_loop3A_312, %get3A_48 : vector<16xf32>
          %parallel_loop3A_348 = arith.addf %parallel_loop3A_340, %parallel_loop3A_347 : vector<16xf32>
          %parallel_loop3A_349 = arith.mulf %parallel_loop3A_315, %get3A_50 : vector<16xf32>
          %parallel_loop3A_350 = arith.addf %parallel_loop3A_342, %parallel_loop3A_349 : vector<16xf32>
          %parallel_loop3A_351 = arith.mulf %parallel_loop3A_318, %get3A_52 : vector<16xf32>
          %parallel_loop3A_352 = arith.addf %parallel_loop3A_344, %parallel_loop3A_351 : vector<16xf32>
          %parallel_loop3A_353 = arith.mulf %parallel_loop3A_321, %get3A_54 : vector<16xf32>
          %parallel_loop3A_354 = arith.addf %parallel_loop3A_346, %parallel_loop3A_353 : vector<16xf32>
          %parallel_loop3A_355 = arith.mulf %parallel_loop3A_324, %get3A_56 : vector<16xf32>
          %parallel_loop3A_356 = arith.addf %parallel_loop3A_348, %parallel_loop3A_355 : vector<16xf32>
          %parallel_loop3A_357 = arith.mulf %parallel_loop3A_327, %get3A_58 : vector<16xf32>
          %parallel_loop3A_358 = arith.addf %parallel_loop3A_350, %parallel_loop3A_357 : vector<16xf32>
          %parallel_loop3A_359 = arith.mulf %parallel_loop3A_330, %get3A_60 : vector<16xf32>
          %parallel_loop3A_360 = arith.addf %parallel_loop3A_352, %parallel_loop3A_359 : vector<16xf32>
          %parallel_loop3A_361 = arith.mulf %parallel_loop3A_333, %get3A_62 : vector<16xf32>
          %parallel_loop3A_362 = arith.addf %parallel_loop3A_354, %parallel_loop3A_361 : vector<16xf32>
          %parallel_loop3A_363 = arith.mulf %parallel_loop3A_336, %get3A_64 : vector<16xf32>
          %parallel_loop3A_364 = arith.addf %parallel_loop3A_356, %parallel_loop3A_363 : vector<16xf32>
          %parallel_loop3A_365 = arith.addf %parallel_loop3A_358, %parallel_loop3A_360 : vector<16xf32>
          %parallel_loop3A_366 = arith.addf %parallel_loop3A_362, %parallel_loop3A_364 : vector<16xf32>
          %parallel_loop3A_367 = arith.addf %parallel_loop3A_365, %parallel_loop3A_366 : vector<16xf32>
          %parallel_loop3A_368 = arith.constant 8 : i32
          %parallel_loop3A_369 = vector.broadcast %parallel_loop3A_368 : i32 to vector<16xi32>
          %parallel_loop3A_370 = arith.addi %iota3A, %parallel_loop3A_369 : vector<16xi32>
          %parallel_loop3A_371 = arith.constant 16 : i32
          %parallel_loop3A_372 = arith.constant 0 : i32
          %parallel_loop3A_373 = arith.cmpi eq, %parallel_loop3A_371, %parallel_loop3A_372 : i32
          %parallel_loop3A_374 = arith.constant 1 : i32
          %parallel_loop3A_375 = arith.select %parallel_loop3A_373, %parallel_loop3A_374, %parallel_loop3A_371 : i32
          %parallel_loop3A_376 = vector.broadcast %parallel_loop3A_375 : i32 to vector<16xi32>
          %parallel_loop3A_377 = arith.remsi %parallel_loop3A_370, %parallel_loop3A_376 : vector<16xi32>
          %parallel_loop3A_378 = arith.constant 0 : i32
          %parallel_loop3A_379 = vector.broadcast %parallel_loop3A_378 : i32 to vector<16xi32>
          %parallel_loop3A_380 = arith.cmpi ne, %parallel_loop3A_377, %parallel_loop3A_379 : vector<16xi32>
          %parallel_loop3A_381 = arith.constant 0 : i32
          %parallel_loop3A_382 = vector.broadcast %parallel_loop3A_381 : i32 to vector<16xi32>
          %parallel_loop3A_383 = arith.cmpi slt, %parallel_loop3A_377, %parallel_loop3A_382 : vector<16xi32>
          %parallel_loop3A_384 = arith.constant 0 : i32
          %parallel_loop3A_385 = arith.cmpi slt, %parallel_loop3A_375, %parallel_loop3A_384 : i32
          %parallel_loop3A_386 = vector.broadcast %parallel_loop3A_385 : i1 to vector<16xi1>
          %parallel_loop3A_387 = vector.broadcast %parallel_loop3A_386 : vector<16xi1> to vector<16xi1>
          %parallel_loop3A_388 = arith.xori %parallel_loop3A_383, %parallel_loop3A_387 : vector<16xi1>
          %parallel_loop3A_389 = arith.andi %parallel_loop3A_388, %parallel_loop3A_380 : vector<16xi1>
          %parallel_loop3A_390 = vector.broadcast %parallel_loop3A_375 : i32 to vector<16xi32>
          %parallel_loop3A_391 = arith.addi %parallel_loop3A_377, %parallel_loop3A_390 : vector<16xi32>
          %parallel_loop3A_392 = arith.select %parallel_loop3A_389, %parallel_loop3A_391, %parallel_loop3A_377 : vector<16xi1>, vector<16xi32>
          %parallel_loop3A_393 = arith.constant 0 : i32
          %parallel_loop3A_394 = vector.broadcast %parallel_loop3A_393 : i32 to vector<16xi32>
          %parallel_loop3A_395 = arith.cmpi slt, %parallel_loop3A_392, %parallel_loop3A_394 : vector<16xi32>
          %parallel_loop3A_396 = arith.constant 16 : i32
          %parallel_loop3A_397 = vector.broadcast %parallel_loop3A_396 : i32 to vector<16xi32>
          %parallel_loop3A_398 = arith.addi %parallel_loop3A_392, %parallel_loop3A_397 : vector<16xi32>
          %parallel_loop3A_399 = arith.select %parallel_loop3A_395, %parallel_loop3A_398, %parallel_loop3A_392 : vector<16xi1>, vector<16xi32>
          %parallel_loop3A_400 = vector.shape_cast %parallel_loop3A_399 : vector<16xi32> to vector<16x1xi32>
          %parallel_loop3A_401 = vector.shape_cast %parallel_loop3A_400 : vector<16x1xi32> to vector<16xi32>
          %parallel_loop3A_402 = tpu.dynamic_gather %parallel_loop3A_367[%parallel_loop3A_401] in [0] : vector<16xf32>, vector<16xi32> -> vector<16xf32>
          %parallel_loop3A_403 = arith.addf %parallel_loop3A_367, %parallel_loop3A_402 : vector<16xf32>
          %parallel_loop3A_404 = arith.constant 4 : i32
          %parallel_loop3A_405 = vector.broadcast %parallel_loop3A_404 : i32 to vector<16xi32>
          %parallel_loop3A_406 = arith.addi %iota3A, %parallel_loop3A_405 : vector<16xi32>
          %parallel_loop3A_407 = arith.constant 16 : i32
          %parallel_loop3A_408 = arith.constant 0 : i32
          %parallel_loop3A_409 = arith.cmpi eq, %parallel_loop3A_407, %parallel_loop3A_408 : i32
          %parallel_loop3A_410 = arith.constant 1 : i32
          %parallel_loop3A_411 = arith.select %parallel_loop3A_409, %parallel_loop3A_410, %parallel_loop3A_407 : i32
          %parallel_loop3A_412 = vector.broadcast %parallel_loop3A_411 : i32 to vector<16xi32>
          %parallel_loop3A_413 = arith.remsi %parallel_loop3A_406, %parallel_loop3A_412 : vector<16xi32>
          %parallel_loop3A_414 = arith.constant 0 : i32
          %parallel_loop3A_415 = vector.broadcast %parallel_loop3A_414 : i32 to vector<16xi32>
          %parallel_loop3A_416 = arith.cmpi ne, %parallel_loop3A_413, %parallel_loop3A_415 : vector<16xi32>
          %parallel_loop3A_417 = arith.constant 0 : i32
          %parallel_loop3A_418 = vector.broadcast %parallel_loop3A_417 : i32 to vector<16xi32>
          %parallel_loop3A_419 = arith.cmpi slt, %parallel_loop3A_413, %parallel_loop3A_418 : vector<16xi32>
          %parallel_loop3A_420 = arith.constant 0 : i32
          %parallel_loop3A_421 = arith.cmpi slt, %parallel_loop3A_411, %parallel_loop3A_420 : i32
          %parallel_loop3A_422 = vector.broadcast %parallel_loop3A_421 : i1 to vector<16xi1>
          %parallel_loop3A_423 = vector.broadcast %parallel_loop3A_422 : vector<16xi1> to vector<16xi1>
          %parallel_loop3A_424 = arith.xori %parallel_loop3A_419, %parallel_loop3A_423 : vector<16xi1>
          %parallel_loop3A_425 = arith.andi %parallel_loop3A_424, %parallel_loop3A_416 : vector<16xi1>
          %parallel_loop3A_426 = vector.broadcast %parallel_loop3A_411 : i32 to vector<16xi32>
          %parallel_loop3A_427 = arith.addi %parallel_loop3A_413, %parallel_loop3A_426 : vector<16xi32>
          %parallel_loop3A_428 = arith.select %parallel_loop3A_425, %parallel_loop3A_427, %parallel_loop3A_413 : vector<16xi1>, vector<16xi32>
          %parallel_loop3A_429 = arith.constant 0 : i32
          %parallel_loop3A_430 = vector.broadcast %parallel_loop3A_429 : i32 to vector<16xi32>
          %parallel_loop3A_431 = arith.cmpi slt, %parallel_loop3A_428, %parallel_loop3A_430 : vector<16xi32>
          %parallel_loop3A_432 = arith.constant 16 : i32
          %parallel_loop3A_433 = vector.broadcast %parallel_loop3A_432 : i32 to vector<16xi32>
          %parallel_loop3A_434 = arith.addi %parallel_loop3A_428, %parallel_loop3A_433 : vector<16xi32>
          %parallel_loop3A_435 = arith.select %parallel_loop3A_431, %parallel_loop3A_434, %parallel_loop3A_428 : vector<16xi1>, vector<16xi32>
          %parallel_loop3A_436 = vector.shape_cast %parallel_loop3A_435 : vector<16xi32> to vector<16x1xi32>
          %parallel_loop3A_437 = vector.shape_cast %parallel_loop3A_436 : vector<16x1xi32> to vector<16xi32>
          %parallel_loop3A_438 = tpu.dynamic_gather %parallel_loop3A_403[%parallel_loop3A_437] in [0] : vector<16xf32>, vector<16xi32> -> vector<16xf32>
          %parallel_loop3A_439 = arith.addf %parallel_loop3A_403, %parallel_loop3A_438 : vector<16xf32>
          %parallel_loop3A_440 = arith.constant 2 : i32
          %parallel_loop3A_441 = vector.broadcast %parallel_loop3A_440 : i32 to vector<16xi32>
          %parallel_loop3A_442 = arith.addi %iota3A, %parallel_loop3A_441 : vector<16xi32>
          %parallel_loop3A_443 = arith.constant 16 : i32
          %parallel_loop3A_444 = arith.constant 0 : i32
          %parallel_loop3A_445 = arith.cmpi eq, %parallel_loop3A_443, %parallel_loop3A_444 : i32
          %parallel_loop3A_446 = arith.constant 1 : i32
          %parallel_loop3A_447 = arith.select %parallel_loop3A_445, %parallel_loop3A_446, %parallel_loop3A_443 : i32
          %parallel_loop3A_448 = vector.broadcast %parallel_loop3A_447 : i32 to vector<16xi32>
          %parallel_loop3A_449 = arith.remsi %parallel_loop3A_442, %parallel_loop3A_448 : vector<16xi32>
          %parallel_loop3A_450 = arith.constant 0 : i32
          %parallel_loop3A_451 = vector.broadcast %parallel_loop3A_450 : i32 to vector<16xi32>
          %parallel_loop3A_452 = arith.cmpi ne, %parallel_loop3A_449, %parallel_loop3A_451 : vector<16xi32>
          %parallel_loop3A_453 = arith.constant 0 : i32
          %parallel_loop3A_454 = vector.broadcast %parallel_loop3A_453 : i32 to vector<16xi32>
          %parallel_loop3A_455 = arith.cmpi slt, %parallel_loop3A_449, %parallel_loop3A_454 : vector<16xi32>
          %parallel_loop3A_456 = arith.constant 0 : i32
          %parallel_loop3A_457 = arith.cmpi slt, %parallel_loop3A_447, %parallel_loop3A_456 : i32
          %parallel_loop3A_458 = vector.broadcast %parallel_loop3A_457 : i1 to vector<16xi1>
          %parallel_loop3A_459 = vector.broadcast %parallel_loop3A_458 : vector<16xi1> to vector<16xi1>
          %parallel_loop3A_460 = arith.xori %parallel_loop3A_455, %parallel_loop3A_459 : vector<16xi1>
          %parallel_loop3A_461 = arith.andi %parallel_loop3A_460, %parallel_loop3A_452 : vector<16xi1>
          %parallel_loop3A_462 = vector.broadcast %parallel_loop3A_447 : i32 to vector<16xi32>
          %parallel_loop3A_463 = arith.addi %parallel_loop3A_449, %parallel_loop3A_462 : vector<16xi32>
          %parallel_loop3A_464 = arith.select %parallel_loop3A_461, %parallel_loop3A_463, %parallel_loop3A_449 : vector<16xi1>, vector<16xi32>
          %parallel_loop3A_465 = arith.constant 0 : i32
          %parallel_loop3A_466 = vector.broadcast %parallel_loop3A_465 : i32 to vector<16xi32>
          %parallel_loop3A_467 = arith.cmpi slt, %parallel_loop3A_464, %parallel_loop3A_466 : vector<16xi32>
          %parallel_loop3A_468 = arith.constant 16 : i32
          %parallel_loop3A_469 = vector.broadcast %parallel_loop3A_468 : i32 to vector<16xi32>
          %parallel_loop3A_470 = arith.addi %parallel_loop3A_464, %parallel_loop3A_469 : vector<16xi32>
          %parallel_loop3A_471 = arith.select %parallel_loop3A_467, %parallel_loop3A_470, %parallel_loop3A_464 : vector<16xi1>, vector<16xi32>
          %parallel_loop3A_472 = vector.shape_cast %parallel_loop3A_471 : vector<16xi32> to vector<16x1xi32>
          %parallel_loop3A_473 = vector.shape_cast %parallel_loop3A_472 : vector<16x1xi32> to vector<16xi32>
          %parallel_loop3A_474 = tpu.dynamic_gather %parallel_loop3A_439[%parallel_loop3A_473] in [0] : vector<16xf32>, vector<16xi32> -> vector<16xf32>
          %parallel_loop3A_475 = arith.addf %parallel_loop3A_439, %parallel_loop3A_474 : vector<16xf32>
          %parallel_loop3A_476 = arith.constant 1 : i32
          %parallel_loop3A_477 = vector.broadcast %parallel_loop3A_476 : i32 to vector<16xi32>
          %parallel_loop3A_478 = arith.addi %iota3A, %parallel_loop3A_477 : vector<16xi32>
          %parallel_loop3A_479 = arith.constant 16 : i32
          %parallel_loop3A_480 = arith.constant 0 : i32
          %parallel_loop3A_481 = arith.cmpi eq, %parallel_loop3A_479, %parallel_loop3A_480 : i32
          %parallel_loop3A_482 = arith.constant 1 : i32
          %parallel_loop3A_483 = arith.select %parallel_loop3A_481, %parallel_loop3A_482, %parallel_loop3A_479 : i32
          %parallel_loop3A_484 = vector.broadcast %parallel_loop3A_483 : i32 to vector<16xi32>
          %parallel_loop3A_485 = arith.remsi %parallel_loop3A_478, %parallel_loop3A_484 : vector<16xi32>
          %parallel_loop3A_486 = arith.constant 0 : i32
          %parallel_loop3A_487 = vector.broadcast %parallel_loop3A_486 : i32 to vector<16xi32>
          %parallel_loop3A_488 = arith.cmpi ne, %parallel_loop3A_485, %parallel_loop3A_487 : vector<16xi32>
          %parallel_loop3A_489 = arith.constant 0 : i32
          %parallel_loop3A_490 = vector.broadcast %parallel_loop3A_489 : i32 to vector<16xi32>
          %parallel_loop3A_491 = arith.cmpi slt, %parallel_loop3A_485, %parallel_loop3A_490 : vector<16xi32>
          %parallel_loop3A_492 = arith.constant 0 : i32
          %parallel_loop3A_493 = arith.cmpi slt, %parallel_loop3A_483, %parallel_loop3A_492 : i32
          %parallel_loop3A_494 = vector.broadcast %parallel_loop3A_493 : i1 to vector<16xi1>
          %parallel_loop3A_495 = vector.broadcast %parallel_loop3A_494 : vector<16xi1> to vector<16xi1>
          %parallel_loop3A_496 = arith.xori %parallel_loop3A_491, %parallel_loop3A_495 : vector<16xi1>
          %parallel_loop3A_497 = arith.andi %parallel_loop3A_496, %parallel_loop3A_488 : vector<16xi1>
          %parallel_loop3A_498 = vector.broadcast %parallel_loop3A_483 : i32 to vector<16xi32>
          %parallel_loop3A_499 = arith.addi %parallel_loop3A_485, %parallel_loop3A_498 : vector<16xi32>
          %parallel_loop3A_500 = arith.select %parallel_loop3A_497, %parallel_loop3A_499, %parallel_loop3A_485 : vector<16xi1>, vector<16xi32>
          %parallel_loop3A_501 = arith.constant 0 : i32
          %parallel_loop3A_502 = vector.broadcast %parallel_loop3A_501 : i32 to vector<16xi32>
          %parallel_loop3A_503 = arith.cmpi slt, %parallel_loop3A_500, %parallel_loop3A_502 : vector<16xi32>
          %parallel_loop3A_504 = arith.constant 16 : i32
          %parallel_loop3A_505 = vector.broadcast %parallel_loop3A_504 : i32 to vector<16xi32>
          %parallel_loop3A_506 = arith.addi %parallel_loop3A_500, %parallel_loop3A_505 : vector<16xi32>
          %parallel_loop3A_507 = arith.select %parallel_loop3A_503, %parallel_loop3A_506, %parallel_loop3A_500 : vector<16xi1>, vector<16xi32>
          %parallel_loop3A_508 = vector.shape_cast %parallel_loop3A_507 : vector<16xi32> to vector<16x1xi32>
          %parallel_loop3A_509 = vector.shape_cast %parallel_loop3A_508 : vector<16x1xi32> to vector<16xi32>
          %parallel_loop3A_510 = tpu.dynamic_gather %parallel_loop3A_475[%parallel_loop3A_509] in [0] : vector<16xf32>, vector<16xi32> -> vector<16xf32>
          %parallel_loop3A_511 = arith.addf %parallel_loop3A_475, %parallel_loop3A_510 : vector<16xf32>
          %parallel_loop3A_512 = arith.constant 1.000000e+00 : f32
          %parallel_loop3A_513 = arith.constant 0.000000e+00 : f32
          %parallel_loop3A_514 = arith.select %parallel_loop3A_285, %parallel_loop3A_512, %parallel_loop3A_513 : f32
          %parallel_loop3A_515 = math.exp %parallel_loop3A_511 : vector<16xf32>
          %parallel_loop3A_516 = vector.broadcast %parallel_loop3A_514 : f32 to vector<16xf32>
          %parallel_loop3A_517 = arith.mulf %parallel_loop3A_515, %parallel_loop3A_516 : vector<16xf32>
          %parallel_loop3A_518 = arith.constant 16 : i32
          %parallel_loop3A_519 = arith.muli %parallel_loop3A_283, %parallel_loop3A_518 : i32
          %parallel_loop3A_520 = arith.index_cast %parallel_loop3A_519 : i32 to index
          %parallel_loop3A_521 = tpu.vector_load %arg15[%parallel_loop3A_520] {strides = array<i32>} : memref<1024xf32, #tpu.memory_space<vmem>>, vector<16xf32>,
          tpu.vector_store %arg15[%parallel_loop3A_520], %parallel_loop3A_517 {strides = array<i32>} : memref<1024xf32, #tpu.memory_space<vmem>>, vector<16xf32>,
        } {sc.loop_unroll_factor = 2 : i64, sc.parallel_access}
        %parallel_loop3A_280 = arith.constant 0 : i32
        %parallel_loop3A_281 = arith.constant 64 : i32
        %parallel_loop3A_282 = arith.constant 1 : i32
        scf.for %parallel_loop3A_283 = %parallel_loop3A_280 to %parallel_loop3A_281 step %parallel_loop3A_282  : i32 {
          %parallel_loop3A_284 = arith.addi %add3A_247, %parallel_loop3A_283 : i32
          %parallel_loop3A_285 = arith.cmpi slt, %parallel_loop3A_284, %squeeze3A_3 : i32
          %parallel_loop3A_286 = arith.addi %sub3A_276, %parallel_loop3A_283 : i32
          %parallel_loop3A_287 = arith.constant 79 : i32
          %parallel_loop3A_288 = arith.minsi %parallel_loop3A_286, %parallel_loop3A_287 : i32
          %parallel_loop3A_289 = arith.constant 16 : i32
          %parallel_loop3A_290 = arith.muli %parallel_loop3A_283, %parallel_loop3A_289 : i32
          %parallel_loop3A_291 = arith.index_cast %parallel_loop3A_290 : i32 to index
          %parallel_loop3A_292 = tpu.vector_load %arg15[%parallel_loop3A_291] {strides = array<i32>} : memref<1024xf32, #tpu.memory_space<vmem>>, vector<16xf32>,
          %parallel_loop3A_293 = arith.index_cast %parallel_loop3A_288 : i32 to index
          %parallel_loop3A_294 = tpu.vector_load %arg10[%parallel_loop3A_293] {strides = array<i32>} : memref<96xi32, #tpu.memory_space<vmem>>, vector<16xi32>,
          %parallel_loop3A_295 = vector.extract_strided_slice %parallel_loop3A_294 {offsets = [0], sizes = [1], strides = [1]} : vector<16xi32> to vector<1xi32>
          %parallel_loop3A_296 = vector.extract %parallel_loop3A_295[0] : i32 from vector<1xi32>
          %parallel_loop3A_297 = arith.subi %parallel_loop3A_296, %mul3A_5 : i32
          %parallel_loop3A_298 = arith.constant 0 : i32
          %parallel_loop3A_299 = arith.select %parallel_loop3A_285, %parallel_loop3A_297, %parallel_loop3A_298 : i32
          %parallel_loop3A_300 = arith.index_cast %parallel_loop3A_288 : i32 to index
          %parallel_loop3A_301 = arith.constant 0 : index
          %parallel_loop3A_302 = tpu.vector_load %arg9[%parallel_loop3A_300, %parallel_loop3A_301] {strides = array<i32>} : memref<80x256xf32, #tpu.memory_space<vmem>>, vector<16xf32>,
          %parallel_loop3A_303 = arith.mulf %parallel_loop3A_302, %parallel_loop3A_292 : vector<16xf32>
          %parallel_loop3A_304 = arith.index_cast %parallel_loop3A_299 : i32 to index
          %parallel_loop3A_305 = arith.constant 0 : index
          %parallel_loop3A_306 = tpu.vector_load %arg13[%parallel_loop3A_304, %parallel_loop3A_305] {strides = array<i32>} : memref<320x256xf32, #tpu.memory_space<vmem>>, vector<16xf32>,
          tpu.vector_store %arg13[%parallel_loop3A_304, %parallel_loop3A_305], %parallel_loop3A_303 {add = true, strides = array<i32>} : memref<320x256xf32, #tpu.memory_space<vmem>>, vector<16xf32>,
          %parallel_loop3A_307 = arith.index_cast %parallel_loop3A_288 : i32 to index
          %parallel_loop3A_308 = arith.constant 16 : index
          %parallel_loop3A_309 = tpu.vector_load %arg9[%parallel_loop3A_307, %parallel_loop3A_308] {strides = array<i32>} : memref<80x256xf32, #tpu.memory_space<vmem>>, vector<16xf32>,
          %parallel_loop3A_310 = arith.mulf %parallel_loop3A_309, %parallel_loop3A_292 : vector<16xf32>
          %parallel_loop3A_311 = arith.index_cast %parallel_loop3A_299 : i32 to index
          %parallel_loop3A_312 = arith.constant 16 : index
          %parallel_loop3A_313 = tpu.vector_load %arg13[%parallel_loop3A_311, %parallel_loop3A_312] {strides = array<i32>} : memref<320x256xf32, #tpu.memory_space<vmem>>, vector<16xf32>,
          tpu.vector_store %arg13[%parallel_loop3A_311, %parallel_loop3A_312], %parallel_loop3A_310 {add = true, strides = array<i32>} : memref<320x256xf32, #tpu.memory_space<vmem>>, vector<16xf32>,
          %parallel_loop3A_314 = arith.index_cast %parallel_loop3A_288 : i32 to index
          %parallel_loop3A_315 = arith.constant 32 : index
          %parallel_loop3A_316 = tpu.vector_load %arg9[%parallel_loop3A_314, %parallel_loop3A_315] {strides = array<i32>} : memref<80x256xf32, #tpu.memory_space<vmem>>, vector<16xf32>,
          %parallel_loop3A_317 = arith.mulf %parallel_loop3A_316, %parallel_loop3A_292 : vector<16xf32>
          %parallel_loop3A_318 = arith.index_cast %parallel_loop3A_299 : i32 to index
          %parallel_loop3A_319 = arith.constant 32 : index
          %parallel_loop3A_320 = tpu.vector_load %arg13[%parallel_loop3A_318, %parallel_loop3A_319] {strides = array<i32>} : memref<320x256xf32, #tpu.memory_space<vmem>>, vector<16xf32>,
          tpu.vector_store %arg13[%parallel_loop3A_318, %parallel_loop3A_319], %parallel_loop3A_317 {add = true, strides = array<i32>} : memref<320x256xf32, #tpu.memory_space<vmem>>, vector<16xf32>,
          %parallel_loop3A_321 = arith.index_cast %parallel_loop3A_288 : i32 to index
          %parallel_loop3A_322 = arith.constant 48 : index
          %parallel_loop3A_323 = tpu.vector_load %arg9[%parallel_loop3A_321, %parallel_loop3A_322] {strides = array<i32>} : memref<80x256xf32, #tpu.memory_space<vmem>>, vector<16xf32>,
          %parallel_loop3A_324 = arith.mulf %parallel_loop3A_323, %parallel_loop3A_292 : vector<16xf32>
          %parallel_loop3A_325 = arith.index_cast %parallel_loop3A_299 : i32 to index
          %parallel_loop3A_326 = arith.constant 48 : index
          %parallel_loop3A_327 = tpu.vector_load %arg13[%parallel_loop3A_325, %parallel_loop3A_326] {strides = array<i32>} : memref<320x256xf32, #tpu.memory_space<vmem>>, vector<16xf32>,
          tpu.vector_store %arg13[%parallel_loop3A_325, %parallel_loop3A_326], %parallel_loop3A_324 {add = true, strides = array<i32>} : memref<320x256xf32, #tpu.memory_space<vmem>>, vector<16xf32>,
          %parallel_loop3A_328 = arith.index_cast %parallel_loop3A_288 : i32 to index
          %parallel_loop3A_329 = arith.constant 64 : index
          %parallel_loop3A_330 = tpu.vector_load %arg9[%parallel_loop3A_328, %parallel_loop3A_329] {strides = array<i32>} : memref<80x256xf32, #tpu.memory_space<vmem>>, vector<16xf32>,
          %parallel_loop3A_331 = arith.mulf %parallel_loop3A_330, %parallel_loop3A_292 : vector<16xf32>
          %parallel_loop3A_332 = arith.index_cast %parallel_loop3A_299 : i32 to index
          %parallel_loop3A_333 = arith.constant 64 : index
          %parallel_loop3A_334 = tpu.vector_load %arg13[%parallel_loop3A_332, %parallel_loop3A_333] {strides = array<i32>} : memref<320x256xf32, #tpu.memory_space<vmem>>, vector<16xf32>,
          tpu.vector_store %arg13[%parallel_loop3A_332, %parallel_loop3A_333], %parallel_loop3A_331 {add = true, strides = array<i32>} : memref<320x256xf32, #tpu.memory_space<vmem>>, vector<16xf32>,
          %parallel_loop3A_335 = arith.index_cast %parallel_loop3A_288 : i32 to index
          %parallel_loop3A_336 = arith.constant 80 : index
          %parallel_loop3A_337 = tpu.vector_load %arg9[%parallel_loop3A_335, %parallel_loop3A_336] {strides = array<i32>} : memref<80x256xf32, #tpu.memory_space<vmem>>, vector<16xf32>,
          %parallel_loop3A_338 = arith.mulf %parallel_loop3A_337, %parallel_loop3A_292 : vector<16xf32>
          %parallel_loop3A_339 = arith.index_cast %parallel_loop3A_299 : i32 to index
          %parallel_loop3A_340 = arith.constant 80 : index
          %parallel_loop3A_341 = tpu.vector_load %arg13[%parallel_loop3A_339, %parallel_loop3A_340] {strides = array<i32>} : memref<320x256xf32, #tpu.memory_space<vmem>>, vector<16xf32>,
          tpu.vector_store %arg13[%parallel_loop3A_339, %parallel_loop3A_340], %parallel_loop3A_338 {add = true, strides = array<i32>} : memref<320x256xf32, #tpu.memory_space<vmem>>, vector<16xf32>,
          %parallel_loop3A_342 = arith.index_cast %parallel_loop3A_288 : i32 to index
          %parallel_loop3A_343 = arith.constant 96 : index
          %parallel_loop3A_344 = tpu.vector_load %arg9[%parallel_loop3A_342, %parallel_loop3A_343] {strides = array<i32>} : memref<80x256xf32, #tpu.memory_space<vmem>>, vector<16xf32>,
          %parallel_loop3A_345 = arith.mulf %parallel_loop3A_344, %parallel_loop3A_292 : vector<16xf32>
          %parallel_loop3A_346 = arith.index_cast %parallel_loop3A_299 : i32 to index
          %parallel_loop3A_347 = arith.constant 96 : index
          %parallel_loop3A_348 = tpu.vector_load %arg13[%parallel_loop3A_346, %parallel_loop3A_347] {strides = array<i32>} : memref<320x256xf32, #tpu.memory_space<vmem>>, vector<16xf32>,
          tpu.vector_store %arg13[%parallel_loop3A_346, %parallel_loop3A_347], %parallel_loop3A_345 {add = true, strides = array<i32>} : memref<320x256xf32, #tpu.memory_space<vmem>>, vector<16xf32>,
          %parallel_loop3A_349 = arith.index_cast %parallel_loop3A_288 : i32 to index
          %parallel_loop3A_350 = arith.constant 112 : index
          %parallel_loop3A_351 = tpu.vector_load %arg9[%parallel_loop3A_349, %parallel_loop3A_350] {strides = array<i32>} : memref<80x256xf32, #tpu.memory_space<vmem>>, vector<16xf32>,
          %parallel_loop3A_352 = arith.mulf %parallel_loop3A_351, %parallel_loop3A_292 : vector<16xf32>
          %parallel_loop3A_353 = arith.index_cast %parallel_loop3A_299 : i32 to index
          %parallel_loop3A_354 = arith.constant 112 : index
          %parallel_loop3A_355 = tpu.vector_load %arg13[%parallel_loop3A_353, %parallel_loop3A_354] {strides = array<i32>} : memref<320x256xf32, #tpu.memory_space<vmem>>, vector<16xf32>,
          tpu.vector_store %arg13[%parallel_loop3A_353, %parallel_loop3A_354], %parallel_loop3A_352 {add = true, strides = array<i32>} : memref<320x256xf32, #tpu.memory_space<vmem>>, vector<16xf32>,
          %parallel_loop3A_356 = arith.index_cast %parallel_loop3A_288 : i32 to index
          %parallel_loop3A_357 = arith.constant 128 : index
          %parallel_loop3A_358 = tpu.vector_load %arg9[%parallel_loop3A_356, %parallel_loop3A_357] {strides = array<i32>} : memref<80x256xf32, #tpu.memory_space<vmem>>, vector<16xf32>,
          %parallel_loop3A_359 = arith.mulf %parallel_loop3A_358, %parallel_loop3A_292 : vector<16xf32>
          %parallel_loop3A_360 = arith.index_cast %parallel_loop3A_299 : i32 to index
          %parallel_loop3A_361 = arith.constant 128 : index
          %parallel_loop3A_362 = tpu.vector_load %arg13[%parallel_loop3A_360, %parallel_loop3A_361] {strides = array<i32>} : memref<320x256xf32, #tpu.memory_space<vmem>>, vector<16xf32>,
          tpu.vector_store %arg13[%parallel_loop3A_360, %parallel_loop3A_361], %parallel_loop3A_359 {add = true, strides = array<i32>} : memref<320x256xf32, #tpu.memory_space<vmem>>, vector<16xf32>,
          %parallel_loop3A_363 = arith.index_cast %parallel_loop3A_288 : i32 to index
          %parallel_loop3A_364 = arith.constant 144 : index
          %parallel_loop3A_365 = tpu.vector_load %arg9[%parallel_loop3A_363, %parallel_loop3A_364] {strides = array<i32>} : memref<80x256xf32, #tpu.memory_space<vmem>>, vector<16xf32>,
          %parallel_loop3A_366 = arith.mulf %parallel_loop3A_365, %parallel_loop3A_292 : vector<16xf32>
          %parallel_loop3A_367 = arith.index_cast %parallel_loop3A_299 : i32 to index
          %parallel_loop3A_368 = arith.constant 144 : index
          %parallel_loop3A_369 = tpu.vector_load %arg13[%parallel_loop3A_367, %parallel_loop3A_368] {strides = array<i32>} : memref<320x256xf32, #tpu.memory_space<vmem>>, vector<16xf32>,
          tpu.vector_store %arg13[%parallel_loop3A_367, %parallel_loop3A_368], %parallel_loop3A_366 {add = true, strides = array<i32>} : memref<320x256xf32, #tpu.memory_space<vmem>>, vector<16xf32>,
          %parallel_loop3A_370 = arith.index_cast %parallel_loop3A_288 : i32 to index
          %parallel_loop3A_371 = arith.constant 160 : index
          %parallel_loop3A_372 = tpu.vector_load %arg9[%parallel_loop3A_370, %parallel_loop3A_371] {strides = array<i32>} : memref<80x256xf32, #tpu.memory_space<vmem>>, vector<16xf32>,
          %parallel_loop3A_373 = arith.mulf %parallel_loop3A_372, %parallel_loop3A_292 : vector<16xf32>
          %parallel_loop3A_374 = arith.index_cast %parallel_loop3A_299 : i32 to index
          %parallel_loop3A_375 = arith.constant 160 : index
          %parallel_loop3A_376 = tpu.vector_load %arg13[%parallel_loop3A_374, %parallel_loop3A_375] {strides = array<i32>} : memref<320x256xf32, #tpu.memory_space<vmem>>, vector<16xf32>,
          tpu.vector_store %arg13[%parallel_loop3A_374, %parallel_loop3A_375], %parallel_loop3A_373 {add = true, strides = array<i32>} : memref<320x256xf32, #tpu.memory_space<vmem>>, vector<16xf32>,
          %parallel_loop3A_377 = arith.index_cast %parallel_loop3A_288 : i32 to index
          %parallel_loop3A_378 = arith.constant 176 : index
          %parallel_loop3A_379 = tpu.vector_load %arg9[%parallel_loop3A_377, %parallel_loop3A_378] {strides = array<i32>} : memref<80x256xf32, #tpu.memory_space<vmem>>, vector<16xf32>,
          %parallel_loop3A_380 = arith.mulf %parallel_loop3A_379, %parallel_loop3A_292 : vector<16xf32>
          %parallel_loop3A_381 = arith.index_cast %parallel_loop3A_299 : i32 to index
          %parallel_loop3A_382 = arith.constant 176 : index
          %parallel_loop3A_383 = tpu.vector_load %arg13[%parallel_loop3A_381, %parallel_loop3A_382] {strides = array<i32>} : memref<320x256xf32, #tpu.memory_space<vmem>>, vector<16xf32>,
          tpu.vector_store %arg13[%parallel_loop3A_381, %parallel_loop3A_382], %parallel_loop3A_380 {add = true, strides = array<i32>} : memref<320x256xf32, #tpu.memory_space<vmem>>, vector<16xf32>,
          %parallel_loop3A_384 = arith.index_cast %parallel_loop3A_288 : i32 to index
          %parallel_loop3A_385 = arith.constant 192 : index
          %parallel_loop3A_386 = tpu.vector_load %arg9[%parallel_loop3A_384, %parallel_loop3A_385] {strides = array<i32>} : memref<80x256xf32, #tpu.memory_space<vmem>>, vector<16xf32>,
          %parallel_loop3A_387 = arith.mulf %parallel_loop3A_386, %parallel_loop3A_292 : vector<16xf32>
          %parallel_loop3A_388 = arith.index_cast %parallel_loop3A_299 : i32 to index
          %parallel_loop3A_389 = arith.constant 192 : index
          %parallel_loop3A_390 = tpu.vector_load %arg13[%parallel_loop3A_388, %parallel_loop3A_389] {strides = array<i32>} : memref<320x256xf32, #tpu.memory_space<vmem>>, vector<16xf32>,
          tpu.vector_store %arg13[%parallel_loop3A_388, %parallel_loop3A_389], %parallel_loop3A_387 {add = true, strides = array<i32>} : memref<320x256xf32, #tpu.memory_space<vmem>>, vector<16xf32>,
          %parallel_loop3A_391 = arith.index_cast %parallel_loop3A_288 : i32 to index
          %parallel_loop3A_392 = arith.constant 208 : index
          %parallel_loop3A_393 = tpu.vector_load %arg9[%parallel_loop3A_391, %parallel_loop3A_392] {strides = array<i32>} : memref<80x256xf32, #tpu.memory_space<vmem>>, vector<16xf32>,
          %parallel_loop3A_394 = arith.mulf %parallel_loop3A_393, %parallel_loop3A_292 : vector<16xf32>
          %parallel_loop3A_395 = arith.index_cast %parallel_loop3A_299 : i32 to index
          %parallel_loop3A_396 = arith.constant 208 : index
          %parallel_loop3A_397 = tpu.vector_load %arg13[%parallel_loop3A_395, %parallel_loop3A_396] {strides = array<i32>} : memref<320x256xf32, #tpu.memory_space<vmem>>, vector<16xf32>,
          tpu.vector_store %arg13[%parallel_loop3A_395, %parallel_loop3A_396], %parallel_loop3A_394 {add = true, strides = array<i32>} : memref<320x256xf32, #tpu.memory_space<vmem>>, vector<16xf32>,
          %parallel_loop3A_398 = arith.index_cast %parallel_loop3A_288 : i32 to index
          %parallel_loop3A_399 = arith.constant 224 : index
          %parallel_loop3A_400 = tpu.vector_load %arg9[%parallel_loop3A_398, %parallel_loop3A_399] {strides = array<i32>} : memref<80x256xf32, #tpu.memory_space<vmem>>, vector<16xf32>,
          %parallel_loop3A_401 = arith.mulf %parallel_loop3A_400, %parallel_loop3A_292 : vector<16xf32>
          %parallel_loop3A_402 = arith.index_cast %parallel_loop3A_299 : i32 to index
          %parallel_loop3A_403 = arith.constant 224 : index
          %parallel_loop3A_404 = tpu.vector_load %arg13[%parallel_loop3A_402, %parallel_loop3A_403] {strides = array<i32>} : memref<320x256xf32, #tpu.memory_space<vmem>>, vector<16xf32>,
          tpu.vector_store %arg13[%parallel_loop3A_402, %parallel_loop3A_403], %parallel_loop3A_401 {add = true, strides = array<i32>} : memref<320x256xf32, #tpu.memory_space<vmem>>, vector<16xf32>,
          %parallel_loop3A_405 = arith.index_cast %parallel_loop3A_288 : i32 to index
          %parallel_loop3A_406 = arith.constant 240 : index
          %parallel_loop3A_407 = tpu.vector_load %arg9[%parallel_loop3A_405, %parallel_loop3A_406] {strides = array<i32>} : memref<80x256xf32, #tpu.memory_space<vmem>>, vector<16xf32>,
          %parallel_loop3A_408 = arith.mulf %parallel_loop3A_407, %parallel_loop3A_292 : vector<16xf32>
          %parallel_loop3A_409 = arith.index_cast %parallel_loop3A_299 : i32 to index
          %parallel_loop3A_410 = arith.constant 240 : index
          %parallel_loop3A_411 = tpu.vector_load %arg13[%parallel_loop3A_409, %parallel_loop3A_410] {strides = array<i32>} : memref<320x256xf32, #tpu.memory_space<vmem>>, vector<16xf32>,
          tpu.vector_store %arg13[%parallel_loop3A_409, %parallel_loop3A_410], %parallel_loop3A_408 {add = true, strides = array<i32>} : memref<320x256xf32, #tpu.memory_space<vmem>>, vector<16xf32>,
          %parallel_loop3A_412 = arith.constant 16 : i32
          %parallel_loop3A_413 = arith.muli %parallel_loop3A_299, %parallel_loop3A_412 : i32
          %parallel_loop3A_414 = arith.index_cast %parallel_loop3A_413 : i32 to index
          %parallel_loop3A_415 = tpu.vector_load %arg14[%parallel_loop3A_414] {strides = array<i32>} : memref<5120xf32, #tpu.memory_space<vmem>>, vector<16xf32>,
          tpu.vector_store %arg14[%parallel_loop3A_414], %parallel_loop3A_292 {add = true, strides = array<i32>} : memref<5120xf32, #tpu.memory_space<vmem>>, vector<16xf32>,
        } {sc.loop_unroll_factor = 2 : i64, sc.parallel_access}
      } else {
      }
      %while3A_197 = arith.constant 0 : i32
      scf.yield %while3A_197 : i32
    }
    %parallel_loop3A_104 = arith.constant 0 : i32
    %parallel_loop3A_105 = arith.constant 320 : i32
    %parallel_loop3A_106 = arith.constant 1 : i32
    scf.for %parallel_loop3A_107 = %parallel_loop3A_104 to %parallel_loop3A_105 step %parallel_loop3A_106  : i32 {
      %parallel_loop3A_108 = arith.constant 16 : i32
      %parallel_loop3A_109 = arith.muli %parallel_loop3A_107, %parallel_loop3A_108 : i32
      %parallel_loop3A_110 = arith.index_cast %parallel_loop3A_109 : i32 to index
      %parallel_loop3A_111 = tpu.vector_load %arg14[%parallel_loop3A_110] {strides = array<i32>} : memref<5120xf32, #tpu.memory_space<vmem>>, vector<16xf32>,
      %parallel_loop3A_112 = arith.constant 9.99999991E-38 : f32
      %parallel_loop3A_113 = vector.broadcast %parallel_loop3A_112 : f32 to vector<16xf32>
      %parallel_loop3A_114 = arith.maximumf %parallel_loop3A_111, %parallel_loop3A_113 : vector<16xf32>
      %parallel_loop3A_115 = arith.index_cast %parallel_loop3A_107 : i32 to index
      %parallel_loop3A_116 = arith.constant 0 : index
      %parallel_loop3A_117 = tpu.vector_load %arg13[%parallel_loop3A_115, %parallel_loop3A_116] {strides = array<i32>} : memref<320x256xf32, #tpu.memory_space<vmem>>, vector<16xf32>,
      %parallel_loop3A_118 = arith.divf %parallel_loop3A_117, %parallel_loop3A_114 : vector<16xf32>
      %parallel_loop3A_119 = arith.index_cast %parallel_loop3A_107 : i32 to index
      %parallel_loop3A_120 = arith.constant 0 : index
      %parallel_loop3A_121 = tpu.vector_load %arg13[%parallel_loop3A_119, %parallel_loop3A_120] {strides = array<i32>} : memref<320x256xf32, #tpu.memory_space<vmem>>, vector<16xf32>,
      tpu.vector_store %arg13[%parallel_loop3A_119, %parallel_loop3A_120], %parallel_loop3A_118 {strides = array<i32>} : memref<320x256xf32, #tpu.memory_space<vmem>>, vector<16xf32>,
      %parallel_loop3A_122 = arith.index_cast %parallel_loop3A_107 : i32 to index
      %parallel_loop3A_123 = arith.constant 16 : index
      %parallel_loop3A_124 = tpu.vector_load %arg13[%parallel_loop3A_122, %parallel_loop3A_123] {strides = array<i32>} : memref<320x256xf32, #tpu.memory_space<vmem>>, vector<16xf32>,
      %parallel_loop3A_125 = arith.divf %parallel_loop3A_124, %parallel_loop3A_114 : vector<16xf32>
      %parallel_loop3A_126 = arith.index_cast %parallel_loop3A_107 : i32 to index
      %parallel_loop3A_127 = arith.constant 16 : index
      %parallel_loop3A_128 = tpu.vector_load %arg13[%parallel_loop3A_126, %parallel_loop3A_127] {strides = array<i32>} : memref<320x256xf32, #tpu.memory_space<vmem>>, vector<16xf32>,
      tpu.vector_store %arg13[%parallel_loop3A_126, %parallel_loop3A_127], %parallel_loop3A_125 {strides = array<i32>} : memref<320x256xf32, #tpu.memory_space<vmem>>, vector<16xf32>,
      %parallel_loop3A_129 = arith.index_cast %parallel_loop3A_107 : i32 to index
      %parallel_loop3A_130 = arith.constant 32 : index
      %parallel_loop3A_131 = tpu.vector_load %arg13[%parallel_loop3A_129, %parallel_loop3A_130] {strides = array<i32>} : memref<320x256xf32, #tpu.memory_space<vmem>>, vector<16xf32>,
      %parallel_loop3A_132 = arith.divf %parallel_loop3A_131, %parallel_loop3A_114 : vector<16xf32>
      %parallel_loop3A_133 = arith.index_cast %parallel_loop3A_107 : i32 to index
      %parallel_loop3A_134 = arith.constant 32 : index
      %parallel_loop3A_135 = tpu.vector_load %arg13[%parallel_loop3A_133, %parallel_loop3A_134] {strides = array<i32>} : memref<320x256xf32, #tpu.memory_space<vmem>>, vector<16xf32>,
      tpu.vector_store %arg13[%parallel_loop3A_133, %parallel_loop3A_134], %parallel_loop3A_132 {strides = array<i32>} : memref<320x256xf32, #tpu.memory_space<vmem>>, vector<16xf32>,
      %parallel_loop3A_136 = arith.index_cast %parallel_loop3A_107 : i32 to index
      %parallel_loop3A_137 = arith.constant 48 : index
      %parallel_loop3A_138 = tpu.vector_load %arg13[%parallel_loop3A_136, %parallel_loop3A_137] {strides = array<i32>} : memref<320x256xf32, #tpu.memory_space<vmem>>, vector<16xf32>,
      %parallel_loop3A_139 = arith.divf %parallel_loop3A_138, %parallel_loop3A_114 : vector<16xf32>
      %parallel_loop3A_140 = arith.index_cast %parallel_loop3A_107 : i32 to index
      %parallel_loop3A_141 = arith.constant 48 : index
      %parallel_loop3A_142 = tpu.vector_load %arg13[%parallel_loop3A_140, %parallel_loop3A_141] {strides = array<i32>} : memref<320x256xf32, #tpu.memory_space<vmem>>, vector<16xf32>,
      tpu.vector_store %arg13[%parallel_loop3A_140, %parallel_loop3A_141], %parallel_loop3A_139 {strides = array<i32>} : memref<320x256xf32, #tpu.memory_space<vmem>>, vector<16xf32>,
      %parallel_loop3A_143 = arith.index_cast %parallel_loop3A_107 : i32 to index
      %parallel_loop3A_144 = arith.constant 64 : index
      %parallel_loop3A_145 = tpu.vector_load %arg13[%parallel_loop3A_143, %parallel_loop3A_144] {strides = array<i32>} : memref<320x256xf32, #tpu.memory_space<vmem>>, vector<16xf32>,
      %parallel_loop3A_146 = arith.divf %parallel_loop3A_145, %parallel_loop3A_114 : vector<16xf32>
      %parallel_loop3A_147 = arith.index_cast %parallel_loop3A_107 : i32 to index
      %parallel_loop3A_148 = arith.constant 64 : index
      %parallel_loop3A_149 = tpu.vector_load %arg13[%parallel_loop3A_147, %parallel_loop3A_148] {strides = array<i32>} : memref<320x256xf32, #tpu.memory_space<vmem>>, vector<16xf32>,
      tpu.vector_store %arg13[%parallel_loop3A_147, %parallel_loop3A_148], %parallel_loop3A_146 {strides = array<i32>} : memref<320x256xf32, #tpu.memory_space<vmem>>, vector<16xf32>,
      %parallel_loop3A_150 = arith.index_cast %parallel_loop3A_107 : i32 to index
      %parallel_loop3A_151 = arith.constant 80 : index
      %parallel_loop3A_152 = tpu.vector_load %arg13[%parallel_loop3A_150, %parallel_loop3A_151] {strides = array<i32>} : memref<320x256xf32, #tpu.memory_space<vmem>>, vector<16xf32>,
      %parallel_loop3A_153 = arith.divf %parallel_loop3A_152, %parallel_loop3A_114 : vector<16xf32>
      %parallel_loop3A_154 = arith.index_cast %parallel_loop3A_107 : i32 to index
      %parallel_loop3A_155 = arith.constant 80 : index
      %parallel_loop3A_156 = tpu.vector_load %arg13[%parallel_loop3A_154, %parallel_loop3A_155] {strides = array<i32>} : memref<320x256xf32, #tpu.memory_space<vmem>>, vector<16xf32>,
      tpu.vector_store %arg13[%parallel_loop3A_154, %parallel_loop3A_155], %parallel_loop3A_153 {strides = array<i32>} : memref<320x256xf32, #tpu.memory_space<vmem>>, vector<16xf32>,
      %parallel_loop3A_157 = arith.index_cast %parallel_loop3A_107 : i32 to index
      %parallel_loop3A_158 = arith.constant 96 : index
      %parallel_loop3A_159 = tpu.vector_load %arg13[%parallel_loop3A_157, %parallel_loop3A_158] {strides = array<i32>} : memref<320x256xf32, #tpu.memory_space<vmem>>, vector<16xf32>,
      %parallel_loop3A_160 = arith.divf %parallel_loop3A_159, %parallel_loop3A_114 : vector<16xf32>
      %parallel_loop3A_161 = arith.index_cast %parallel_loop3A_107 : i32 to index
      %parallel_loop3A_162 = arith.constant 96 : index
      %parallel_loop3A_163 = tpu.vector_load %arg13[%parallel_loop3A_161, %parallel_loop3A_162] {strides = array<i32>} : memref<320x256xf32, #tpu.memory_space<vmem>>, vector<16xf32>,
      tpu.vector_store %arg13[%parallel_loop3A_161, %parallel_loop3A_162], %parallel_loop3A_160 {strides = array<i32>} : memref<320x256xf32, #tpu.memory_space<vmem>>, vector<16xf32>,
      %parallel_loop3A_164 = arith.index_cast %parallel_loop3A_107 : i32 to index
      %parallel_loop3A_165 = arith.constant 112 : index
      %parallel_loop3A_166 = tpu.vector_load %arg13[%parallel_loop3A_164, %parallel_loop3A_165] {strides = array<i32>} : memref<320x256xf32, #tpu.memory_space<vmem>>, vector<16xf32>,
      %parallel_loop3A_167 = arith.divf %parallel_loop3A_166, %parallel_loop3A_114 : vector<16xf32>
      %parallel_loop3A_168 = arith.index_cast %parallel_loop3A_107 : i32 to index
      %parallel_loop3A_169 = arith.constant 112 : index
      %parallel_loop3A_170 = tpu.vector_load %arg13[%parallel_loop3A_168, %parallel_loop3A_169] {strides = array<i32>} : memref<320x256xf32, #tpu.memory_space<vmem>>, vector<16xf32>,
      tpu.vector_store %arg13[%parallel_loop3A_168, %parallel_loop3A_169], %parallel_loop3A_167 {strides = array<i32>} : memref<320x256xf32, #tpu.memory_space<vmem>>, vector<16xf32>,
      %parallel_loop3A_171 = arith.index_cast %parallel_loop3A_107 : i32 to index
      %parallel_loop3A_172 = arith.constant 128 : index
      %parallel_loop3A_173 = tpu.vector_load %arg13[%parallel_loop3A_171, %parallel_loop3A_172] {strides = array<i32>} : memref<320x256xf32, #tpu.memory_space<vmem>>, vector<16xf32>,
      %parallel_loop3A_174 = arith.divf %parallel_loop3A_173, %parallel_loop3A_114 : vector<16xf32>
      %parallel_loop3A_175 = arith.index_cast %parallel_loop3A_107 : i32 to index
      %parallel_loop3A_176 = arith.constant 128 : index
      %parallel_loop3A_177 = tpu.vector_load %arg13[%parallel_loop3A_175, %parallel_loop3A_176] {strides = array<i32>} : memref<320x256xf32, #tpu.memory_space<vmem>>, vector<16xf32>,
      tpu.vector_store %arg13[%parallel_loop3A_175, %parallel_loop3A_176], %parallel_loop3A_174 {strides = array<i32>} : memref<320x256xf32, #tpu.memory_space<vmem>>, vector<16xf32>,
      %parallel_loop3A_178 = arith.index_cast %parallel_loop3A_107 : i32 to index
      %parallel_loop3A_179 = arith.constant 144 : index
      %parallel_loop3A_180 = tpu.vector_load %arg13[%parallel_loop3A_178, %parallel_loop3A_179] {strides = array<i32>} : memref<320x256xf32, #tpu.memory_space<vmem>>, vector<16xf32>,
      %parallel_loop3A_181 = arith.divf %parallel_loop3A_180, %parallel_loop3A_114 : vector<16xf32>
      %parallel_loop3A_182 = arith.index_cast %parallel_loop3A_107 : i32 to index
      %parallel_loop3A_183 = arith.constant 144 : index
      %parallel_loop3A_184 = tpu.vector_load %arg13[%parallel_loop3A_182, %parallel_loop3A_183] {strides = array<i32>} : memref<320x256xf32, #tpu.memory_space<vmem>>, vector<16xf32>,
      tpu.vector_store %arg13[%parallel_loop3A_182, %parallel_loop3A_183], %parallel_loop3A_181 {strides = array<i32>} : memref<320x256xf32, #tpu.memory_space<vmem>>, vector<16xf32>,
      %parallel_loop3A_185 = arith.index_cast %parallel_loop3A_107 : i32 to index
      %parallel_loop3A_186 = arith.constant 160 : index
      %parallel_loop3A_187 = tpu.vector_load %arg13[%parallel_loop3A_185, %parallel_loop3A_186] {strides = array<i32>} : memref<320x256xf32, #tpu.memory_space<vmem>>, vector<16xf32>,
      %parallel_loop3A_188 = arith.divf %parallel_loop3A_187, %parallel_loop3A_114 : vector<16xf32>
      %parallel_loop3A_189 = arith.index_cast %parallel_loop3A_107 : i32 to index
      %parallel_loop3A_190 = arith.constant 160 : index
      %parallel_loop3A_191 = tpu.vector_load %arg13[%parallel_loop3A_189, %parallel_loop3A_190] {strides = array<i32>} : memref<320x256xf32, #tpu.memory_space<vmem>>, vector<16xf32>,
      tpu.vector_store %arg13[%parallel_loop3A_189, %parallel_loop3A_190], %parallel_loop3A_188 {strides = array<i32>} : memref<320x256xf32, #tpu.memory_space<vmem>>, vector<16xf32>,
      %parallel_loop3A_192 = arith.index_cast %parallel_loop3A_107 : i32 to index
      %parallel_loop3A_193 = arith.constant 176 : index
      %parallel_loop3A_194 = tpu.vector_load %arg13[%parallel_loop3A_192, %parallel_loop3A_193] {strides = array<i32>} : memref<320x256xf32, #tpu.memory_space<vmem>>, vector<16xf32>,
      %parallel_loop3A_195 = arith.divf %parallel_loop3A_194, %parallel_loop3A_114 : vector<16xf32>
      %parallel_loop3A_196 = arith.index_cast %parallel_loop3A_107 : i32 to index
      %parallel_loop3A_197 = arith.constant 176 : index
      %parallel_loop3A_198 = tpu.vector_load %arg13[%parallel_loop3A_196, %parallel_loop3A_197] {strides = array<i32>} : memref<320x256xf32, #tpu.memory_space<vmem>>, vector<16xf32>,
      tpu.vector_store %arg13[%parallel_loop3A_196, %parallel_loop3A_197], %parallel_loop3A_195 {strides = array<i32>} : memref<320x256xf32, #tpu.memory_space<vmem>>, vector<16xf32>,
      %parallel_loop3A_199 = arith.index_cast %parallel_loop3A_107 : i32 to index
      %parallel_loop3A_200 = arith.constant 192 : index
      %parallel_loop3A_201 = tpu.vector_load %arg13[%parallel_loop3A_199, %parallel_loop3A_200] {strides = array<i32>} : memref<320x256xf32, #tpu.memory_space<vmem>>, vector<16xf32>,
      %parallel_loop3A_202 = arith.divf %parallel_loop3A_201, %parallel_loop3A_114 : vector<16xf32>
      %parallel_loop3A_203 = arith.index_cast %parallel_loop3A_107 : i32 to index
      %parallel_loop3A_204 = arith.constant 192 : index
      %parallel_loop3A_205 = tpu.vector_load %arg13[%parallel_loop3A_203, %parallel_loop3A_204] {strides = array<i32>} : memref<320x256xf32, #tpu.memory_space<vmem>>, vector<16xf32>,
      tpu.vector_store %arg13[%parallel_loop3A_203, %parallel_loop3A_204], %parallel_loop3A_202 {strides = array<i32>} : memref<320x256xf32, #tpu.memory_space<vmem>>, vector<16xf32>,
      %parallel_loop3A_206 = arith.index_cast %parallel_loop3A_107 : i32 to index
      %parallel_loop3A_207 = arith.constant 208 : index
      %parallel_loop3A_208 = tpu.vector_load %arg13[%parallel_loop3A_206, %parallel_loop3A_207] {strides = array<i32>} : memref<320x256xf32, #tpu.memory_space<vmem>>, vector<16xf32>,
      %parallel_loop3A_209 = arith.divf %parallel_loop3A_208, %parallel_loop3A_114 : vector<16xf32>
      %parallel_loop3A_210 = arith.index_cast %parallel_loop3A_107 : i32 to index
      %parallel_loop3A_211 = arith.constant 208 : index
      %parallel_loop3A_212 = tpu.vector_load %arg13[%parallel_loop3A_210, %parallel_loop3A_211] {strides = array<i32>} : memref<320x256xf32, #tpu.memory_space<vmem>>, vector<16xf32>,
      tpu.vector_store %arg13[%parallel_loop3A_210, %parallel_loop3A_211], %parallel_loop3A_209 {strides = array<i32>} : memref<320x256xf32, #tpu.memory_space<vmem>>, vector<16xf32>,
      %parallel_loop3A_213 = arith.index_cast %parallel_loop3A_107 : i32 to index
      %parallel_loop3A_214 = arith.constant 224 : index
      %parallel_loop3A_215 = tpu.vector_load %arg13[%parallel_loop3A_213, %parallel_loop3A_214] {strides = array<i32>} : memref<320x256xf32, #tpu.memory_space<vmem>>, vector<16xf32>,
      %parallel_loop3A_216 = arith.divf %parallel_loop3A_215, %parallel_loop3A_114 : vector<16xf32>
      %parallel_loop3A_217 = arith.index_cast %parallel_loop3A_107 : i32 to index
      %parallel_loop3A_218 = arith.constant 224 : index
      %parallel_loop3A_219 = tpu.vector_load %arg13[%parallel_loop3A_217, %parallel_loop3A_218] {strides = array<i32>} : memref<320x256xf32, #tpu.memory_space<vmem>>, vector<16xf32>,
      tpu.vector_store %arg13[%parallel_loop3A_217, %parallel_loop3A_218], %parallel_loop3A_216 {strides = array<i32>} : memref<320x256xf32, #tpu.memory_space<vmem>>, vector<16xf32>,
      %parallel_loop3A_220 = arith.index_cast %parallel_loop3A_107 : i32 to index
      %parallel_loop3A_221 = arith.constant 240 : index
      %parallel_loop3A_222 = tpu.vector_load %arg13[%parallel_loop3A_220, %parallel_loop3A_221] {strides = array<i32>} : memref<320x256xf32, #tpu.memory_space<vmem>>, vector<16xf32>,
      %parallel_loop3A_223 = arith.divf %parallel_loop3A_222, %parallel_loop3A_114 : vector<16xf32>
      %parallel_loop3A_224 = arith.index_cast %parallel_loop3A_107 : i32 to index
      %parallel_loop3A_225 = arith.constant 240 : index
      %parallel_loop3A_226 = tpu.vector_load %arg13[%parallel_loop3A_224, %parallel_loop3A_225] {strides = array<i32>} : memref<320x256xf32, #tpu.memory_space<vmem>>, vector<16xf32>,
      tpu.vector_store %arg13[%parallel_loop3A_224, %parallel_loop3A_225], %parallel_loop3A_223 {strides = array<i32>} : memref<320x256xf32, #tpu.memory_space<vmem>>, vector<16xf32>,
    } {sc.loop_unroll_factor = 2 : i64, sc.parallel_access}
    "tpu.region"() ({
      %run_scoped3A = tpu.sem_alloc : memref<!tpu.dma_semaphore, #tpu.memory_space<semaphore_mem>>
      %dma_start3A = arith.constant 0 : i32
      %dma_start3A_107 = tpu.memref_slice %arg6[%mul3A_5, %dma_start3A] : memref<10240x256xf32, #tpu.memory_space<hbm>> -> memref<320x256xf32, #tpu.memory_space<hbm>>
      %dma_start3A_108 = arith.constant 0 : i32
      %dma_start3A_109 = tpu.memref_slice %arg6[%mul3A_5, %dma_start3A_108] : memref<10240x256xf32, #tpu.memory_space<hbm>> -> memref<320x256xf32, #tpu.memory_space<hbm>>
      tpu.enqueue_dma source(%arg13 : memref<320x256xf32, #tpu.memory_space<vmem>>) target(%dma_start3A_109 : memref<320x256xf32, #tpu.memory_space<hbm>>) target_semaphore(%run_scoped3A : memref<!tpu.dma_semaphore, #tpu.memory_space<semaphore_mem>>)
      %dma_wait3A = arith.constant 0 : i32
      %dma_wait3A_110 = tpu.memref_slice %arg6[%mul3A_5, %dma_wait3A] : memref<10240x256xf32, #tpu.memory_space<hbm>> -> memref<320x256xf32, #tpu.memory_space<hbm>>
      %dma_wait3A_111 = arith.constant 0 : i32
      %dma_wait3A_112 = tpu.memref_slice %arg6[%mul3A_5, %dma_wait3A_111] : memref<10240x256xf32, #tpu.memory_space<hbm>> -> memref<320x256xf32, #tpu.memory_space<hbm>>
      tpu.wait_dma2 semaphore(%run_scoped3A : memref<!tpu.dma_semaphore, #tpu.memory_space<semaphore_mem>>) src(%arg13 : memref<320x256xf32, #tpu.memory_space<vmem>>) dst(%dma_wait3A_112 : memref<320x256xf32, #tpu.memory_space<hbm>>)
      tpu.yield
    }) : () -> ()
    return
  }
}

</mosaic_0001>

<sc_bundles>
// kernel: kernel.3.cloned.1.call-start
scs
__scs_entry_jumppad:
0x0: {  	(pc) =	sbr.rel $0x88, $3  }
0x1: {  	(tag) =	ssettag $0x0;
	lr =	simm.s32 $0x1  }
0x2: {  	[smem:$0x3F9E] =	sst lr;
	_ =	strace $0xD0000000  }
0x3: {  	_ = 	snop  }
0x4: {  	_ = 	snop  }
0x5: {  	_ = 	snop  }
0x6: {  	_ = 	snop  }
0x7: {  	_ = 	snop  }
__scs_overlays_trampoline_lowered:
0x8: {  	[smem:$0x3FAD] =	sst s0  }
0x9: {  	[smem:$0x3FAE] =	sst s1  }
0xa: {  	[smem:$0x3FAF] =	sst s2  }
0xb: {  	[smem:$0x3FB0] =	sst s3  }
0xc: {  	[smem:$0x3FB1] =	sst s4  }
0xd: {  	[smem:$0x3FB2] =	sst s5  }
0xe: {  	[smem:$0x3FB3] =	sst s6  }
0xf: {  	[smem:$0x3FB4] =	sst s7  }
0x10: {  	[smem:$0x3FB5] =	sst s8  }
0x11: {  	[smem:$0x3FB6] =	sst s9;
	s0 =	simm.s32 @!p0 $0x0  }
0x12: {  	s1 =	sld [smem:$0x3F9C];
	s0 =	simm.s32 @p0 $0x1  }
0x13: {  	[smem:$0x3FB7] =	sst s0;
	s0 =	simm.s32 @!p1 $0x0  }
0x14: {  	s2 =	sld [smem:$0x3F9B];
	s0 =	simm.s32 @p1 $0x1  }
0x15: {  	[smem:$0x3FB8] =	sst s0;
	s0 =	simm.s32 @!p2 $0x0  }
0x16: {  	s3 =	sld [smem:$0x3FDB];
	s0 =	simm.s32 @p2 $0x1  }
0x17: {  	s4 =	simm.s32 $0x1BF5;
	[smem:$0x3FBA] =	sst s0  }
0x18: {  	s0 =	sld [smem:$0x3F9D];
	_ =	swait.ge [sflag:s4], $0x0  }
0x19: {  	s7 =	sld [smem:$0x3F9E]  }
0x1a: {  	s8 =	sadd.s32 $0xFFFFE003, lr  }
0x1b: {  	s9 =	sadd.s32 $0xFFFFFEF7, lr;
	s5 =	simm.s32 $0xFFFFFFFF;
	p2 =	slt.u32 s8, $0xFFFFF086  }
0x1c: {  	p1 =	slt.u32 s9, $0xF7A;
	s5 =	simm.s32 @!p2 $0x0  }
0x1d: {  	s5 =	simm.s32 @p1 $0x1;
	p0 =	seq.s32 s7, s2  }
0x1e: {  	s7 =	smul.u32 @!p0 $0xF7A, s2;
	p2 =	seq.s32 @!p0 s5, $0x0  }
0x1f: {  	s9 =	smul.u32 $0xF7A, s1;
	s8 =	simm.s32 @!p0 $0x1BF5;
	p2 =	por !p2, p0  }
0x20: {  	[sflag:s8] =	ssyncset.s32 @!p0 $0xFFFFF086;
	s6 =	sadd.s32 @!p0 s3, s7;
	s7 =	simm.s32 @!p0 $0x108  }
0x21: {  	s3 =	sadd.s32 s3, s9;
	s6 =	sadd.s32 @!p0 $0x88, s6;
	s7 =	simm.s32 @p2 $0x1082  }
0x22: {  	[simem:s7], [sflag:s8] =	dma.local @!p0 [hbm:s6], $0xF7A  }
0x23: {  	s9 =	sor.u32 $0xD0000000, s2;
	s6 =	simm.s32 $0x108;
	_ =	swait.ge @!p0 [sflag:s8], $0x0  }
0x24: {  	s3 =	sadd.s32 $0x88, s3;
	s6 =	simm.s32 @!p1 $0x1082;
	[sflag:s4] =	ssyncset.s32 $0xFFFFF086  }
0x25: {  	[simem:s6], [sflag:s4] =	dma.local [hbm:s3], $0xF7A  }
0x26: {  	[smem:$0x3F9E] =	sst s1;
	(tag) =	ssettag s2;
	_ =	strace s9  }
0x27: {  	s1 =	sld [smem:$0x3FAE]  }
0x28: {  	s2 =	sld [smem:$0x3FAF]  }
0x29: {  	s4 =	sld [smem:$0x3FB1]  }
0x2a: {  	p0 =	seq.s32 s5, $0x0;
	s5 =	sld [smem:$0x3FB2]  }
0x2b: {  	s6 =	sld [smem:$0x3FB3]  }
0x2c: {  	s7 =	sld [smem:$0x3FB4]  }
0x2d: {  	s3 =	simm.s32 $0x108;
	s8 =	sld [smem:$0x3FB5]  }
0x2e: {  	s3 =	simm.s32 @!p0 $0x1082;
	s9 =	sld [smem:$0x3FB6]  }
0x2f: {  	lr =	sadd.s32 s0, s3;
	s0 =	sld [smem:$0x3FAD]  }
0x30: {  	s3 =	sld [smem:$0x3FB0]  }
0x31: {  	[smem:$0x3FB9] =	sst s10  }
0x32: {  	s10 =	sld [smem:$0x3FB7];
	_ =	sdelay $0x3  }
0x33: {  	p0 =	seq.s32 s10, $0x1;
	s10 =	sld [smem:$0x3FB9];
	_ =	sdelay $0x3  }
0x34: {  	[smem:$0x3FB9] =	sst s10  }
0x35: {  	s10 =	sld [smem:$0x3FB8];
	_ =	sdelay $0x3  }
0x36: {  	p1 =	seq.s32 s10, $0x1;
	s10 =	sld [smem:$0x3FB9];
	_ =	sdelay $0x3  }
0x37: {  	[smem:$0x3FB9] =	sst s10  }
0x38: {  	s10 =	sld [smem:$0x3FBA]  }
0x39: {  	_ = 	snop;
	(pc) =	sbr.ind lr, $3  }
0x3a: {  	_ = 	snop  }
0x3b: {  	_ = 	snop  }
0x3c: {  	p2 =	seq.s32 s10, $0x1;
	s10 =	sld [smem:$0x3FB9]  }
0x3d: {  	_ =	shalt  }
0x3e: {  	_ =	shalt  }
0x3f: {  	_ =	shalt  }
0x40: {  	_ =	shalt  }
0x41: {  	_ =	shalt  }
0x42: {  	_ =	shalt  }
0x43: {  	_ =	shalt  }
0x44: {  	_ =	shalt  }
0x45: {  	_ =	shalt  }
0x46: {  	_ =	shalt  }
0x47: {  	_ =	shalt  }
0x48: {  	_ =	shalt  }
0x49: {  	_ =	shalt  }
0x4a: {  	_ =	shalt  }
0x4b: {  	_ =	shalt  }
0x4c: {  	_ =	shalt  }
0x4d: {  	_ =	shalt  }
0x4e: {  	_ =	shalt  }
0x4f: {  	_ =	shalt  }
0x50: {  	_ =	shalt  }
0x51: {  	_ =	shalt  }
0x52: {  	_ =	shalt  }
0x53: {  	_ =	shalt  }
0x54: {  	_ =	shalt  }
0x55: {  	_ =	shalt  }
0x56: {  	_ =	shalt  }
0x57: {  	_ =	shalt  }
0x58: {  	_ =	shalt  }
0x59: {  	_ =	shalt  }
0x5a: {  	_ =	shalt  }
0x5b: {  	_ =	shalt  }
0x5c: {  	_ =	shalt  }
0x5d: {  	_ =	shalt  }
0x5e: {  	_ =	shalt  }
0x5f: {  	_ =	shalt  }
0x60: {  	_ =	shalt  }
0x61: {  	_ =	shalt  }
0x62: {  	_ =	shalt  }
0x63: {  	_ =	shalt  }
0x64: {  	_ =	shalt  }
0x65: {  	_ =	shalt  }
0x66: {  	_ =	shalt  }
0x67: {  	_ =	shalt  }
0x68: {  	_ =	shalt  }
0x69: {  	_ =	shalt  }
0x6a: {  	_ =	shalt  }
0x6b: {  	_ =	shalt  }
0x6c: {  	_ =	shalt  }
0x6d: {  	_ =	shalt  }
0x6e: {  	_ =	shalt  }
0x6f: {  	_ =	shalt  }
0x70: {  	_ =	shalt  }
0x71: {  	_ =	shalt  }
0x72: {  	_ =	shalt  }
0x73: {  	_ =	shalt  }
0x74: {  	_ =	shalt  }
0x75: {  	_ =	shalt  }
0x76: {  	_ =	shalt  }
0x77: {  	_ =	shalt  }
0x78: {  	_ =	shalt  }
0x79: {  	_ =	shalt  }
0x7a: {  	_ =	shalt  }
0x7b: {  	_ =	shalt  }
0x7c: {  	_ =	shalt  }
0x7d: {  	_ =	shalt  }
0x7e: {  	_ =	shalt  }
0x7f: {  	_ =	shalt  }
0x80: {  	_ =	shalt  }
0x81: {  	_ =	shalt  }
0x82: {  	_ =	shalt  }
0x83: {  	_ =	shalt  }
0x84: {  	_ =	shalt  }
0x85: {  	_ =	shalt  }
0x86: {  	_ =	shalt  }
0x87: {  	_ =	shalt  }
.Lfunc_end0:
.L_simem_size_0:
called_computation_lowered:
.L_overlay_start_0:
0x88: {  	s2 =	sld [smem:$0x3FD9]  }
0x89: {  	s3 =	sld [smem:$0x3FFE];
	_ =	sdelay $0x1  }
0x8a: {  	s1 =	srdreg.scid  }
0x8b: {  	s0 =	sand.u32 $0x1, s1  }
0x8c: {  	s17 =	sshll.u32 s0, $0xA;
	s2 =	sadd.s32 s3, s2  }
0x8d: {  	s2 =	sadd.s32 s2, s17  }
0x8e: {  	[smem:$0x3FC5] =	sst s2  }
0x8f: {  	_ = 	snop  }
0x90: {  	s2 =	sld [smem:$0x3FC9]  }
0x91: {  	s18 =	sld [smem:$0x3FC8]  }
0x92: {  	s4 =	sld [smem:$0x3FC7]  }
0x93: {  	s5 =	sld [smem:$0x3FD0];
	(tm) =	ssettm $0x1  }
0x94: {  	s6 =	sld [smem:$0x3FFB];
	_ =	sdelay $0x3  }
0x95: {  	_ =	strace s6  }
0x96: {  	s6 =	sld [smem:$0x3FFC];
	_ =	sdelay $0x3  }
0x97: {  	_ =	strace s6  }
0x98: {  	s6 =	sld [smem:$0x3FFD];
	_ =	sdelay $0x3  }
0x99: {  	_ =	strace s6  }
0x9a: {  	_ =	strace $0x8FFFFFFF  }
0x9b: {  	s19 =	sld [smem:$0x3FDB];
	_ =	sdelay $0x1  }
0x9c: {  	s7 =	simm.s32 $_scs_section_size  }
0x9d: {  	s8 =	simm.s32 $_size__tile_overlayer_lowered;
	s9 =	simm.s32 $_tile_overlayer_lowered  }
0x9e: {  	s22 =	simm.s32 $0x1BFF;
	s21 =	sshll.u32 s9, $0x1;
	s6 =	sadd.s32 s7, s19  }
0x9f: {  	s10 =	simm.s32 $0x0;
	s20 =	sshll.u32 s8, $0x1;
	s8 =	sadd.s32 s21, s6  }
0xa0: {  	[timem:s10], [sflag:s22] =	dma.local [hbm:s8], s20  }
0xa1: {  	_ =	swait.ge [sflag:s22], s20  }
0xa2: {  	s7 =	ssub.s32 $0x0, s20;
	[sflag:s22] =	ssyncset.done $0x0  }
0xa3: {  	[sflag:s22] =	ssyncadd.s32 s7;
	_ =	sdelay $0x1  }
0xa4: {  	s23 =	simm.s32 $0x1B8B  }
0xa5: {  	_ =	swait.ge [sflag:s23], $0x1  }
0xa6: {  	[sflag:s23] =	ssyncset.done $0x0  }
0xa7: {  	s25 =	simm.s32 $0x1B8E;
	s24 =	sld [smem:$0x3FFE];
	[sflag:s23] =	ssyncadd.s32 $0xFFFFFFFF  }
0xa8: {  	s26 =	simm.s32 $execute0_lowered;
	[smem:$0x3FD2] =	sst s25  }
0xa9: {  	s8 =	sshll.u32 s26, $0x1;
	_ =	strace $0x80000046;
	[dreg:$0x1] =	wrdreg $0xFFFFFFFF  }
0xaa: {  	s28 =	simm.s32 $_size_execute0_lowered;
	s6 =	sadd.s32 s6, s8;
	[dreg:$0x0] =	wrdreg $0x0  }
0xab: {  	s8 =	sshll.u32 s28, $0x1;
	[dreg:$0x2] =	wrdreg s6  }
0xac: {  	[dreg:$0x3] =	wrdreg s8  }
0xad: {  	[dreg:$0x4] =	wrdreg $0xC0  }
0xae: {  	_ =	task [dreg:s10], $0x5FFFF  }
0xaf: {  	[dreg:$0x1] =	wrdreg $0xFFFFFFFF  }
0xb0: {  	[dreg:$0x0] =	wrdreg $0x60  }
0xb1: {  	[dreg:$0x2] =	wrdreg s2  }
0xb2: {  	[dreg:$0x3] =	wrdreg s18  }
0xb3: {  	[dreg:$0x4] =	wrdreg s4  }
0xb4: {  	[dreg:$0x5] =	wrdreg s5  }
0xb5: {  	[dreg:$0x6] =	wrdreg s24  }
0xb6: {  	[dreg:$0x7] =	wrdreg $0x9  }
0xb7: {  	_ =	task.clear_ibuf [dreg:s10], $0x8FFFF;
	_ =	strace $0x90000046  }
0xb8: {  	s29 =	simm.s32 $0x9;
	_ =	strace $0x80000048  }
0xb9: {  	_ =	swait.ge [sflag:s29], $0x1  }
0xba: {  	[sflag:s29] =	ssyncadd.s32 $0xFFFFFFFF  }
0xbb: {  	_ =	strace $0x90000048  }
0xbc: {  	_ =	sfence  }
0xbd: {  	s30 =	sld [smem:$0x0];
	_ =	sdelay $0x2  }
0xbe: {  	s31 =	sshll.u32 s1, $0xD;
	s1 =	sshrl.u32 s1, $0x2  }
0xbf: {  	s3 =	sand.u32 $0x4000, s31;
	s1 =	sadd.s32 s1, s30  }
0xc0: {  	s0 =	sor.u32 s3, s0;
	s1 =	sshll.u32 s1, $0x11  }
0xc1: {  	s0 =	sor.u32 s1, s0  }
0xc2: {  	s0 =	sadd.s32 $0x8F2B, s0  }
0xc3: {  	[sflag:s0] =	ssyncadd.remote.s32 $0x1  }
0xc4: {  	_ =	sfence.sel $0xFFFF  }
0xc5: {  	[dreg:$0x0] =	wrdreg $0xFFFFFFFF;
	(pc) =	sbr.abs _section_cstart, $3  }
0xc6: {  	[dreg:$0x1] =	wrdreg $0xFFFFFFFF  }
0xc7: {  	_ =	task.clear_ibuf [dreg:s10], $0x2FFFF;
	_ =	strace $0x9FFFFFFF  }
0xc8: {  	(tm) =	ssettm $0x7FFFFFFF  }
0xc9: {  	_ =	shalt  }
tec
execute0_lowered:
.L_overlay_start_1:
0x0: {  	(tag) =	ssettag $0x1  }
0x1: {  	v0 =	vimm.s32 $0xFEDCBA98;
	v1 =	vimm.s32 $0x76543210  }
0x2: {  	v2 =	vimm.s32 $0x3210FEDC;
	v3 =	vimm.s32 $0xBA987654;
	v4 =	vimm.s32 $0x10FEDCBA  }
0x3: {  	v5 =	vimm.s32 $0x98765432;
	v6 =	vimm.s32 $0xFEDCBA9;
	v7 =	vimm.s32 $0x87654321  }
0x4: {  	v0 =	vunpack.c.l.s4.s8 v0;
	v1 =	vunpack.c.l.s4.s8 v1;
	v2 =	vunpack.c.l.s4.s8 v2  }
0x5: {  	s0 =	srdreg.scid;
	s2 =	stileid.u32;
	v3 =	vunpack.c.l.s4.s8 v3;
	v4 =	vunpack.c.l.s4.s8 v4;
	v5 =	vunpack.c.l.s4.s8 v5  }
0x6: {  	s0 =	sand.u32 $0x1, s0;
	s2 =	sshll.u32 s2, $0x1;
	v6 =	vunpack.c.l.s4.s8 v6;
	v7 =	vunpack.c.l.s4.s8 v7;
	v0 =	vunpack.c.0.s8.s32 v0  }
0x7: {  	s5 =	simm.s32 $0x0;
	s4 =	sor.u32 s0, s2;
	s0 =	ssub.s32 $0x2, s0;
	v2 =	vunpack.c.0.s8.s32 v2;
	v3 =	vunpack.c.0.s8.s32 v3;
	v4 =	vunpack.c.0.s8.s32 v4  }
0x8: {  	[smem:$0x7FF] =	sst s5;
	s2 =	smul.u32 $0x2800, s4;
	s3 =	sshrl.u32 s0, $0x1;
	v5 =	vunpack.c.0.s8.s32 v5;
	v6 =	vunpack.c.0.s8.s32 v6;
	v7 =	vunpack.c.0.s8.s32 v7  }
0x9: {  	s1 =	rddreg [dreg:$0x4];
	_ =	strace $0x80000047;
	v1 =	vunpack.c.0.s8.s32 v1;
	s0 =	ssub.s32 s0, s3;
	v2 =	vcombine.low v3, v2  }
0xa: {  	[dreg:$0x6] =	wrdreg s4;
	s1 =	sadd.s32 s2, s1;
	s0 =	smax.u32 s0, $0x1;
	v3 =	vcombine.low v5, v4;
	v4 =	vand.u32 $0xF, v0;
	v5 =	vcombine.low v7, v6  }
0xb: {  	s8 =	smul.u32 $0x140, s4;
	v0 =	vimm.f32 $0.0e+00;
	s1 =	sadd.s32 $0x800, s1;
	[dreg:$0x8] =	wrdreg s0;
	v1 =	vcombine.low v4, v1  }
0xc: {  	s2 =	simm.s32 $0x5;
	[dreg:$0x7] =	wrdreg s1;
	v2 =	vand.u32 $0xF, v2;
	v3 =	vand.u32 $0xF, v3;
	v4 =	vand.u32 $0xF, v5;
	s1 =	simm.s32 $0x0  }
.LBB2_1:
0xd: {  	[dreg:$0x9] =	wrdreg s1  }
0xe: {  	s0 =	rddreg [dreg:$0x2];
	s24 =	simm.s32 $0xA100  }
0xf: {  	[tilespmem:s24], [sflag:$0x5] =	stream.linear.gather [hbm4b:s0+s5], $0x100, $0x38;
	[tilespmem:$0x1FA80] =	vst v63  }
0x10: {  	_ =	swait.ge [sflag:s2], $0x100  }
0x11: {  	[sflag:s2] =	ssyncset.done $0x0  }
0x12: {  	[sflag:s2] =	ssyncadd.s32 $0xFFFFFF00  }
0x13: {  	s26 =	simm.s32 $0xA200;
	s25 =	rddreg [dreg:$0x3]  }
0x14: {  	[tilespmem:s26], [sflag:$0x5] =	stream.linear.gather [hbm4b:s25+s5], $0x80, $0x38;
	[tilespmem:$0x1FA80] =	vst v63  }
0x15: {  	_ =	swait.ge [sflag:s2], $0x80  }
0x16: {  	s28 =	sand.u32 $0x1F800, s5;
	s29 =	sand.u32 $0x200, s5;
	[sflag:s2] =	ssyncset.done $0x0  }
0x17: {  	s0 =	sor.u32 s29, s28;
	s30 =	rddreg [dreg:$0x6];
	[sflag:s2] =	ssyncadd.s32 $0xFFFFFF80  }
0x18: {  	v5 =	vld [tilespmem:s30+$0xA200];
	[tilespmem:s0+$0xA470] =	vst v0  }
0x19: {  	[tilespmem:s0+$0xA340] =	vst v0  }
0x1a: {  	[tilespmem:s0+$0xA3C0] =	vst v0  }
0x1b: {  	[tilespmem:s0+$0xA450] =	vst v0  }
0x1c: {  	[tilespmem:s0+$0xA430] =	vst v0  }
0x1d: {  	[tilespmem:s0+$0xA3D0] =	vst v0  }
0x1e: {  	[tilespmem:s0+$0xA410] =	vst v0  }
0x1f: {  	[tilespmem:s0+$0xA460] =	vst v0  }
0x20: {  	[tilespmem:s0+$0xA370] =	vst v0  }
0x21: {  	[tilespmem:s0+$0xA440] =	vst v0  }
0x22: {  	[tilespmem:s0+$0xA360] =	vst v0  }
0x23: {  	[tilespmem:s0+$0xA350] =	vst v0  }
0x24: {  	[tilespmem:s0+$0xA3B0] =	vst v0  }
0x25: {  	[tilespmem:s0+$0xA2F0] =	vst v0  }
0x26: {  	[tilespmem:s0+$0xA3E0] =	vst v0  }
0x27: {  	[tilespmem:s0+$0xA330] =	vst v0  }
0x28: {  	[tilespmem:s0+$0xA3A0] =	vst v0  }
0x29: {  	[tilespmem:s0+$0xA310] =	vst v0  }
0x2a: {  	[tilespmem:s0+$0xA3F0] =	vst v0  }
0x2b: {  	[tilespmem:s0+$0xA2E0] =	vst v0  }
0x2c: {  	[tilespmem:s0+$0xA320] =	vst v0  }
0x2d: {  	[tilespmem:s0+$0xA390] =	vst v0  }
0x2e: {  	[tilespmem:s0+$0xA300] =	vst v0  }
0x2f: {  	[tilespmem:s0+$0xA380] =	vst v0  }
0x30: {  	[tilespmem:s0+$0xA420] =	vst v0  }
0x31: {  	[tilespmem:s0+$0xA2A0] =	vst v0  }
0x32: {  	[tilespmem:s0+$0xA400] =	vst v0  }
0x33: {  	p0 =	por $0x0, $0x0;
	s1 =	simm.s32 $0x1;
	[tilespmem:s0+$0xA2D0] =	vst v0  }
0x34: {  	s1 =	simm.s32 @!p0 $0x0;
	[tilespmem:s0+$0xA2C0] =	vst v0  }
0x35: {  	s1 =	sshll.u32 s1, $0x9;
	[tilespmem:s0+$0xA2B0] =	vst v0  }
0x36: {  	s2 =	sadd.s32 $0x0, s1;
	[tilespmem:s0+$0xA290] =	vst v0  }
0x37: {  	s1 =	sadd.s32 $0x80, s2;
	s25 =	sor.u32 $0x400, s2;
	[tilespmem:s0+$0xA280] =	vst v0  }
0x38: {  	s10 =	sadd.s32 $0x100, s2;
	s3 =	sor.u32 $0x400, s1;
	[tilespmem:s25+$0xA280] =	vst v0  }
0x39: {  	s17 =	sadd.s32 $0x180, s2;
	s11 =	sor.u32 $0x400, s10;
	[tilespmem:s3+$0xA280] =	vst v0  }
0x3a: {  	s18 =	sor.u32 $0x400, s17;
	[tilespmem:s11+$0xA280] =	vst v0  }
0x3b: {  	s26 =	sor.u32 $0x410, s2;
	[tilespmem:s18+$0xA280] =	vst v0  }
0x3c: {  	s31 =	sor.u32 $0x410, s1;
	[tilespmem:s26+$0xA280] =	vst v0  }
0x3d: {  	s19 =	sor.u32 $0x410, s17;
	[tilespmem:s31+$0xA280] =	vst v0  }
0x3e: {  	s28 =	sor.u32 $0x420, s2;
	[tilespmem:s19+$0xA280] =	vst v0  }
0x3f: {  	s4 =	sor.u32 $0x420, s1;
	[tilespmem:s28+$0xA280] =	vst v0  }
0x40: {  	s20 =	sor.u32 $0x420, s17;
	[tilespmem:s4+$0xA280] =	vst v0  }
0x41: {  	s29 =	sor.u32 $0x430, s2;
	[tilespmem:s20+$0xA280] =	vst v0  }
0x42: {  	s5 =	sor.u32 $0x430, s1;
	[tilespmem:s29+$0xA280] =	vst v0  }
0x43: {  	s4 =	sor.u32 $0x410, s10;
	[tilespmem:s5+$0xA280] =	vst v0  }
0x44: {  	s21 =	sor.u32 $0x430, s17;
	[tilespmem:s4+$0xA280] =	vst v0  }
0x45: {  	s30 =	sor.u32 $0x440, s2;
	[tilespmem:s21+$0xA280] =	vst v0  }
0x46: {  	s6 =	sor.u32 $0x440, s1;
	[tilespmem:s30+$0xA280] =	vst v0  }
0x47: {  	s12 =	sor.u32 $0x420, s10;
	[tilespmem:s6+$0xA280] =	vst v0  }
0x48: {  	s22 =	sor.u32 $0x440, s17;
	[tilespmem:s12+$0xA280] =	vst v0  }
0x49: {  	s31 =	sor.u32 $0x450, s2;
	[tilespmem:s22+$0xA280] =	vst v0  }
0x4a: {  	s7 =	sor.u32 $0x450, s1;
	[tilespmem:s31+$0xA280] =	vst v0  }
0x4b: {  	s13 =	sor.u32 $0x430, s10;
	[tilespmem:s7+$0xA280] =	vst v0  }
0x4c: {  	s23 =	sor.u32 $0x450, s17;
	[tilespmem:s13+$0xA280] =	vst v0  }
0x4d: {  	s9 =	sor.u32 $0x460, s1;
	[tilespmem:s23+$0xA280] =	vst v0  }
0x4e: {  	s14 =	sor.u32 $0x440, s10;
	[tilespmem:s9+$0xA280] =	vst v0  }
0x4f: {  	s24 =	sor.u32 $0x460, s17;
	[tilespmem:s14+$0xA280] =	vst v0  }
0x50: {  	s1 =	sor.u32 $0x470, s1;
	[tilespmem:s24+$0xA280] =	vst v0  }
0x51: {  	s15 =	sor.u32 $0x450, s10;
	[tilespmem:s1+$0xA280] =	vst v0  }
0x52: {  	s16 =	sor.u32 $0x460, s10;
	[tilespmem:s15+$0xA280] =	vst v0  }
0x53: {  	p0 =	por !p0, !p0;
	s0 =	simm.s32 $0x1E2C0;
	s1 =	sor.u32 $0x470, s10;
	[tilespmem:s16+$0xA280] =	vst v0  }
0x54: {  	s3 =	simm.s32 $0x400;
	s4 =	sor.u32 $0x470, s2;
	[tilespmem:s1+$0xA280] =	vst v0;
	s1 =	sor.u32 $0x470, s17  }
0x55: {  	s10 =	sor.u32 $0x460, s2;
	s2 =	simm.s32 $0x200;
	[tilespmem:s1+$0xA280] =	vst v0;
	s1 =	simm.s32 $0x0  }
.LBB2_2:
0x56: {  	s5 =	simm.s32 $0x1  }
0x57: {  	s6 =	sand.u32 $0x1F800, s3;
	s7 =	sand.u32 $0x200, s2;
	[tilespmem:s10+$0xA280] =	vst v0;
	s5 =	simm.s32 @!p0 $0x0  }
0x58: {  	s1 =	sadd.s32 $0x4, s1;
	s9 =	sshll.u32 s5, $0x9;
	s5 =	sor.u32 s7, s6;
	[tilespmem:s4+$0xA280] =	vst v0  }
0x59: {  	p1 =	slt.u32 s1, $0x13C;
	s4 =	sadd.s32 s9, s3;
	[tilespmem:s5+$0xA470] =	vst v0  }
0x5a: {  	[tilespmem:s5+$0xA340] =	vst v0;
	s23 =	sadd.s32 $0x80, s4;
	s9 =	sadd.s32 $0x100, s4;
	s6 =	sadd.s32 $0x180, s4  }
0x5b: {  	s10 =	sor.u32 $0x400, s23;
	[tilespmem:s5+$0xA3C0] =	vst v0;
	s7 =	sor.u32 $0x400, s6  }
0x5c: {  	s22 =	sor.u32 $0x400, s9;
	[tilespmem:s5+$0xA450] =	vst v0  }
0x5d: {  	[tilespmem:s5+$0xA430] =	vst v0  }
0x5e: {  	[tilespmem:s5+$0xA3D0] =	vst v0  }
0x5f: {  	s11 =	sor.u32 $0x410, s6;
	[tilespmem:s5+$0xA410] =	vst v0  }
0x60: {  	[tilespmem:s5+$0xA460] =	vst v0  }
0x61: {  	s13 =	sor.u32 $0x430, s6;
	[tilespmem:s5+$0xA370] =	vst v0  }
0x62: {  	[tilespmem:s5+$0xA440] =	vst v0  }
0x63: {  	[tilespmem:s5+$0xA360] =	vst v0  }
0x64: {  	[tilespmem:s5+$0xA350] =	vst v0  }
0x65: {  	s24 =	sor.u32 $0x410, s9;
	s12 =	sor.u32 $0x470, s6;
	[tilespmem:s5+$0xA3B0] =	vst v0  }
0x66: {  	[tilespmem:s5+$0xA2F0] =	vst v0  }
0x67: {  	[tilespmem:s5+$0xA3E0] =	vst v0  }
0x68: {  	s25 =	sor.u32 $0x420, s9;
	[tilespmem:s5+$0xA330] =	vst v0  }
0x69: {  	s26 =	sor.u32 $0x430, s9;
	[tilespmem:s5+$0xA3A0] =	vst v0  }
0x6a: {  	s28 =	sor.u32 $0x440, s9;
	[tilespmem:s5+$0xA310] =	vst v0  }
0x6b: {  	[tilespmem:s5+$0xA3F0] =	vst v0  }
0x6c: {  	[tilespmem:s5+$0xA2E0] =	vst v0  }
0x6d: {  	[tilespmem:s5+$0xA320] =	vst v0  }
0x6e: {  	s16 =	sor.u32 $0x400, s4;
	[tilespmem:s5+$0xA390] =	vst v0  }
0x6f: {  	s17 =	sor.u32 $0x410, s4;
	[tilespmem:s5+$0xA300] =	vst v0  }
0x70: {  	s18 =	sor.u32 $0x420, s4;
	[tilespmem:s10+$0xA280] =	vst v0;
	s10 =	sor.u32 $0x410, s23  }
0x71: {  	s19 =	sor.u32 $0x430, s4;
	[tilespmem:s10+$0xA280] =	vst v0;
	s10 =	sor.u32 $0x420, s23  }
0x72: {  	s20 =	sor.u32 $0x440, s4;
	[tilespmem:s10+$0xA280] =	vst v0;
	s10 =	sor.u32 $0x430, s23  }
0x73: {  	s21 =	sor.u32 $0x450, s4;
	s29 =	sor.u32 $0x440, s23;
	[tilespmem:s10+$0xA280] =	vst v0  }
0x74: {  	s10 =	sor.u32 $0x460, s4;
	[tilespmem:s29+$0xA280] =	vst v0;
	s29 =	sor.u32 $0x450, s23  }
0x75: {  	[tilespmem:s29+$0xA280] =	vst v0;
	s29 =	sor.u32 $0x460, s23  }
0x76: {  	s23 =	sor.u32 $0x470, s23;
	[tilespmem:s29+$0xA280] =	vst v0;
	s29 =	sor.u32 $0x420, s6  }
0x77: {  	[tilespmem:s23+$0xA280] =	vst v0  }
0x78: {  	[tilespmem:s5+$0xA380] =	vst v0  }
0x79: {  	[tilespmem:s5+$0xA420] =	vst v0  }
0x7a: {  	[tilespmem:s22+$0xA280] =	vst v0  }
0x7b: {  	[tilespmem:s24+$0xA280] =	vst v0  }
0x7c: {  	[tilespmem:s25+$0xA280] =	vst v0  }
0x7d: {  	[tilespmem:s26+$0xA280] =	vst v0  }
0x7e: {  	s22 =	sor.u32 $0x450, s9;
	[tilespmem:s28+$0xA280] =	vst v0  }
0x7f: {  	[tilespmem:s22+$0xA280] =	vst v0;
	s22 =	sor.u32 $0x460, s9  }
0x80: {  	s9 =	sor.u32 $0x470, s9;
	[tilespmem:s22+$0xA280] =	vst v0  }
0x81: {  	[tilespmem:s9+$0xA280] =	vst v0  }
0x82: {  	[tilespmem:s5+$0xA2A0] =	vst v0  }
0x83: {  	[tilespmem:s5+$0xA400] =	vst v0  }
0x84: {  	[tilespmem:s7+$0xA280] =	vst v0  }
0x85: {  	[tilespmem:s11+$0xA280] =	vst v0  }
0x86: {  	[tilespmem:s29+$0xA280] =	vst v0  }
0x87: {  	s7 =	sor.u32 $0x440, s6;
	[tilespmem:s13+$0xA280] =	vst v0  }
0x88: {  	[tilespmem:s7+$0xA280] =	vst v0;
	s7 =	sor.u32 $0x450, s6  }
0x89: {  	s6 =	sor.u32 $0x460, s6;
	[tilespmem:s7+$0xA280] =	vst v0  }
0x8a: {  	[tilespmem:s6+$0xA280] =	vst v0  }
0x8b: {  	[tilespmem:s12+$0xA280] =	vst v0  }
0x8c: {  	[tilespmem:s5+$0xA2D0] =	vst v0  }
0x8d: {  	[tilespmem:s5+$0xA2C0] =	vst v0  }
0x8e: {  	[tilespmem:s5+$0xA2B0] =	vst v0  }
0x8f: {  	[tilespmem:s5+$0xA290] =	vst v0  }
0x90: {  	[tilespmem:s5+$0xA280] =	vst v0  }
0x91: {  	[tilespmem:s16+$0xA280] =	vst v0  }
.Ltmp0:
0x92: {  	[tilespmem:s17+$0xA280] =	vst v0;
	(pc) =	sbr.rel @p1 .LBB2_2-.Ltmp0, $4  }
0x93: {  	[tilespmem:s18+$0xA280] =	vst v0  }
0x94: {  	[tilespmem:s19+$0xA280] =	vst v0  }
0x95: {  	p0 =	por !p0, !p0;
	[tilespmem:s20+$0xA280] =	vst v0  }
0x96: {  	s2 =	sadd.s32 $0x200, s2;
	s3 =	sadd.s32 $0x400, s3;
	s4 =	sor.u32 $0x470, s4;
	[tilespmem:s21+$0xA280] =	vst v0  }
0x97: {  	[tilespmem:s10+$0xA280] =	vst v0  }
0x98: {  	[tilespmem:s4+$0xA280] =	vst v0  }
0x99: {  	[tilespmem:s0+$0xFFFFFFC0] =	vst v0  }
0x9a: {  	[tilespmem:s0+$0x30] =	vst v0  }
0x9b: {  	[tilespmem:s0+$0x20] =	vst v0  }
0x9c: {  	[tilespmem:s0+$0x10] =	vst v0  }
0x9d: {  	[tilespmem:s0+$0x0] =	vst v0  }
0x9e: {  	[tilespmem:s0+$0xFFFFFFF0] =	vst v0  }
0x9f: {  	s1 =	simm.s32 $0x0;
	[tilespmem:s0+$0xFFFFFFE0] =	vst v0  }
.LBB2_4:
0xa0: {  	s1 =	sadd.s32 $0x8, s1;
	[tilespmem:s0+$0xFFFFFFD0] =	vst v0;
	s0 =	sadd.s32 $0x80, s0  }
0xa1: {  	[tilespmem:s0+$0xFFFFFFC0] =	vst v0;
	p0 =	slt.u32 s1, $0x138  }
0xa2: {  	[tilespmem:s0+$0x30] =	vst v0  }
.Ltmp1:
0xa3: {  	[tilespmem:s0+$0x20] =	vst v0;
	(pc) =	sbr.rel @p0 .LBB2_4-.Ltmp1, $4  }
0xa4: {  	[tilespmem:s0+$0x10] =	vst v0  }
0xa5: {  	[tilespmem:s0+$0x0] =	vst v0  }
0xa6: {  	[tilespmem:s0+$0xFFFFFFF0] =	vst v0  }
0xa7: {  	[tilespmem:s0+$0xFFFFFFE0] =	vst v0  }
0xa8: {  	(v2sf) =	vpush v5, $0x0  }
0xa9: {  	(v2sf) =	vpush v5, $0x1;
	_ =	sdelay $0xd  }
0xaa: {  	s20 =	spop (v2sf)  }
0xab: {  	s21 =	spop (v2sf)  }
0xac: {  	s1 =	ssub.s32 s21, s20  }
0xad: {  	s1 =	sadd.s32 $0x3F, s1  }
0xae: {  	s2 =	sand.u32 $0x3F, s1  }
0xaf: {  	s3 =	sshra.s32 s1, $0x1F;
	p0 =	slt.s32 s1, $0x1;
	p1 =	sne.s32 s2, $0x0  }
0xb0: {  	s25 =	sshrl.u32 s3, $0x1A;
	p0 =	por !p0, !p1  }
0xb1: {  	s26 =	sadd.s32 s25, s1;
	s1 =	simm.s32 $0x1;
	p0 =	por !p0, !p0  }
0xb2: {  	[tilespmem:s0+$0xFFFFFFD0] =	vst v0;
	s0 =	sshra.s32 s26, $0x6;
	s1 =	simm.s32 @!p0 $0x0  }
0xb3: {  	v5 =	vld [tilespmem:$0xA100];
	s28 =	ssub.s32 s0, s1  }
0xb4: {  	v6 =	vld [tilespmem:$0xA110];
	p0 =	slt.s32 s28, $0x1  }
0xb5: {  	v7 =	vld [tilespmem:$0xA120];
	s0 =	sand.u32 @!p0 $0x7, s20  }
0xb6: {  	v8 =	vld [tilespmem:$0xA130];
	p1 =	slt.s32 @!p0 s20, $0x1;
	p2 =	sne.s32 @!p0 s0, $0x0  }
0xb7: {  	v9 =	vld [tilespmem:$0xA140];
	s0 =	sshra.s32 @!p0 s20, $0x1F;
	p1 =	por @!p0 !p1, !p2  }
0xb8: {  	v10 =	vld [tilespmem:$0xA150];
	s0 =	sshrl.u32 @!p0 s0, $0x1D;
	p1 =	por @!p0 !p1, !p1  }
0xb9: {  	v11 =	vld [tilespmem:$0xA160];
	s1 =	simm.s32 @!p0 $0x1;
	s0 =	sadd.s32 @!p0 s0, s20;
	p1 =	por !p1, p0  }
0xba: {  	v12 =	vld [tilespmem:$0xA170];
	s0 =	sshrl.u32 @!p0 s0, $0x3;
	s1 =	simm.s32 @p1 $0x0  }
0xbb: {  	v13 =	vld [tilespmem:$0xA180];
	s0 =	ssub.s32 @!p0 s0, s1  }
0xbc: {  	v14 =	vld [tilespmem:$0xA190];
	s0 =	sshll.u32 @!p0 s0, $0x3  }
0xbd: {  	v15 =	vld [tilespmem:$0xA1A0];
	p1 =	slt.s32 @!p0 s0, $0x270B0  }
0xbe: {  	v16 =	vld [tilespmem:$0xA1B0];
	p1 =	por !p1, p0  }
0xbf: {  	v17 =	vld [tilespmem:$0xA1C0];
	s0 =	simm.s32 @p1 $0x270B0  }
0xc0: {  	v18 =	vld [tilespmem:$0xA1D0];
	s2 =	rddreg [dreg:$0x0];
	s29 =	sadd.s32 $0x1, s28;
	s1 =	sshll.u32 @!p0 s0, $0x5  }
0xc1: {  	v19 =	vld [tilespmem:$0xA1E0];
	p5 =	slt.s32 s28, $0x0;
	s1 =	sadd.s32 @!p0 s2, s1;
	s2 =	simm.s32 @!p0 $0x0  }
0xc2: {  	v20 =	vld [tilespmem:$0xA1F0];
	[tilespmem:s2], [sflag:$0x1] =	stream.linear.gather @!p0 [hbm4b:s1+s2], $0x5000, $0x38  }
0xc3: {  	s30 =	sand.u32 $0x1, s29;
	s0 =	sshrl.u32 @!p0 s0, $0x3;
	s1 =	rddreg [dreg:$0x1]  }
0xc4: {  	p6 =	seq.s32 s30, $0x1;
	s0 =	sadd.s32 @!p0 s1, s0;
	s1 =	simm.s32 @!p0 $0x5000  }
0xc5: {  	[tilespmem:s1], [sflag:$0x2] =	stream.linear.gather @!p0 [hbm4b:s0+s2], $0x50, $0x38;
	[tilespmem:$0x1FA80] =	vst v63  }
0xc6: {  	s31 =	sshrl.u32 s29, $0x1F;
	p0 =	por !p5, !p6  }
0xc7: {  	s0 =	sadd.s32 s31, s29;
	s1 =	simm.s32 $0x1;
	p0 =	por !p0, !p0  }
0xc8: {  	s0 =	sshra.s32 s0, $0x1;
	s1 =	simm.s32 @!p0 $0x0  }
0xc9: {  	s0 =	ssub.s32 s0, s1  }
0xca: {  	p0 =	slt.s32 s0, $0x1  }
.Ltmp2:
0xcb: {  	_ = 	snop;
	(pc) =	sbr.rel @p0 .LBB2_24-.Ltmp2, $3  }
0xcc: {  	_ =	sdelay $0x1  }
0xcd: {  	[dreg:$0xa] =	wrdreg s28  }
0xce: {  	[dreg:$0xb] =	wrdreg s0  }
.Ltmp3:
0xcf: {  	(pc) =	sbr.rel .LBB2_7-.Ltmp3, $3  }
0xd0: {  	_ =	sdelay $0x1  }
0xd1: {  	s0 =	sand.u32 $0x7, s20;
	s26 =	smov.u32 s20  }
0xd2: {  	s28 =	simm.s32 $0x0;
	[dreg:$0xc] =	wrdreg s0;
	p0 =	sne.s32 s0, $0x0  }
.LBB2_23:
0xd3: {  	s28 =	sadd.s32 $0x1, s28;
	s0 =	rddreg [dreg:$0xb]  }
0xd4: {  	p1 =	sne.s32 s28, s0  }
.Ltmp4:
0xd5: {  	_ = 	snop;
	(pc) =	sbr.rel @!p1 .LBB2_24-.Ltmp4, $2  }
0xd6: {  	_ =	sdelay $0x2  }
0xd7: {  	s26 =	sadd.s32 $0x80, s26  }
.LBB2_7:
0xd8: {  	s29 =	sshllo.u32 s28, $0x1;
	s0 =	sshll.u32 s28, $0x7;
	s1 =	rddreg [dreg:$0xa]  }
0xd9: {  	s2 =	rddreg [dreg:$0xc];
	s3 =	simm.s32 $0x1;
	s11 =	simm.s32 $0x2  }
0xda: {  	p1 =	sge.s32 s29, s1;
	s30 =	sadd.s32 s20, s0;
	_ =	swait.ge [sflag:s3], $0x5000  }
0xdb: {  	s0 =	sshll.u32 @!p1 s29, $0x6;
	s10 =	sshra.s32 s30, $0x1F;
	p2 =	sne.s32 @!p1 s2, $0x0  }
0xdc: {  	p4 =	slt.s32 s30, $0x1;
	[sflag:s3] =	ssyncset.done $0x0;
	s0 =	sadd.s32 @!p1 s20, s0  }
0xdd: {  	s4 =	simm.s32 @!p1 $0x5080;
	s1 =	sshrl.u32 s10, $0x1D;
	p3 =	slt.s32 @!p1 s0, $0x1  }
0xde: {  	p5 =	por !p0, !p4;
	s2 =	sshra.s32 @!p1 s0, $0x1F;
	p2 =	por @!p1 !p2, !p3  }
0xdf: {  	[sflag:s3] =	ssyncadd.s32 $0xFFFFB000;
	s2 =	sshrl.u32 @!p1 s2, $0x1D;
	p2 =	por @!p1 !p2, !p2  }
0xe0: {  	s0 =	sadd.s32 @!p1 s2, s0;
	s2 =	simm.s32 @!p1 $0x1;
	p2 =	por !p2, p1  }
0xe1: {  	s1 =	sadd.s32 s1, s30;
	s0 =	sshrl.u32 @!p1 s0, $0x3;
	s2 =	simm.s32 @p2 $0x0  }
0xe2: {  	p2 =	por !p5, !p5;
	s0 =	ssub.s32 @!p1 s0, s2;
	s2 =	simm.s32 $0x1  }
0xe3: {  	s1 =	sshrl.u32 s1, $0x3;
	s0 =	sshll.u32 @!p1 s0, $0x3;
	s2 =	simm.s32 @!p2 $0x0  }
0xe4: {  	_ =	swait.ge [sflag:s11], $0x50;
	p3 =	slt.s32 @!p1 s0, $0x270B0;
	s1 =	ssub.s32 s1, s2  }
0xe5: {  	[sflag:s11] =	ssyncset.done $0x0;
	p2 =	por !p3, p1;
	s1 =	sshll.u32 s1, $0x3  }
0xe6: {  	[sflag:s11] =	ssyncadd.s32 $0xFFFFFFB0;
	s0 =	simm.s32 @p2 $0x270B0;
	p2 =	slt.s32 s1, $0x270B0  }
0xe7: {  	s3 =	rddreg [dreg:$0x0];
	s2 =	sshll.u32 @!p1 s0, $0x5;
	s1 =	simm.s32 @!p2 $0x270B0  }
0xe8: {  	s2 =	sadd.s32 @!p1 s3, s2;
	s3 =	simm.s32 @!p1 $0x0;
	s31 =	ssub.s32 s30, s1  }
0xe9: {  	[tilespmem:s4], [sflag:$0x3] =	stream.linear.gather @!p1 [hbm4b:s2+s3], $0x5000, $0x38;
	[tilespmem:$0x1FA80] =	vst v63  }
0xea: {  	s0 =	sshrl.u32 @!p1 s0, $0x3;
	s2 =	rddreg [dreg:$0x1];
	s1 =	sadd.s32 $0x0, s31  }
0xeb: {  	s0 =	sadd.s32 @!p1 s2, s0;
	s2 =	simm.s32 @!p1 $0xA080;
	p2 =	slt.s32 s1, $0x4F  }
0xec: {  	[tilespmem:s2], [sflag:$0x4] =	stream.linear.gather @!p1 [hbm4b:s0+s3], $0x50, $0x38;
	[tilespmem:$0x1FA80] =	vst v63  }
0xed: {  	s1 =	simm.s32 @!p2 $0x4F  }
0xee: {  	s13 =	sshll.u32 s1, $0x8;
	s1 =	sshll.u32 s1, $0x7  }
0xef: {  	s3 =	sand.u32 $0xFFFFF800, s13;
	s1 =	sand.u32 $0x380, s1  }
0xf0: {  	s14 =	sor.u32 s1, s3  }
0xf1: {  	v22 =	vld [tilespmem:s14+$0x470]  }
0xf2: {  	v21 =	vld [tilespmem:s14+$0x430]  }
0xf3: {  	v24 =	vld [tilespmem:s14+$0x70]  }
0xf4: {  	v25 =	vld [tilespmem:s14+$0x60]  }
0xf5: {  	v32 =	vld [tilespmem:s14+$0x40]  }
0xf6: {  	s12 =	simm.s32 $0x0;
	v35 =	vld [tilespmem:s14+$0x30]  }
0xf7: {  	s0 =	sor.u32 $0x1, s12;
	v36 =	vld [tilespmem:s14+$0x20]  }
0xf8: {  	s2 =	sadd.s32 s31, s0;
	v38 =	vld [tilespmem:s14+$0x420]  }
0xf9: {  	p2 =	slt.s32 s2, $0x4F;
	v41 =	vld [tilespmem:s14+$0x460]  }
0xfa: {  	s2 =	simm.s32 @!p2 $0x4F;
	v44 =	vld [tilespmem:s14+$0x0]  }
0xfb: {  	s5 =	sshll.u32 s2, $0x8;
	s15 =	sshll.u32 s2, $0x7;
	v45 =	vld [tilespmem:s14+$0x10]  }
0xfc: {  	v47 =	vld [tilespmem:s14+$0x50];
	s16 =	sand.u32 $0xFFFFF800, s5;
	s1 =	sand.u32 $0x380, s15  }
0xfd: {  	v52 =	vld [tilespmem:s14+$0x410];
	s17 =	sor.u32 s1, s16  }
0xfe: {  	v23 =	vld [tilespmem:s17+$0x410]  }
0xff: {  	v26 =	vld [tilespmem:s17+$0x20]  }
0x100: {  	v27 =	vld [tilespmem:s17+$0x40]  }
0x101: {  	v28 =	vld [tilespmem:s17+$0x10]  }
0x102: {  	v29 =	vld [tilespmem:s17+$0x0]  }
0x103: {  	v30 =	vld [tilespmem:s17+$0x420]  }
0x104: {  	v31 =	vld [tilespmem:s17+$0x70]  }
0x105: {  	v33 =	vld [tilespmem:s17+$0x60]  }
0x106: {  	v34 =	vld [tilespmem:s17+$0x50]  }
0x107: {  	v37 =	vld [tilespmem:s17+$0x400]  }
0x108: {  	s5 =	sadd.s32 $0x2, s31;
	v39 =	vld [tilespmem:s17+$0x30]  }
0x109: {  	p2 =	slt.s32 s5, $0x4F;
	v40 =	vld [tilespmem:s17+$0x440];
	v25 =	vmul.f32 v25, v11  }
0x10a: {  	s2 =	simm.s32 $0x2;
	v42 =	vld [tilespmem:s17+$0x450];
	s5 =	simm.s32 @!p2 $0x4F;
	v36 =	vmul.f32 v36, v7;
	v24 =	vmul.f32 v24, v12  }
0x10b: {  	s18 =	sor.u32 $0x1, s2;
	v43 =	vld [tilespmem:s17+$0x460];
	s19 =	sshll.u32 s5, $0x8;
	s5 =	sshll.u32 s5, $0x7;
	v35 =	vmul.f32 v35, v8;
	v38 =	vmul.f32 v38, v15  }
0x10c: {  	s6 =	sadd.s32 s31, s18;
	v46 =	vld [tilespmem:s17+$0x430];
	v21 =	vmul.f32 v21, v16;
	s3 =	sand.u32 $0xFFFFF800, s19;
	s5 =	sand.u32 $0x380, s5;
	v53 =	vmul.f32 v41, v19  }
0x10d: {  	p2 =	slt.s32 s6, $0x4F;
	v32 =	vmul.f32 v32, v9;
	v59 =	vmul.f32 v44, v5;
	s3 =	sor.u32 s5, s3;
	v25 =	vadd.f32 v25, v36;
	v36 =	vld [tilespmem:s14+$0x450]  }
0x10e: {  	s6 =	simm.s32 @!p2 $0x4F;
	v61 =	vmul.f32 v47, v10;
	v62 =	vmul.f32 v45, v6;
	v56 =	vld [tilespmem:s3+$0x70]  }
0x10f: {  	s7 =	sshll.u32 s6, $0x8;
	s22 =	sshll.u32 s6, $0x7;
	v49 =	vld [tilespmem:s3+$0x40];
	v27 =	vmul.f32 v27, v9;
	v29 =	vmul.f32 v29, v5  }
0x110: {  	s23 =	sand.u32 $0xFFFFF800, s7;
	s5 =	sand.u32 $0x380, s22;
	v24 =	vadd.f32 v24, v35;
	v41 =	vld [tilespmem:s3+$0x0];
	v31 =	vmul.f32 v31, v12;
	v28 =	vmul.f32 v28, v6  }
0x111: {  	s9 =	sor.u32 s5, s23;
	v32 =	vadd.f32 v32, v59;
	v51 =	vmul.f32 v39, v8;
	v39 =	vld [tilespmem:s14+$0x440];
	v34 =	vmul.f32 v34, v10  }
0x112: {  	v45 =	vadd.f32 v61, v62;
	v26 =	vmul.f32 v26, v7;
	v33 =	vmul.f32 v33, v11;
	v48 =	vld [tilespmem:s9+$0x410]  }
0x113: {  	v37 =	vmul.f32 v37, v13;
	v30 =	vmul.f32 v30, v15;
	v27 =	vadd.f32 v27, v29;
	v29 =	vld [tilespmem:s17+$0x470]  }
0x114: {  	v23 =	vmul.f32 v23, v14;
	v54 =	vmul.f32 v40, v17;
	v60 =	vld [tilespmem:s9+$0x20];
	v25 =	vadd.f32 v38, v25  }
0x115: {  	v55 =	vmul.f32 v46, v16;
	v63 =	vld [tilespmem:s9+$0x10];
	v24 =	vadd.f32 v21, v24;
	v26 =	vadd.f32 v33, v26  }
0x116: {  	v57 =	vmul.f32 v42, v18;
	v38 =	vld [tilespmem:s14+$0x400];
	v31 =	vadd.f32 v31, v51;
	v28 =	vadd.f32 v34, v28  }
0x117: {  	v58 =	vmul.f32 v43, v19;
	v50 =	vld [tilespmem:s9+$0x50];
	v27 =	vadd.f32 v37, v27;
	v26 =	vadd.f32 v30, v26  }
0x118: {  	v33 =	vld [tilespmem:s3+$0x430];
	v31 =	vadd.f32 v55, v31;
	v23 =	vadd.f32 v23, v28;
	v29 =	vmul.f32 v29, v20  }
0x119: {  	v35 =	vmul.f32 v52, v14;
	v51 =	vld [tilespmem:s3+$0x30];
	v26 =	vadd.f32 v58, v26;
	v27 =	vadd.f32 v54, v27  }
0x11a: {  	v30 =	vld [tilespmem:s3+$0x60];
	v23 =	vadd.f32 v57, v23;
	v29 =	vadd.f32 v29, v31  }
0x11b: {  	v35 =	vadd.f32 v35, v45;
	v25 =	vadd.f32 v53, v25;
	v28 =	vld [tilespmem:s9+$0x40];
	v38 =	vmul.f32 v38, v13  }
0x11c: {  	v22 =	vmul.f32 v22, v20;
	v54 =	vld [tilespmem:s9+$0x400];
	v23 =	vadd.f32 v23, v27;
	v26 =	vadd.f32 v29, v26  }
0x11d: {  	v36 =	vmul.f32 v36, v18;
	v47 =	vmul.f32 v39, v17;
	v27 =	vld [tilespmem:s9+$0x70];
	v29 =	vadd.f32 v38, v32  }
0x11e: {  	v22 =	vadd.f32 v22, v24;
	v39 =	vmul.f32 v56, v12;
	v57 =	vld [tilespmem:s9+$0x30];
	v26 =	vadd.f32 v26, v23  }
0x11f: {  	v37 =	vmul.f32 v50, v10;
	v31 =	vld [tilespmem:s9+$0x0];
	v23 =	vadd.f32 v47, v29;
	v29 =	vadd.f32 v36, v35  }
0x120: {  	v46 =	vld [tilespmem:s9+$0x420];
	v22 =	vadd.f32 v22, v25;
	v33 =	vmul.f32 v33, v16;
	v25 =	vperm.xlane v26, v1  }
0x121: {  	v53 =	vld [tilespmem:s3+$0x20];
	v61 =	vmul.f32 v51, v8;
	v30 =	vmul.f32 v30, v11;
	v29 =	vadd.f32 v29, v23  }
0x122: {  	v59 =	vld [tilespmem:s9+$0x440];
	v52 =	vmul.f32 v28, v9;
	v28 =	vmul.f32 v27, v12;
	v27 =	vadd.f32 v26, v25  }
0x123: {  	v55 =	vld [tilespmem:s3+$0x420];
	v32 =	vmul.f32 v54, v13;
	v45 =	vmul.f32 v57, v8;
	v29 =	vadd.f32 v22, v29  }
0x124: {  	v42 =	vld [tilespmem:s9+$0x450];
	v56 =	vmul.f32 v31, v5;
	v31 =	vperm.xlane v27, v2  }
0x125: {  	v40 =	vld [tilespmem:s9+$0x460];
	v44 =	vadd.f32 v39, v61;
	v23 =	vmul.f32 v46, v15;
	v58 =	vperm.xlane v29, v1  }
0x126: {  	s24 =	sadd.s32 s30, s0;
	v43 =	vld [tilespmem:s9+$0x430];
	v26 =	vmul.f32 v60, v7;
	v60 =	vadd.f32 v27, v31;
	v27 =	vmul.f32 v53, v7  }
0x127: {  	s10 =	simm.s32 $0x4;
	p6 =	slt.s32 s24, s21;
	v24 =	vld [tilespmem:s9+$0x60];
	v22 =	vmul.f32 v49, v9;
	v25 =	vmul.f32 v63, v6;
	v31 =	vadd.f32 v29, v58  }
0x128: {  	s25 =	sadd.s32 s30, s18;
	s4 =	sshll.u32 s18, $0x4;
	p2 =	por p6, p6;
	v21 =	vld [tilespmem:s3+$0x470];
	v29 =	vmul.f32 v55, v15;
	v62 =	vadd.f32 v30, v27;
	v63 =	vperm.xlane v60, v3  }
0x129: {  	p4 =	slt.s32 s25, s21;
	s6 =	sshll.u32 s0, $0x4;
	p3 =	por p2, p2;
	v34 =	vld [tilespmem:s3+$0x460];
	v36 =	vadd.f32 v52, v56;
	v27 =	vmul.f32 v48, v14;
	v38 =	vperm.xlane v31, v2  }
0x12a: {  	p2 =	por p4, p4;
	s7 =	simm.s32 $0x0;
	s5 =	sshll.u32 s28, $0x1;
	v30 =	vld [tilespmem:s3+$0x10];
	v39 =	vadd.f32 v29, v62;
	v29 =	vmul.f32 v59, v17;
	v35 =	vadd.f32 v60, v63  }
.LBB2_8:
0x12b: {  	s11 =	sadd.s32 s31, s10  }
0x12c: {  	s12 =	sor.u32 $0x1, s10;
	v46 =	vld [tilespmem:s3+$0x50];
	v24 =	vmul.f32 v24, v11;
	v42 =	vmul.f32 v42, v18;
	v31 =	vadd.f32 v31, v38;
	s1 =	smov.u32 s10;
	s0 =	sadd.s32 $0x2, s10  }
0x12d: {  	p4 =	slt.u32 s10, $0x3E;
	v28 =	vadd.f32 v28, v45;
	p5 =	slt.s32 s11, $0x4F;
	s13 =	sadd.s32 s31, s12;
	v38 =	vld [tilespmem:s9+$0x470];
	v40 =	vmul.f32 v40, v19;
	v45 =	vperm.xlane v35, v4  }
0x12e: {  	v33 =	vadd.f32 v33, v44;
	s9 =	sadd.s32 s30, s12;
	s11 =	simm.s32 @!p5 $0x4F;
	p5 =	slt.s32 s13, $0x4F;
	v47 =	vld [tilespmem:s3+$0x450];
	v41 =	vmul.f32 v41, v5;
	v44 =	vperm.xlane v31, v3  }
0x12f: {  	v34 =	vmul.f32 v34, v19;
	v25 =	vadd.f32 v37, v25;
	s10 =	sshll.u32 s11, $0x8;
	s11 =	sshll.u32 s11, $0x7;
	s13 =	simm.s32 @!p5 $0x4F;
	v48 =	vld [tilespmem:s3+$0x440];
	v35 =	vadd.f32 v35, v45  }
0x130: {  	v24 =	vadd.f32 v24, v26;
	v26 =	vadd.f32 v32, v36;
	s10 =	sand.u32 $0xFFFFF800, s10;
	s11 =	sand.u32 $0x380, s11;
	s16 =	sshll.u32 s13, $0x8;
	v37 =	vld [tilespmem:s3+$0x400];
	v32 =	vmul.f32 v43, v16  }
0x131: {  	v34 =	vadd.f32 v34, v39;
	v39 =	vmul.f32 v21, v20;
	p5 =	slt.s32 s9, s21;
	s9 =	sshll.u32 s13, $0x7;
	v36 =	vld [tilespmem:s3+$0x410];
	s3 =	sor.u32 s11, s10;
	v35 =	vmul.f32 $1.442695020e+00, v35  }
0x132: {  	v23 =	vadd.f32 v23, v24;
	v31 =	vadd.f32 v31, v44;
	s11 =	sand.u32 $0xFFFFF800, s16;
	s9 =	sand.u32 $0x380, s9;
	s10 =	sshll.u32 s12, $0x4;
	v21 =	vld [tilespmem:s3+$0x470];
	v24 =	vmul.f32 v38, v20  }
0x133: {  	v43 =	vmul.f32 v46, v10;
	s9 =	sor.u32 s9, s11;
	v28 =	vadd.f32 v32, v28;
	v38 =	vld [tilespmem:s3+$0x430];
	(erf) = vpow2.f32 v35  }
0x134: {  	v30 =	vmul.f32 v30, v6;
	v23 =	vadd.f32 v40, v23;
	v32 =	vperm.xlane v31, v4;
	v35 =	vld [tilespmem:s9+$0x410]  }
0x135: {  	v25 =	vadd.f32 v27, v25;
	v22 =	vadd.f32 v22, v41;
	v40 =	vld [tilespmem:s3+$0x70];
	v37 =	vmul.f32 v37, v13  }
0x136: {  	v26 =	vadd.f32 v29, v26;
	v30 =	vadd.f32 v43, v30;
	v41 =	vmul.f32 v47, v18;
	v27 =	vld [tilespmem:s3+$0x60]  }
0x137: {  	v33 =	vadd.f32 v39, v33;
	v36 =	vmul.f32 v36, v14;
	v29 =	vld [tilespmem:s9+$0x20];
	v22 =	vadd.f32 v37, v22  }
0x138: {  	v24 =	vadd.f32 v24, v28;
	v28 =	vadd.f32 v31, v32;
	v37 =	vld [tilespmem:s9+$0x40]  }
0x139: {  	v25 =	vadd.f32 v42, v25;
	v33 =	vadd.f32 v33, v34;
	v32 =	vmul.f32 v48, v17;
	v31 =	vld [tilespmem:s9+$0x10]  }
0x13a: {  	v23 =	vadd.f32 v24, v23;
	v30 =	vadd.f32 v36, v30;
	v36 =	vmul.f32 $1.442695020e+00, v28;
	v34 =	vld [tilespmem:s9+$0x0]  }
0x13b: {  	v25 =	vadd.f32 v25, v26;
	s11 =	simm.f32 $1.000000000e+00;
	v22 =	vadd.f32 v32, v22;
	v28 =	vld [tilespmem:s9+$0x420]  }
0x13c: {  	s11 =	simm.s32 @!p3 $0x0;
	p3 =	por p2, p2;
	p2 =	por p5, p5;
	v30 =	vadd.f32 v41, v30;
	v26 =	vld [tilespmem:s9+$0x70];
	(erf) = vpow2.f32 v36;
	v24 =	vpop (erf)  }
0x13d: {  	v25 =	vadd.f32 v23, v25;
	v27 =	vmul.f32 v27, v11;
	v32 =	vld [tilespmem:s3+$0x40];
	v23 =	vmul.f32 s11, v24  }
0x13e: {  	v39 =	vmul.f32 v40, v12;
	v22 =	vadd.f32 v30, v22;
	s11 =	sand.u32 $0x3FFFFFF0, s6;
	s6 =	smov.u32 s4;
	s4 =	smov.u32 s10;
	v24 =	vld [tilespmem:s9+$0x60]  }
0x13f: {  	v36 =	vmul.f32 v37, v9;
	v37 =	vperm.xlane v25, v1;
	v30 =	vld [tilespmem:s9+$0x50];
	[tilespmem:s11+$0x1F680] =	vst v23  }
0x140: {  	v41 =	vadd.f32 v33, v22;
	v40 =	vld [tilespmem:s3+$0x30];
	v23 =	vmul.f32 v28, v15  }
0x141: {  	v37 =	vadd.f32 v25, v37;
	v42 =	vld [tilespmem:s3+$0x20];
	v28 =	vmul.f32 v26, v12  }
0x142: {  	s10 =	sadd.s32 s30, s7;
	v25 =	vmul.f32 v31, v6;
	v22 =	vmul.f32 v32, v9;
	v32 =	vld [tilespmem:s9+$0x400]  }
0x143: {  	p5 =	slt.s32 s10, s21;
	s10 =	simm.f32 $1.000000000e+00;
	v44 =	vmul.f32 v34, v5;
	v34 =	vperm.xlane v37, v2;
	v43 =	vld [tilespmem:s3+$0x420]  }
0x144: {  	s10 =	simm.s32 @!p5 $0x0;
	v26 =	vmul.f32 v29, v7;
	v29 =	vperm.xlane v41, v1;
	v45 =	vld [tilespmem:s9+$0x30]  }
0x145: {  	v33 =	vmul.f32 v38, v16;
	s11 =	sshll.u32 s7, $0x4;
	s7 =	smov.u32 s2;
	s2 =	smov.u32 s1;
	v47 =	vadd.f32 v37, v34;
	v46 =	vld [tilespmem:s9+$0x440];
	v31 =	vpop (erf)  }
0x146: {  	s1 =	sand.u32 $0x3FFFFFF0, s11;
	v34 =	vld [tilespmem:s3+$0x460];
	v38 =	vmul.f32 v42, v7;
	v48 =	vmul.f32 s10, v31  }
.Ltmp5:
0x147: {  	v49 =	vmul.f32 v40, v8;
	v31 =	vadd.f32 v41, v29;
	v42 =	vld [tilespmem:s9+$0x450];
	v32 =	vmul.f32 v32, v13;
	(pc) =	sbr.rel @p4 .LBB2_8-.Ltmp5, $4  }
0x148: {  	v36 =	vadd.f32 v36, v44;
	v37 =	vmul.f32 v30, v10;
	v29 =	vmul.f32 v43, v15;
	v40 =	vld [tilespmem:s9+$0x460];
	[tilespmem:s1+$0x1F680] =	vst v48  }
0x149: {  	v43 =	vadd.f32 v27, v38;
	v27 =	vmul.f32 v35, v14;
	v35 =	vperm.xlane v47, v3;
	v41 =	vld [tilespmem:s3+$0x0]  }
0x14a: {  	v44 =	vadd.f32 v39, v49;
	v38 =	vperm.xlane v31, v2;
	v45 =	vmul.f32 v45, v8;
	v30 =	vld [tilespmem:s3+$0x10]  }
0x14b: {  	s10 =	smov.u32 s0;
	v39 =	vadd.f32 v29, v43;
	v29 =	vmul.f32 v46, v17;
	v35 =	vadd.f32 v47, v35;
	v43 =	vld [tilespmem:s9+$0x430]  }
0x14c: {  	v46 =	vld [tilespmem:s9+$0x470]  }
0x14d: {  	v47 =	vld [tilespmem:s3+$0x50];
	v24 =	vmul.f32 v24, v11;
	v42 =	vmul.f32 v42, v18;
	v28 =	vadd.f32 v28, v45  }
0x14e: {  	v33 =	vadd.f32 v33, v44;
	v34 =	vmul.f32 v34, v19;
	v57 =	vld [tilespmem:s3+$0x400];
	v25 =	vadd.f32 v37, v25  }
0x14f: {  	v32 =	vadd.f32 v32, v36;
	v21 =	vmul.f32 v21, v20;
	v24 =	vadd.f32 v24, v26;
	v26 =	vld [tilespmem:s3+$0x410]  }
0x150: {  	v60 =	vld [tilespmem:s3+$0x440];
	v40 =	vmul.f32 v40, v19;
	v34 =	vadd.f32 v34, v39;
	v25 =	vadd.f32 v27, v25  }
0x151: {  	v58 =	vld [tilespmem:s3+$0x450];
	v41 =	vmul.f32 v41, v5;
	v29 =	vadd.f32 v29, v32;
	v21 =	vadd.f32 v21, v33  }
0x152: {  	v30 =	vmul.f32 v30, v6;
	v23 =	vadd.f32 v23, v24;
	v61 =	vmul.f32 v47, v10  }
0x153: {  	v59 =	vmul.f32 v43, v16;
	v22 =	vadd.f32 v22, v41;
	v25 =	vadd.f32 v42, v25  }
0x154: {  	v62 =	vmul.f32 v57, v13;
	v27 =	vadd.f32 v61, v30;
	v26 =	vmul.f32 v26, v14  }
0x155: {  	v24 =	vmul.f32 v46, v20;
	v63 =	vmul.f32 v60, v17;
	v28 =	vadd.f32 v59, v28  }
0x156: {  	v30 =	vmul.f32 v58, v18;
	v22 =	vadd.f32 v62, v22;
	v26 =	vadd.f32 v26, v27  }
0x157: {  	v23 =	vadd.f32 v40, v23;
	v24 =	vadd.f32 v24, v28  }
0x158: {  	v22 =	vadd.f32 v63, v22;
	v26 =	vadd.f32 v30, v26  }
0x159: {  	v23 =	vadd.f32 v24, v23;
	v24 =	vadd.f32 v25, v29  }
0x15a: {  	v21 =	vadd.f32 v21, v34;
	v22 =	vadd.f32 v26, v22  }
0x15b: {  	v23 =	vadd.f32 v23, v24  }
0x15c: {  	v21 =	vadd.f32 v21, v22  }
0x15d: {  	v22 =	vperm.xlane v23, v1  }
0x15e: {  	v24 =	vperm.xlane v21, v1  }
0x15f: {  	v22 =	vadd.f32 v23, v22  }
0x160: {  	v21 =	vadd.f32 v21, v24  }
0x161: {  	v23 =	vperm.xlane v22, v2  }
0x162: {  	v24 =	vadd.f32 v31, v38;
	v25 =	vperm.xlane v21, v2  }
0x163: {  	v22 =	vadd.f32 v22, v23  }
0x164: {  	v23 =	vperm.xlane v24, v3;
	v21 =	vadd.f32 v21, v25  }
0x165: {  	v25 =	vperm.xlane v22, v3  }
0x166: {  	v23 =	vadd.f32 v24, v23;
	v24 =	vperm.xlane v21, v3  }
0x167: {  	v26 =	vperm.xlane v35, v4;
	v22 =	vadd.f32 v22, v25  }
0x168: {  	v25 =	vperm.xlane v23, v4;
	v21 =	vadd.f32 v21, v24  }
0x169: {  	v24 =	vadd.f32 v35, v26;
	v26 =	vperm.xlane v22, v4  }
0x16a: {  	v23 =	vadd.f32 v23, v25;
	v25 =	vperm.xlane v21, v4  }
0x16b: {  	v24 =	vmul.f32 $1.442695020e+00, v24;
	v22 =	vadd.f32 v22, v26  }
0x16c: {  	v23 =	vmul.f32 $1.442695020e+00, v23;
	v21 =	vadd.f32 v21, v25  }
0x16d: {  	(erf) = vpow2.f32 v24;
	v22 =	vmul.f32 $1.442695020e+00, v22  }
0x16e: {  	(erf) = vpow2.f32 v23;
	v21 =	vmul.f32 $1.442695020e+00, v21  }
0x16f: {  	(erf) = vpow2.f32 v22  }
0x170: {  	(erf) = vpow2.f32 v21;
	_ =	sdelay $0x3  }
0x171: {  	s0 =	simm.f32 $1.000000000e+00;
	s1 =	sadd.s32 s30, s7;
	p2 =	por p2, p2  }
0x172: {  	s22 =	sand.u32 $0x3FFFFFF0, s6;
	s23 =	sshll.u32 s7, $0x4;
	s24 =	simm.s32 $0x0  }
0x173: {  	s0 =	simm.s32 @!p3 $0x0;
	p3 =	slt.s32 s1, s21;
	s1 =	simm.f32 $1.000000000e+00;
	v21 =	vpop (erf)  }
0x174: {  	s7 =	simm.f32 $1.000000000e+00;
	s25 =	sadd.s32 s30, s2;
	s1 =	simm.s32 @!p3 $0x0;
	v22 =	vpop (erf);
	v21 =	vmul.f32 s0, v21  }
0x175: {  	s7 =	simm.s32 @!p2 $0x0;
	p2 =	slt.s32 s25, s21;
	v22 =	vmul.f32 s1, v22;
	v23 =	vpop (erf);
	s1 =	simm.f32 $1.000000000e+00  }
0x176: {  	s6 =	sand.u32 $0x3FFFFFF0, s23;
	s0 =	sor.u32 $0x1, s24;
	[tilespmem:s22+$0x1F680] =	vst v21;
	v21 =	vmul.f32 s7, v23;
	s1 =	simm.s32 @!p2 $0x0;
	v23 =	vpop (erf)  }
0x177: {  	s9 =	sand.u32 $0x3FFFFFF0, s4;
	s10 =	sshll.u32 s2, $0x4;
	[tilespmem:s6+$0x1F680] =	vst v22;
	v22 =	vmul.f32 s1, v23;
	s1 =	sadd.s32 s31, s0  }
0x178: {  	s2 =	sand.u32 $0x3FFFFFF0, s10;
	[tilespmem:s9+$0x1F680] =	vst v21;
	p2 =	slt.s32 s1, $0x4F  }
0x179: {  	[tilespmem:s2+$0x1F680] =	vst v22;
	s1 =	simm.s32 @!p2 $0x4F  }
0x17a: {  	v21 =	vld [tilespmem:s1+$0x5000];
	_ =	sdelay $0x1  }
0x17b: {  	s2 =	sadd.s32 $0x0, s31  }
0x17c: {  	p2 =	slt.s32 s2, $0x4F  }
0x17d: {  	s2 =	simm.s32 @!p2 $0x4F  }
0x17e: {  	v22 =	vld [tilespmem:s2+$0x5000];
	(v2sf) =	vpush v21, $0x0;
	_ =	sdelay $0x4  }
0x17f: {  	(v2sf) =	vpush v22, $0x0;
	_ =	sdelay $0x5  }
0x180: {  	s11 =	sshll.u32 s0, $0x4;
	s12 =	sshll.u32 s1, $0x8;
	s1 =	sshll.u32 s1, $0x7  }
0x181: {  	s3 =	sand.u32 $0x3FFFFFF0, s11;
	s4 =	sand.u32 $0xFFFFF800, s12;
	s1 =	sand.u32 $0x380, s1  }
0x182: {  	s12 =	sor.u32 s1, s4;
	v21 =	vld [tilespmem:s3+$0x1F680]  }
0x183: {  	s15 =	simm.s32 $0x0;
	s0 =	sadd.s32 s30, s0;
	v22 =	vld [tilespmem:s12+$0x0]  }
0x184: {  	s16 =	sand.u32 $0x3FFFFFF0, s15;
	p2 =	slt.s32 s0, s21;
	s14 =	spop (v2sf)  }
0x185: {  	s13 =	sshll.u32 s2, $0x7;
	s2 =	sshll.u32 s2, $0x8;
	s0 =	ssub.s32 s14, s8  }
0x186: {  	s1 =	sand.u32 $0x380, s13;
	s2 =	sand.u32 $0xFFFFF800, s2;
	s0 =	simm.s32 @!p2 $0x0  }
0x187: {  	v26 =	vld [tilespmem:s16+$0x1F680];
	s17 =	sor.u32 s1, s2;
	s18 =	sshll.u32 s0, $0x8;
	s19 =	sshll.u32 s0, $0x7  }
0x188: {  	v23 =	vld [tilespmem:s17+$0x0];
	v22 =	vmul.f32 v22, v21;
	s1 =	sand.u32 $0xFFFFF800, s18;
	s2 =	sand.u32 $0x380, s19  }
0x189: {  	s22 =	sadd.s32 $0x0, s30;
	s23 =	spop (v2sf);
	s6 =	sor.u32 s2, s1  }
0x18a: {  	p2 =	slt.s32 s22, s21;
	s4 =	ssub.s32 s23, s8;
	[tilespmem:s6+$0xA280] =	vst.add.f32.msk $0xffff, v22  }
0x18b: {  	s4 =	simm.s32 @!p2 $0x0;
	v22 =	vld [tilespmem:s12+$0x10]  }
0x18c: {  	s24 =	sshll.u32 s4, $0x8;
	s25 =	sshll.u32 s4, $0x7  }
0x18d: {  	v23 =	vmul.f32 v23, v26;
	s1 =	sand.u32 $0xFFFFF800, s24;
	s2 =	sand.u32 $0x380, s25  }
0x18e: {  	s25 =	sor.u32 s2, s1  }
0x18f: {  	[tilespmem:s25+$0xA280] =	vst.add.f32.msk $0xffff, v23  }
0x190: {  	v23 =	vld [tilespmem:s17+$0x10];
	v22 =	vmul.f32 v22, v21;
	_ =	sdelay $0x1  }
0x191: {  	[tilespmem:s6+$0xA290] =	vst.add.f32.msk $0xffff, v22  }
0x192: {  	v22 =	vld [tilespmem:s12+$0x20];
	_ =	sdelay $0x1  }
0x193: {  	v23 =	vmul.f32 v23, v26;
	_ =	sdelay $0x1  }
0x194: {  	[tilespmem:s25+$0xA290] =	vst.add.f32.msk $0xffff, v23  }
0x195: {  	v23 =	vld [tilespmem:s17+$0x20];
	v22 =	vmul.f32 v22, v21;
	_ =	sdelay $0x1  }
0x196: {  	[tilespmem:s6+$0xA2A0] =	vst.add.f32.msk $0xffff, v22  }
0x197: {  	v22 =	vld [tilespmem:s12+$0x30];
	_ =	sdelay $0x1  }
0x198: {  	v23 =	vmul.f32 v23, v26;
	_ =	sdelay $0x1  }
0x199: {  	[tilespmem:s25+$0xA2A0] =	vst.add.f32.msk $0xffff, v23  }
0x19a: {  	v23 =	vld [tilespmem:s17+$0x30];
	v22 =	vmul.f32 v22, v21;
	_ =	sdelay $0x1  }
0x19b: {  	[tilespmem:s6+$0xA2B0] =	vst.add.f32.msk $0xffff, v22  }
0x19c: {  	v22 =	vld [tilespmem:s12+$0x40];
	_ =	sdelay $0x1  }
0x19d: {  	v23 =	vmul.f32 v23, v26;
	_ =	sdelay $0x1  }
0x19e: {  	[tilespmem:s25+$0xA2B0] =	vst.add.f32.msk $0xffff, v23  }
0x19f: {  	v23 =	vld [tilespmem:s17+$0x40];
	v22 =	vmul.f32 v22, v21;
	_ =	sdelay $0x1  }
0x1a0: {  	[tilespmem:s6+$0xA2C0] =	vst.add.f32.msk $0xffff, v22  }
0x1a1: {  	p4 =	por $0x1, $0x1;
	v22 =	vld [tilespmem:s12+$0x50]  }
.Ltmp6:
0x1a2: {  	_ = 	snop;
	(pc) =	sbr.rel @!p4 .LBB2_10-.Ltmp6, $3  }
0x1a3: {  	v23 =	vmul.f32 v23, v26;
	_ =	sdelay $0x1  }
0x1a4: {  	p3 =	por $0x0, $0x0;
	p2 =	por $0x0, $0x0;
	[tilespmem:s25+$0xA2C0] =	vst.add.f32.msk $0xffff, v23  }
0x1a5: {  	s2 =	simm.s32 $0x2;
	s1 =	sshll.u32 s0, $0x6;
	s0 =	sshll.u32 s4, $0x6;
	v28 =	vld [tilespmem:s17+$0x50];
	v30 =	vmul.f32 v22, v21  }
0x1a6: {  	_ = 	snop  }
0x1a7: {  	s2 =	sor.u32 $0x1, s2  }
0x1a8: {  	s3 =	sadd.s32 s31, s2  }
0x1a9: {  	p2 =	slt.s32 s3, $0x4F  }
0x1aa: {  	s4 =	sadd.s32 $0x2, s31;
	s3 =	simm.s32 @!p2 $0x4F;
	v22 =	vmul.f32 v28, v26  }
0x1ab: {  	p2 =	slt.s32 s4, $0x4F;
	v23 =	vld [tilespmem:s3+$0x5000]  }
0x1ac: {  	s4 =	simm.s32 @!p2 $0x4F;
	[tilespmem:s25+$0xA2D0] =	vst.add.f32.msk $0xffff, v22  }
0x1ad: {  	v22 =	vld [tilespmem:s4+$0x5000];
	_ =	sdelay $0x2  }
0x1ae: {  	v24 =	vld [tilespmem:s17+$0x60];
	(v2sf) =	vpush v23, $0x0;
	_ =	sdelay $0x1  }
0x1af: {  	(v2sf) =	vpush v22, $0x0  }
0x1b0: {  	[tilespmem:s6+$0xA2D0] =	vst.add.f32.msk $0xffff, v30  }
0x1b1: {  	v22 =	vld [tilespmem:s12+$0x60]  }
0x1b2: {  	v23 =	vmul.f32 v24, v26;
	_ =	sdelay $0x1  }
0x1b3: {  	s9 =	sshll.u32 s3, $0x8;
	s3 =	sshll.u32 s3, $0x7;
	[tilespmem:s25+$0xA2E0] =	vst.add.f32.msk $0xffff, v23  }
0x1b4: {  	s9 =	sand.u32 $0xFFFFF800, s9;
	s3 =	sand.u32 $0x380, s3;
	v23 =	vld [tilespmem:s17+$0x70]  }
0x1b5: {  	s9 =	sor.u32 s3, s9;
	v22 =	vmul.f32 v22, v21  }
0x1b6: {  	s13 =	sshll.u32 s4, $0x8;
	s4 =	sshll.u32 s4, $0x7;
	v25 =	vld [tilespmem:s9+$0x0]  }
0x1b7: {  	s3 =	sand.u32 $0xFFFFF800, s13;
	s4 =	sand.u32 $0x380, s4;
	[tilespmem:s6+$0xA2E0] =	vst.add.f32.msk $0xffff, v22  }
0x1b8: {  	s7 =	sshll.u32 s2, $0x4;
	s10 =	sor.u32 s4, s3;
	v24 =	vld [tilespmem:s12+$0x70]  }
0x1b9: {  	s7 =	sand.u32 $0x3FFFFFF0, s7;
	v28 =	vld [tilespmem:s10+$0x0];
	v23 =	vmul.f32 v23, v26  }
0x1ba: {  	v22 =	vld [tilespmem:s7+$0x1F680]  }
0x1bb: {  	s11 =	simm.s32 $0x20;
	s2 =	sadd.s32 s30, s2;
	[tilespmem:s25+$0xA2F0] =	vst.add.f32.msk $0xffff, v23;
	s14 =	spop (v2sf)  }
0x1bc: {  	p2 =	slt.s32 s2, s21;
	s7 =	sand.u32 $0x3FFFFFF0, s11;
	v27 =	vld [tilespmem:s17+$0x400];
	s3 =	ssub.s32 s14, s8  }
0x1bd: {  	s15 =	sadd.s32 $0x2, s30;
	v23 =	vld [tilespmem:s7+$0x1F680];
	v24 =	vmul.f32 v24, v21;
	s3 =	simm.s32 @!p2 $0x0;
	s16 =	spop (v2sf)  }
0x1be: {  	p2 =	slt.s32 s15, s21;
	s18 =	sshll.u32 s3, $0x8;
	s11 =	sshll.u32 s3, $0x7  }
0x1bf: {  	[tilespmem:s6+$0xA2F0] =	vst.add.f32.msk $0xffff, v24;
	v24 =	vmul.f32 v25, v22;
	s4 =	ssub.s32 s16, s8;
	s19 =	sand.u32 $0xFFFFF800, s18;
	s22 =	sand.u32 $0x380, s11  }
0x1c0: {  	v25 =	vld [tilespmem:s12+$0x400];
	s4 =	simm.s32 @!p2 $0x0;
	s2 =	sor.u32 s22, s19  }
0x1c1: {  	v27 =	vmul.f32 v27, v26;
	s23 =	sshll.u32 s4, $0x8;
	s24 =	sshll.u32 s4, $0x7;
	[tilespmem:s2+$0xA280] =	vst.add.f32.msk $0xffff, v24  }
0x1c2: {  	v24 =	vmul.f32 v28, v23;
	s7 =	sand.u32 $0xFFFFF800, s23;
	s11 =	sand.u32 $0x380, s24;
	v28 =	vld [tilespmem:s9+$0x10]  }
0x1c3: {  	[tilespmem:s25+$0xA680] =	vst.add.f32.msk $0xffff, v27;
	s19 =	sor.u32 s11, s7  }
0x1c4: {  	[tilespmem:s19+$0xA280] =	vst.add.f32.msk $0xffff, v24  }
0x1c5: {  	v24 =	vmul.f32 v25, v21;
	v25 =	vld [tilespmem:s10+$0x10]  }
0x1c6: {  	v27 =	vld [tilespmem:s17+$0x410]  }
0x1c7: {  	[tilespmem:s6+$0xA680] =	vst.add.f32.msk $0xffff, v24;
	v28 =	vmul.f32 v28, v22  }
0x1c8: {  	v24 =	vld [tilespmem:s12+$0x410]  }
0x1c9: {  	[tilespmem:s2+$0xA290] =	vst.add.f32.msk $0xffff, v28  }
0x1ca: {  	v25 =	vmul.f32 v25, v23;
	v28 =	vld [tilespmem:s9+$0x20];
	_ =	sdelay $0x1  }
0x1cb: {  	v27 =	vmul.f32 v27, v26;
	[tilespmem:s19+$0xA290] =	vst.add.f32.msk $0xffff, v25  }
0x1cc: {  	v25 =	vld [tilespmem:s10+$0x20]  }
0x1cd: {  	[tilespmem:s25+$0xA690] =	vst.add.f32.msk $0xffff, v27;
	v24 =	vmul.f32 v24, v21  }
0x1ce: {  	v27 =	vmul.f32 v28, v22;
	v28 =	vld [tilespmem:s17+$0x420]  }
0x1cf: {  	[tilespmem:s6+$0xA690] =	vst.add.f32.msk $0xffff, v24  }
0x1d0: {  	[tilespmem:s2+$0xA2A0] =	vst.add.f32.msk $0xffff, v27  }
0x1d1: {  	v24 =	vmul.f32 v25, v23;
	v25 =	vld [tilespmem:s9+$0x30]  }
0x1d2: {  	v27 =	vld [tilespmem:s12+$0x420]  }
0x1d3: {  	[tilespmem:s19+$0xA2A0] =	vst.add.f32.msk $0xffff, v24;
	v24 =	vmul.f32 v28, v26  }
0x1d4: {  	v28 =	vld [tilespmem:s10+$0x30]  }
0x1d5: {  	[tilespmem:s25+$0xA6A0] =	vst.add.f32.msk $0xffff, v24  }
0x1d6: {  	v24 =	vmul.f32 v25, v22;
	v25 =	vld [tilespmem:s17+$0x430];
	_ =	sdelay $0x1  }
0x1d7: {  	v27 =	vmul.f32 v27, v21;
	[tilespmem:s2+$0xA2B0] =	vst.add.f32.msk $0xffff, v24  }
0x1d8: {  	v24 =	vmul.f32 v28, v23;
	v28 =	vld [tilespmem:s9+$0x40]  }
0x1d9: {  	[tilespmem:s6+$0xA6A0] =	vst.add.f32.msk $0xffff, v27  }
0x1da: {  	[tilespmem:s19+$0xA2B0] =	vst.add.f32.msk $0xffff, v24;
	v24 =	vmul.f32 v25, v26  }
0x1db: {  	v25 =	vld [tilespmem:s10+$0x40]  }
0x1dc: {  	[tilespmem:s25+$0xA6B0] =	vst.add.f32.msk $0xffff, v24  }
0x1dd: {  	v24 =	vmul.f32 v28, v22;
	v27 =	vld [tilespmem:s17+$0x440]  }
0x1de: {  	v29 =	vld [tilespmem:s12+$0x430]  }
0x1df: {  	[tilespmem:s2+$0xA2C0] =	vst.add.f32.msk $0xffff, v24  }
0x1e0: {  	p4 =	por $0x1, $0x1;
	v24 =	vmul.f32 v25, v23;
	v25 =	vld [tilespmem:s9+$0x50]  }
.Ltmp7:
0x1e1: {  	_ = 	snop;
	(pc) =	sbr.rel @!p4 .LBB2_12-.Ltmp7, $4  }
0x1e2: {  	[tilespmem:s19+$0xA2C0] =	vst.add.f32.msk $0xffff, v24;
	v24 =	vmul.f32 v27, v26  }
0x1e3: {  	v28 =	vld [tilespmem:s10+$0x50]  }
0x1e4: {  	s3 =	sshll.u32 s3, $0x6;
	[tilespmem:s25+$0xA6C0] =	vst.add.f32.msk $0xffff, v24  }
0x1e5: {  	p2 =	por $0x1, $0x1;
	s16 =	sshll.u32 s4, $0x6;
	s7 =	simm.s32 $0x4;
	v29 =	vmul.f32 v29, v21;
	v30 =	vmul.f32 v25, v22;
	v27 =	vld [tilespmem:s17+$0x450]  }
0x1e6: {  	_ = 	snop  }
0x1e7: {  	s4 =	sor.u32 $0x1, s7;
	[tilespmem:s6+$0xA6B0] =	vst.add.f32.msk $0xffff, v29  }
0x1e8: {  	s7 =	sadd.s32 s31, s4;
	[tilespmem:s2+$0xA2D0] =	vst.add.f32.msk $0xffff, v30  }
0x1e9: {  	p3 =	slt.s32 s7, $0x4F;
	v24 =	vld [tilespmem:s9+$0x60]  }
0x1ea: {  	v25 =	vmul.f32 v28, v23;
	v28 =	vld [tilespmem:s12+$0x440];
	s7 =	simm.s32 @!p3 $0x4F  }
0x1eb: {  	s11 =	sadd.s32 $0x4, s31;
	v29 =	vld [tilespmem:s7+$0x5000]  }
0x1ec: {  	p3 =	slt.s32 s11, $0x4F;
	[tilespmem:s19+$0xA2D0] =	vst.add.f32.msk $0xffff, v25  }
0x1ed: {  	s11 =	simm.s32 @!p3 $0x4F;
	v25 =	vmul.f32 v27, v26;
	v27 =	vld [tilespmem:s10+$0x60]  }
0x1ee: {  	v30 =	vld [tilespmem:s11+$0x5000];
	v24 =	vmul.f32 v24, v22  }
0x1ef: {  	[tilespmem:s25+$0xA6D0] =	vst.add.f32.msk $0xffff, v25  }
0x1f0: {  	[tilespmem:s2+$0xA2E0] =	vst.add.f32.msk $0xffff, v24  }
0x1f1: {  	(v2sf) =	vpush v29, $0x0;
	v24 =	vld [tilespmem:s9+$0x70]  }
0x1f2: {  	v25 =	vmul.f32 v27, v23;
	v27 =	vld [tilespmem:s17+$0x460]  }
0x1f3: {  	(v2sf) =	vpush v30, $0x0  }
0x1f4: {  	v28 =	vmul.f32 v28, v21;
	[tilespmem:s19+$0xA2E0] =	vst.add.f32.msk $0xffff, v25  }
0x1f5: {  	v25 =	vld [tilespmem:s10+$0x70]  }
0x1f6: {  	[tilespmem:s6+$0xA6C0] =	vst.add.f32.msk $0xffff, v28;
	v24 =	vmul.f32 v24, v22  }
0x1f7: {  	v28 =	vld [tilespmem:s12+$0x450];
	v27 =	vmul.f32 v27, v26  }
0x1f8: {  	[tilespmem:s2+$0xA2F0] =	vst.add.f32.msk $0xffff, v24  }
0x1f9: {  	s23 =	simm.s32 $0x40;
	s13 =	sshll.u32 s4, $0x4;
	[tilespmem:s25+$0xA6E0] =	vst.add.f32.msk $0xffff, v27  }
0x1fa: {  	s23 =	sand.u32 $0x3FFFFFF0, s23;
	s13 =	sand.u32 $0x3FFFFFF0, s13;
	v24 =	vmul.f32 v25, v23;
	v27 =	vld [tilespmem:s17+$0x470]  }
0x1fb: {  	s18 =	sshll.u32 s7, $0x8;
	s15 =	sshll.u32 s11, $0x8;
	s11 =	sshll.u32 s11, $0x7;
	v25 =	vld [tilespmem:s13+$0x1F680]  }
0x1fc: {  	s7 =	sshll.u32 s7, $0x7;
	s11 =	sand.u32 $0x380, s11;
	s17 =	sand.u32 $0xFFFFF800, s15;
	[tilespmem:s19+$0xA2F0] =	vst.add.f32.msk $0xffff, v24  }
0x1fd: {  	s22 =	sand.u32 $0xFFFFF800, s18;
	s7 =	sand.u32 $0x380, s7;
	s13 =	sor.u32 s11, s17;
	v24 =	vld [tilespmem:s23+$0x1F680]  }
0x1fe: {  	s11 =	sor.u32 s7, s22;
	v29 =	vld [tilespmem:s13+$0x0]  }
0x1ff: {  	v30 =	vld [tilespmem:s11+$0x0];
	v27 =	vmul.f32 v27, v26  }
0x200: {  	s4 =	sadd.s32 s30, s4;
	v31 =	vld [tilespmem:s10+$0x400];
	s24 =	spop (v2sf)  }
0x201: {  	s0 =	sshra.s32 s0, $0x2;
	p3 =	slt.s32 s4, s21;
	s4 =	ssub.s32 s24, s8;
	[tilespmem:s25+$0xA6F0] =	vst.add.f32.msk $0xffff, v27  }
0x202: {  	v27 =	vmul.f32 v28, v21;
	s25 =	sadd.s32 $0x4, s30;
	s14 =	spop (v2sf);
	s4 =	simm.s32 @!p3 $0x0;
	[tilespmem:s0+$0x1E280] =	vst.add.f32.msk $0xffff, v26  }
0x203: {  	s18 =	ssub.s32 s14, s8;
	v26 =	vld [tilespmem:s9+$0x400];
	s15 =	sshll.u32 s4, $0x8;
	s22 =	sshll.u32 s4, $0x7  }
0x204: {  	v28 =	vmul.f32 v30, v25;
	p3 =	slt.s32 s25, s21;
	[tilespmem:s6+$0xA6D0] =	vst.add.f32.msk $0xffff, v27;
	s0 =	sand.u32 $0xFFFFF800, s15;
	s23 =	sand.u32 $0x380, s22  }
0x205: {  	s18 =	simm.s32 @!p3 $0x0;
	v27 =	vld [tilespmem:s12+$0x460];
	s17 =	sor.u32 s23, s0  }
0x206: {  	v30 =	vmul.f32 v31, v23;
	s24 =	sshll.u32 s18, $0x8;
	s25 =	sshll.u32 s18, $0x7;
	[tilespmem:s17+$0xA280] =	vst.add.f32.msk $0xffff, v28  }
0x207: {  	s0 =	sand.u32 $0xFFFFF800, s24;
	s7 =	sand.u32 $0x380, s25;
	v28 =	vmul.f32 v29, v24;
	v29 =	vld [tilespmem:s11+$0x10]  }
0x208: {  	[tilespmem:s19+$0xA680] =	vst.add.f32.msk $0xffff, v30;
	s7 =	sor.u32 s7, s0  }
0x209: {  	[tilespmem:s7+$0xA280] =	vst.add.f32.msk $0xffff, v28  }
0x20a: {  	v26 =	vmul.f32 v26, v22;
	v28 =	vld [tilespmem:s13+$0x10]  }
0x20b: {  	v30 =	vld [tilespmem:s10+$0x410]  }
0x20c: {  	[tilespmem:s2+$0xA680] =	vst.add.f32.msk $0xffff, v26;
	v29 =	vmul.f32 v29, v25  }
0x20d: {  	v26 =	vld [tilespmem:s9+$0x410]  }
0x20e: {  	v27 =	vmul.f32 v27, v21;
	[tilespmem:s17+$0xA290] =	vst.add.f32.msk $0xffff, v29  }
0x20f: {  	v28 =	vmul.f32 v28, v24;
	v29 =	vld [tilespmem:s11+$0x20]  }
0x210: {  	[tilespmem:s6+$0xA6E0] =	vst.add.f32.msk $0xffff, v27  }
0x211: {  	v27 =	vmul.f32 v30, v23;
	[tilespmem:s7+$0xA290] =	vst.add.f32.msk $0xffff, v28  }
0x212: {  	v28 =	vld [tilespmem:s13+$0x20]  }
0x213: {  	[tilespmem:s19+$0xA690] =	vst.add.f32.msk $0xffff, v27;
	v26 =	vmul.f32 v26, v22  }
0x214: {  	v27 =	vmul.f32 v29, v25;
	v29 =	vld [tilespmem:s10+$0x420]  }
0x215: {  	[tilespmem:s2+$0xA690] =	vst.add.f32.msk $0xffff, v26  }
0x216: {  	[tilespmem:s17+$0xA2A0] =	vst.add.f32.msk $0xffff, v27  }
0x217: {  	v26 =	vmul.f32 v28, v24;
	v27 =	vld [tilespmem:s11+$0x30]  }
0x218: {  	v28 =	vld [tilespmem:s9+$0x420]  }
0x219: {  	[tilespmem:s7+$0xA2A0] =	vst.add.f32.msk $0xffff, v26;
	v26 =	vmul.f32 v29, v23  }
0x21a: {  	v29 =	vld [tilespmem:s13+$0x30]  }
0x21b: {  	[tilespmem:s19+$0xA6A0] =	vst.add.f32.msk $0xffff, v26  }
0x21c: {  	v26 =	vmul.f32 v27, v25;
	v27 =	vld [tilespmem:s10+$0x430]  }
0x21d: {  	v30 =	vld [tilespmem:s12+$0x470]  }
0x21e: {  	v28 =	vmul.f32 v28, v22;
	[tilespmem:s17+$0xA2B0] =	vst.add.f32.msk $0xffff, v26  }
0x21f: {  	v26 =	vmul.f32 v29, v24;
	v29 =	vld [tilespmem:s11+$0x40]  }
0x220: {  	[tilespmem:s2+$0xA6A0] =	vst.add.f32.msk $0xffff, v28  }
0x221: {  	[tilespmem:s7+$0xA2B0] =	vst.add.f32.msk $0xffff, v26;
	v26 =	vmul.f32 v27, v23  }
0x222: {  	v27 =	vld [tilespmem:s13+$0x40]  }
0x223: {  	[tilespmem:s19+$0xA6B0] =	vst.add.f32.msk $0xffff, v26  }
0x224: {  	v26 =	vmul.f32 v29, v25;
	v28 =	vld [tilespmem:s10+$0x440]  }
0x225: {  	v29 =	vld [tilespmem:s9+$0x430]  }
0x226: {  	v30 =	vmul.f32 v30, v21;
	[tilespmem:s17+$0xA2C0] =	vst.add.f32.msk $0xffff, v26  }
0x227: {  	p4 =	por $0x1, $0x1;
	v26 =	vmul.f32 v27, v24;
	v27 =	vld [tilespmem:s11+$0x50]  }
.Ltmp8:
0x228: {  	[tilespmem:s6+$0xA6F0] =	vst.add.f32.msk $0xffff, v30;
	(pc) =	sbr.rel @!p4 .LBB2_14-.Ltmp8, $4  }
0x229: {  	[tilespmem:s7+$0xA2C0] =	vst.add.f32.msk $0xffff, v26;
	v26 =	vmul.f32 v28, v23  }
0x22a: {  	v28 =	vld [tilespmem:s13+$0x50]  }
0x22b: {  	s4 =	sshll.u32 s4, $0x6;
	[tilespmem:s19+$0xA6C0] =	vst.add.f32.msk $0xffff, v26  }
0x22c: {  	p3 =	por $0x1, $0x1;
	s18 =	sshll.u32 s18, $0x6;
	s0 =	simm.s32 $0x6;
	v29 =	vmul.f32 v29, v22;
	v30 =	vmul.f32 v27, v25;
	v27 =	vld [tilespmem:s10+$0x450]  }
.LBB2_15:
0x22d: {  	s6 =	sor.u32 $0x1, s0  }
0x22e: {  	p4 =	slt.u32 s0, $0x3E;
	[tilespmem:s2+$0xA6B0] =	vst.add.f32.msk $0xffff, v29;
	s12 =	smov.u32 s0;
	s0 =	sadd.s32 $0x2, s0  }
0x22f: {  	s25 =	sadd.s32 s30, s6;
	s23 =	sadd.s32 s31, s6;
	s6 =	sshll.u32 s6, $0x4;
	[tilespmem:s17+$0xA2D0] =	vst.add.f32.msk $0xffff, v30  }
0x230: {  	s14 =	sadd.s32 s31, s12;
	p5 =	slt.s32 s23, $0x4F;
	v26 =	vmul.f32 v28, v24;
	v28 =	vld [tilespmem:s11+$0x60]  }
0x231: {  	p6 =	slt.s32 s14, $0x4F;
	s23 =	simm.s32 @!p5 $0x4F;
	v29 =	vld [tilespmem:s9+$0x440]  }
0x232: {  	s14 =	simm.s32 @!p6 $0x4F;
	v30 =	vld [tilespmem:s23+$0x5000];
	s15 =	sshll.u32 s23, $0x8;
	s23 =	sshll.u32 s23, $0x7;
	v27 =	vmul.f32 v27, v23  }
0x233: {  	s24 =	sshll.u32 s14, $0x8;
	s15 =	sand.u32 $0xFFFFF800, s15;
	s23 =	sand.u32 $0x380, s23;
	[tilespmem:s7+$0xA2D0] =	vst.add.f32.msk $0xffff, v26  }
0x234: {  	s22 =	sshll.u32 s14, $0x7;
	v26 =	vld [tilespmem:s13+$0x60]  }
0x235: {  	v31 =	vld [tilespmem:s14+$0x5000];
	s14 =	sand.u32 $0x380, s22;
	v28 =	vmul.f32 v28, v25  }
0x236: {  	[tilespmem:s19+$0xA6D0] =	vst.add.f32.msk $0xffff, v27;
	v27 =	vmul.f32 v29, v22  }
0x237: {  	(v2sf) =	vpush v30, $0x0;
	[tilespmem:s17+$0xA2E0] =	vst.add.f32.msk $0xffff, v28  }
0x238: {  	v28 =	vld [tilespmem:s11+$0x70]  }
0x239: {  	v26 =	vmul.f32 v26, v24;
	v29 =	vld [tilespmem:s10+$0x460]  }
0x23a: {  	(v2sf) =	vpush v31, $0x0;
	[tilespmem:s2+$0xA6C0] =	vst.add.f32.msk $0xffff, v27  }
0x23b: {  	[tilespmem:s7+$0xA2E0] =	vst.add.f32.msk $0xffff, v26  }
0x23c: {  	v26 =	vld [tilespmem:s13+$0x70]  }
0x23d: {  	s22 =	sshra.s32 s1, $0x2;
	s1 =	smov.u32 s3;
	s3 =	smov.u32 s4;
	v27 =	vmul.f32 v28, v25;
	v28 =	vld [tilespmem:s9+$0x450]  }
0x23e: {  	v29 =	vmul.f32 v29, v23;
	[tilespmem:s22+$0x1E280] =	vst.add.f32.msk $0xffff, v21;
	v21 =	vmov v22;
	v22 =	vmov v25  }
0x23f: {  	[tilespmem:s17+$0xA2F0] =	vst.add.f32.msk $0xffff, v27  }
0x240: {  	[tilespmem:s19+$0xA6E0] =	vst.add.f32.msk $0xffff, v29  }
0x241: {  	s6 =	sand.u32 $0x3FFFFFF0, s6;
	s4 =	sshll.u32 s12, $0x4;
	v26 =	vmul.f32 v26, v24;
	v27 =	vld [tilespmem:s10+$0x470];
	s10 =	smov.u32 s13  }
0x242: {  	s4 =	sand.u32 $0x3FFFFFF0, s4;
	s13 =	sand.u32 $0xFFFFF800, s24;
	v25 =	vld [tilespmem:s6+$0x1F680];
	v28 =	vmul.f32 v28, v21  }
0x243: {  	s13 =	sor.u32 s14, s13;
	[tilespmem:s7+$0xA2F0] =	vst.add.f32.msk $0xffff, v26  }
0x244: {  	s6 =	sor.u32 s23, s15;
	v26 =	vld [tilespmem:s4+$0x1F680]  }
0x245: {  	v29 =	vld [tilespmem:s13+$0x0]  }
0x246: {  	v30 =	vld [tilespmem:s6+$0x0];
	s4 =	spop (v2sf);
	v27 =	vmul.f32 v27, v23  }
0x247: {  	p5 =	slt.s32 s25, s21;
	s4 =	ssub.s32 s4, s8;
	v31 =	vld [tilespmem:s10+$0x400]  }
0x248: {  	s12 =	sadd.s32 s30, s12;
	s14 =	sshra.s32 s16, $0x2;
	s4 =	simm.s32 @!p5 $0x0;
	[tilespmem:s19+$0xA6F0] =	vst.add.f32.msk $0xffff, v27  }
0x249: {  	s15 =	sshll.u32 s4, $0x8;
	s19 =	sshll.u32 s4, $0x7;
	s16 =	spop (v2sf);
	[tilespmem:s14+$0x1E280] =	vst.add.f32.msk $0xffff, v23;
	v23 =	vmov v24;
	v24 =	vmov v26  }
0x24a: {  	s4 =	sshll.u32 s4, $0x6;
	s14 =	ssub.s32 s16, s8;
	v26 =	vmul.f32 v29, v24;
	v27 =	vld [tilespmem:s11+$0x400];
	s16 =	smov.u32 s18  }
0x24b: {  	p5 =	slt.s32 s12, s21;
	s12 =	sand.u32 $0xFFFFF800, s15;
	s15 =	sand.u32 $0x380, s19;
	v29 =	vmul.f32 v30, v25;
	[tilespmem:s2+$0xA6D0] =	vst.add.f32.msk $0xffff, v28  }
0x24c: {  	s19 =	smov.u32 s7;
	s14 =	simm.s32 @!p5 $0x0;
	s12 =	sor.u32 s15, s12;
	v28 =	vmul.f32 v31, v23;
	v30 =	vld [tilespmem:s9+$0x460]  }
0x24d: {  	s7 =	sshll.u32 s14, $0x8;
	s15 =	sshll.u32 s14, $0x7;
	s18 =	sshll.u32 s14, $0x6;
	[tilespmem:s12+$0xA280] =	vst.add.f32.msk $0xffff, v29  }
0x24e: {  	s7 =	sand.u32 $0xFFFFF800, s7;
	s14 =	sand.u32 $0x380, s15;
	v29 =	vld [tilespmem:s6+$0x10]  }
0x24f: {  	s7 =	sor.u32 s14, s7;
	[tilespmem:s19+$0xA680] =	vst.add.f32.msk $0xffff, v28;
	v27 =	vmul.f32 v27, v22  }
0x250: {  	[tilespmem:s7+$0xA280] =	vst.add.f32.msk $0xffff, v26  }
0x251: {  	v26 =	vld [tilespmem:s13+$0x10];
	v28 =	vmul.f32 v30, v21  }
0x252: {  	v30 =	vld [tilespmem:s10+$0x410]  }
0x253: {  	v29 =	vmul.f32 v29, v25;
	[tilespmem:s17+$0xA680] =	vst.add.f32.msk $0xffff, v27  }
0x254: {  	v27 =	vld [tilespmem:s11+$0x410]  }
0x255: {  	[tilespmem:s12+$0xA290] =	vst.add.f32.msk $0xffff, v29  }
0x256: {  	v26 =	vmul.f32 v26, v24;
	v29 =	vld [tilespmem:s6+$0x20]  }
0x257: {  	v30 =	vmul.f32 v30, v23;
	[tilespmem:s2+$0xA6E0] =	vst.add.f32.msk $0xffff, v28  }
0x258: {  	[tilespmem:s7+$0xA290] =	vst.add.f32.msk $0xffff, v26  }
0x259: {  	v26 =	vld [tilespmem:s13+$0x20];
	v27 =	vmul.f32 v27, v22  }
0x25a: {  	[tilespmem:s19+$0xA690] =	vst.add.f32.msk $0xffff, v30  }
0x25b: {  	v28 =	vmul.f32 v29, v25;
	v29 =	vld [tilespmem:s10+$0x420]  }
0x25c: {  	[tilespmem:s17+$0xA690] =	vst.add.f32.msk $0xffff, v27  }
0x25d: {  	[tilespmem:s12+$0xA2A0] =	vst.add.f32.msk $0xffff, v28  }
0x25e: {  	v26 =	vmul.f32 v26, v24;
	v27 =	vld [tilespmem:s6+$0x30]  }
0x25f: {  	v28 =	vld [tilespmem:s11+$0x420]  }
0x260: {  	[tilespmem:s7+$0xA2A0] =	vst.add.f32.msk $0xffff, v26;
	v26 =	vmul.f32 v29, v23  }
0x261: {  	v29 =	vld [tilespmem:s13+$0x30]  }
0x262: {  	[tilespmem:s19+$0xA6A0] =	vst.add.f32.msk $0xffff, v26  }
0x263: {  	v26 =	vmul.f32 v27, v25;
	v27 =	vld [tilespmem:s10+$0x430]  }
0x264: {  	v28 =	vmul.f32 v28, v22;
	v30 =	vld [tilespmem:s9+$0x470];
	s9 =	smov.u32 s11;
	s11 =	smov.u32 s6  }
0x265: {  	[tilespmem:s12+$0xA2B0] =	vst.add.f32.msk $0xffff, v26  }
0x266: {  	v26 =	vmul.f32 v29, v24;
	v29 =	vld [tilespmem:s11+$0x40]  }
0x267: {  	[tilespmem:s17+$0xA6A0] =	vst.add.f32.msk $0xffff, v28  }
0x268: {  	[tilespmem:s7+$0xA2B0] =	vst.add.f32.msk $0xffff, v26;
	v26 =	vmul.f32 v27, v23  }
0x269: {  	v27 =	vld [tilespmem:s13+$0x40];
	v28 =	vmul.f32 v30, v21  }
0x26a: {  	[tilespmem:s19+$0xA6B0] =	vst.add.f32.msk $0xffff, v26  }
0x26b: {  	v26 =	vmul.f32 v29, v25;
	v29 =	vld [tilespmem:s10+$0x440]  }
0x26c: {  	v30 =	vld [tilespmem:s9+$0x430]  }
0x26d: {  	[tilespmem:s12+$0xA2C0] =	vst.add.f32.msk $0xffff, v26  }
0x26e: {  	v26 =	vmul.f32 v27, v24;
	v27 =	vld [tilespmem:s11+$0x50]  }
.Ltmp9:
0x26f: {  	[tilespmem:s2+$0xA6F0] =	vst.add.f32.msk $0xffff, v28;
	s2 =	smov.u32 s17;
	s17 =	smov.u32 s12;
	(pc) =	sbr.rel @p4 .LBB2_15-.Ltmp9, $4  }
0x270: {  	[tilespmem:s7+$0xA2C0] =	vst.add.f32.msk $0xffff, v26;
	v26 =	vmul.f32 v29, v23  }
0x271: {  	v28 =	vld [tilespmem:s13+$0x50];
	v29 =	vmul.f32 v30, v22  }
0x272: {  	[tilespmem:s19+$0xA6C0] =	vst.add.f32.msk $0xffff, v26  }
0x273: {  	v30 =	vmul.f32 v27, v25;
	v27 =	vld [tilespmem:s10+$0x450]  }
0x274: {  	s30 =	smov.u32 s1  }
0x275: {  	s6 =	smov.u32 s2;
	s1 =	smov.u32 s3;
	s0 =	smov.u32 s16  }
0x276: {  	s2 =	smov.u32 s17;
	s12 =	smov.u32 s9;
	s25 =	smov.u32 s19  }
0x277: {  	v26 =	vmov v23;
	s17 =	smov.u32 s10;
	s3 =	smov.u32 s4;
	s16 =	smov.u32 s18  }
.LBB2_17:
0x278: {  	v23 =	vmul.f32 v28, v24;
	_ =	sdelay $0x1  }
0x279: {  	[tilespmem:s7+$0xA2D0] =	vst.add.f32.msk $0xffff, v23  }
0x27a: {  	v23 =	vld [tilespmem:s13+$0x60]  }
0x27b: {  	[tilespmem:s2+$0xA2D0] =	vst.add.f32.msk $0xffff, v30  }
0x27c: {  	v60 =	vld [tilespmem:s11+$0x60];
	_ =	sdelay $0x2  }
0x27d: {  	v23 =	vmul.f32 v23, v24;
	_ =	sdelay $0x1  }
0x27e: {  	v28 =	vmul.f32 v60, v25;
	[tilespmem:s7+$0xA2E0] =	vst.add.f32.msk $0xffff, v23  }
0x27f: {  	v23 =	vld [tilespmem:s13+$0x70]  }
0x280: {  	[tilespmem:s2+$0xA2E0] =	vst.add.f32.msk $0xffff, v28  }
0x281: {  	v28 =	vld [tilespmem:s11+$0x70];
	_ =	sdelay $0x2  }
0x282: {  	v23 =	vmul.f32 v23, v24;
	_ =	sdelay $0x1  }
0x283: {  	v28 =	vmul.f32 v28, v25;
	[tilespmem:s7+$0xA2F0] =	vst.add.f32.msk $0xffff, v23  }
0x284: {  	v23 =	vld [tilespmem:s13+$0x400]  }
0x285: {  	[tilespmem:s2+$0xA2F0] =	vst.add.f32.msk $0xffff, v28  }
0x286: {  	v28 =	vld [tilespmem:s11+$0x400];
	_ =	sdelay $0x2  }
0x287: {  	v23 =	vmul.f32 v23, v24;
	_ =	sdelay $0x1  }
0x288: {  	[tilespmem:s7+$0xA680] =	vst.add.f32.msk $0xffff, v23;
	v23 =	vmul.f32 v28, v25  }
0x289: {  	v61 =	vld [tilespmem:s13+$0x410]  }
0x28a: {  	[tilespmem:s2+$0xA680] =	vst.add.f32.msk $0xffff, v23  }
0x28b: {  	v23 =	vld [tilespmem:s11+$0x410];
	_ =	sdelay $0x2  }
0x28c: {  	v28 =	vmul.f32 v61, v24;
	_ =	sdelay $0x1  }
0x28d: {  	v23 =	vmul.f32 v23, v25;
	[tilespmem:s7+$0xA690] =	vst.add.f32.msk $0xffff, v28  }
0x28e: {  	v28 =	vld [tilespmem:s13+$0x420]  }
0x28f: {  	[tilespmem:s2+$0xA690] =	vst.add.f32.msk $0xffff, v23  }
0x290: {  	v23 =	vld [tilespmem:s11+$0x420];
	_ =	sdelay $0x2  }
0x291: {  	v28 =	vmul.f32 v28, v24;
	_ =	sdelay $0x1  }
0x292: {  	[tilespmem:s7+$0xA6A0] =	vst.add.f32.msk $0xffff, v28;
	v23 =	vmul.f32 v23, v25  }
0x293: {  	v28 =	vld [tilespmem:s13+$0x430]  }
0x294: {  	[tilespmem:s2+$0xA6A0] =	vst.add.f32.msk $0xffff, v23  }
0x295: {  	v23 =	vld [tilespmem:s11+$0x430];
	_ =	sdelay $0x1  }
0x296: {  	[tilespmem:s6+$0xA6B0] =	vst.add.f32.msk @p2 $0xffff, v29  }
0x297: {  	v29 =	vld @p2 [tilespmem:s12+$0x440];
	v28 =	vmul.f32 v28, v24;
	_ =	sdelay $0x1  }
0x298: {  	[tilespmem:s7+$0xA6B0] =	vst.add.f32.msk $0xffff, v28;
	v23 =	vmul.f32 v23, v25  }
0x299: {  	v28 =	vld [tilespmem:s13+$0x440]  }
0x29a: {  	[tilespmem:s2+$0xA6B0] =	vst.add.f32.msk $0xffff, v23  }
0x29b: {  	v29 =	vmul.f32 @p2 v29, v22;
	v62 =	vld [tilespmem:s11+$0x440]  }
0x29c: {  	v23 =	vmul.f32 @p2 v27, v26  }
0x29d: {  	[tilespmem:s6+$0xA6C0] =	vst.add.f32.msk @p2 $0xffff, v29  }
0x29e: {  	[tilespmem:s25+$0xA6D0] =	vst.add.f32.msk @p2 $0xffff, v23;
	v23 =	vmul.f32 v28, v24  }
0x29f: {  	v28 =	vld @p2 [tilespmem:s12+$0x450]  }
0x2a0: {  	[tilespmem:s7+$0xA6C0] =	vst.add.f32.msk $0xffff, v23;
	v23 =	vmul.f32 v62, v25  }
0x2a1: {  	v63 =	vld [tilespmem:s13+$0x450]  }
0x2a2: {  	[tilespmem:s2+$0xA6C0] =	vst.add.f32.msk $0xffff, v23  }
0x2a3: {  	s4 =	sshra.s32 @p3 s30, $0x2;
	v23 =	vld [tilespmem:s11+$0x450]  }
0x2a4: {  	[tilespmem:s4+$0x1E280] =	vst.add.f32.msk @p3 $0xffff, v21;
	v28 =	vmul.f32 @p2 v28, v22  }
0x2a5: {  	v29 =	vld @p2 [tilespmem:s17+$0x460]  }
0x2a6: {  	[tilespmem:s6+$0xA6D0] =	vst.add.f32.msk @p2 $0xffff, v28;
	v21 =	vmul.f32 v63, v24  }
0x2a7: {  	v27 =	vld @p2 [tilespmem:s12+$0x460]  }
0x2a8: {  	[tilespmem:s7+$0xA6D0] =	vst.add.f32.msk $0xffff, v21;
	v21 =	vmul.f32 v23, v25  }
0x2a9: {  	v23 =	vld [tilespmem:s13+$0x460]  }
0x2aa: {  	v28 =	vmul.f32 @p2 v29, v26;
	[tilespmem:s2+$0xA6D0] =	vst.add.f32.msk $0xffff, v21  }
0x2ab: {  	v21 =	vld [tilespmem:s11+$0x460]  }
0x2ac: {  	[tilespmem:s25+$0xA6E0] =	vst.add.f32.msk @p2 $0xffff, v28;
	v27 =	vmul.f32 @p2 v27, v22  }
0x2ad: {  	v28 =	vld @p2 [tilespmem:s17+$0x470]  }
0x2ae: {  	[tilespmem:s6+$0xA6E0] =	vst.add.f32.msk @p2 $0xffff, v27;
	v23 =	vmul.f32 v23, v24  }
0x2af: {  	v27 =	vld @p2 [tilespmem:s12+$0x470]  }
0x2b0: {  	[tilespmem:s7+$0xA6E0] =	vst.add.f32.msk $0xffff, v23;
	v21 =	vmul.f32 v21, v25  }
0x2b1: {  	v23 =	vld [tilespmem:s13+$0x470]  }
0x2b2: {  	v28 =	vmul.f32 @p2 v28, v26;
	[tilespmem:s2+$0xA6E0] =	vst.add.f32.msk $0xffff, v21  }
0x2b3: {  	v21 =	vld [tilespmem:s11+$0x470]  }
0x2b4: {  	s0 =	sshra.s32 @p2 s0, $0x2;
	[tilespmem:s25+$0xA6F0] =	vst.add.f32.msk @p2 $0xffff, v28;
	v27 =	vmul.f32 @p2 v27, v22  }
0x2b5: {  	[tilespmem:s0+$0x1E280] =	vst.add.f32.msk @p2 $0xffff, v26;
	s0 =	smov.u32 @p2 s1  }
0x2b6: {  	s0 =	sshra.s32 @p2 s0, $0x2;
	v22 =	vpsel p2, v22, v0;
	[tilespmem:s6+$0xA6F0] =	vst.add.f32.msk @p2 $0xffff, v27;
	v23 =	vmul.f32 v23, v24  }
.Ltmp10:
0x2b7: {  	[tilespmem:s0+$0x1E280] =	vst.add.f32.msk @p2 $0xffff, v22;
	(pc) =	sbr.rel @p1 .LBB2_23-.Ltmp10, $4  }
0x2b8: {  	s30 =	sshra.s32 s16, $0x2;
	[tilespmem:s7+$0xA6F0] =	vst.add.f32.msk $0xffff, v23;
	v21 =	vmul.f32 v21, v25  }
0x2b9: {  	[tilespmem:s30+$0x1E280] =	vst.add.f32.msk $0xffff, v24  }
0x2ba: {  	s31 =	sshra.s32 s3, $0x2;
	[tilespmem:s2+$0xA6F0] =	vst.add.f32.msk $0xffff, v21  }
0x2bb: {  	[tilespmem:s31+$0x1E280] =	vst.add.f32.msk $0xffff, v25  }
0x2bc: {  	s0 =	sadd.s32 $0x2, s5;
	s1 =	rddreg [dreg:$0xa]  }
0x2bd: {  	s7 =	sshll.u32 s29, $0x6;
	s3 =	rddreg [dreg:$0xc];
	s10 =	simm.s32 $0x3  }
0x2be: {  	s11 =	simm.s32 $0x4;
	p1 =	sge.s32 s0, s1;
	s1 =	sadd.s32 s20, s7  }
0x2bf: {  	_ =	swait.ge [sflag:s10], $0x5000;
	s0 =	sshll.u32 @!p1 s0, $0x6;
	s2 =	sshra.s32 s1, $0x1F  }
0x2c0: {  	p2 =	sne.s32 @!p1 s3, $0x0;
	p5 =	slt.s32 s1, $0x1;
	s0 =	sadd.s32 @!p1 s20, s0  }
0x2c1: {  	[sflag:s10] =	ssyncset.done $0x0;
	s2 =	sshrl.u32 s2, $0x1D;
	p3 =	slt.s32 @!p1 s0, $0x1  }
0x2c2: {  	p6 =	por !p0, !p5;
	s3 =	sshra.s32 @!p1 s0, $0x1F;
	p2 =	por @!p1 !p2, !p3  }
0x2c3: {  	s2 =	sadd.s32 s2, s1;
	s3 =	sshrl.u32 @!p1 s3, $0x1D;
	p2 =	por @!p1 !p2, !p2  }
0x2c4: {  	s0 =	sadd.s32 @!p1 s3, s0;
	s3 =	simm.s32 @!p1 $0x1;
	p2 =	por !p2, p1  }
0x2c5: {  	s9 =	sshrl.u32 s2, $0x3;
	s0 =	sshrl.u32 @!p1 s0, $0x3;
	s3 =	simm.s32 @p2 $0x0  }
0x2c6: {  	s2 =	simm.s32 $0x1;
	p2 =	por !p6, !p6;
	s0 =	ssub.s32 @!p1 s0, s3  }
0x2c7: {  	[sflag:s10] =	ssyncadd.s32 $0xFFFFB000;
	s2 =	simm.s32 @!p2 $0x0;
	s0 =	sshll.u32 @!p1 s0, $0x3  }
0x2c8: {  	_ =	swait.ge [sflag:s11], $0x50;
	s1 =	ssub.s32 s9, s2;
	p3 =	slt.s32 @!p1 s0, $0x270B0  }
0x2c9: {  	[sflag:s11] =	ssyncset.done $0x0;
	s1 =	sshll.u32 s1, $0x3;
	p2 =	por !p3, p1  }
0x2ca: {  	[sflag:s11] =	ssyncadd.s32 $0xFFFFFFB0;
	s0 =	simm.s32 @p2 $0x270B0;
	p2 =	slt.s32 s1, $0x270B0  }
0x2cb: {  	s3 =	rddreg [dreg:$0x0];
	s2 =	sshll.u32 @!p1 s0, $0x5;
	s1 =	simm.s32 @!p2 $0x270B0  }
0x2cc: {  	s2 =	sadd.s32 @!p1 s3, s2;
	s3 =	simm.s32 @!p1 $0x0;
	s29 =	ssub.s32 s26, s1  }
0x2cd: {  	[tilespmem:s3], [sflag:$0x1] =	stream.linear.gather @!p1 [hbm4b:s2+s3], $0x5000, $0x38;
	[tilespmem:$0x1FA80] =	vst v63  }
0x2ce: {  	s0 =	sshrl.u32 @!p1 s0, $0x3;
	s2 =	rddreg [dreg:$0x1];
	s12 =	sadd.s32 $0xFFFFFFFE, s29  }
0x2cf: {  	s0 =	sadd.s32 @!p1 s2, s0;
	s2 =	simm.s32 @!p1 $0x5000;
	s1 =	sadd.s32 $0x43, s12  }
0x2d0: {  	[tilespmem:s2], [sflag:$0x2] =	stream.linear.gather @!p1 [hbm4b:s0+s3], $0x50, $0x38;
	[tilespmem:$0x1FA80] =	vst v63  }
0x2d1: {  	p1 =	slt.s32 s1, $0x4F  }
0x2d2: {  	s1 =	simm.s32 @!p1 $0x4F  }
0x2d3: {  	s13 =	sshll.u32 s1, $0x8;
	s1 =	sshll.u32 s1, $0x7  }
0x2d4: {  	s2 =	sand.u32 $0xFFFFF800, s13;
	s1 =	sand.u32 $0x380, s1  }
0x2d5: {  	s1 =	sor.u32 s1, s2  }
0x2d6: {  	v21 =	vld [tilespmem:s1+$0x54C0]  }
0x2d7: {  	v22 =	vld [tilespmem:s1+$0x54D0]  }
0x2d8: {  	v23 =	vld [tilespmem:s1+$0x5480]  }
0x2d9: {  	v24 =	vld [tilespmem:s1+$0x5490]  }
0x2da: {  	v25 =	vld [tilespmem:s1+$0x5080]  }
0x2db: {  	v26 =	vld [tilespmem:s1+$0x5090]  }
0x2dc: {  	v27 =	vld [tilespmem:s1+$0x50A0]  }
0x2dd: {  	v28 =	vld [tilespmem:s1+$0x50B0]  }
0x2de: {  	v29 =	vld [tilespmem:s1+$0x50C0]  }
0x2df: {  	v30 =	vld [tilespmem:s1+$0x50D0]  }
0x2e0: {  	s0 =	sadd.s32 $0x42, s12;
	v31 =	vld [tilespmem:s1+$0x50E0]  }
0x2e1: {  	p1 =	slt.s32 s0, $0x4F;
	v32 =	vld [tilespmem:s1+$0x50F0]  }
0x2e2: {  	s0 =	simm.s32 @!p1 $0x4F;
	v33 =	vld [tilespmem:s1+$0x54A0]  }
0x2e3: {  	s14 =	sshll.u32 s0, $0x8;
	s0 =	sshll.u32 s0, $0x7;
	v34 =	vld [tilespmem:s1+$0x54B0]  }
0x2e4: {  	s2 =	sand.u32 $0xFFFFF800, s14;
	s0 =	sand.u32 $0x380, s0;
	v35 =	vld [tilespmem:s1+$0x54E0]  }
0x2e5: {  	s2 =	sor.u32 s0, s2;
	v36 =	vld [tilespmem:s1+$0x54F0]  }
0x2e6: {  	v37 =	vld [tilespmem:s2+$0x5080]  }
0x2e7: {  	s15 =	sadd.s32 $0x0, s29;
	v38 =	vld [tilespmem:s2+$0x5090]  }
0x2e8: {  	s0 =	sadd.s32 $0x43, s15;
	v39 =	vld [tilespmem:s2+$0x50A0]  }
0x2e9: {  	v40 =	vld [tilespmem:s2+$0x50B0];
	p1 =	slt.s32 s0, $0x4F;
	v21 =	vmul.f32 v21, v17;
	v22 =	vmul.f32 v22, v18  }
0x2ea: {  	v41 =	vld [tilespmem:s2+$0x50C0];
	s0 =	simm.s32 @!p1 $0x4F;
	v25 =	vmul.f32 v25, v5;
	v29 =	vmul.f32 v29, v9  }
0x2eb: {  	v50 =	vld [tilespmem:s2+$0x5480];
	s16 =	sshll.u32 s0, $0x8;
	s0 =	sshll.u32 s0, $0x7;
	v26 =	vmul.f32 v26, v6;
	v30 =	vmul.f32 v30, v10  }
0x2ec: {  	v52 =	vld [tilespmem:s2+$0x54A0];
	s3 =	sand.u32 $0xFFFFF800, s16;
	s0 =	sand.u32 $0x380, s0;
	v27 =	vmul.f32 v27, v7;
	v31 =	vmul.f32 v31, v11  }
0x2ed: {  	v53 =	vld [tilespmem:s2+$0x54F0];
	v28 =	vmul.f32 v28, v8;
	v32 =	vmul.f32 v32, v12;
	s0 =	sor.u32 s0, s3  }
0x2ee: {  	v23 =	vmul.f32 v23, v13;
	v24 =	vmul.f32 v24, v14;
	v61 =	vld [tilespmem:s0+$0x5490]  }
0x2ef: {  	v33 =	vmul.f32 v33, v15;
	v49 =	vmul.f32 v34, v16;
	v62 =	vld [tilespmem:s0+$0x5080]  }
0x2f0: {  	v51 =	vmul.f32 v36, v20;
	v63 =	vld [tilespmem:s0+$0x5090];
	v25 =	vadd.f32 v29, v25;
	v26 =	vadd.f32 v30, v26  }
0x2f1: {  	v54 =	vmul.f32 v38, v6;
	v45 =	vld [tilespmem:s0+$0x50E0];
	v27 =	vadd.f32 v31, v27;
	v28 =	vadd.f32 v32, v28  }
0x2f2: {  	v55 =	vmul.f32 v39, v7;
	v47 =	vld [tilespmem:s0+$0x54A0];
	v23 =	vadd.f32 v23, v25;
	v24 =	vadd.f32 v24, v26  }
0x2f3: {  	v29 =	vld [tilespmem:s2+$0x50D0];
	v25 =	vmul.f32 v35, v19;
	v27 =	vadd.f32 v33, v27;
	v28 =	vadd.f32 v49, v28  }
0x2f4: {  	v56 =	vmul.f32 v40, v8;
	v30 =	vld [tilespmem:s2+$0x50E0];
	v21 =	vadd.f32 v21, v23;
	v22 =	vadd.f32 v22, v24  }
0x2f5: {  	v57 =	vmul.f32 v41, v9;
	v31 =	vld [tilespmem:s2+$0x50F0];
	v24 =	vadd.f32 v25, v27;
	v25 =	vadd.f32 v51, v28  }
0x2f6: {  	v34 =	vmul.f32 v50, v13;
	v26 =	vld [tilespmem:s2+$0x5490];
	v33 =	vmul.f32 v52, v15  }
0x2f7: {  	v23 =	vld [tilespmem:s2+$0x54B0];
	v38 =	vmul.f32 v61, v14;
	v21 =	vadd.f32 v22, v21;
	v22 =	vadd.f32 v25, v24  }
0x2f8: {  	v27 =	vld [tilespmem:s2+$0x54C0];
	v36 =	vmul.f32 v63, v6;
	v29 =	vmul.f32 v29, v10  }
0x2f9: {  	v28 =	vld [tilespmem:s2+$0x54D0];
	v32 =	vmul.f32 v45, v11;
	v30 =	vmul.f32 v30, v11;
	v21 =	vadd.f32 v22, v21  }
0x2fa: {  	v44 =	vld [tilespmem:s0+$0x50C0];
	v31 =	vmul.f32 v31, v12;
	v25 =	vmul.f32 v37, v5;
	v29 =	vadd.f32 v29, v54  }
0x2fb: {  	v24 =	vld [tilespmem:s2+$0x54E0];
	v30 =	vadd.f32 v30, v55;
	v26 =	vmul.f32 v26, v14;
	v59 =	vperm.xlane v21, v1  }
0x2fc: {  	v46 =	vld [tilespmem:s0+$0x50F0];
	v51 =	vmul.f32 v47, v15;
	v31 =	vadd.f32 v31, v56;
	v25 =	vadd.f32 v57, v25  }
0x2fd: {  	v48 =	vld [tilespmem:s0+$0x54B0];
	v26 =	vadd.f32 v26, v29;
	v23 =	vmul.f32 v23, v16;
	v21 =	vadd.f32 v21, v59  }
0x2fe: {  	v43 =	vld [tilespmem:s0+$0x50A0];
	v27 =	vmul.f32 v27, v17;
	v30 =	vadd.f32 v33, v30;
	v28 =	vmul.f32 v28, v18  }
0x2ff: {  	v29 =	vld [tilespmem:s0+$0x50B0];
	v33 =	vmul.f32 v44, v9;
	v25 =	vadd.f32 v34, v25;
	v42 =	vperm.xlane v21, v2  }
0x300: {  	s1 =	sadd.s32 $0x42, s15;
	v22 =	vld [tilespmem:s0+$0x54C0];
	v23 =	vadd.f32 v23, v31;
	v24 =	vmul.f32 v24, v19;
	v26 =	vadd.f32 v28, v26  }
0x301: {  	p1 =	slt.s32 s1, $0x4F;
	v28 =	vmul.f32 v53, v20;
	v25 =	vadd.f32 v27, v25;
	v27 =	vld [tilespmem:s0+$0x50D0];
	v21 =	vadd.f32 v21, v42  }
0x302: {  	s1 =	simm.s32 @!p1 $0x4F;
	v60 =	vld [tilespmem:s0+$0x5480];
	v34 =	vmul.f32 v46, v12;
	v53 =	vmul.f32 v48, v16  }
0x303: {  	s17 =	sshll.u32 s1, $0x8;
	s1 =	sshll.u32 s1, $0x7;
	v58 =	vld [tilespmem:s0+$0x54D0];
	v24 =	vadd.f32 v24, v30;
	v23 =	vadd.f32 v28, v23;
	v31 =	vperm.xlane v21, v3  }
0x304: {  	s1 =	sand.u32 $0x380, s1;
	v49 =	vld [tilespmem:s0+$0x54E0];
	s2 =	sand.u32 $0xFFFFF800, s17;
	v25 =	vadd.f32 v26, v25;
	v26 =	vmul.f32 v62, v5;
	v29 =	vmul.f32 v29, v8  }
0x305: {  	s18 =	sor.u32 s1, s2;
	v23 =	vadd.f32 v23, v24;
	v24 =	vmul.f32 v43, v7;
	v21 =	vadd.f32 v21, v31;
	v31 =	vld [tilespmem:s0+$0x54F0]  }
0x306: {  	v50 =	vld [tilespmem:s18+$0x5090];
	v22 =	vmul.f32 v22, v17;
	v26 =	vadd.f32 v33, v26;
	v27 =	vmul.f32 v27, v10  }
0x307: {  	v52 =	vld [tilespmem:s18+$0x50A0];
	v28 =	vmul.f32 v60, v13;
	v29 =	vadd.f32 v34, v29;
	v24 =	vadd.f32 v32, v24  }
0x308: {  	v54 =	vld [tilespmem:s18+$0x50B0];
	v30 =	vmul.f32 v58, v18;
	v23 =	vadd.f32 v23, v25;
	v27 =	vadd.f32 v27, v36  }
0x309: {  	v55 =	vld [tilespmem:s18+$0x50C0];
	v26 =	vadd.f32 v28, v26;
	v28 =	vmul.f32 v49, v19;
	v24 =	vadd.f32 v51, v24  }
0x30a: {  	s19 =	sadd.s32 $0x2, s29;
	v57 =	vld [tilespmem:s18+$0x50D0];
	v29 =	vadd.f32 v53, v29;
	v27 =	vadd.f32 v38, v27;
	v31 =	vmul.f32 v31, v20  }
0x30b: {  	v61 =	vld [tilespmem:s18+$0x54E0];
	v22 =	vadd.f32 v22, v26;
	s0 =	sadd.s32 $0x43, s19;
	v24 =	vadd.f32 v28, v24  }
0x30c: {  	v63 =	vld [tilespmem:s18+$0x54F0];
	p1 =	slt.s32 s0, $0x4F;
	v26 =	vadd.f32 v30, v27;
	v28 =	vadd.f32 v31, v29  }
0x30d: {  	v60 =	vld [tilespmem:s18+$0x54D0];
	v56 =	vperm.xlane v21, v4;
	s0 =	simm.s32 @!p1 $0x4F  }
0x30e: {  	v25 =	vld [tilespmem:s18+$0x5080];
	v30 =	vperm.xlane v23, v1;
	s22 =	sshll.u32 s0, $0x8;
	s0 =	sshll.u32 s0, $0x7;
	v22 =	vadd.f32 v26, v22;
	v24 =	vadd.f32 v28, v24  }
0x30f: {  	v59 =	vmul.f32 v50, v6;
	v27 =	vld [tilespmem:s18+$0x50E0];
	v21 =	vadd.f32 v21, v56;
	s2 =	sand.u32 $0xFFFFF800, s22;
	s0 =	sand.u32 $0x380, s0  }
0x310: {  	v35 =	vmul.f32 v55, v9;
	v26 =	vld [tilespmem:s18+$0x5490];
	v23 =	vadd.f32 v23, v30;
	s2 =	sor.u32 s0, s2;
	v22 =	vadd.f32 v24, v22  }
0x311: {  	v62 =	vmul.f32 v54, v8;
	v21 =	vmul.f32 $1.442695020e+00, v21;
	v45 =	vld [tilespmem:s2+$0x54C0]  }
0x312: {  	v29 =	vld [tilespmem:s18+$0x50F0];
	v24 =	vperm.xlane v23, v2;
	v58 =	vperm.xlane v22, v1  }
0x313: {  	v33 =	vmul.f32 v57, v10;
	v25 =	vmul.f32 v25, v5;
	v31 =	vld [tilespmem:s18+$0x5480]  }
0x314: {  	(erf) = vpow2.f32 v21;
	v21 =	vld [tilespmem:s18+$0x54B0];
	v23 =	vadd.f32 v23, v24;
	v22 =	vadd.f32 v22, v58  }
0x315: {  	v33 =	vadd.f32 v33, v59;
	v30 =	vld [tilespmem:s18+$0x54C0];
	v27 =	vmul.f32 v27, v11;
	v26 =	vmul.f32 v26, v14  }
0x316: {  	v25 =	vadd.f32 v35, v25;
	v28 =	vld [tilespmem:s18+$0x54A0];
	v44 =	vperm.xlane v23, v3;
	v46 =	vperm.xlane v22, v2  }
0x317: {  	v51 =	vld [tilespmem:s2+$0x5090];
	v37 =	vmul.f32 v45, v17;
	v29 =	vmul.f32 v29, v12;
	v26 =	vadd.f32 v26, v33  }
0x318: {  	v47 =	vld [tilespmem:s2+$0x54D0];
	v31 =	vmul.f32 v31, v13;
	v23 =	vadd.f32 v23, v44;
	v22 =	vadd.f32 v22, v46  }
0x319: {  	v50 =	vld [tilespmem:s2+$0x5080];
	v24 =	vmul.f32 v52, v7;
	v21 =	vmul.f32 v21, v16;
	v29 =	vadd.f32 v29, v62  }
0x31a: {  	v53 =	vld [tilespmem:s2+$0x50C0];
	v25 =	vadd.f32 v31, v25;
	v48 =	vperm.xlane v23, v4;
	v39 =	vperm.xlane v22, v3  }
0x31b: {  	v54 =	vld [tilespmem:s2+$0x50E0];
	v28 =	vmul.f32 v28, v15;
	v24 =	vadd.f32 v27, v24;
	v21 =	vadd.f32 v21, v29  }
0x31c: {  	v32 =	vmul.f32 v51, v6;
	v52 =	vld [tilespmem:s2+$0x50B0];
	v23 =	vadd.f32 v23, v48;
	v22 =	vadd.f32 v22, v39  }
0x31d: {  	v31 =	vld [tilespmem:s2+$0x5490];
	v29 =	vmul.f32 v60, v18;
	v24 =	vadd.f32 v28, v24;
	v28 =	vmul.f32 v30, v17  }
0x31e: {  	s23 =	sadd.s32 $0xFFFFFFFE, s26;
	v27 =	vld [tilespmem:s2+$0x5480];
	v23 =	vmul.f32 $1.442695020e+00, v23;
	v39 =	vperm.xlane v22, v4  }
0x31f: {  	s24 =	sadd.s32 $0x43, s23;
	v30 =	vld [tilespmem:s2+$0x50A0];
	v26 =	vadd.f32 v29, v26;
	v25 =	vadd.f32 v28, v25;
	v28 =	vmul.f32 v61, v19  }
0x320: {  	s3 =	simm.f32 $1.000000000e+00;
	s1 =	sadd.s32 $0x42, s19;
	p1 =	slt.s32 s24, s21;
	v49 =	vpop (erf);
	v29 =	vmul.f32 v63, v20;
	(erf) = vpow2.f32 v23;
	v23 =	vld [tilespmem:s2+$0x50D0];
	v22 =	vadd.f32 v22, v39  }
0x321: {  	s3 =	simm.s32 @!p1 $0x0;
	p1 =	slt.s32 s1, $0x4F;
	v36 =	vmul.f32 v53, v9;
	v34 =	vmul.f32 v54, v11;
	v24 =	vadd.f32 v28, v24;
	v28 =	vld [tilespmem:s2+$0x50F0]  }
0x322: {  	s1 =	simm.s32 @!p1 $0x4F;
	v33 =	vmul.f32 v50, v5;
	v21 =	vadd.f32 v29, v21;
	v29 =	vld [tilespmem:s2+$0x54A0];
	v22 =	vmul.f32 $1.442695020e+00, v22  }
0x323: {  	s25 =	sshll.u32 s1, $0x8;
	s1 =	sshll.u32 s1, $0x7;
	v35 =	vmul.f32 s3, v49;
	v31 =	vmul.f32 v31, v14;
	v25 =	vadd.f32 v26, v25;
	v26 =	vld [tilespmem:s2+$0x54B0]  }
0x324: {  	s1 =	sand.u32 $0x380, s1;
	v56 =	vld [tilespmem:s2+$0x54E0];
	v33 =	vadd.f32 v36, v33;
	s3 =	sand.u32 $0xFFFFF800, s25;
	v30 =	vmul.f32 v30, v7;
	(erf) = vpow2.f32 v22  }
0x325: {  	s6 =	sor.u32 s1, s3;
	v27 =	vmul.f32 v27, v13;
	v21 =	vadd.f32 v21, v24;
	v23 =	vmul.f32 v23, v10;
	v22 =	vld [tilespmem:s2+$0x54F0]  }
0x326: {  	v58 =	vld [tilespmem:s6+$0x50A0];
	v24 =	vmul.f32 v52, v8;
	v30 =	vadd.f32 v34, v30;
	v28 =	vmul.f32 v28, v12  }
0x327: {  	v21 =	vadd.f32 v21, v25;
	v25 =	vld [tilespmem:s6+$0x5080];
	v29 =	vmul.f32 v29, v15;
	v23 =	vadd.f32 v23, v32  }
0x328: {  	v57 =	vld [tilespmem:s6+$0x5090];
	v27 =	vadd.f32 v27, v33;
	v26 =	vmul.f32 v26, v16;
	v59 =	vadd.f32 v28, v24  }
0x329: {  	s30 =	sadd.s32 $0x0, s26;
	s4 =	simm.s32 $0x2;
	v55 =	vmul.f32 v47, v18;
	v60 =	vadd.f32 v29, v30;
	v24 =	vld [tilespmem:s6+$0x50B0];
	v23 =	vadd.f32 v31, v23  }
0x32a: {  	s31 =	sadd.s32 $0x43, s30;
	s7 =	simm.f32 $1.000000000e+00;
	s0 =	sadd.s32 $0x42, s23;
	v28 =	vld [tilespmem:s6+$0x50C0];
	v34 =	vadd.f32 v26, v59;
	v31 =	vmul.f32 v56, v19;
	v61 =	vmul.f32 v22, v20  }
0x32b: {  	p1 =	slt.s32 s0, s21;
	s0 =	sadd.s32 $0x42, s30;
	s3 =	simm.f32 $1.000000000e+00;
	v37 =	vadd.f32 v37, v27;
	v27 =	vmul.f32 v58, v7;
	v29 =	vld [tilespmem:s6+$0x50D0];
	v23 =	vadd.f32 v55, v23  }
0x32c: {  	s1 =	simm.f32 $1.000000000e+00;
	s3 =	simm.s32 @!p1 $0x0;
	p1 =	slt.s32 s31, s21;
	v30 =	vld [tilespmem:s6+$0x50E0];
	v25 =	vmul.f32 v25, v5;
	v22 =	vpop (erf);
	v62 =	vadd.f32 v31, v60;
	v38 =	vadd.f32 v61, v34  }
0x32d: {  	p2 =	slt.s32 s0, s21;
	s1 =	simm.s32 @!p1 $0x0;
	v26 =	vmul.f32 v57, v6;
	s2 =	simm.s32 $0x1F690;
	v32 =	vperm.xlane v21, v1;
	v31 =	vld [tilespmem:s6+$0x50F0];
	v63 =	vpop (erf)  }
0x32e: {  	s5 =	simm.s32 $0x1F690;
	s0 =	simm.s32 $0x4;
	s7 =	simm.s32 @!p2 $0x0;
	v33 =	vld [tilespmem:s6+$0x5480];
	[tilespmem:s2+$0x0] =	vst v35;
	v34 =	vadd.f32 v23, v37;
	v35 =	vadd.f32 v38, v62;
	v23 =	vmul.f32 s1, v63  }
.LBB2_19:
0x32f: {  	s9 =	sadd.s32 s0, s29;
	v36 =	vld [tilespmem:s6+$0x5490];
	v24 =	vmul.f32 v24, v8;
	v28 =	vmul.f32 v28, v9;
	v21 =	vadd.f32 v21, v32;
	s2 =	sadd.s32 $0x20, s2;
	s1 =	smov.u32 s0  }
0x330: {  	v22 =	vmul.f32 s3, v22;
	s3 =	smov.u32 s7;
	s10 =	sadd.s32 $0x42, s9;
	s9 =	sadd.s32 $0x43, s9;
	v32 =	vld [tilespmem:s6+$0x54A0];
	v29 =	vmul.f32 v29, v10;
	v34 =	vadd.f32 v35, v34;
	[tilespmem:s2+$0x0] =	vst v23  }
0x331: {  	p1 =	slt.s32 s10, $0x4F;
	p2 =	slt.s32 s9, $0x4F;
	v23 =	vld [tilespmem:s6+$0x54B0];
	v25 =	vadd.f32 v28, v25;
	v28 =	vmul.f32 v30, v11;
	v30 =	vperm.xlane v21, v2  }
0x332: {  	s10 =	simm.s32 @!p1 $0x4F;
	s9 =	simm.s32 @!p2 $0x4F;
	v35 =	vld [tilespmem:s6+$0x54C0];
	v26 =	vadd.f32 v29, v26;
	v29 =	vmul.f32 v31, v12;
	v31 =	vperm.xlane v34, v1;
	[tilespmem:s5+$0xFFFFFFF0] =	vst v22;
	s5 =	smov.u32 s2  }
0x333: {  	s7 =	sshll.u32 s10, $0x8;
	s11 =	sshll.u32 s9, $0x8;
	s9 =	sshll.u32 s9, $0x7;
	v22 =	vld [tilespmem:s6+$0x54D0];
	v27 =	vadd.f32 v28, v27;
	v28 =	vmul.f32 v33, v13;
	v21 =	vadd.f32 v21, v30  }
0x334: {  	s10 =	sshll.u32 s10, $0x7;
	s11 =	sand.u32 $0xFFFFF800, s11;
	s9 =	sand.u32 $0x380, s9;
	v30 =	vld [tilespmem:s6+$0x54E0];
	v24 =	vadd.f32 v29, v24;
	v29 =	vmul.f32 v36, v14;
	v31 =	vadd.f32 v34, v31  }
0x335: {  	s12 =	sand.u32 $0xFFFFF800, s7;
	s10 =	sand.u32 $0x380, s10;
	s7 =	sor.u32 s9, s11;
	v33 =	vld [tilespmem:s6+$0x54F0];
	v25 =	vadd.f32 v28, v25;
	v28 =	vmul.f32 v32, v15;
	v32 =	vperm.xlane v21, v3  }
0x336: {  	s6 =	sor.u32 s10, s12;
	v34 =	vld [tilespmem:s7+$0x54C0];
	v26 =	vadd.f32 v29, v26;
	v23 =	vmul.f32 v23, v16;
	v29 =	vperm.xlane v31, v2  }
0x337: {  	v36 =	vld [tilespmem:s7+$0x54D0];
	v27 =	vadd.f32 v28, v27;
	v28 =	vmul.f32 v35, v17;
	v21 =	vadd.f32 v21, v32  }
0x338: {  	v32 =	vld [tilespmem:s7+$0x5480];
	v23 =	vadd.f32 v23, v24;
	v22 =	vmul.f32 v22, v18;
	v24 =	vadd.f32 v31, v29  }
0x339: {  	v29 =	vld [tilespmem:s7+$0x5490];
	v25 =	vadd.f32 v28, v25;
	v28 =	vmul.f32 v30, v19;
	v30 =	vperm.xlane v21, v4  }
0x33a: {  	s0 =	sadd.s32 $0x2, s0;
	v31 =	vld [tilespmem:s7+$0x5080];
	v22 =	vadd.f32 v22, v26;
	v26 =	vmul.f32 v33, v20;
	v33 =	vperm.xlane v24, v3  }
0x33b: {  	p1 =	slt.u32 s0, $0x3E;
	v35 =	vld [tilespmem:s7+$0x5090];
	v27 =	vadd.f32 v28, v27;
	v21 =	vadd.f32 v21, v30  }
0x33c: {  	v28 =	vld [tilespmem:s7+$0x50A0];
	v23 =	vadd.f32 v26, v23;
	v24 =	vadd.f32 v24, v33  }
0x33d: {  	v22 =	vadd.f32 v22, v25;
	v26 =	vld [tilespmem:s7+$0x50B0];
	v21 =	vmul.f32 $1.442695020e+00, v21  }
0x33e: {  	v25 =	vld [tilespmem:s7+$0x50C0];
	v23 =	vadd.f32 v23, v27;
	v27 =	vperm.xlane v24, v4  }
0x33f: {  	v30 =	vld [tilespmem:s7+$0x50D0];
	(erf) = vpow2.f32 v21  }
0x340: {  	v34 =	vmul.f32 v34, v17;
	v36 =	vmul.f32 v36, v18;
	v33 =	vld [tilespmem:s7+$0x50E0];
	v24 =	vadd.f32 v24, v27  }
0x341: {  	v32 =	vmul.f32 v32, v13;
	v29 =	vmul.f32 v29, v14;
	v21 =	vadd.f32 v23, v22;
	v27 =	vld [tilespmem:s7+$0x50F0]  }
0x342: {  	v23 =	vmul.f32 v31, v5;
	v22 =	vld [tilespmem:s7+$0x54A0];
	v24 =	vmul.f32 $1.442695020e+00, v24  }
0x343: {  	v35 =	vmul.f32 v35, v6;
	v28 =	vmul.f32 v28, v7;
	v31 =	vld [tilespmem:s7+$0x54B0]  }
0x344: {  	v26 =	vmul.f32 v26, v8;
	v37 =	vld [tilespmem:s7+$0x54E0];
	(erf) = vpow2.f32 v24  }
0x345: {  	v24 =	vmul.f32 v25, v9;
	v25 =	vmul.f32 v30, v10;
	v38 =	vld [tilespmem:s7+$0x54F0]  }
0x346: {  	v33 =	vmul.f32 v33, v11;
	v30 =	vld [tilespmem:s6+$0x5080];
	v27 =	vmul.f32 v27, v12  }
0x347: {  	v23 =	vadd.f32 v24, v23;
	v25 =	vadd.f32 v25, v35;
	v39 =	vld [tilespmem:s6+$0x5090];
	v35 =	vmul.f32 v22, v15  }
0x348: {  	v33 =	vadd.f32 v33, v28;
	v40 =	vld [tilespmem:s6+$0x50A0];
	v26 =	vadd.f32 v27, v26;
	v27 =	vmul.f32 v31, v16;
	v22 =	vpop (erf)  }
0x349: {  	s7 =	sadd.s32 s4, s26;
	v23 =	vadd.f32 v32, v23;
	v31 =	vadd.f32 v29, v25;
	v24 =	vld [tilespmem:s6+$0x50B0];
	v32 =	vmul.f32 v37, v19  }
.Ltmp11:
0x34a: {  	s4 =	smov.u32 s1;
	s1 =	sadd.s32 $0x42, s7;
	v33 =	vadd.f32 v35, v33;
	v28 =	vld [tilespmem:s6+$0x50C0];
	v27 =	vadd.f32 v27, v26;
	v35 =	vmul.f32 v38, v20;
	(pc) =	sbr.rel @p1 .LBB2_19-.Ltmp11, $4  }
0x34b: {  	s7 =	sadd.s32 $0x43, s7;
	p2 =	slt.s32 s1, s21;
	v23 =	vadd.f32 v34, v23;
	v34 =	vadd.f32 v36, v31;
	v29 =	vld [tilespmem:s6+$0x50D0];
	v25 =	vmul.f32 v30, v5  }
0x34c: {  	p3 =	slt.s32 s7, s21;
	s7 =	simm.f32 $1.000000000e+00;
	s1 =	simm.f32 $1.000000000e+00;
	v36 =	vadd.f32 v32, v33;
	v30 =	vld [tilespmem:s6+$0x50E0];
	v26 =	vmul.f32 v39, v6;
	v35 =	vadd.f32 v35, v27  }
0x34d: {  	s7 =	simm.s32 @!p2 $0x0;
	s1 =	simm.s32 @!p3 $0x0;
	v32 =	vperm.xlane v21, v1;
	v31 =	vld [tilespmem:s6+$0x50F0];
	v27 =	vmul.f32 v40, v7;
	v37 =	vpop (erf)  }
0x34e: {  	v34 =	vadd.f32 v34, v23;
	v33 =	vld [tilespmem:s6+$0x5480];
	v35 =	vadd.f32 v35, v36;
	v23 =	vmul.f32 s1, v37  }
0x34f: {  	v36 =	vld [tilespmem:s6+$0x5490]  }
0x350: {  	v37 =	vld [tilespmem:s6+$0x54A0]  }
0x351: {  	v38 =	vld [tilespmem:s6+$0x54B0]  }
0x352: {  	v39 =	vld [tilespmem:s6+$0x54C0];
	v28 =	vmul.f32 v28, v9  }
0x353: {  	v40 =	vld [tilespmem:s6+$0x54D0]  }
0x354: {  	v41 =	vld [tilespmem:s6+$0x54E0];
	v29 =	vmul.f32 v29, v10;
	v25 =	vadd.f32 v28, v25;
	v28 =	vmul.f32 v30, v11  }
0x355: {  	v24 =	vmul.f32 v24, v8;
	v30 =	vmul.f32 v31, v12;
	v31 =	vld [tilespmem:s6+$0x54F0]  }
0x356: {  	v26 =	vadd.f32 v29, v26;
	v29 =	vmul.f32 v33, v13;
	v27 =	vadd.f32 v28, v27  }
0x357: {  	v63 =	vmul.f32 v36, v14;
	v24 =	vadd.f32 v30, v24;
	v28 =	vmul.f32 v37, v15  }
0x358: {  	v30 =	vmul.f32 v40, v18;
	v25 =	vadd.f32 v29, v25;
	v29 =	vmul.f32 v38, v16  }
0x359: {  	v26 =	vadd.f32 v63, v26;
	v27 =	vadd.f32 v28, v27;
	v28 =	vmul.f32 v39, v17  }
0x35a: {  	v24 =	vadd.f32 v29, v24;
	v29 =	vmul.f32 v41, v19;
	v31 =	vmul.f32 v31, v20  }
0x35b: {  	v25 =	vadd.f32 v28, v25;
	v26 =	vadd.f32 v30, v26  }
0x35c: {  	v27 =	vadd.f32 v29, v27;
	v24 =	vadd.f32 v31, v24  }
0x35d: {  	v28 =	vadd.f32 v35, v34  }
0x35e: {  	v25 =	vadd.f32 v26, v25;
	v24 =	vadd.f32 v24, v27;
	_ =	sdelay $0x1  }
0x35f: {  	v26 =	vperm.xlane v28, v1;
	v24 =	vadd.f32 v24, v25;
	_ =	sdelay $0x1  }
0x360: {  	v21 =	vadd.f32 v21, v32;
	v25 =	vadd.f32 v28, v26;
	v26 =	vperm.xlane v24, v1;
	_ =	sdelay $0x1  }
0x361: {  	v27 =	vperm.xlane v21, v2;
	v24 =	vadd.f32 v24, v26  }
0x362: {  	v28 =	vperm.xlane v25, v2  }
0x363: {  	v21 =	vadd.f32 v21, v27;
	v26 =	vperm.xlane v24, v2  }
0x364: {  	v25 =	vadd.f32 v25, v28  }
0x365: {  	v27 =	vperm.xlane v21, v3;
	v24 =	vadd.f32 v24, v26  }
0x366: {  	v28 =	vperm.xlane v25, v3  }
0x367: {  	v21 =	vadd.f32 v21, v27;
	v26 =	vperm.xlane v24, v3  }
0x368: {  	v25 =	vadd.f32 v25, v28  }
0x369: {  	v27 =	vperm.xlane v21, v4;
	v24 =	vadd.f32 v24, v26  }
0x36a: {  	v28 =	vperm.xlane v25, v4  }
0x36b: {  	v21 =	vadd.f32 v21, v27;
	v26 =	vperm.xlane v24, v4  }
0x36c: {  	v25 =	vadd.f32 v25, v28  }
0x36d: {  	v21 =	vmul.f32 $1.442695020e+00, v21;
	v24 =	vadd.f32 v24, v26  }
0x36e: {  	v25 =	vmul.f32 $1.442695020e+00, v25  }
0x36f: {  	(erf) = vpow2.f32 v21;
	v21 =	vmul.f32 $1.442695020e+00, v24  }
0x370: {  	(erf) = vpow2.f32 v25  }
0x371: {  	(erf) = vpow2.f32 v21;
	_ =	sdelay $0x4  }
0x372: {  	s0 =	sadd.s32 s4, s26;
	v22 =	vmul.f32 s3, v22  }
0x373: {  	s2 =	sadd.s32 $0x20, s2;
	s1 =	sadd.s32 $0x43, s0  }
0x374: {  	s0 =	sadd.s32 $0x42, s0;
	p1 =	slt.s32 s1, s21;
	s1 =	simm.f32 $1.000000000e+00;
	v21 =	vpop (erf)  }
0x375: {  	[tilespmem:s2+$0x0] =	vst v23;
	s1 =	simm.s32 @!p1 $0x0;
	p1 =	slt.s32 s0, s21;
	s0 =	simm.f32 $1.000000000e+00;
	v21 =	vmul.f32 s7, v21;
	v24 =	vpop (erf)  }
0x376: {  	s15 =	sadd.s32 $0xFFFFFFFE, s29;
	[tilespmem:s5+$0xFFFFFFF0] =	vst v22;
	s0 =	simm.s32 @!p1 $0x0;
	v23 =	vmul.f32 s1, v24;
	v22 =	vpop (erf)  }
0x377: {  	s14 =	sadd.s32 $0x20, s2;
	[tilespmem:s2+$0xFFFFFFF0] =	vst v21;
	v22 =	vmul.f32 s0, v22;
	s0 =	sadd.s32 $0x43, s15  }
0x378: {  	[tilespmem:s14+$0x0] =	vst v23;
	p1 =	slt.s32 s0, $0x4F  }
0x379: {  	[tilespmem:s14+$0xFFFFFFF0] =	vst v22;
	s0 =	simm.s32 @!p1 $0x4F  }
0x37a: {  	v21 =	vld [tilespmem:s0+$0xA080];
	_ =	sdelay $0x4  }
0x37b: {  	(v2sf) =	vpush v21, $0x0;
	_ =	sdelay $0x5  }
0x37c: {  	s2 =	sadd.s32 $0x42, s15  }
0x37d: {  	p1 =	slt.s32 s2, $0x4F  }
0x37e: {  	s2 =	simm.s32 @!p1 $0x4F  }
0x37f: {  	v21 =	vld [tilespmem:s2+$0xA080];
	_ =	sdelay $0x1  }
0x380: {  	s16 =	sshll.u32 s0, $0x8;
	s0 =	sshll.u32 s0, $0x7  }
0x381: {  	s17 =	simm.s32 $0x1F690;
	s1 =	sand.u32 $0xFFFFF800, s16;
	s0 =	sand.u32 $0x380, s0  }
0x382: {  	v24 =	vld [tilespmem:s17+$0x0];
	s6 =	sor.u32 s0, s1  }
0x383: {  	s18 =	sadd.s32 $0xFFFFFFFE, s26;
	(v2sf) =	vpush v21, $0x0;
	v21 =	vld [tilespmem:s6+$0x5080]  }
0x384: {  	s19 =	sadd.s32 $0x43, s18;
	s22 =	spop (v2sf)  }
0x385: {  	p1 =	slt.s32 s19, s21;
	s7 =	ssub.s32 s22, s8  }
0x386: {  	s7 =	simm.s32 @!p1 $0x0  }
0x387: {  	s23 =	sshll.u32 s7, $0x8;
	s24 =	sshll.u32 s7, $0x7  }
0x388: {  	v21 =	vmul.f32 v21, v24;
	s0 =	sand.u32 $0xFFFFF800, s23;
	s1 =	sand.u32 $0x380, s24  }
0x389: {  	s1 =	sor.u32 s1, s0  }
0x38a: {  	[tilespmem:s1+$0xA280] =	vst.add.f32.msk $0xffff, v21  }
0x38b: {  	v22 =	vld [tilespmem:s6+$0x5090];
	_ =	sdelay $0x2  }
0x38c: {  	s25 =	sshll.u32 s2, $0x8;
	s2 =	sshll.u32 s2, $0x7  }
0x38d: {  	s2 =	sand.u32 $0x380, s2;
	s0 =	sand.u32 $0xFFFFF800, s25  }
0x38e: {  	s0 =	sor.u32 s2, s0;
	v21 =	vld [tilespmem:s17+$0xFFFFFFF0];
	v22 =	vmul.f32 v22, v24  }
0x38f: {  	v23 =	vld [tilespmem:s0+$0x5080]  }
0x390: {  	s5 =	sadd.s32 $0x42, s18;
	s9 =	spop (v2sf);
	[tilespmem:s1+$0xA290] =	vst.add.f32.msk $0xffff, v22  }
0x391: {  	p1 =	slt.s32 s5, s21;
	s11 =	ssub.s32 s9, s8;
	v22 =	vld [tilespmem:s6+$0x50A0]  }
0x392: {  	s11 =	simm.s32 @!p1 $0x0  }
0x393: {  	s10 =	sshll.u32 s11, $0x8;
	s12 =	sshll.u32 s11, $0x7  }
0x394: {  	s2 =	sand.u32 $0xFFFFF800, s10;
	s3 =	sand.u32 $0x380, s12;
	v23 =	vmul.f32 v23, v21  }
0x395: {  	s3 =	sor.u32 s3, s2  }
0x396: {  	[tilespmem:s3+$0xA280] =	vst.add.f32.msk $0xffff, v23;
	v22 =	vmul.f32 v22, v24  }
0x397: {  	v23 =	vld [tilespmem:s0+$0x5090]  }
0x398: {  	[tilespmem:s1+$0xA2A0] =	vst.add.f32.msk $0xffff, v22  }
0x399: {  	v22 =	vld [tilespmem:s6+$0x50B0];
	_ =	sdelay $0x2  }
0x39a: {  	v23 =	vmul.f32 v23, v21;
	_ =	sdelay $0x1  }
0x39b: {  	[tilespmem:s3+$0xA290] =	vst.add.f32.msk $0xffff, v23;
	v22 =	vmul.f32 v22, v24  }
0x39c: {  	v23 =	vld [tilespmem:s0+$0x50A0]  }
0x39d: {  	[tilespmem:s1+$0xA2B0] =	vst.add.f32.msk $0xffff, v22  }
0x39e: {  	v22 =	vld [tilespmem:s6+$0x50C0];
	_ =	sdelay $0x2  }
0x39f: {  	v23 =	vmul.f32 v23, v21;
	_ =	sdelay $0x1  }
0x3a0: {  	[tilespmem:s3+$0xA2A0] =	vst.add.f32.msk $0xffff, v23;
	v22 =	vmul.f32 v22, v24  }
0x3a1: {  	v23 =	vld [tilespmem:s0+$0x50B0]  }
0x3a2: {  	[tilespmem:s1+$0xA2C0] =	vst.add.f32.msk $0xffff, v22  }
0x3a3: {  	s13 =	sadd.s32 $0x0, s29;
	v22 =	vld [tilespmem:s6+$0x50D0]  }
0x3a4: {  	s4 =	sadd.s32 $0x43, s13  }
0x3a5: {  	p1 =	slt.s32 s4, $0x4F  }
0x3a6: {  	s4 =	simm.s32 @!p1 $0x4F;
	v23 =	vmul.f32 v23, v21  }
0x3a7: {  	v25 =	vld [tilespmem:s4+$0xA080]  }
0x3a8: {  	[tilespmem:s3+$0xA2B0] =	vst.add.f32.msk $0xffff, v23;
	v22 =	vmul.f32 v22, v24  }
0x3a9: {  	v23 =	vld [tilespmem:s0+$0x50C0]  }
0x3aa: {  	[tilespmem:s1+$0xA2D0] =	vst.add.f32.msk $0xffff, v22  }
0x3ab: {  	v22 =	vld [tilespmem:s6+$0x50E0]  }
0x3ac: {  	s5 =	sadd.s32 $0x42, s13  }
0x3ad: {  	p1 =	slt.s32 s5, $0x4F;
	(v2sf) =	vpush v25, $0x0  }
0x3ae: {  	s5 =	simm.s32 @!p1 $0x4F;
	v23 =	vmul.f32 v23, v21  }
0x3af: {  	v26 =	vld [tilespmem:s5+$0xA080]  }
0x3b0: {  	[tilespmem:s3+$0xA2C0] =	vst.add.f32.msk $0xffff, v23;
	v22 =	vmul.f32 v22, v24  }
0x3b1: {  	v23 =	vld [tilespmem:s0+$0x50D0]  }
0x3b2: {  	[tilespmem:s1+$0xA2E0] =	vst.add.f32.msk $0xffff, v22  }
0x3b3: {  	v22 =	vld [tilespmem:s6+$0x50F0]  }
0x3b4: {  	s14 =	sshll.u32 s4, $0x8;
	s4 =	sshll.u32 s4, $0x7  }
0x3b5: {  	s2 =	sand.u32 $0xFFFFF800, s14;
	s4 =	sand.u32 $0x380, s4  }
0x3b6: {  	s2 =	sor.u32 s4, s2;
	v23 =	vmul.f32 v23, v21  }
0x3b7: {  	(v2sf) =	vpush v26, $0x0;
	v26 =	vld [tilespmem:s2+$0x5080]  }
0x3b8: {  	[tilespmem:s3+$0xA2D0] =	vst.add.f32.msk $0xffff, v23;
	v22 =	vmul.f32 v22, v24  }
0x3b9: {  	v23 =	vld [tilespmem:s0+$0x50E0]  }
0x3ba: {  	s9 =	simm.s32 $0x1F6B0;
	[tilespmem:s1+$0xA2F0] =	vst.add.f32.msk $0xffff, v22  }
0x3bb: {  	s10 =	sadd.s32 $0x0, s26;
	v22 =	vld [tilespmem:s9+$0x0]  }
0x3bc: {  	s12 =	sadd.s32 $0x43, s10;
	s13 =	spop (v2sf);
	v25 =	vld [tilespmem:s6+$0x5480]  }
0x3bd: {  	s15 =	sshll.u32 s5, $0x8;
	p1 =	slt.s32 s12, s21;
	s30 =	ssub.s32 s13, s8  }
0x3be: {  	s5 =	sshll.u32 s5, $0x7;
	s4 =	sand.u32 $0xFFFFF800, s15;
	s30 =	simm.s32 @!p1 $0x0;
	v23 =	vmul.f32 v23, v21  }
0x3bf: {  	s5 =	sand.u32 $0x380, s5;
	s16 =	sshll.u32 s30, $0x8;
	s17 =	sshll.u32 s30, $0x7  }
0x3c0: {  	s5 =	sor.u32 s5, s4;
	s4 =	sand.u32 $0xFFFFF800, s16;
	s12 =	sand.u32 $0x380, s17;
	[tilespmem:s3+$0xA2E0] =	vst.add.f32.msk $0xffff, v23;
	v26 =	vmul.f32 v26, v22  }
0x3c1: {  	s4 =	sor.u32 s12, s4;
	v23 =	vmul.f32 v25, v24;
	v25 =	vld [tilespmem:s0+$0x50F0]  }
0x3c2: {  	[tilespmem:s4+$0xA280] =	vst.add.f32.msk $0xffff, v26  }
0x3c3: {  	[tilespmem:s1+$0xA680] =	vst.add.f32.msk $0xffff, v23  }
0x3c4: {  	v26 =	vld [tilespmem:s2+$0x5090]  }
0x3c5: {  	v27 =	vld [tilespmem:s6+$0x5490];
	_ =	sdelay $0x1  }
0x3c6: {  	v28 =	vld [tilespmem:s5+$0x5080];
	v25 =	vmul.f32 v25, v21  }
0x3c7: {  	v23 =	vld [tilespmem:s9+$0xFFFFFFF0]  }
0x3c8: {  	[tilespmem:s3+$0xA2F0] =	vst.add.f32.msk $0xffff, v25;
	v26 =	vmul.f32 v26, v22  }
0x3c9: {  	s18 =	sadd.s32 $0x42, s10;
	s19 =	spop (v2sf);
	v25 =	vmul.f32 v27, v24;
	v27 =	vld [tilespmem:s0+$0x5480]  }
0x3ca: {  	p1 =	slt.s32 s18, s21;
	s17 =	ssub.s32 s19, s8;
	[tilespmem:s4+$0xA290] =	vst.add.f32.msk $0xffff, v26  }
0x3cb: {  	s17 =	simm.s32 @!p1 $0x0;
	[tilespmem:s1+$0xA690] =	vst.add.f32.msk $0xffff, v25  }
0x3cc: {  	s22 =	sshll.u32 s17, $0x8;
	s23 =	sshll.u32 s17, $0x7;
	v26 =	vld [tilespmem:s2+$0x50A0]  }
0x3cd: {  	s10 =	sand.u32 $0x380, s23;
	s9 =	sand.u32 $0xFFFFF800, s22;
	v28 =	vmul.f32 v28, v23;
	v25 =	vld [tilespmem:s6+$0x54A0]  }
0x3ce: {  	s31 =	sor.u32 s10, s9  }
0x3cf: {  	[tilespmem:s31+$0xA280] =	vst.add.f32.msk $0xffff, v28;
	v27 =	vmul.f32 v27, v21  }
0x3d0: {  	v28 =	vld [tilespmem:s5+$0x5090]  }
0x3d1: {  	[tilespmem:s3+$0xA680] =	vst.add.f32.msk $0xffff, v27;
	v26 =	vmul.f32 v26, v22  }
0x3d2: {  	v25 =	vmul.f32 v25, v24;
	v27 =	vld [tilespmem:s0+$0x5490]  }
0x3d3: {  	[tilespmem:s4+$0xA2A0] =	vst.add.f32.msk $0xffff, v26  }
0x3d4: {  	[tilespmem:s1+$0xA6A0] =	vst.add.f32.msk $0xffff, v25  }
0x3d5: {  	v26 =	vld [tilespmem:s2+$0x50B0]  }
0x3d6: {  	v28 =	vmul.f32 v28, v23;
	v25 =	vld [tilespmem:s6+$0x54B0];
	_ =	sdelay $0x1  }
0x3d7: {  	[tilespmem:s31+$0xA290] =	vst.add.f32.msk $0xffff, v28;
	v27 =	vmul.f32 v27, v21  }
0x3d8: {  	v28 =	vld [tilespmem:s5+$0x50A0]  }
0x3d9: {  	[tilespmem:s3+$0xA690] =	vst.add.f32.msk $0xffff, v27;
	v26 =	vmul.f32 v26, v22  }
0x3da: {  	v25 =	vmul.f32 v25, v24;
	v27 =	vld [tilespmem:s0+$0x54A0]  }
0x3db: {  	[tilespmem:s4+$0xA2B0] =	vst.add.f32.msk $0xffff, v26  }
0x3dc: {  	[tilespmem:s1+$0xA6B0] =	vst.add.f32.msk $0xffff, v25  }
0x3dd: {  	v26 =	vld [tilespmem:s2+$0x50C0]  }
0x3de: {  	v28 =	vmul.f32 v28, v23;
	v25 =	vld [tilespmem:s6+$0x54C0];
	_ =	sdelay $0x1  }
0x3df: {  	[tilespmem:s31+$0xA2A0] =	vst.add.f32.msk $0xffff, v28;
	v27 =	vmul.f32 v27, v21  }
0x3e0: {  	v28 =	vld [tilespmem:s5+$0x50B0]  }
0x3e1: {  	[tilespmem:s3+$0xA6A0] =	vst.add.f32.msk $0xffff, v27;
	v26 =	vmul.f32 v26, v22  }
0x3e2: {  	v25 =	vmul.f32 v25, v24;
	v27 =	vld [tilespmem:s0+$0x54B0]  }
0x3e3: {  	s24 =	sadd.s32 $0x2, s29;
	[tilespmem:s4+$0xA2C0] =	vst.add.f32.msk $0xffff, v26  }
0x3e4: {  	s10 =	sadd.s32 $0x43, s24;
	[tilespmem:s1+$0xA6C0] =	vst.add.f32.msk $0xffff, v25  }
0x3e5: {  	p1 =	slt.s32 s10, $0x4F;
	v26 =	vld [tilespmem:s2+$0x50D0]  }
0x3e6: {  	s10 =	simm.s32 @!p1 $0x4F;
	v28 =	vmul.f32 v28, v23;
	v25 =	vld [tilespmem:s6+$0x54D0]  }
0x3e7: {  	v29 =	vld [tilespmem:s10+$0xA080]  }
0x3e8: {  	[tilespmem:s31+$0xA2B0] =	vst.add.f32.msk $0xffff, v28;
	v27 =	vmul.f32 v27, v21  }
0x3e9: {  	v28 =	vld [tilespmem:s5+$0x50C0]  }
0x3ea: {  	[tilespmem:s3+$0xA6B0] =	vst.add.f32.msk $0xffff, v27;
	v26 =	vmul.f32 v26, v22  }
0x3eb: {  	v25 =	vmul.f32 v25, v24;
	v27 =	vld [tilespmem:s0+$0x54C0]  }
0x3ec: {  	[tilespmem:s4+$0xA2D0] =	vst.add.f32.msk $0xffff, v26  }
0x3ed: {  	s9 =	sadd.s32 $0x42, s24;
	[tilespmem:s1+$0xA6D0] =	vst.add.f32.msk $0xffff, v25  }
0x3ee: {  	p1 =	slt.s32 s9, $0x4F;
	v26 =	vld [tilespmem:s2+$0x50E0]  }
0x3ef: {  	s9 =	simm.s32 @!p1 $0x4F;
	v28 =	vmul.f32 v28, v23;
	v25 =	vld [tilespmem:s6+$0x54E0]  }
0x3f0: {  	v30 =	vld [tilespmem:s9+$0xA080]  }
0x3f1: {  	[tilespmem:s31+$0xA2C0] =	vst.add.f32.msk $0xffff, v28;
	v27 =	vmul.f32 v27, v21  }
0x3f2: {  	v28 =	vld [tilespmem:s5+$0x50D0]  }
0x3f3: {  	[tilespmem:s3+$0xA6C0] =	vst.add.f32.msk $0xffff, v27;
	v26 =	vmul.f32 v26, v22  }
0x3f4: {  	v27 =	vld [tilespmem:s0+$0x54D0];
	v25 =	vmul.f32 v25, v24  }
0x3f5: {  	[tilespmem:s4+$0xA2E0] =	vst.add.f32.msk $0xffff, v26  }
0x3f6: {  	[tilespmem:s1+$0xA6E0] =	vst.add.f32.msk $0xffff, v25  }
0x3f7: {  	v28 =	vmul.f32 v28, v23;
	v26 =	vld [tilespmem:s2+$0x50F0]  }
0x3f8: {  	s25 =	sshll.u32 s9, $0x8;
	s9 =	sshll.u32 s9, $0x7;
	(v2sf) =	vpush v29, $0x0;
	v25 =	vld [tilespmem:s6+$0x54F0]  }
0x3f9: {  	s9 =	sand.u32 $0x380, s9;
	[tilespmem:s31+$0xA2D0] =	vst.add.f32.msk $0xffff, v28;
	s6 =	sand.u32 $0xFFFFF800, s25  }
0x3fa: {  	v29 =	vld [tilespmem:s5+$0x50E0];
	s6 =	sor.u32 s9, s6;
	v27 =	vmul.f32 v27, v21  }
0x3fb: {  	v28 =	vld [tilespmem:s6+$0x5080]  }
0x3fc: {  	(v2sf) =	vpush v30, $0x0;
	[tilespmem:s3+$0xA6D0] =	vst.add.f32.msk $0xffff, v27;
	v26 =	vmul.f32 v26, v22  }
0x3fd: {  	v25 =	vmul.f32 v25, v24;
	v27 =	vld [tilespmem:s0+$0x54E0]  }
0x3fe: {  	[tilespmem:s4+$0xA2F0] =	vst.add.f32.msk $0xffff, v26  }
0x3ff: {  	s9 =	sshll.u32 s7, $0x6;
	[tilespmem:s1+$0xA6F0] =	vst.add.f32.msk $0xffff, v25  }
0x400: {  	s1 =	sshra.s32 s9, $0x2;
	v25 =	vmul.f32 v29, v23;
	v26 =	vld [tilespmem:s2+$0x5480]  }
0x401: {  	s12 =	sshll.u32 s10, $0x8;
	s13 =	sshll.u32 s10, $0x7;
	[tilespmem:s1+$0x1E280] =	vst.add.f32.msk $0xffff, v24  }
0x402: {  	s7 =	sand.u32 $0x380, s13;
	s1 =	sand.u32 $0xFFFFF800, s12;
	[tilespmem:s31+$0xA2E0] =	vst.add.f32.msk $0xffff, v25  }
0x403: {  	s10 =	sor.u32 s7, s1;
	v24 =	vmul.f32 v27, v21;
	v25 =	vld [tilespmem:s5+$0x50F0]  }
0x404: {  	v27 =	vld [tilespmem:s10+$0x5080]  }
0x405: {  	s9 =	simm.s32 $0x1F6D0;
	[tilespmem:s3+$0xA6E0] =	vst.add.f32.msk $0xffff, v24;
	v26 =	vmul.f32 v26, v22  }
0x406: {  	s14 =	sadd.s32 $0x2, s26;
	v24 =	vld [tilespmem:s9+$0x0]  }
0x407: {  	s15 =	sadd.s32 $0x43, s14;
	s16 =	spop (v2sf);
	[tilespmem:s4+$0xA680] =	vst.add.f32.msk $0xffff, v26  }
0x408: {  	p1 =	slt.s32 s15, s21;
	s7 =	ssub.s32 s16, s8;
	v29 =	vld [tilespmem:s2+$0x5490]  }
0x409: {  	s7 =	simm.s32 @!p1 $0x0;
	v30 =	vld [tilespmem:s0+$0x54F0];
	v26 =	vmul.f32 v25, v23  }
0x40a: {  	s1 =	sadd.s32 $0x42, s14;
	s18 =	sshll.u32 s7, $0x8;
	s19 =	sshll.u32 s7, $0x7;
	v25 =	vld [tilespmem:s9+$0xFFFFFFF0]  }
0x40b: {  	s14 =	spop (v2sf);
	s12 =	sand.u32 $0xFFFFF800, s18;
	s13 =	sand.u32 $0x380, s19;
	[tilespmem:s31+$0xA2F0] =	vst.add.f32.msk $0xffff, v26;
	v26 =	vmul.f32 v27, v24  }
0x40c: {  	p1 =	slt.s32 s1, s21;
	s1 =	ssub.s32 s14, s8;
	s13 =	sor.u32 s13, s12;
	v27 =	vld [tilespmem:s5+$0x5480]  }
0x40d: {  	s1 =	simm.s32 @!p1 $0x0;
	[tilespmem:s13+$0xA280] =	vst.add.f32.msk $0xffff, v26;
	v26 =	vmul.f32 v29, v22  }
0x40e: {  	s22 =	sshll.u32 s1, $0x8;
	s23 =	sshll.u32 s1, $0x7;
	v29 =	vld [tilespmem:s10+$0x5090]  }
0x40f: {  	s0 =	sand.u32 $0xFFFFF800, s22;
	s12 =	sand.u32 $0x380, s23;
	v28 =	vmul.f32 v28, v25;
	[tilespmem:s4+$0xA690] =	vst.add.f32.msk $0xffff, v26  }
0x410: {  	s16 =	sor.u32 s12, s0;
	v26 =	vld [tilespmem:s2+$0x54A0]  }
0x411: {  	[tilespmem:s16+$0xA280] =	vst.add.f32.msk $0xffff, v28;
	v27 =	vmul.f32 v27, v23  }
0x412: {  	v28 =	vld [tilespmem:s6+$0x5090]  }
0x413: {  	v29 =	vmul.f32 v29, v24;
	[tilespmem:s31+$0xA680] =	vst.add.f32.msk $0xffff, v27  }
0x414: {  	v27 =	vld [tilespmem:s5+$0x5490]  }
0x415: {  	[tilespmem:s13+$0xA290] =	vst.add.f32.msk $0xffff, v29;
	v26 =	vmul.f32 v26, v22  }
0x416: {  	v29 =	vld [tilespmem:s10+$0x50A0]  }
0x417: {  	v28 =	vmul.f32 v28, v25;
	[tilespmem:s4+$0xA6A0] =	vst.add.f32.msk $0xffff, v26  }
0x418: {  	v26 =	vld [tilespmem:s2+$0x54B0]  }
0x419: {  	[tilespmem:s16+$0xA290] =	vst.add.f32.msk $0xffff, v28;
	v27 =	vmul.f32 v27, v23  }
0x41a: {  	v28 =	vld [tilespmem:s6+$0x50A0]  }
0x41b: {  	v29 =	vmul.f32 v29, v24;
	[tilespmem:s31+$0xA690] =	vst.add.f32.msk $0xffff, v27  }
0x41c: {  	v27 =	vld [tilespmem:s5+$0x54A0]  }
0x41d: {  	[tilespmem:s13+$0xA2A0] =	vst.add.f32.msk $0xffff, v29;
	v26 =	vmul.f32 v26, v22  }
0x41e: {  	v29 =	vld [tilespmem:s10+$0x50B0]  }
0x41f: {  	v28 =	vmul.f32 v28, v25;
	[tilespmem:s4+$0xA6B0] =	vst.add.f32.msk $0xffff, v26  }
0x420: {  	v26 =	vld [tilespmem:s2+$0x54C0]  }
0x421: {  	[tilespmem:s16+$0xA2A0] =	vst.add.f32.msk $0xffff, v28;
	v27 =	vmul.f32 v27, v23  }
0x422: {  	v28 =	vld [tilespmem:s6+$0x50B0]  }
0x423: {  	v29 =	vmul.f32 v29, v24;
	[tilespmem:s31+$0xA6A0] =	vst.add.f32.msk $0xffff, v27  }
0x424: {  	v27 =	vld [tilespmem:s5+$0x54B0]  }
0x425: {  	[tilespmem:s13+$0xA2B0] =	vst.add.f32.msk $0xffff, v29;
	v26 =	vmul.f32 v26, v22  }
0x426: {  	v29 =	vld [tilespmem:s10+$0x50C0]  }
0x427: {  	v28 =	vmul.f32 v28, v25;
	[tilespmem:s4+$0xA6C0] =	vst.add.f32.msk $0xffff, v26  }
0x428: {  	v26 =	vld [tilespmem:s2+$0x54D0]  }
0x429: {  	[tilespmem:s16+$0xA2B0] =	vst.add.f32.msk $0xffff, v28;
	v27 =	vmul.f32 v27, v23  }
0x42a: {  	v28 =	vld [tilespmem:s6+$0x50C0]  }
0x42b: {  	v29 =	vmul.f32 v29, v24;
	[tilespmem:s31+$0xA6B0] =	vst.add.f32.msk $0xffff, v27  }
0x42c: {  	v27 =	vld [tilespmem:s5+$0x54C0]  }
0x42d: {  	[tilespmem:s13+$0xA2C0] =	vst.add.f32.msk $0xffff, v29;
	v26 =	vmul.f32 v26, v22  }
0x42e: {  	v31 =	vld [tilespmem:s10+$0x50D0]  }
0x42f: {  	v29 =	vmul.f32 v28, v25;
	[tilespmem:s4+$0xA6D0] =	vst.add.f32.msk $0xffff, v26  }
0x430: {  	v28 =	vld [tilespmem:s2+$0x54E0]  }
0x431: {  	[tilespmem:s16+$0xA2C0] =	vst.add.f32.msk $0xffff, v29;
	v26 =	vmul.f32 v27, v23  }
0x432: {  	s25 =	sshll.u32 s17, $0x6;
	v29 =	vld [tilespmem:s6+$0x50D0]  }
0x433: {  	s24 =	sshll.u32 s11, $0x6;
	s11 =	sshra.s32 s25, $0x2;
	s1 =	sshll.u32 s1, $0x6;
	[tilespmem:s31+$0xA6C0] =	vst.add.f32.msk $0xffff, v26;
	v26 =	vmul.f32 v30, v21;
	v30 =	vmul.f32 v31, v24  }
0x434: {  	s17 =	sshra.s32 s1, $0x2;
	s12 =	sshra.s32 s24, $0x2;
	s0 =	simm.s32 $0x4;
	v27 =	vld [tilespmem:s5+$0x54D0]  }
.LBB2_21:
0x435: {  	s1 =	sadd.s32 s0, s29;
	[tilespmem:s13+$0xA2D0] =	vst.add.f32.msk $0xffff, v30;
	v28 =	vmul.f32 v28, v22;
	s18 =	smov.u32 s0  }
0x436: {  	s0 =	sadd.s32 $0x2, s0;
	s14 =	sadd.s32 $0x42, s1;
	s19 =	sadd.s32 $0x43, s1;
	v30 =	vld [tilespmem:s10+$0x50E0]  }
0x437: {  	p1 =	slt.u32 s0, $0x3E;
	p2 =	slt.s32 s14, $0x4F;
	p3 =	slt.s32 s19, $0x4F;
	v29 =	vmul.f32 v29, v25;
	[tilespmem:s4+$0xA6E0] =	vst.add.f32.msk $0xffff, v28  }
0x438: {  	s14 =	simm.s32 @!p2 $0x4F;
	s19 =	simm.s32 @!p3 $0x4F;
	v28 =	vld [tilespmem:s2+$0x54F0];
	s2 =	smov.u32 s10  }
0x439: {  	s1 =	sshll.u32 s14, $0x8;
	s10 =	sshll.u32 s14, $0x7;
	v31 =	vld [tilespmem:s19+$0xA080];
	v27 =	vmul.f32 v27, v23  }
0x43a: {  	v32 =	vld [tilespmem:s14+$0xA080];
	s1 =	sand.u32 $0xFFFFF800, s1;
	s10 =	sand.u32 $0x380, s10  }
0x43b: {  	s1 =	sor.u32 s10, s1;
	[tilespmem:s16+$0xA2D0] =	vst.add.f32.msk $0xffff, v29;
	v29 =	vmul.f32 v30, v24  }
0x43c: {  	v30 =	vld [tilespmem:s1+$0x5080]  }
0x43d: {  	[tilespmem:s13+$0xA2E0] =	vst.add.f32.msk $0xffff, v29;
	v28 =	vmul.f32 v28, v22  }
0x43e: {  	s10 =	sshll.u32 s30, $0x6;
	s30 =	smov.u32 s7;
	(v2sf) =	vpush v31, $0x0;
	v29 =	vld [tilespmem:s2+$0x50F0]  }
0x43f: {  	s7 =	sshra.s32 s10, $0x2;
	(v2sf) =	vpush v32, $0x0;
	[tilespmem:s4+$0xA6F0] =	vst.add.f32.msk $0xffff, v28;
	s4 =	smov.u32 s13  }
0x440: {  	[tilespmem:s7+$0x1E280] =	vst.add.f32.msk $0xffff, v22;
	v22 =	vmov v24  }
0x441: {  	v24 =	vld [tilespmem:s6+$0x50E0]  }
0x442: {  	[tilespmem:s31+$0xA6D0] =	vst.add.f32.msk $0xffff, v27  }
0x443: {  	v27 =	vmul.f32 v29, v22;
	v28 =	vld [tilespmem:s5+$0x54E0]  }
0x444: {  	[tilespmem:s3+$0xA6F0] =	vst.add.f32.msk $0xffff, v26;
	s3 =	smov.u32 s31;
	s31 =	smov.u32 s16  }
0x445: {  	[tilespmem:s4+$0xA2F0] =	vst.add.f32.msk $0xffff, v27  }
0x446: {  	v24 =	vmul.f32 v24, v25;
	v26 =	vld [tilespmem:s2+$0x5480]  }
0x447: {  	[tilespmem:s12+$0x1E280] =	vst.add.f32.msk $0xffff, v21;
	v21 =	vmov v23;
	v23 =	vmov v25;
	s12 =	smov.u32 s11;
	s11 =	smov.u32 s17  }
0x448: {  	[tilespmem:s31+$0xA2E0] =	vst.add.f32.msk $0xffff, v24;
	v24 =	vmul.f32 v28, v21  }
0x449: {  	s10 =	sshll.u32 s19, $0x7;
	s7 =	sshll.u32 s19, $0x8;
	v25 =	vld [tilespmem:s6+$0x50F0]  }
0x44a: {  	s9 =	sadd.s32 $0x20, s9;
	s10 =	sand.u32 $0x380, s10;
	s7 =	sand.u32 $0xFFFFF800, s7;
	[tilespmem:s3+$0xA6E0] =	vst.add.f32.msk $0xffff, v24  }
0x44b: {  	s10 =	sor.u32 s10, s7;
	v24 =	vld [tilespmem:s9+$0x0];
	v26 =	vmul.f32 v26, v22  }
0x44c: {  	s7 =	sadd.s32 s18, s26;
	v27 =	vld [tilespmem:s10+$0x5080]  }
0x44d: {  	s13 =	sadd.s32 $0x42, s7;
	s7 =	sadd.s32 $0x43, s7;
	s14 =	spop (v2sf);
	[tilespmem:s4+$0xA680] =	vst.add.f32.msk $0xffff, v26  }
0x44e: {  	p2 =	slt.s32 s7, s21;
	s7 =	ssub.s32 s14, s8;
	s14 =	spop (v2sf);
	v26 =	vmul.f32 v25, v23;
	v28 =	vld [tilespmem:s2+$0x5490]  }
0x44f: {  	p3 =	slt.s32 s13, s21;
	v25 =	vld [tilespmem:s9+$0xFFFFFFF0];
	s14 =	ssub.s32 s14, s8;
	s7 =	simm.s32 @!p2 $0x0  }
0x450: {  	s14 =	simm.s32 @!p3 $0x0;
	s13 =	sshll.u32 s7, $0x8;
	s15 =	sshll.u32 s7, $0x7;
	[tilespmem:s31+$0xA2F0] =	vst.add.f32.msk $0xffff, v26  }
0x451: {  	s16 =	sshll.u32 s14, $0x8;
	v26 =	vmul.f32 v27, v24;
	s13 =	sand.u32 $0xFFFFF800, s13;
	s15 =	sand.u32 $0x380, s15;
	v27 =	vld [tilespmem:s6+$0x5480]  }
0x452: {  	s17 =	sshll.u32 s14, $0x7;
	s16 =	sand.u32 $0xFFFFF800, s16;
	s13 =	sor.u32 s15, s13;
	v29 =	vld [tilespmem:s5+$0x54F0]  }
0x453: {  	s14 =	sshll.u32 s14, $0x6;
	s15 =	sand.u32 $0x380, s17;
	s5 =	smov.u32 s6;
	[tilespmem:s13+$0xA280] =	vst.add.f32.msk $0xffff, v26;
	v26 =	vmul.f32 v28, v22  }
0x454: {  	s17 =	sshra.s32 s14, $0x2;
	s6 =	smov.u32 s1;
	s16 =	sor.u32 s15, s16;
	v28 =	vmul.f32 v30, v25;
	v30 =	vld [tilespmem:s10+$0x5090]  }
0x455: {  	[tilespmem:s4+$0xA690] =	vst.add.f32.msk $0xffff, v26  }
0x456: {  	v27 =	vmul.f32 v27, v23;
	v31 =	vld [tilespmem:s2+$0x54A0]  }
0x457: {  	[tilespmem:s16+$0xA280] =	vst.add.f32.msk $0xffff, v28;
	v26 =	vmul.f32 v29, v21  }
0x458: {  	v28 =	vld [tilespmem:s6+$0x5090]  }
0x459: {  	v29 =	vmul.f32 v30, v24;
	[tilespmem:s31+$0xA680] =	vst.add.f32.msk $0xffff, v27  }
0x45a: {  	v27 =	vld [tilespmem:s5+$0x5490]  }
0x45b: {  	[tilespmem:s13+$0xA290] =	vst.add.f32.msk $0xffff, v29;
	v29 =	vmul.f32 v31, v22  }
0x45c: {  	v30 =	vld [tilespmem:s10+$0x50A0]  }
0x45d: {  	v28 =	vmul.f32 v28, v25;
	[tilespmem:s4+$0xA6A0] =	vst.add.f32.msk $0xffff, v29  }
0x45e: {  	v29 =	vld [tilespmem:s2+$0x54B0]  }
0x45f: {  	[tilespmem:s16+$0xA290] =	vst.add.f32.msk $0xffff, v28;
	v27 =	vmul.f32 v27, v23  }
0x460: {  	v28 =	vld [tilespmem:s6+$0x50A0]  }
0x461: {  	v30 =	vmul.f32 v30, v24;
	[tilespmem:s31+$0xA690] =	vst.add.f32.msk $0xffff, v27  }
0x462: {  	v27 =	vld [tilespmem:s5+$0x54A0]  }
0x463: {  	[tilespmem:s13+$0xA2A0] =	vst.add.f32.msk $0xffff, v30;
	v29 =	vmul.f32 v29, v22  }
0x464: {  	v30 =	vld [tilespmem:s10+$0x50B0]  }
0x465: {  	v28 =	vmul.f32 v28, v25;
	[tilespmem:s4+$0xA6B0] =	vst.add.f32.msk $0xffff, v29  }
0x466: {  	v29 =	vld [tilespmem:s2+$0x54C0]  }
0x467: {  	[tilespmem:s16+$0xA2A0] =	vst.add.f32.msk $0xffff, v28;
	v27 =	vmul.f32 v27, v23  }
0x468: {  	v28 =	vld [tilespmem:s6+$0x50B0]  }
0x469: {  	v30 =	vmul.f32 v30, v24;
	[tilespmem:s31+$0xA6A0] =	vst.add.f32.msk $0xffff, v27  }
0x46a: {  	v27 =	vld [tilespmem:s5+$0x54B0]  }
0x46b: {  	[tilespmem:s13+$0xA2B0] =	vst.add.f32.msk $0xffff, v30;
	v29 =	vmul.f32 v29, v22  }
0x46c: {  	v30 =	vld [tilespmem:s10+$0x50C0]  }
0x46d: {  	v28 =	vmul.f32 v28, v25;
	[tilespmem:s4+$0xA6C0] =	vst.add.f32.msk $0xffff, v29  }
0x46e: {  	v29 =	vld [tilespmem:s2+$0x54D0]  }
0x46f: {  	[tilespmem:s16+$0xA2B0] =	vst.add.f32.msk $0xffff, v28;
	v27 =	vmul.f32 v27, v23  }
0x470: {  	v28 =	vld [tilespmem:s6+$0x50C0]  }
0x471: {  	v30 =	vmul.f32 v30, v24;
	[tilespmem:s31+$0xA6B0] =	vst.add.f32.msk $0xffff, v27  }
0x472: {  	v27 =	vld [tilespmem:s5+$0x54C0]  }
0x473: {  	[tilespmem:s13+$0xA2C0] =	vst.add.f32.msk $0xffff, v30;
	v29 =	vmul.f32 v29, v22  }
0x474: {  	v30 =	vld [tilespmem:s10+$0x50D0]  }
0x475: {  	v31 =	vmul.f32 v28, v25;
	[tilespmem:s4+$0xA6D0] =	vst.add.f32.msk $0xffff, v29  }
.Ltmp12:
0x476: {  	v28 =	vld [tilespmem:s2+$0x54E0];
	(pc) =	sbr.rel @p1 .LBB2_21-.Ltmp12, $4  }
0x477: {  	[tilespmem:s16+$0xA2C0] =	vst.add.f32.msk $0xffff, v31;
	v27 =	vmul.f32 v27, v23  }
0x478: {  	v29 =	vld [tilespmem:s6+$0x50D0]  }
0x479: {  	v30 =	vmul.f32 v30, v24;
	[tilespmem:s31+$0xA6C0] =	vst.add.f32.msk $0xffff, v27  }
0x47a: {  	v27 =	vld [tilespmem:s5+$0x54D0]  }
0x47b: {  	_ = 	snop  }
0x47c: {  	[tilespmem:s13+$0xA2D0] =	vst.add.f32.msk $0xffff, v30  }
0x47d: {  	v30 =	vld [tilespmem:s10+$0x50E0];
	v29 =	vmul.f32 v29, v25;
	_ =	sdelay $0x1  }
0x47e: {  	[tilespmem:s16+$0xA2D0] =	vst.add.f32.msk $0xffff, v29  }
0x47f: {  	v29 =	vld [tilespmem:s6+$0x50E0];
	_ =	sdelay $0x1  }
0x480: {  	v30 =	vmul.f32 v30, v24;
	_ =	sdelay $0x1  }
0x481: {  	[tilespmem:s13+$0xA2E0] =	vst.add.f32.msk $0xffff, v30  }
0x482: {  	v30 =	vld [tilespmem:s10+$0x50F0];
	v29 =	vmul.f32 v29, v25;
	_ =	sdelay $0x1  }
0x483: {  	[tilespmem:s16+$0xA2E0] =	vst.add.f32.msk $0xffff, v29  }
0x484: {  	v29 =	vld [tilespmem:s6+$0x50F0];
	_ =	sdelay $0x1  }
0x485: {  	v30 =	vmul.f32 v30, v24;
	_ =	sdelay $0x1  }
0x486: {  	[tilespmem:s13+$0xA2F0] =	vst.add.f32.msk $0xffff, v30  }
0x487: {  	v30 =	vld [tilespmem:s10+$0x5480];
	v29 =	vmul.f32 v29, v25;
	_ =	sdelay $0x1  }
0x488: {  	[tilespmem:s16+$0xA2F0] =	vst.add.f32.msk $0xffff, v29  }
0x489: {  	v29 =	vld [tilespmem:s6+$0x5480];
	_ =	sdelay $0x1  }
0x48a: {  	v30 =	vmul.f32 v30, v24;
	_ =	sdelay $0x1  }
0x48b: {  	[tilespmem:s13+$0xA680] =	vst.add.f32.msk $0xffff, v30  }
0x48c: {  	v30 =	vld [tilespmem:s10+$0x5490];
	v29 =	vmul.f32 v29, v25;
	_ =	sdelay $0x1  }
0x48d: {  	[tilespmem:s16+$0xA680] =	vst.add.f32.msk $0xffff, v29  }
0x48e: {  	v29 =	vld [tilespmem:s6+$0x5490];
	_ =	sdelay $0x1  }
0x48f: {  	v30 =	vmul.f32 v30, v24;
	_ =	sdelay $0x1  }
0x490: {  	[tilespmem:s13+$0xA690] =	vst.add.f32.msk $0xffff, v30  }
0x491: {  	v30 =	vld [tilespmem:s10+$0x54A0];
	v29 =	vmul.f32 v29, v25;
	_ =	sdelay $0x1  }
0x492: {  	[tilespmem:s16+$0xA690] =	vst.add.f32.msk $0xffff, v29  }
0x493: {  	v29 =	vld [tilespmem:s6+$0x54A0];
	_ =	sdelay $0x1  }
0x494: {  	v30 =	vmul.f32 v30, v24;
	_ =	sdelay $0x1  }
0x495: {  	[tilespmem:s13+$0xA6A0] =	vst.add.f32.msk $0xffff, v30  }
0x496: {  	v30 =	vld [tilespmem:s10+$0x54B0];
	v29 =	vmul.f32 v29, v25;
	_ =	sdelay $0x1  }
0x497: {  	[tilespmem:s16+$0xA6A0] =	vst.add.f32.msk $0xffff, v29  }
0x498: {  	v29 =	vld [tilespmem:s6+$0x54B0];
	_ =	sdelay $0x1  }
0x499: {  	v30 =	vmul.f32 v30, v24;
	_ =	sdelay $0x1  }
0x49a: {  	[tilespmem:s13+$0xA6B0] =	vst.add.f32.msk $0xffff, v30  }
0x49b: {  	v30 =	vld [tilespmem:s10+$0x54C0];
	v29 =	vmul.f32 v29, v25;
	_ =	sdelay $0x1  }
0x49c: {  	[tilespmem:s16+$0xA6B0] =	vst.add.f32.msk $0xffff, v29  }
0x49d: {  	v29 =	vld [tilespmem:s6+$0x54C0]  }
0x49e: {  	v28 =	vmul.f32 v28, v22  }
0x49f: {  	v30 =	vmul.f32 v30, v24  }
0x4a0: {  	[tilespmem:s4+$0xA6E0] =	vst.add.f32.msk $0xffff, v28  }
0x4a1: {  	[tilespmem:s13+$0xA6C0] =	vst.add.f32.msk $0xffff, v30  }
0x4a2: {  	v30 =	vld [tilespmem:s10+$0x54D0];
	v29 =	vmul.f32 v29, v25  }
0x4a3: {  	v59 =	vld [tilespmem:s2+$0x54F0]  }
0x4a4: {  	[tilespmem:s16+$0xA6C0] =	vst.add.f32.msk $0xffff, v29  }
0x4a5: {  	v27 =	vmul.f32 v27, v23;
	v29 =	vld [tilespmem:s6+$0x54D0];
	_ =	sdelay $0x1  }
0x4a6: {  	[tilespmem:s31+$0xA6D0] =	vst.add.f32.msk $0xffff, v27;
	v58 =	vmul.f32 v30, v24  }
0x4a7: {  	v61 =	vld [tilespmem:s5+$0x54E0];
	v30 =	vmul.f32 v59, v22  }
0x4a8: {  	[tilespmem:s13+$0xA6D0] =	vst.add.f32.msk $0xffff, v58  }
0x4a9: {  	[tilespmem:s4+$0xA6F0] =	vst.add.f32.msk $0xffff, v30;
	v60 =	vmul.f32 v29, v25  }
0x4aa: {  	v28 =	vld [tilespmem:s10+$0x54E0]  }
0x4ab: {  	s0 =	sshll.u32 s30, $0x6;
	[tilespmem:s16+$0xA6D0] =	vst.add.f32.msk $0xffff, v60  }
0x4ac: {  	s0 =	sshra.s32 s0, $0x2;
	v27 =	vld [tilespmem:s6+$0x54E0]  }
0x4ad: {  	[tilespmem:s0+$0x1E280] =	vst.add.f32.msk $0xffff, v22;
	v22 =	vmul.f32 v61, v23  }
0x4ae: {  	[tilespmem:s3+$0xA6F0] =	vst.add.f32.msk $0xffff, v26  }
0x4af: {  	[tilespmem:s31+$0xA6E0] =	vst.add.f32.msk $0xffff, v22;
	v28 =	vmul.f32 v28, v24  }
0x4b0: {  	v62 =	vld [tilespmem:s5+$0x54F0]  }
0x4b1: {  	[tilespmem:s13+$0xA6E0] =	vst.add.f32.msk $0xffff, v28;
	v22 =	vmul.f32 v27, v25  }
0x4b2: {  	v28 =	vld [tilespmem:s10+$0x54F0]  }
0x4b3: {  	[tilespmem:s16+$0xA6E0] =	vst.add.f32.msk $0xffff, v22  }
0x4b4: {  	v22 =	vld [tilespmem:s6+$0x54F0]  }
0x4b5: {  	[tilespmem:s12+$0x1E280] =	vst.add.f32.msk $0xffff, v21;
	v21 =	vmul.f32 v62, v23;
	_ =	sdelay $0x1  }
0x4b6: {  	[tilespmem:s31+$0xA6F0] =	vst.add.f32.msk $0xffff, v21;
	v63 =	vmul.f32 v28, v24  }
.Ltmp13:
0x4b7: {  	s30 =	sshll.u32 s7, $0x6;
	[tilespmem:s11+$0x1E280] =	vst.add.f32.msk $0xffff, v23;
	(pc) =	sbr.rel .LBB2_23-.Ltmp13, $4  }
0x4b8: {  	s0 =	sshra.s32 s30, $0x2;
	[tilespmem:s13+$0xA6F0] =	vst.add.f32.msk $0xffff, v63;
	v21 =	vmul.f32 v22, v25  }
0x4b9: {  	[tilespmem:s0+$0x1E280] =	vst.add.f32.msk $0xffff, v24  }
0x4ba: {  	[tilespmem:s16+$0xA6F0] =	vst.add.f32.msk $0xffff, v21  }
0x4bb: {  	[tilespmem:s17+$0x1E280] =	vst.add.f32.msk $0xffff, v25  }
.LBB2_10:
.Ltmp14:
0x4bc: {  	(pc) =	sbr.rel .LBB2_17-.Ltmp14, $3  }
0x4bd: {  	_ =	sdelay $0x1  }
0x4be: {  	s11 =	smov.u32 s12;
	s7 =	smov.u32 s25;
	s13 =	smov.u32 s17  }
0x4bf: {  	v24 =	vmov v26;
	v25 =	vmov v21;
	s2 =	smov.u32 s6;
	s3 =	smov.u32 s1;
	s16 =	smov.u32 s0  }
.LBB2_12:
.Ltmp15:
0x4c0: {  	(pc) =	sbr.rel .LBB2_17-.Ltmp15, $2  }
0x4c1: {  	_ =	sdelay $0x2  }
0x4c2: {  	v25 =	vmov v22;
	v22 =	vmov v21;
	v24 =	vmov v23;
	s11 =	smov.u32 s9;
	s7 =	smov.u32 s19;
	s13 =	smov.u32 s10  }
.LBB2_14:
.Ltmp16:
0x4c3: {  	(pc) =	sbr.rel .LBB2_17-.Ltmp16, $4  }
0x4c4: {  	s30 =	smov.u32 s1  }
0x4c5: {  	s6 =	smov.u32 s2;
	s1 =	smov.u32 s3;
	s0 =	smov.u32 s16  }
0x4c6: {  	s2 =	smov.u32 s17;
	s12 =	smov.u32 s9;
	s25 =	smov.u32 s19  }
0x4c7: {  	v26 =	vmov v23;
	s17 =	smov.u32 s10;
	s3 =	smov.u32 s4;
	s16 =	smov.u32 s18  }
.LBB2_24:
0x4c8: {  	s0 =	simm.s32 $0x1E290  }
0x4c9: {  	v5 =	vld [tilespmem:s0+$0x0]  }
0x4ca: {  	v6 =	vld [tilespmem:s0+$0xFFFFFFF0];
	_ =	sdelay $0x3  }
0x4cb: {  	v5 =	vmax.f32 v5, $9.999999910e-38  }
0x4cc: {  	v6 =	vmax.f32 v6, $9.999999910e-38;
	(erf) = vrcp.f32 v5  }
0x4cd: {  	(erf) = vrcp.f32 v6  }
0x4ce: {  	s2 =	simm.s32 $0x0  }
0x4cf: {  	s1 =	simm.s32 $0x0;
	s31 =	sand.u32 $0x1F800, s2  }
0x4d0: {  	s1 =	sand.u32 $0x300, s1;
	s0 =	sadd.s32 $0xA280, s31  }
0x4d1: {  	s3 =	sadd.s32 s1, s0  }
0x4d2: {  	v6 =	vld [tilespmem:s3+$0x0]  }
0x4d3: {  	v7 =	vld [tilespmem:s3+$0x10]  }
0x4d4: {  	v8 =	vld [tilespmem:s3+$0x20]  }
0x4d5: {  	v9 =	vld [tilespmem:s3+$0x30];
	v5 =	vpop (erf)  }
0x4d6: {  	v10 =	vld [tilespmem:s3+$0x40];
	v11 =	vpop (erf)  }
0x4d7: {  	v12 =	vld [tilespmem:s3+$0x50];
	v6 =	vmul.f32 v11, v6  }
0x4d8: {  	v13 =	vld [tilespmem:s3+$0x60];
	v7 =	vmul.f32 v7, v11  }
0x4d9: {  	s1 =	simm.s32 $0x80;
	v8 =	vmul.f32 v8, v11;
	[tilespmem:s3+$0x0] =	vst v6;
	v6 =	vld [tilespmem:s3+$0x70]  }
0x4da: {  	s4 =	sand.u32 $0x380, s1;
	v9 =	vmul.f32 v9, v11;
	[tilespmem:s3+$0x10] =	vst v7;
	v7 =	vld [tilespmem:s3+$0x400]  }
0x4db: {  	s0 =	sadd.s32 s4, s0;
	v10 =	vmul.f32 v10, v11;
	[tilespmem:s3+$0x20] =	vst v8;
	v8 =	vld [tilespmem:s3+$0x410]  }
0x4dc: {  	v14 =	vld [tilespmem:s0+$0x470];
	v12 =	vmul.f32 v12, v11;
	[tilespmem:s3+$0x30] =	vst v9  }
0x4dd: {  	v13 =	vmul.f32 v13, v11;
	[tilespmem:s3+$0x40] =	vst v10;
	v10 =	vld [tilespmem:s3+$0x430]  }
0x4de: {  	v9 =	vld [tilespmem:s3+$0x420];
	[tilespmem:s3+$0x50] =	vst v12;
	v6 =	vmul.f32 v6, v11  }
0x4df: {  	[tilespmem:s3+$0x60] =	vst v13;
	v13 =	vld [tilespmem:s3+$0x450];
	v7 =	vmul.f32 v7, v11  }
0x4e0: {  	v12 =	vld [tilespmem:s3+$0x440];
	v8 =	vmul.f32 v8, v11;
	[tilespmem:s3+$0x70] =	vst v6  }
0x4e1: {  	v6 =	vmul.f32 v14, v5;
	v14 =	vld [tilespmem:s3+$0x460];
	[tilespmem:s3+$0x400] =	vst v7  }
0x4e2: {  	v15 =	vld [tilespmem:s3+$0x470];
	[tilespmem:s3+$0x410] =	vst v8;
	v8 =	vmul.f32 v10, v11  }
0x4e3: {  	v16 =	vld [tilespmem:s0+$0x0];
	[tilespmem:s0+$0x470] =	vst v6;
	v6 =	vmul.f32 v9, v11  }
0x4e4: {  	v7 =	vld [tilespmem:s0+$0x10];
	[tilespmem:s3+$0x430] =	vst v8;
	v9 =	vmul.f32 v13, v11  }
0x4e5: {  	v8 =	vld [tilespmem:s0+$0x20];
	[tilespmem:s3+$0x420] =	vst v6;
	v6 =	vmul.f32 v12, v11  }
0x4e6: {  	v10 =	vld [tilespmem:s0+$0x30];
	[tilespmem:s3+$0x450] =	vst v9;
	v12 =	vmul.f32 v14, v11  }
0x4e7: {  	v9 =	vld [tilespmem:s0+$0x40];
	[tilespmem:s3+$0x440] =	vst v6;
	v6 =	vmul.f32 v15, v11  }
0x4e8: {  	s5 =	simm.s32 $0x1E2B0;
	s4 =	simm.s32 $0x0;
	v11 =	vld [tilespmem:s0+$0x50];
	[tilespmem:s3+$0x460] =	vst v12;
	v12 =	vmul.f32 v5, v16  }
.LBB2_25:
0x4e9: {  	v13 =	vld [tilespmem:s5+$0x0];
	s4 =	sadd.s32 $0x2, s4;
	[tilespmem:s3+$0x470] =	vst v6;
	v6 =	vmul.f32 v7, v5  }
0x4ea: {  	v7 =	vld [tilespmem:s5+$0xFFFFFFF0];
	p0 =	slt.u32 s4, $0x13E;
	[tilespmem:s0+$0x0] =	vst v12;
	v8 =	vmul.f32 v8, v5  }
0x4eb: {  	[tilespmem:s0+$0x10] =	vst v6;
	v6 =	vmul.f32 v10, v5;
	v10 =	vld [tilespmem:s0+$0x60]  }
0x4ec: {  	[tilespmem:s0+$0x20] =	vst v8;
	v8 =	vmul.f32 v9, v5;
	v9 =	vld [tilespmem:s0+$0x70]  }
0x4ed: {  	[tilespmem:s0+$0x30] =	vst v6;
	v6 =	vmul.f32 v11, v5;
	v11 =	vld [tilespmem:s0+$0x400]  }
0x4ee: {  	v12 =	vmax.f32 v13, $9.999999910e-38;
	[tilespmem:s0+$0x40] =	vst v8;
	v8 =	vld [tilespmem:s0+$0x410]  }
0x4ef: {  	v7 =	vmax.f32 v7, $9.999999910e-38;
	(erf) = vrcp.f32 v12;
	[tilespmem:s0+$0x50] =	vst v6;
	v6 =	vld [tilespmem:s0+$0x420]  }
0x4f0: {  	s2 =	sadd.s32 $0x200, s2;
	(erf) = vrcp.f32 v7;
	v7 =	vmul.f32 v10, v5;
	v10 =	vld [tilespmem:s0+$0x430]  }
0x4f1: {  	s1 =	sadd.s32 $0x100, s1;
	s3 =	sand.u32 $0x1F800, s2;
	v9 =	vmul.f32 v9, v5;
	v12 =	vld [tilespmem:s0+$0x440]  }
0x4f2: {  	s6 =	sadd.s32 $0xFFFFFF80, s1;
	s7 =	sand.u32 $0x380, s1;
	s3 =	sadd.s32 $0xA280, s3;
	[tilespmem:s0+$0x60] =	vst v7;
	v7 =	vmul.f32 v11, v5;
	v11 =	vld [tilespmem:s0+$0x450]  }
0x4f3: {  	s6 =	sand.u32 $0x300, s6;
	s7 =	sadd.s32 s7, s3;
	[tilespmem:s0+$0x70] =	vst v9;
	v8 =	vmul.f32 v8, v5;
	v9 =	vld [tilespmem:s0+$0x460]  }
0x4f4: {  	s3 =	sadd.s32 s6, s3;
	v13 =	vld [tilespmem:s7+$0x470];
	[tilespmem:s0+$0x400] =	vst v7;
	v6 =	vmul.f32 v6, v5  }
0x4f5: {  	v7 =	vld [tilespmem:s3+$0x0];
	[tilespmem:s0+$0x410] =	vst v8;
	v8 =	vmul.f32 v10, v5  }
0x4f6: {  	v10 =	vld [tilespmem:s3+$0x10];
	[tilespmem:s0+$0x420] =	vst v6;
	v6 =	vmul.f32 v12, v5  }
0x4f7: {  	v12 =	vld [tilespmem:s3+$0x20];
	[tilespmem:s0+$0x430] =	vst v8;
	v8 =	vmul.f32 v11, v5  }
0x4f8: {  	v11 =	vld [tilespmem:s3+$0x30];
	[tilespmem:s0+$0x440] =	vst v6;
	v6 =	vmul.f32 v9, v5;
	v5 =	vpop (erf)  }
0x4f9: {  	v9 =	vld [tilespmem:s3+$0x40];
	v13 =	vmul.f32 v13, v5;
	v14 =	vpop (erf);
	[tilespmem:s0+$0x450] =	vst v8  }
0x4fa: {  	v7 =	vmul.f32 v14, v7;
	v8 =	vld [tilespmem:s3+$0x50];
	[tilespmem:s0+$0x460] =	vst v6;
	s0 =	smov.u32 s7  }
0x4fb: {  	v6 =	vmul.f32 v10, v14;
	v10 =	vld [tilespmem:s3+$0x60];
	[tilespmem:s0+$0x470] =	vst v13  }
0x4fc: {  	[tilespmem:s3+$0x0] =	vst v7;
	v7 =	vmul.f32 v12, v14;
	v12 =	vld [tilespmem:s3+$0x70]  }
0x4fd: {  	[tilespmem:s3+$0x10] =	vst v6;
	v6 =	vmul.f32 v11, v14;
	v11 =	vld [tilespmem:s3+$0x400]  }
0x4fe: {  	[tilespmem:s3+$0x20] =	vst v7;
	v7 =	vmul.f32 v9, v14;
	v9 =	vld [tilespmem:s3+$0x410]  }
0x4ff: {  	[tilespmem:s3+$0x30] =	vst v6;
	v6 =	vmul.f32 v8, v14;
	v8 =	vld [tilespmem:s3+$0x420]  }
0x500: {  	[tilespmem:s3+$0x40] =	vst v7;
	v7 =	vmul.f32 v10, v14;
	v10 =	vld [tilespmem:s3+$0x430]  }
0x501: {  	[tilespmem:s3+$0x50] =	vst v6;
	v6 =	vmul.f32 v12, v14;
	v12 =	vld [tilespmem:s3+$0x440]  }
0x502: {  	[tilespmem:s3+$0x60] =	vst v7;
	v7 =	vmul.f32 v11, v14;
	v11 =	vld [tilespmem:s3+$0x450]  }
0x503: {  	[tilespmem:s3+$0x70] =	vst v6;
	v6 =	vmul.f32 v9, v14;
	v9 =	vld [tilespmem:s3+$0x460]  }
0x504: {  	[tilespmem:s3+$0x400] =	vst v7;
	v7 =	vmul.f32 v8, v14;
	v13 =	vld [tilespmem:s3+$0x470]  }
0x505: {  	[tilespmem:s3+$0x410] =	vst v6;
	v6 =	vmul.f32 v10, v14;
	v15 =	vld [tilespmem:s0+$0x0]  }
.Ltmp17:
0x506: {  	[tilespmem:s3+$0x420] =	vst v7;
	v10 =	vmul.f32 v12, v14;
	v7 =	vld [tilespmem:s0+$0x10];
	(pc) =	sbr.rel @p0 .LBB2_25-.Ltmp17, $4  }
0x507: {  	[tilespmem:s3+$0x430] =	vst v6;
	v6 =	vmul.f32 v11, v14;
	v8 =	vld [tilespmem:s0+$0x20]  }
0x508: {  	[tilespmem:s3+$0x440] =	vst v10;
	v11 =	vmul.f32 v9, v14;
	v10 =	vld [tilespmem:s0+$0x30]  }
0x509: {  	[tilespmem:s3+$0x450] =	vst v6;
	v6 =	vmul.f32 v13, v14;
	v9 =	vld [tilespmem:s0+$0x40]  }
0x50a: {  	s5 =	sadd.s32 $0x20, s5;
	[tilespmem:s3+$0x460] =	vst v11;
	v12 =	vmul.f32 v5, v15;
	v11 =	vld [tilespmem:s0+$0x50]  }
0x50b: {  	v7 =	vmul.f32 v7, v5;
	_ =	sdelay $0x1  }
0x50c: {  	[tilespmem:s0+$0x10] =	vst v7;
	v7 =	vld [tilespmem:s0+$0x60]  }
0x50d: {  	v55 =	vld [tilespmem:s0+$0x70];
	[tilespmem:s3+$0x470] =	vst v6;
	v8 =	vmul.f32 v8, v5  }
0x50e: {  	v56 =	vld [tilespmem:s0+$0x400];
	[tilespmem:s0+$0x0] =	vst v12;
	v10 =	vmul.f32 v10, v5  }
0x50f: {  	v57 =	vld [tilespmem:s0+$0x410];
	[tilespmem:s0+$0x20] =	vst v8;
	v9 =	vmul.f32 v9, v5  }
0x510: {  	v58 =	vld [tilespmem:s0+$0x420];
	[tilespmem:s0+$0x30] =	vst v10;
	v11 =	vmul.f32 v11, v5  }
0x511: {  	v59 =	vld [tilespmem:s0+$0x430];
	[tilespmem:s0+$0x40] =	vst v9;
	v7 =	vmul.f32 v7, v5  }
0x512: {  	v13 =	vld [tilespmem:s0+$0x440];
	v8 =	vmul.f32 v55, v5;
	[tilespmem:s0+$0x50] =	vst v11  }
0x513: {  	v60 =	vmul.f32 v56, v5;
	[tilespmem:s0+$0x60] =	vst v7;
	v7 =	vld [tilespmem:s0+$0x450]  }
0x514: {  	v61 =	vld [tilespmem:s0+$0x460];
	v6 =	vmul.f32 v57, v5;
	[tilespmem:s0+$0x70] =	vst v8  }
0x515: {  	v62 =	vmul.f32 v58, v5;
	[tilespmem:s0+$0x400] =	vst v60  }
0x516: {  	[tilespmem:s0+$0x410] =	vst v6;
	v6 =	vmul.f32 v59, v5  }
0x517: {  	v63 =	vmul.f32 v13, v5;
	[tilespmem:s0+$0x420] =	vst v62  }
0x518: {  	[tilespmem:s0+$0x430] =	vst v6;
	v6 =	vmul.f32 v7, v5  }
0x519: {  	[tilespmem:s0+$0x440] =	vst v63;
	v5 =	vmul.f32 v61, v5  }
0x51a: {  	[tilespmem:s0+$0x450] =	vst v6  }
0x51b: {  	s5 =	simm.s32 $0x0;
	[tilespmem:s0+$0x460] =	vst v5  }
0x51c: {  	s1 =	simm.s32 $0xA280;
	s2 =	simm.s32 $0x5;
	s0 =	rddreg [dreg:$0x7]  }
0x51d: {  	[hbm4b:s0+s5] =	stream.linear.scatter [tilespmem:s1], [sflag:$0x5], $0x14000, $0x38;
	[tilespmem:$0x1FA80] =	vst v63  }
0x51e: {  	_ =	swait.ge [sflag:s2], $0x14000  }
0x51f: {  	s30 =	rddreg [dreg:$0x9]  }
0x520: {  	s31 =	rddreg [dreg:$0x8];
	s1 =	sadd.s32 $0x1, s30  }
0x521: {  	p0 =	sne.s32 s1, s31  }
.Ltmp18:
0x522: {  	_ = 	snop;
	(pc) =	sbr.rel @p0 .LBB2_1-.Ltmp18, $3  }
0x523: {  	_ =	sdelay $0x1  }
0x524: {  	[sflag:s2] =	ssyncset.done $0x0  }
0x525: {  	[sflag:s2] =	ssyncadd.s32 $0xFFFEC000  }
0x526: {  	_ =	sfence.sel $0x180000  }
0x527: {  	[bflag:$0x0] =	sbarrier.arrive $0xFFFF  }
0x528: {  	_ =	strace $0x90000047  }
0x529: {  	s0 =	stileid.u32;
	[bflag:$0x2] =	sbarrier.arrive $0xFFFF  }
0x52a: {  	p0 =	sne.s32 s0, $0x0;
	s0 =	rddreg [dreg:$0x5]  }
0x52b: {  	s0 =	sadd.s32 @!p0 $0x100000, s0  }
0x52c: {  	[sflag:s0] =	ssyncadd.tile.s32 @!p0 $0x1;
	_ =	shalt  }
.Lfunc_end2:
_tile_overlayer_lowered:
.L_overlay_start_2:
0x52d: {  	(tag) =	ssettag $0x2  }
0x52e: {  	s0 =	rddreg [dreg:$0x0];
	s2 =	stileid.u32  }
0x52f: {  	s1 =	rddreg [dreg:$0x1];
	p0 =	sne.s32 s2, $0x0  }
0x530: {  	s3 =	rddreg [dreg:$0x2];
	[bflag:$0x3] =	sbarrier.arrive $0xFFFF;
	s2 =	simm.s32 @!p0 $0x1C05  }
0x531: {  	[timem:s3], [sflag:s2] =	dma.local @!p0 [hbm:s0], s1  }
0x532: {  	s0 =	simm.s32 @!p0 $0x5  }
0x533: {  	_ =	swait.ge @!p0 [sflag:s0], s1  }
0x534: {  	s1 =	ssub.s32 @!p0 $0x0, s1;
	[sflag:s0] =	ssyncset.done @!p0 $0x0  }
0x535: {  	[sflag:s0] =	ssyncadd.s32 @!p0 s1  }
0x536: {  	[bflag:$0x3] =	sbarrier.arrive $0xFFFF  }
0x537: {  	_ =	shalt  }

</sc_bundles>
